<compile_context>
chip_gen: v7x
topology: tpu7x:2x2x1
jax: 0.10.2.dev20260603
libtpu: 0.0.44.dev20260713+nightly
codegen_flags: <defaults>
</compile_context>

<pallas_src>
import functools

import jax
import jax.numpy as jnp
from jax import lax
from jax.experimental import pallas as pl
from jax.experimental.pallas import tpu as pltpu
from jax.experimental.pallas import tpu_sc as plsc

VOCAB = 1000000
DIM = 64
TERSE_ID = 5
VERBOSE_ID = 7

NC = 2
NS = 16
NW = NC * NS
LANES = 16

GSIZE = 128
GPC = 4
CHUNK = GSIZE * GPC


def _body(idx_hbm, table_hbm, delta_hbm, out_hbm,
          idx_all, rows_v, delta_v, sem_g0, sem_g1):
    n_rows = out_hbm.shape[0]
    rows_per_w = n_rows // NW
    n_sub = rows_per_w // CHUNK
    idx_rows = rows_per_w // GSIZE

    wid = lax.axis_index("s") * NC + lax.axis_index("c")
    base = wid * rows_per_w
    base2d = pl.multiple_of(wid * idx_rows, 8)

    pltpu.sync_copy(delta_hbm, delta_v)
    pltpu.sync_copy(idx_hbm.at[pl.ds(base2d, idx_rows)], idx_all)

    d0 = [delta_v[0, pl.ds(q * LANES, LANES)] for q in range(4)]
    d1 = [delta_v[1, pl.ds(q * LANES, LANES)] for q in range(4)]

    sems = (sem_g0, sem_g1)

    def fire(s, b):
        row0 = s * GPC
        for j in range(GPC):
            pltpu.async_copy(
                table_hbm.at[idx_all.at[row0 + j]],
                rows_v.at[b].at[pl.ds(j * GSIZE, GSIZE)],
                sems[b],
            )

    def drain(b):
        for j in range(GPC):
            pltpu.make_async_copy(
                table_hbm.at[idx_all.at[j]],
                rows_v.at[b].at[pl.ds(j * GSIZE, GSIZE)],
                sems[b],
            ).wait()

    def process(s, b):
        row0 = s * GPC

        def grp(i, acc):
            j = row0 + i // (GSIZE // LANES)
            k = i % (GSIZE // LANES)
            ids = idx_all[j, pl.ds(k * LANES, LANES)]
            m = (ids == TERSE_ID) | (ids == VERBOSE_ID)
            return acc | jnp.where(m, jnp.int32(1), jnp.int32(0))

        acc = lax.fori_loop(0, CHUNK // LANES,
                            grp, jnp.zeros((LANES,), jnp.int32))
        any_hit = functools.reduce(lambda a, c: a | c,
                                   [acc[r] for r in range(LANES)])

        @pl.when(any_hit > 0)
        def _fix():
            def grp_fix(i, _):
                j = row0 + i // (GSIZE // LANES)
                k = i % (GSIZE // LANES)
                ids = idx_all[j, pl.ds(k * LANES, LANES)]
                rowbase = i * LANES
                for r in range(LANES):
                    sid = ids[r]
                    row = rowbase + r

                    @pl.when(sid == TERSE_ID)
                    def _t(row=row):
                        for q in range(4):
                            cur = rows_v[b, row, pl.ds(q * LANES, LANES)]
                            rows_v[b, row, pl.ds(q * LANES, LANES)] = (
                                cur + d0[q])

                    @pl.when(sid == VERBOSE_ID)
                    def _v(row=row):
                        for q in range(4):
                            cur = rows_v[b, row, pl.ds(q * LANES, LANES)]
                            rows_v[b, row, pl.ds(q * LANES, LANES)] = (
                                cur + d1[q])

                return 0

            lax.fori_loop(0, CHUNK // LANES, grp_fix, 0)

        pltpu.sync_copy(rows_v.at[b],
                        out_hbm.at[pl.ds(base + s * CHUNK, CHUNK)])

    fire(0, 0)

    def super_body(g, _):
        for u in range(2):
            s = 2 * g + u

            @pl.when(s + 1 < n_sub)
            def _prefetch(s=s, u=u):
                fire(s + 1, 1 - u)

            drain(u)
            process(s, u)
        return 0

    lax.fori_loop(0, n_sub // 2, super_body, 0)


@jax.jit
def kernel(input_ids, table, style_delta):
    b, l = input_ids.shape
    n = b * l
    idx_2d = input_ids.reshape(n // GSIZE, GSIZE)

    mesh = plsc.VectorSubcoreMesh(core_axis_name="c", subcore_axis_name="s")
    out = pl.kernel(
        _body,
        out_type=jax.ShapeDtypeStruct((n, DIM), jnp.float32),
        mesh=mesh,
        scratch_types=[
            pltpu.VMEM((n // NW // GSIZE, GSIZE), jnp.int32),
            pltpu.VMEM((2, CHUNK, DIM), jnp.float32),
            pltpu.VMEM((2, DIM), jnp.float32),
            pltpu.SemaphoreType.DMA,
            pltpu.SemaphoreType.DMA,
        ],
        compiler_params=pltpu.CompilerParams(use_tc_tiling_on_sc=False),
    )(idx_2d, table, style_delta)
    return out.reshape(b, l, DIM)

# --- scband reference (transcript-rebuilt; emitter-appended) ---
"""Pipeline reference for scband-style-delta-embedding-18640158065249 (READ-ONLY COPY).

The authoritative reference and input builder live on the scoring server;
editing this copy changes nothing except your own understanding.
"""

import jax, jax.numpy as jnp
import numpy as np

VOCAB = 1000000
DIM = 64
B = 4096
L = 200
TERSE_ID = 5
VERBOSE_ID = 7


def setup_inputs(seed: int = 0) -> dict:
    key = jax.random.key(seed)
    k1, k2, k3 = jax.random.split(key, 3)
    input_ids = jax.random.randint(k1, (B, L), 0, VOCAB, dtype=jnp.int32)
    # base embedding table (learned parameter of nn.Embedding)
    table = jax.random.normal(k2, (VOCAB, DIM), dtype=jnp.float32) * 0.02
    # style_delta initialized to zeros in the module; use small random values
    # so the delta branch is numerically non-trivial.
    style_delta = jax.random.normal(k3, (2, DIM), dtype=jnp.float32) * 0.01
    return {"input_ids": input_ids, "table": table, "style_delta": style_delta}


def reference(input_ids, table, style_delta):
    # out = self.base(input_ids)
    out = jnp.take(table, input_ids, axis=0)
    # terse_id >= 0 branch
    out = out + (input_ids == TERSE_ID)[..., None].astype(jnp.float32) * style_delta[0].reshape(1, 1, -1)
    # verbose_id >= 0 branch
    out = out + (input_ids == VERBOSE_ID)[..., None].astype(jnp.float32) * style_delta[1].reshape(1, 1, -1)
    return out

if __name__ == "__main__":
    import jax
    _d = setup_inputs()
    print(jax.jit(kernel)(*tuple(_d.values())))

</pallas_src>

<mosaic_0001>
#map = affine_map<(d0, d1) -> (0, 0)>
module attributes {stable_mosaic.version = 14 : i64} {
  func.func @_body(%arg0: i32, %arg1: i32, %arg2: memref<6400x128xi32, #tpu.memory_space<hbm>>, %arg3: memref<1000000x64xf32, #tpu.memory_space<hbm>>, %arg4: memref<2x64xf32, #tpu.memory_space<hbm>>, %arg5: memref<819200x64xf32, #tpu.memory_space<hbm>>, %arg6: memref<200x128xi32, #tpu.memory_space<vmem>>, %arg7: memref<2x512x64xf32, #tpu.memory_space<vmem>>, %arg8: memref<2x64xf32, #tpu.memory_space<vmem>>, %arg9: memref<!tpu.dma_semaphore, #tpu.memory_space<semaphore_mem>>, %arg10: memref<!tpu.dma_semaphore, #tpu.memory_space<semaphore_mem>>) attributes {dimension_semantics = [#tpu.dimension_semantics<core_parallel>, #tpu.dimension_semantics<subcore_parallel>], iteration_bounds = array<i64: 2, 16>, scalar_prefetch = 0 : i64, scratch_operands = 5 : i64, tpu.core_type = #tpu.core_type<sc_vector_subcore>, window_params = [{transform_indices = #map}, {transform_indices = #map}, {transform_indices = #map}, {transform_indices = #map}]} {
    %mul3A = arith.constant 2 : i32
    %mul3A_0 = arith.muli %arg1, %mul3A : i32
    %add3A = arith.addi %mul3A_0, %arg0 : i32
    %mul3A_1 = arith.constant 25600 : i32
    %mul3A_2 = arith.muli %add3A, %mul3A_1 : i32
    %mul3A_3 = arith.constant 200 : i32
    %mul3A_4 = arith.muli %add3A, %mul3A_3 : i32
    %multiple_of3A = tpu.assume_multiple %mul3A_4, 8 : i32
    "tpu.region"() ({
      %run_scoped3A = tpu.sem_alloc : memref<!tpu.dma_semaphore, #tpu.memory_space<semaphore_mem>>
      tpu.enqueue_dma source(%arg4 : memref<2x64xf32, #tpu.memory_space<hbm>>) target(%arg8 : memref<2x64xf32, #tpu.memory_space<vmem>>) target_semaphore(%run_scoped3A : memref<!tpu.dma_semaphore, #tpu.memory_space<semaphore_mem>>)
      tpu.wait_dma2 semaphore(%run_scoped3A : memref<!tpu.dma_semaphore, #tpu.memory_space<semaphore_mem>>) src(%arg4 : memref<2x64xf32, #tpu.memory_space<hbm>>) dst(%arg8 : memref<2x64xf32, #tpu.memory_space<vmem>>)
      tpu.yield
    }) : () -> ()
    "tpu.region"() ({
      %run_scoped3A = tpu.sem_alloc : memref<!tpu.dma_semaphore, #tpu.memory_space<semaphore_mem>>
      %dma_start3A_109 = arith.constant 0 : i32
      %dma_start3A_110 = tpu.memref_slice %arg2[%multiple_of3A, %dma_start3A_109] : memref<6400x128xi32, #tpu.memory_space<hbm>> -> memref<200x128xi32, #tpu.memory_space<hbm>>
      %dma_start3A_111 = arith.constant 0 : i32
      %dma_start3A_112 = tpu.memref_slice %arg2[%multiple_of3A, %dma_start3A_111] : memref<6400x128xi32, #tpu.memory_space<hbm>> -> memref<200x128xi32, #tpu.memory_space<hbm>>
      tpu.enqueue_dma source(%dma_start3A_112 : memref<200x128xi32, #tpu.memory_space<hbm>>) target(%arg6 : memref<200x128xi32, #tpu.memory_space<vmem>>) target_semaphore(%run_scoped3A : memref<!tpu.dma_semaphore, #tpu.memory_space<semaphore_mem>>)
      %dma_wait3A = arith.constant 0 : i32
      %dma_wait3A_113 = tpu.memref_slice %arg2[%multiple_of3A, %dma_wait3A] : memref<6400x128xi32, #tpu.memory_space<hbm>> -> memref<200x128xi32, #tpu.memory_space<hbm>>
      %dma_wait3A_114 = arith.constant 0 : i32
      %dma_wait3A_115 = tpu.memref_slice %arg2[%multiple_of3A, %dma_wait3A_114] : memref<6400x128xi32, #tpu.memory_space<hbm>> -> memref<200x128xi32, #tpu.memory_space<hbm>>
      tpu.wait_dma2 semaphore(%run_scoped3A : memref<!tpu.dma_semaphore, #tpu.memory_space<semaphore_mem>>) src(%dma_wait3A_115 : memref<200x128xi32, #tpu.memory_space<hbm>>) dst(%arg6 : memref<200x128xi32, #tpu.memory_space<vmem>>)
      tpu.yield
    }) : () -> ()
    %get3A = arith.constant 0 : i32
    %get3A_5 = arith.index_cast %get3A : i32 to index
    %get3A_6 = arith.constant 0 : index
    %get3A_7 = tpu.vector_load %arg8[%get3A_5, %get3A_6] {strides = array<i32>} : memref<2x64xf32, #tpu.memory_space<vmem>>, vector<1x16xf32>,
    %get3A_8 = vector.shape_cast %get3A_7 : vector<1x16xf32> to vector<16xf32>
    %get3A_9 = arith.constant 0 : i32
    %get3A_10 = arith.index_cast %get3A_9 : i32 to index
    %get3A_11 = arith.constant 16 : index
    %get3A_12 = tpu.vector_load %arg8[%get3A_10, %get3A_11] {strides = array<i32>} : memref<2x64xf32, #tpu.memory_space<vmem>>, vector<1x16xf32>,
    %get3A_13 = vector.shape_cast %get3A_12 : vector<1x16xf32> to vector<16xf32>
    %get3A_14 = arith.constant 0 : i32
    %get3A_15 = arith.index_cast %get3A_14 : i32 to index
    %get3A_16 = arith.constant 32 : index
    %get3A_17 = tpu.vector_load %arg8[%get3A_15, %get3A_16] {strides = array<i32>} : memref<2x64xf32, #tpu.memory_space<vmem>>, vector<1x16xf32>,
    %get3A_18 = vector.shape_cast %get3A_17 : vector<1x16xf32> to vector<16xf32>
    %get3A_19 = arith.constant 0 : i32
    %get3A_20 = arith.index_cast %get3A_19 : i32 to index
    %get3A_21 = arith.constant 48 : index
    %get3A_22 = tpu.vector_load %arg8[%get3A_20, %get3A_21] {strides = array<i32>} : memref<2x64xf32, #tpu.memory_space<vmem>>, vector<1x16xf32>,
    %get3A_23 = vector.shape_cast %get3A_22 : vector<1x16xf32> to vector<16xf32>
    %get3A_24 = arith.constant 1 : i32
    %get3A_25 = arith.index_cast %get3A_24 : i32 to index
    %get3A_26 = arith.constant 0 : index
    %get3A_27 = tpu.vector_load %arg8[%get3A_25, %get3A_26] {strides = array<i32>} : memref<2x64xf32, #tpu.memory_space<vmem>>, vector<1x16xf32>,
    %get3A_28 = vector.shape_cast %get3A_27 : vector<1x16xf32> to vector<16xf32>
    %get3A_29 = arith.constant 1 : i32
    %get3A_30 = arith.index_cast %get3A_29 : i32 to index
    %get3A_31 = arith.constant 16 : index
    %get3A_32 = tpu.vector_load %arg8[%get3A_30, %get3A_31] {strides = array<i32>} : memref<2x64xf32, #tpu.memory_space<vmem>>, vector<1x16xf32>,
    %get3A_33 = vector.shape_cast %get3A_32 : vector<1x16xf32> to vector<16xf32>
    %get3A_34 = arith.constant 1 : i32
    %get3A_35 = arith.index_cast %get3A_34 : i32 to index
    %get3A_36 = arith.constant 32 : index
    %get3A_37 = tpu.vector_load %arg8[%get3A_35, %get3A_36] {strides = array<i32>} : memref<2x64xf32, #tpu.memory_space<vmem>>, vector<1x16xf32>,
    %get3A_38 = vector.shape_cast %get3A_37 : vector<1x16xf32> to vector<16xf32>
    %get3A_39 = arith.constant 1 : i32
    %get3A_40 = arith.index_cast %get3A_39 : i32 to index
    %get3A_41 = arith.constant 48 : index
    %get3A_42 = tpu.vector_load %arg8[%get3A_40, %get3A_41] {strides = array<i32>} : memref<2x64xf32, #tpu.memory_space<vmem>>, vector<1x16xf32>,
    %get3A_43 = vector.shape_cast %get3A_42 : vector<1x16xf32> to vector<16xf32>
    %dma_start3A = arith.constant 0 : i32
    %dma_start3A_44 = arith.constant 0 : i32
    %dma_start3A_45 = arith.constant 0 : i32
    %dma_start3A_46 = arith.constant 0 : i32
    %dma_start3A_47 = tpu.memref_slice %arg7[%dma_start3A_44, %dma_start3A_45, %dma_start3A_46] : memref<2x512x64xf32, #tpu.memory_space<vmem>> -> memref<1x512x64xf32, #tpu.memory_space<vmem>>
    %dma_start3A_48 = tpu.memref_squeeze %dma_start3A_47 : memref<1x512x64xf32, #tpu.memory_space<vmem>> -> memref<512x64xf32, #tpu.memory_space<vmem>>
    %dma_start3A_49 = arith.constant 0 : i32
    %dma_start3A_50 = arith.constant 0 : i32
    %dma_start3A_51 = tpu.memref_slice %dma_start3A_48[%dma_start3A_49, %dma_start3A_50] : memref<512x64xf32, #tpu.memory_space<vmem>> -> memref<128x64xf32, #tpu.memory_space<vmem>>
    %dma_start3A_52 = arith.constant 0 : i32
    %dma_start3A_53 = tpu.memref_slice %arg6[%dma_start3A, %dma_start3A_52] : memref<200x128xi32, #tpu.memory_space<vmem>> -> memref<1x128xi32, #tpu.memory_space<vmem>>
    %dma_start3A_54 = tpu.memref_squeeze %dma_start3A_53 : memref<1x128xi32, #tpu.memory_space<vmem>> -> memref<128xi32, #tpu.memory_space<vmem>>
    %dma_start3A_55 = arith.constant 0 : i32
    %dma_start3A_56 = arith.constant 0 : i32
    %dma_start3A_57 = tpu.memref_slice %arg3[%dma_start3A_55, %dma_start3A_56] : memref<1000000x64xf32, #tpu.memory_space<hbm>> -> memref<1000000x64xf32, #tpu.memory_space<hbm>>
    tpu.enqueue_indirect_dma source(%dma_start3A_57 : memref<1000000x64xf32, #tpu.memory_space<hbm>>) target(%dma_start3A_51 : memref<128x64xf32, #tpu.memory_space<vmem>>) offsets(%dma_start3A_54 : memref<128xi32, #tpu.memory_space<vmem>>) semaphore(%arg9 : memref<!tpu.dma_semaphore, #tpu.memory_space<semaphore_mem>>)
    %dma_start3A_58 = arith.constant 1 : i32
    %dma_start3A_59 = arith.constant 0 : i32
    %dma_start3A_60 = arith.constant 0 : i32
    %dma_start3A_61 = arith.constant 0 : i32
    %dma_start3A_62 = tpu.memref_slice %arg7[%dma_start3A_59, %dma_start3A_60, %dma_start3A_61] : memref<2x512x64xf32, #tpu.memory_space<vmem>> -> memref<1x512x64xf32, #tpu.memory_space<vmem>>
    %dma_start3A_63 = tpu.memref_squeeze %dma_start3A_62 : memref<1x512x64xf32, #tpu.memory_space<vmem>> -> memref<512x64xf32, #tpu.memory_space<vmem>>
    %dma_start3A_64 = arith.constant 128 : i32
    %dma_start3A_65 = arith.constant 0 : i32
    %dma_start3A_66 = tpu.memref_slice %dma_start3A_63[%dma_start3A_64, %dma_start3A_65] : memref<512x64xf32, #tpu.memory_space<vmem>> -> memref<128x64xf32, #tpu.memory_space<vmem>>
    %dma_start3A_67 = arith.constant 0 : i32
    %dma_start3A_68 = tpu.memref_slice %arg6[%dma_start3A_58, %dma_start3A_67] : memref<200x128xi32, #tpu.memory_space<vmem>> -> memref<1x128xi32, #tpu.memory_space<vmem>>
    %dma_start3A_69 = tpu.memref_squeeze %dma_start3A_68 : memref<1x128xi32, #tpu.memory_space<vmem>> -> memref<128xi32, #tpu.memory_space<vmem>>
    %dma_start3A_70 = arith.constant 0 : i32
    %dma_start3A_71 = arith.constant 0 : i32
    %dma_start3A_72 = tpu.memref_slice %arg3[%dma_start3A_70, %dma_start3A_71] : memref<1000000x64xf32, #tpu.memory_space<hbm>> -> memref<1000000x64xf32, #tpu.memory_space<hbm>>
    tpu.enqueue_indirect_dma source(%dma_start3A_72 : memref<1000000x64xf32, #tpu.memory_space<hbm>>) target(%dma_start3A_66 : memref<128x64xf32, #tpu.memory_space<vmem>>) offsets(%dma_start3A_69 : memref<128xi32, #tpu.memory_space<vmem>>) semaphore(%arg9 : memref<!tpu.dma_semaphore, #tpu.memory_space<semaphore_mem>>)
    %dma_start3A_73 = arith.constant 2 : i32
    %dma_start3A_74 = arith.constant 0 : i32
    %dma_start3A_75 = arith.constant 0 : i32
    %dma_start3A_76 = arith.constant 0 : i32
    %dma_start3A_77 = tpu.memref_slice %arg7[%dma_start3A_74, %dma_start3A_75, %dma_start3A_76] : memref<2x512x64xf32, #tpu.memory_space<vmem>> -> memref<1x512x64xf32, #tpu.memory_space<vmem>>
    %dma_start3A_78 = tpu.memref_squeeze %dma_start3A_77 : memref<1x512x64xf32, #tpu.memory_space<vmem>> -> memref<512x64xf32, #tpu.memory_space<vmem>>
    %dma_start3A_79 = arith.constant 256 : i32
    %dma_start3A_80 = arith.constant 0 : i32
    %dma_start3A_81 = tpu.memref_slice %dma_start3A_78[%dma_start3A_79, %dma_start3A_80] : memref<512x64xf32, #tpu.memory_space<vmem>> -> memref<128x64xf32, #tpu.memory_space<vmem>>
    %dma_start3A_82 = arith.constant 0 : i32
    %dma_start3A_83 = tpu.memref_slice %arg6[%dma_start3A_73, %dma_start3A_82] : memref<200x128xi32, #tpu.memory_space<vmem>> -> memref<1x128xi32, #tpu.memory_space<vmem>>
    %dma_start3A_84 = tpu.memref_squeeze %dma_start3A_83 : memref<1x128xi32, #tpu.memory_space<vmem>> -> memref<128xi32, #tpu.memory_space<vmem>>
    %dma_start3A_85 = arith.constant 0 : i32
    %dma_start3A_86 = arith.constant 0 : i32
    %dma_start3A_87 = tpu.memref_slice %arg3[%dma_start3A_85, %dma_start3A_86] : memref<1000000x64xf32, #tpu.memory_space<hbm>> -> memref<1000000x64xf32, #tpu.memory_space<hbm>>
    tpu.enqueue_indirect_dma source(%dma_start3A_87 : memref<1000000x64xf32, #tpu.memory_space<hbm>>) target(%dma_start3A_81 : memref<128x64xf32, #tpu.memory_space<vmem>>) offsets(%dma_start3A_84 : memref<128xi32, #tpu.memory_space<vmem>>) semaphore(%arg9 : memref<!tpu.dma_semaphore, #tpu.memory_space<semaphore_mem>>)
    %dma_start3A_88 = arith.constant 3 : i32
    %dma_start3A_89 = arith.constant 0 : i32
    %dma_start3A_90 = arith.constant 0 : i32
    %dma_start3A_91 = arith.constant 0 : i32
    %dma_start3A_92 = tpu.memref_slice %arg7[%dma_start3A_89, %dma_start3A_90, %dma_start3A_91] : memref<2x512x64xf32, #tpu.memory_space<vmem>> -> memref<1x512x64xf32, #tpu.memory_space<vmem>>
    %dma_start3A_93 = tpu.memref_squeeze %dma_start3A_92 : memref<1x512x64xf32, #tpu.memory_space<vmem>> -> memref<512x64xf32, #tpu.memory_space<vmem>>
    %dma_start3A_94 = arith.constant 384 : i32
    %dma_start3A_95 = arith.constant 0 : i32
    %dma_start3A_96 = tpu.memref_slice %dma_start3A_93[%dma_start3A_94, %dma_start3A_95] : memref<512x64xf32, #tpu.memory_space<vmem>> -> memref<128x64xf32, #tpu.memory_space<vmem>>
    %dma_start3A_97 = arith.constant 0 : i32
    %dma_start3A_98 = tpu.memref_slice %arg6[%dma_start3A_88, %dma_start3A_97] : memref<200x128xi32, #tpu.memory_space<vmem>> -> memref<1x128xi32, #tpu.memory_space<vmem>>
    %dma_start3A_99 = tpu.memref_squeeze %dma_start3A_98 : memref<1x128xi32, #tpu.memory_space<vmem>> -> memref<128xi32, #tpu.memory_space<vmem>>
    %dma_start3A_100 = arith.constant 0 : i32
    %dma_start3A_101 = arith.constant 0 : i32
    %dma_start3A_102 = tpu.memref_slice %arg3[%dma_start3A_100, %dma_start3A_101] : memref<1000000x64xf32, #tpu.memory_space<hbm>> -> memref<1000000x64xf32, #tpu.memory_space<hbm>>
    tpu.enqueue_indirect_dma source(%dma_start3A_102 : memref<1000000x64xf32, #tpu.memory_space<hbm>>) target(%dma_start3A_96 : memref<128x64xf32, #tpu.memory_space<vmem>>) offsets(%dma_start3A_99 : memref<128xi32, #tpu.memory_space<vmem>>) semaphore(%arg9 : memref<!tpu.dma_semaphore, #tpu.memory_space<semaphore_mem>>)
    %scan3A = arith.constant 0 : i32
    %scan3A_103 = arith.constant 0 : i32
    %scan3A_104 = arith.constant 25 : i32
    %scan3A_105 = arith.addi %scan3A_103, %scan3A_104 : i32
    %scan3A_106 = arith.constant 1 : i32
    %scan3A_107 = scf.for %scan3A_109 = %scan3A_103 to %scan3A_105 step %scan3A_106 iter_args(%scan3A_110 = %scan3A) -> (i32)  : i32 {
      %mul3A_111 = arith.constant 2 : i32
      %mul3A_112 = arith.muli %mul3A_111, %scan3A_109 : i32
      %add3A_113 = arith.constant 0 : i32
      %add3A_114 = arith.addi %mul3A_112, %add3A_113 : i32
      %add3A_115 = arith.constant 1 : i32
      %add3A_116 = arith.addi %add3A_114, %add3A_115 : i32
      %lt3A = arith.constant 50 : i32
      %lt3A_117 = arith.cmpi slt, %add3A_116, %lt3A : i32
      %convert_element_type3A = arith.extui %lt3A_117 : i1 to i32
      %cond3A = arith.constant 0 : i32
      %cond3A_118 = arith.cmpi ne, %convert_element_type3A, %cond3A : i32
      scf.if %cond3A_118 {
        %add3A_376 = arith.constant 1 : i32
        %add3A_377 = arith.addi %add3A_114, %add3A_376 : i32
        %mul3A_378 = arith.constant 4 : i32
        %mul3A_379 = arith.muli %add3A_377, %mul3A_378 : i32
        %add3A_380 = arith.constant 0 : i32
        %add3A_381 = arith.addi %mul3A_379, %add3A_380 : i32
        %dma_start3A_382 = arith.constant 1 : i32
        %dma_start3A_383 = arith.constant 0 : i32
        %dma_start3A_384 = arith.constant 0 : i32
        %dma_start3A_385 = tpu.memref_slice %arg7[%dma_start3A_382, %dma_start3A_383, %dma_start3A_384] : memref<2x512x64xf32, #tpu.memory_space<vmem>> -> memref<1x512x64xf32, #tpu.memory_space<vmem>>
        %dma_start3A_386 = tpu.memref_squeeze %dma_start3A_385 : memref<1x512x64xf32, #tpu.memory_space<vmem>> -> memref<512x64xf32, #tpu.memory_space<vmem>>
        %dma_start3A_387 = arith.constant 0 : i32
        %dma_start3A_388 = arith.constant 0 : i32
        %dma_start3A_389 = tpu.memref_slice %dma_start3A_386[%dma_start3A_387, %dma_start3A_388] : memref<512x64xf32, #tpu.memory_space<vmem>> -> memref<128x64xf32, #tpu.memory_space<vmem>>
        %dma_start3A_390 = arith.constant 0 : i32
        %dma_start3A_391 = tpu.memref_slice %arg6[%add3A_381, %dma_start3A_390] : memref<200x128xi32, #tpu.memory_space<vmem>> -> memref<1x128xi32, #tpu.memory_space<vmem>>
        %dma_start3A_392 = tpu.memref_squeeze %dma_start3A_391 : memref<1x128xi32, #tpu.memory_space<vmem>> -> memref<128xi32, #tpu.memory_space<vmem>>
        %dma_start3A_393 = arith.constant 0 : i32
        %dma_start3A_394 = arith.constant 0 : i32
        %dma_start3A_395 = tpu.memref_slice %arg3[%dma_start3A_393, %dma_start3A_394] : memref<1000000x64xf32, #tpu.memory_space<hbm>> -> memref<1000000x64xf32, #tpu.memory_space<hbm>>
        tpu.enqueue_indirect_dma source(%dma_start3A_395 : memref<1000000x64xf32, #tpu.memory_space<hbm>>) target(%dma_start3A_389 : memref<128x64xf32, #tpu.memory_space<vmem>>) offsets(%dma_start3A_392 : memref<128xi32, #tpu.memory_space<vmem>>) semaphore(%arg10 : memref<!tpu.dma_semaphore, #tpu.memory_space<semaphore_mem>>)
        %add3A_396 = arith.constant 1 : i32
        %add3A_397 = arith.addi %mul3A_379, %add3A_396 : i32
        %dma_start3A_398 = arith.constant 1 : i32
        %dma_start3A_399 = arith.constant 0 : i32
        %dma_start3A_400 = arith.constant 0 : i32
        %dma_start3A_401 = tpu.memref_slice %arg7[%dma_start3A_398, %dma_start3A_399, %dma_start3A_400] : memref<2x512x64xf32, #tpu.memory_space<vmem>> -> memref<1x512x64xf32, #tpu.memory_space<vmem>>
        %dma_start3A_402 = tpu.memref_squeeze %dma_start3A_401 : memref<1x512x64xf32, #tpu.memory_space<vmem>> -> memref<512x64xf32, #tpu.memory_space<vmem>>
        %dma_start3A_403 = arith.constant 128 : i32
        %dma_start3A_404 = arith.constant 0 : i32
        %dma_start3A_405 = tpu.memref_slice %dma_start3A_402[%dma_start3A_403, %dma_start3A_404] : memref<512x64xf32, #tpu.memory_space<vmem>> -> memref<128x64xf32, #tpu.memory_space<vmem>>
        %dma_start3A_406 = arith.constant 0 : i32
        %dma_start3A_407 = tpu.memref_slice %arg6[%add3A_397, %dma_start3A_406] : memref<200x128xi32, #tpu.memory_space<vmem>> -> memref<1x128xi32, #tpu.memory_space<vmem>>
        %dma_start3A_408 = tpu.memref_squeeze %dma_start3A_407 : memref<1x128xi32, #tpu.memory_space<vmem>> -> memref<128xi32, #tpu.memory_space<vmem>>
        %dma_start3A_409 = arith.constant 0 : i32
        %dma_start3A_410 = arith.constant 0 : i32
        %dma_start3A_411 = tpu.memref_slice %arg3[%dma_start3A_409, %dma_start3A_410] : memref<1000000x64xf32, #tpu.memory_space<hbm>> -> memref<1000000x64xf32, #tpu.memory_space<hbm>>
        tpu.enqueue_indirect_dma source(%dma_start3A_411 : memref<1000000x64xf32, #tpu.memory_space<hbm>>) target(%dma_start3A_405 : memref<128x64xf32, #tpu.memory_space<vmem>>) offsets(%dma_start3A_408 : memref<128xi32, #tpu.memory_space<vmem>>) semaphore(%arg10 : memref<!tpu.dma_semaphore, #tpu.memory_space<semaphore_mem>>)
        %add3A_412 = arith.constant 2 : i32
        %add3A_413 = arith.addi %mul3A_379, %add3A_412 : i32
        %dma_start3A_414 = arith.constant 1 : i32
        %dma_start3A_415 = arith.constant 0 : i32
        %dma_start3A_416 = arith.constant 0 : i32
        %dma_start3A_417 = tpu.memref_slice %arg7[%dma_start3A_414, %dma_start3A_415, %dma_start3A_416] : memref<2x512x64xf32, #tpu.memory_space<vmem>> -> memref<1x512x64xf32, #tpu.memory_space<vmem>>
        %dma_start3A_418 = tpu.memref_squeeze %dma_start3A_417 : memref<1x512x64xf32, #tpu.memory_space<vmem>> -> memref<512x64xf32, #tpu.memory_space<vmem>>
        %dma_start3A_419 = arith.constant 256 : i32
        %dma_start3A_420 = arith.constant 0 : i32
        %dma_start3A_421 = tpu.memref_slice %dma_start3A_418[%dma_start3A_419, %dma_start3A_420] : memref<512x64xf32, #tpu.memory_space<vmem>> -> memref<128x64xf32, #tpu.memory_space<vmem>>
        %dma_start3A_422 = arith.constant 0 : i32
        %dma_start3A_423 = tpu.memref_slice %arg6[%add3A_413, %dma_start3A_422] : memref<200x128xi32, #tpu.memory_space<vmem>> -> memref<1x128xi32, #tpu.memory_space<vmem>>
        %dma_start3A_424 = tpu.memref_squeeze %dma_start3A_423 : memref<1x128xi32, #tpu.memory_space<vmem>> -> memref<128xi32, #tpu.memory_space<vmem>>
        %dma_start3A_425 = arith.constant 0 : i32
        %dma_start3A_426 = arith.constant 0 : i32
        %dma_start3A_427 = tpu.memref_slice %arg3[%dma_start3A_425, %dma_start3A_426] : memref<1000000x64xf32, #tpu.memory_space<hbm>> -> memref<1000000x64xf32, #tpu.memory_space<hbm>>
        tpu.enqueue_indirect_dma source(%dma_start3A_427 : memref<1000000x64xf32, #tpu.memory_space<hbm>>) target(%dma_start3A_421 : memref<128x64xf32, #tpu.memory_space<vmem>>) offsets(%dma_start3A_424 : memref<128xi32, #tpu.memory_space<vmem>>) semaphore(%arg10 : memref<!tpu.dma_semaphore, #tpu.memory_space<semaphore_mem>>)
        %add3A_428 = arith.constant 3 : i32
        %add3A_429 = arith.addi %mul3A_379, %add3A_428 : i32
        %dma_start3A_430 = arith.constant 1 : i32
        %dma_start3A_431 = arith.constant 0 : i32
        %dma_start3A_432 = arith.constant 0 : i32
        %dma_start3A_433 = tpu.memref_slice %arg7[%dma_start3A_430, %dma_start3A_431, %dma_start3A_432] : memref<2x512x64xf32, #tpu.memory_space<vmem>> -> memref<1x512x64xf32, #tpu.memory_space<vmem>>
        %dma_start3A_434 = tpu.memref_squeeze %dma_start3A_433 : memref<1x512x64xf32, #tpu.memory_space<vmem>> -> memref<512x64xf32, #tpu.memory_space<vmem>>
        %dma_start3A_435 = arith.constant 384 : i32
        %dma_start3A_436 = arith.constant 0 : i32
        %dma_start3A_437 = tpu.memref_slice %dma_start3A_434[%dma_start3A_435, %dma_start3A_436] : memref<512x64xf32, #tpu.memory_space<vmem>> -> memref<128x64xf32, #tpu.memory_space<vmem>>
        %dma_start3A_438 = arith.constant 0 : i32
        %dma_start3A_439 = tpu.memref_slice %arg6[%add3A_429, %dma_start3A_438] : memref<200x128xi32, #tpu.memory_space<vmem>> -> memref<1x128xi32, #tpu.memory_space<vmem>>
        %dma_start3A_440 = tpu.memref_squeeze %dma_start3A_439 : memref<1x128xi32, #tpu.memory_space<vmem>> -> memref<128xi32, #tpu.memory_space<vmem>>
        %dma_start3A_441 = arith.constant 0 : i32
        %dma_start3A_442 = arith.constant 0 : i32
        %dma_start3A_443 = tpu.memref_slice %arg3[%dma_start3A_441, %dma_start3A_442] : memref<1000000x64xf32, #tpu.memory_space<hbm>> -> memref<1000000x64xf32, #tpu.memory_space<hbm>>
        tpu.enqueue_indirect_dma source(%dma_start3A_443 : memref<1000000x64xf32, #tpu.memory_space<hbm>>) target(%dma_start3A_437 : memref<128x64xf32, #tpu.memory_space<vmem>>) offsets(%dma_start3A_440 : memref<128xi32, #tpu.memory_space<vmem>>) semaphore(%arg10 : memref<!tpu.dma_semaphore, #tpu.memory_space<semaphore_mem>>)
      } else {
      }
      %dma_wait3A = arith.constant 0 : i32
      %dma_wait3A_119 = arith.constant 0 : i32
      %dma_wait3A_120 = arith.constant 0 : i32
      %dma_wait3A_121 = arith.constant 0 : i32
      %dma_wait3A_122 = tpu.memref_slice %arg7[%dma_wait3A_119, %dma_wait3A_120, %dma_wait3A_121] : memref<2x512x64xf32, #tpu.memory_space<vmem>> -> memref<1x512x64xf32, #tpu.memory_space<vmem>>
      %dma_wait3A_123 = tpu.memref_squeeze %dma_wait3A_122 : memref<1x512x64xf32, #tpu.memory_space<vmem>> -> memref<512x64xf32, #tpu.memory_space<vmem>>
      %dma_wait3A_124 = arith.constant 0 : i32
      %dma_wait3A_125 = arith.constant 0 : i32
      %dma_wait3A_126 = tpu.memref_slice %dma_wait3A_123[%dma_wait3A_124, %dma_wait3A_125] : memref<512x64xf32, #tpu.memory_space<vmem>> -> memref<128x64xf32, #tpu.memory_space<vmem>>
      %dma_wait3A_127 = arith.constant 0 : i32
      %dma_wait3A_128 = tpu.memref_slice %arg6[%dma_wait3A, %dma_wait3A_127] : memref<200x128xi32, #tpu.memory_space<vmem>> -> memref<1x128xi32, #tpu.memory_space<vmem>>
      %dma_wait3A_129 = tpu.memref_squeeze %dma_wait3A_128 : memref<1x128xi32, #tpu.memory_space<vmem>> -> memref<128xi32, #tpu.memory_space<vmem>>
      %dma_wait3A_130 = arith.constant 0 : i32
      %dma_wait3A_131 = arith.constant 0 : i32
      %dma_wait3A_132 = tpu.memref_slice %arg3[%dma_wait3A_130, %dma_wait3A_131] : memref<1000000x64xf32, #tpu.memory_space<hbm>> -> memref<1000000x64xf32, #tpu.memory_space<hbm>>
      tpu.wait_indirect_dma semaphore(%arg9 : memref<!tpu.dma_semaphore, #tpu.memory_space<semaphore_mem>>) src(%dma_wait3A_132 : memref<1000000x64xf32, #tpu.memory_space<hbm>>) dst(%dma_wait3A_126 : memref<128x64xf32, #tpu.memory_space<vmem>>)
      %dma_wait3A_133 = arith.constant 1 : i32
      %dma_wait3A_134 = arith.constant 0 : i32
      %dma_wait3A_135 = arith.constant 0 : i32
      %dma_wait3A_136 = arith.constant 0 : i32
      %dma_wait3A_137 = tpu.memref_slice %arg7[%dma_wait3A_134, %dma_wait3A_135, %dma_wait3A_136] : memref<2x512x64xf32, #tpu.memory_space<vmem>> -> memref<1x512x64xf32, #tpu.memory_space<vmem>>
      %dma_wait3A_138 = tpu.memref_squeeze %dma_wait3A_137 : memref<1x512x64xf32, #tpu.memory_space<vmem>> -> memref<512x64xf32, #tpu.memory_space<vmem>>
      %dma_wait3A_139 = arith.constant 128 : i32
      %dma_wait3A_140 = arith.constant 0 : i32
      %dma_wait3A_141 = tpu.memref_slice %dma_wait3A_138[%dma_wait3A_139, %dma_wait3A_140] : memref<512x64xf32, #tpu.memory_space<vmem>> -> memref<128x64xf32, #tpu.memory_space<vmem>>
      %dma_wait3A_142 = arith.constant 0 : i32
      %dma_wait3A_143 = tpu.memref_slice %arg6[%dma_wait3A_133, %dma_wait3A_142] : memref<200x128xi32, #tpu.memory_space<vmem>> -> memref<1x128xi32, #tpu.memory_space<vmem>>
      %dma_wait3A_144 = tpu.memref_squeeze %dma_wait3A_143 : memref<1x128xi32, #tpu.memory_space<vmem>> -> memref<128xi32, #tpu.memory_space<vmem>>
      %dma_wait3A_145 = arith.constant 0 : i32
      %dma_wait3A_146 = arith.constant 0 : i32
      %dma_wait3A_147 = tpu.memref_slice %arg3[%dma_wait3A_145, %dma_wait3A_146] : memref<1000000x64xf32, #tpu.memory_space<hbm>> -> memref<1000000x64xf32, #tpu.memory_space<hbm>>
      tpu.wait_indirect_dma semaphore(%arg9 : memref<!tpu.dma_semaphore, #tpu.memory_space<semaphore_mem>>) src(%dma_wait3A_147 : memref<1000000x64xf32, #tpu.memory_space<hbm>>) dst(%dma_wait3A_141 : memref<128x64xf32, #tpu.memory_space<vmem>>)
      %dma_wait3A_148 = arith.constant 2 : i32
      %dma_wait3A_149 = arith.constant 0 : i32
      %dma_wait3A_150 = arith.constant 0 : i32
      %dma_wait3A_151 = arith.constant 0 : i32
      %dma_wait3A_152 = tpu.memref_slice %arg7[%dma_wait3A_149, %dma_wait3A_150, %dma_wait3A_151] : memref<2x512x64xf32, #tpu.memory_space<vmem>> -> memref<1x512x64xf32, #tpu.memory_space<vmem>>
      %dma_wait3A_153 = tpu.memref_squeeze %dma_wait3A_152 : memref<1x512x64xf32, #tpu.memory_space<vmem>> -> memref<512x64xf32, #tpu.memory_space<vmem>>
      %dma_wait3A_154 = arith.constant 256 : i32
      %dma_wait3A_155 = arith.constant 0 : i32
      %dma_wait3A_156 = tpu.memref_slice %dma_wait3A_153[%dma_wait3A_154, %dma_wait3A_155] : memref<512x64xf32, #tpu.memory_space<vmem>> -> memref<128x64xf32, #tpu.memory_space<vmem>>
      %dma_wait3A_157 = arith.constant 0 : i32
      %dma_wait3A_158 = tpu.memref_slice %arg6[%dma_wait3A_148, %dma_wait3A_157] : memref<200x128xi32, #tpu.memory_space<vmem>> -> memref<1x128xi32, #tpu.memory_space<vmem>>
      %dma_wait3A_159 = tpu.memref_squeeze %dma_wait3A_158 : memref<1x128xi32, #tpu.memory_space<vmem>> -> memref<128xi32, #tpu.memory_space<vmem>>
      %dma_wait3A_160 = arith.constant 0 : i32
      %dma_wait3A_161 = arith.constant 0 : i32
      %dma_wait3A_162 = tpu.memref_slice %arg3[%dma_wait3A_160, %dma_wait3A_161] : memref<1000000x64xf32, #tpu.memory_space<hbm>> -> memref<1000000x64xf32, #tpu.memory_space<hbm>>
      tpu.wait_indirect_dma semaphore(%arg9 : memref<!tpu.dma_semaphore, #tpu.memory_space<semaphore_mem>>) src(%dma_wait3A_162 : memref<1000000x64xf32, #tpu.memory_space<hbm>>) dst(%dma_wait3A_156 : memref<128x64xf32, #tpu.memory_space<vmem>>)
      %dma_wait3A_163 = arith.constant 3 : i32
      %dma_wait3A_164 = arith.constant 0 : i32
      %dma_wait3A_165 = arith.constant 0 : i32
      %dma_wait3A_166 = arith.constant 0 : i32
      %dma_wait3A_167 = tpu.memref_slice %arg7[%dma_wait3A_164, %dma_wait3A_165, %dma_wait3A_166] : memref<2x512x64xf32, #tpu.memory_space<vmem>> -> memref<1x512x64xf32, #tpu.memory_space<vmem>>
      %dma_wait3A_168 = tpu.memref_squeeze %dma_wait3A_167 : memref<1x512x64xf32, #tpu.memory_space<vmem>> -> memref<512x64xf32, #tpu.memory_space<vmem>>
      %dma_wait3A_169 = arith.constant 384 : i32
      %dma_wait3A_170 = arith.constant 0 : i32
      %dma_wait3A_171 = tpu.memref_slice %dma_wait3A_168[%dma_wait3A_169, %dma_wait3A_170] : memref<512x64xf32, #tpu.memory_space<vmem>> -> memref<128x64xf32, #tpu.memory_space<vmem>>
      %dma_wait3A_172 = arith.constant 0 : i32
      %dma_wait3A_173 = tpu.memref_slice %arg6[%dma_wait3A_163, %dma_wait3A_172] : memref<200x128xi32, #tpu.memory_space<vmem>> -> memref<1x128xi32, #tpu.memory_space<vmem>>
      %dma_wait3A_174 = tpu.memref_squeeze %dma_wait3A_173 : memref<1x128xi32, #tpu.memory_space<vmem>> -> memref<128xi32, #tpu.memory_space<vmem>>
      %dma_wait3A_175 = arith.constant 0 : i32
      %dma_wait3A_176 = arith.constant 0 : i32
      %dma_wait3A_177 = tpu.memref_slice %arg3[%dma_wait3A_175, %dma_wait3A_176] : memref<1000000x64xf32, #tpu.memory_space<hbm>> -> memref<1000000x64xf32, #tpu.memory_space<hbm>>
      tpu.wait_indirect_dma semaphore(%arg9 : memref<!tpu.dma_semaphore, #tpu.memory_space<semaphore_mem>>) src(%dma_wait3A_177 : memref<1000000x64xf32, #tpu.memory_space<hbm>>) dst(%dma_wait3A_171 : memref<128x64xf32, #tpu.memory_space<vmem>>)
      %mul3A_178 = arith.constant 4 : i32
      %mul3A_179 = arith.muli %add3A_114, %mul3A_178 : i32
      %broadcast_in_dim3A = arith.constant 0 : i32
      %broadcast_in_dim3A_180 = vector.broadcast %broadcast_in_dim3A : i32 to vector<16xi32>
      %scan3A_181 = arith.constant 0 : i32
      %scan3A_182 = arith.constant 32 : i32
      %scan3A_183 = arith.addi %scan3A_181, %scan3A_182 : i32
      %scan3A_184 = arith.constant 1 : i32
      %scan3A_185 = scf.for %scan3A_376 = %scan3A_181 to %scan3A_183 step %scan3A_184 iter_args(%scan3A_377 = %broadcast_in_dim3A_180) -> (vector<16xi32>)  : i32 {
        %jit3A = arith.constant 8 : i32
        %div3A = arith.divsi %scan3A_376, %jit3A : i32
        %sign3A = arith.constant 0 : i32
        %sign3A_378 = arith.cmpi sgt, %scan3A_376, %sign3A : i32
        %sign3A_379 = arith.extui %sign3A_378 : i1 to i32
        %sign3A_380 = arith.constant 0 : i32
        %sign3A_381 = arith.cmpi slt, %scan3A_376, %sign3A_380 : i32
        %sign3A_382 = arith.extui %sign3A_381 : i1 to i32
        %sign3A_383 = arith.subi %sign3A_379, %sign3A_382 : i32
        %sign3A_384 = arith.constant 0 : i32
        %sign3A_385 = arith.cmpi sgt, %jit3A, %sign3A_384 : i32
        %sign3A_386 = arith.extui %sign3A_385 : i1 to i32
        %sign3A_387 = arith.constant 0 : i32
        %sign3A_388 = arith.cmpi slt, %jit3A, %sign3A_387 : i32
        %sign3A_389 = arith.extui %sign3A_388 : i1 to i32
        %sign3A_390 = arith.subi %sign3A_386, %sign3A_389 : i32
        %ne3A = arith.cmpi ne, %sign3A_383, %sign3A_390 : i32
        %rem3A = arith.remsi %scan3A_376, %jit3A : i32
        %ne3A_391 = arith.constant 0 : i32
        %ne3A_392 = arith.cmpi ne, %rem3A, %ne3A_391 : i32
        %and3A = arith.andi %ne3A, %ne3A_392 : i1
        %sub3A = arith.constant 1 : i32
        %sub3A_393 = arith.subi %div3A, %sub3A : i32
        %select_n3A = arith.select %and3A, %sub3A_393, %div3A : i32
        %add3A_394 = arith.addi %mul3A_179, %select_n3A : i32
        %jit3A_395 = arith.constant 8 : i32
        %eq3A = arith.constant 0 : i32
        %eq3A_396 = arith.cmpi eq, %jit3A_395, %eq3A : i32
        %jit3A_397 = arith.constant 1 : i32
        %select_n3A_398 = arith.select %eq3A_396, %jit3A_397, %jit3A_395 : i32
        %rem3A_399 = arith.remsi %scan3A_376, %select_n3A_398 : i32
        %ne3A_400 = arith.constant 0 : i32
        %ne3A_401 = arith.cmpi ne, %rem3A_399, %ne3A_400 : i32
        %lt3A_402 = arith.constant 0 : i32
        %lt3A_403 = arith.cmpi slt, %rem3A_399, %lt3A_402 : i32
        %lt3A_404 = arith.constant 0 : i32
        %lt3A_405 = arith.cmpi slt, %select_n3A_398, %lt3A_404 : i32
        %ne3A_406 = arith.xori %lt3A_403, %lt3A_405 : i1
        %and3A_407 = arith.andi %ne3A_406, %ne3A_401 : i1
        %add3A_408 = arith.addi %rem3A_399, %select_n3A_398 : i32
        %select_n3A_409 = arith.select %and3A_407, %add3A_408, %rem3A_399 : i32
        %mul3A_410 = arith.constant 16 : i32
        %mul3A_411 = arith.muli %select_n3A_409, %mul3A_410 : i32
        %get3A_412 = arith.index_cast %add3A_394 : i32 to index
        %get3A_413 = arith.index_cast %mul3A_411 : i32 to index
        %get3A_414 = tpu.vector_load %arg6[%get3A_412, %get3A_413] {strides = array<i32>} : memref<200x128xi32, #tpu.memory_space<vmem>>, vector<1x16xi32>,
        %get3A_415 = vector.shape_cast %get3A_414 : vector<1x16xi32> to vector<16xi32>
        %eq3A_416 = arith.constant 5 : i32
        %eq3A_417 = vector.broadcast %eq3A_416 : i32 to vector<16xi32>
        %eq3A_418 = arith.cmpi eq, %get3A_415, %eq3A_417 : vector<16xi32>
        %eq3A_419 = arith.constant 7 : i32
        %eq3A_420 = vector.broadcast %eq3A_419 : i32 to vector<16xi32>
        %eq3A_421 = arith.cmpi eq, %get3A_415, %eq3A_420 : vector<16xi32>
        %or3A_422 = arith.ori %eq3A_418, %eq3A_421 : vector<16xi1>
        %jit3A_423 = arith.constant 1 : i32
        %jit3A_424 = arith.constant 0 : i32
        %broadcast_in_dim3A_425 = vector.broadcast %jit3A_423 : i32 to vector<16xi32>
        %broadcast_in_dim3A_426 = vector.broadcast %jit3A_424 : i32 to vector<16xi32>
        %select_n3A_427 = arith.select %or3A_422, %broadcast_in_dim3A_425, %broadcast_in_dim3A_426 : vector<16xi1>, vector<16xi32>
        %or3A_428 = arith.ori %scan3A_377, %select_n3A_427 : vector<16xi32>
        scf.yield %or3A_428 : vector<16xi32>
      }
      %scan3A_186 = arith.constant 32 : i32
      %slice3A = vector.extract_strided_slice %scan3A_185 {offsets = [0], sizes = [1], strides = [1]} : vector<16xi32> to vector<1xi32>
      %squeeze3A = vector.extract %slice3A[0] : i32 from vector<1xi32>
      %slice3A_187 = vector.extract_strided_slice %scan3A_185 {offsets = [1], sizes = [1], strides = [1]} : vector<16xi32> to vector<1xi32>
      %squeeze3A_188 = vector.extract %slice3A_187[0] : i32 from vector<1xi32>
      %slice3A_189 = vector.extract_strided_slice %scan3A_185 {offsets = [2], sizes = [1], strides = [1]} : vector<16xi32> to vector<1xi32>
      %squeeze3A_190 = vector.extract %slice3A_189[0] : i32 from vector<1xi32>
      %slice3A_191 = vector.extract_strided_slice %scan3A_185 {offsets = [3], sizes = [1], strides = [1]} : vector<16xi32> to vector<1xi32>
      %squeeze3A_192 = vector.extract %slice3A_191[0] : i32 from vector<1xi32>
      %slice3A_193 = vector.extract_strided_slice %scan3A_185 {offsets = [4], sizes = [1], strides = [1]} : vector<16xi32> to vector<1xi32>
      %squeeze3A_194 = vector.extract %slice3A_193[0] : i32 from vector<1xi32>
      %slice3A_195 = vector.extract_strided_slice %scan3A_185 {offsets = [5], sizes = [1], strides = [1]} : vector<16xi32> to vector<1xi32>
      %squeeze3A_196 = vector.extract %slice3A_195[0] : i32 from vector<1xi32>
      %slice3A_197 = vector.extract_strided_slice %scan3A_185 {offsets = [6], sizes = [1], strides = [1]} : vector<16xi32> to vector<1xi32>
      %squeeze3A_198 = vector.extract %slice3A_197[0] : i32 from vector<1xi32>
      %slice3A_199 = vector.extract_strided_slice %scan3A_185 {offsets = [7], sizes = [1], strides = [1]} : vector<16xi32> to vector<1xi32>
      %squeeze3A_200 = vector.extract %slice3A_199[0] : i32 from vector<1xi32>
      %slice3A_201 = vector.extract_strided_slice %scan3A_185 {offsets = [8], sizes = [1], strides = [1]} : vector<16xi32> to vector<1xi32>
      %squeeze3A_202 = vector.extract %slice3A_201[0] : i32 from vector<1xi32>
      %slice3A_203 = vector.extract_strided_slice %scan3A_185 {offsets = [9], sizes = [1], strides = [1]} : vector<16xi32> to vector<1xi32>
      %squeeze3A_204 = vector.extract %slice3A_203[0] : i32 from vector<1xi32>
      %slice3A_205 = vector.extract_strided_slice %scan3A_185 {offsets = [10], sizes = [1], strides = [1]} : vector<16xi32> to vector<1xi32>
      %squeeze3A_206 = vector.extract %slice3A_205[0] : i32 from vector<1xi32>
      %slice3A_207 = vector.extract_strided_slice %scan3A_185 {offsets = [11], sizes = [1], strides = [1]} : vector<16xi32> to vector<1xi32>
      %squeeze3A_208 = vector.extract %slice3A_207[0] : i32 from vector<1xi32>
      %slice3A_209 = vector.extract_strided_slice %scan3A_185 {offsets = [12], sizes = [1], strides = [1]} : vector<16xi32> to vector<1xi32>
      %squeeze3A_210 = vector.extract %slice3A_209[0] : i32 from vector<1xi32>
      %slice3A_211 = vector.extract_strided_slice %scan3A_185 {offsets = [13], sizes = [1], strides = [1]} : vector<16xi32> to vector<1xi32>
      %squeeze3A_212 = vector.extract %slice3A_211[0] : i32 from vector<1xi32>
      %slice3A_213 = vector.extract_strided_slice %scan3A_185 {offsets = [14], sizes = [1], strides = [1]} : vector<16xi32> to vector<1xi32>
      %squeeze3A_214 = vector.extract %slice3A_213[0] : i32 from vector<1xi32>
      %slice3A_215 = vector.extract_strided_slice %scan3A_185 {offsets = [15], sizes = [1], strides = [1]} : vector<16xi32> to vector<1xi32>
      %squeeze3A_216 = vector.extract %slice3A_215[0] : i32 from vector<1xi32>
      %or3A = arith.ori %squeeze3A, %squeeze3A_188 : i32
      %or3A_217 = arith.ori %or3A, %squeeze3A_190 : i32
      %or3A_218 = arith.ori %or3A_217, %squeeze3A_192 : i32
      %or3A_219 = arith.ori %or3A_218, %squeeze3A_194 : i32
      %or3A_220 = arith.ori %or3A_219, %squeeze3A_196 : i32
      %or3A_221 = arith.ori %or3A_220, %squeeze3A_198 : i32
      %or3A_222 = arith.ori %or3A_221, %squeeze3A_200 : i32
      %or3A_223 = arith.ori %or3A_222, %squeeze3A_202 : i32
      %or3A_224 = arith.ori %or3A_223, %squeeze3A_204 : i32
      %or3A_225 = arith.ori %or3A_224, %squeeze3A_206 : i32
      %or3A_226 = arith.ori %or3A_225, %squeeze3A_208 : i32
      %or3A_227 = arith.ori %or3A_226, %squeeze3A_210 : i32
      %or3A_228 = arith.ori %or3A_227, %squeeze3A_212 : i32
      %or3A_229 = arith.ori %or3A_228, %squeeze3A_214 : i32
      %or3A_230 = arith.ori %or3A_229, %squeeze3A_216 : i32
      %gt3A = arith.constant 0 : i32
      %gt3A_231 = arith.cmpi sgt, %or3A_230, %gt3A : i32
      %convert_element_type3A_232 = arith.extui %gt3A_231 : i1 to i32
      %cond3A_233 = arith.constant 0 : i32
      %cond3A_234 = arith.cmpi ne, %convert_element_type3A_232, %cond3A_233 : i32
      scf.if %cond3A_234 {
        %scan3A_376 = arith.constant 0 : i32
        %scan3A_377 = arith.constant 0 : i32
        %scan3A_378 = arith.constant 32 : i32
        %scan3A_379 = arith.addi %scan3A_377, %scan3A_378 : i32
        %scan3A_380 = arith.constant 1 : i32
        %scan3A_381 = scf.for %scan3A_383 = %scan3A_377 to %scan3A_379 step %scan3A_380 iter_args(%scan3A_384 = %scan3A_376) -> (i32)  : i32 {
          %jit3A = arith.constant 8 : i32
          %div3A = arith.divsi %scan3A_383, %jit3A : i32
          %sign3A = arith.constant 0 : i32
          %sign3A_385 = arith.cmpi sgt, %scan3A_383, %sign3A : i32
          %sign3A_386 = arith.extui %sign3A_385 : i1 to i32
          %sign3A_387 = arith.constant 0 : i32
          %sign3A_388 = arith.cmpi slt, %scan3A_383, %sign3A_387 : i32
          %sign3A_389 = arith.extui %sign3A_388 : i1 to i32
          %sign3A_390 = arith.subi %sign3A_386, %sign3A_389 : i32
          %sign3A_391 = arith.constant 0 : i32
          %sign3A_392 = arith.cmpi sgt, %jit3A, %sign3A_391 : i32
          %sign3A_393 = arith.extui %sign3A_392 : i1 to i32
          %sign3A_394 = arith.constant 0 : i32
          %sign3A_395 = arith.cmpi slt, %jit3A, %sign3A_394 : i32
          %sign3A_396 = arith.extui %sign3A_395 : i1 to i32
          %sign3A_397 = arith.subi %sign3A_393, %sign3A_396 : i32
          %ne3A = arith.cmpi ne, %sign3A_390, %sign3A_397 : i32
          %rem3A = arith.remsi %scan3A_383, %jit3A : i32
          %ne3A_398 = arith.constant 0 : i32
          %ne3A_399 = arith.cmpi ne, %rem3A, %ne3A_398 : i32
          %and3A = arith.andi %ne3A, %ne3A_399 : i1
          %sub3A = arith.constant 1 : i32
          %sub3A_400 = arith.subi %div3A, %sub3A : i32
          %select_n3A = arith.select %and3A, %sub3A_400, %div3A : i32
          %add3A_401 = arith.addi %mul3A_179, %select_n3A : i32
          %jit3A_402 = arith.constant 8 : i32
          %eq3A = arith.constant 0 : i32
          %eq3A_403 = arith.cmpi eq, %jit3A_402, %eq3A : i32
          %jit3A_404 = arith.constant 1 : i32
          %select_n3A_405 = arith.select %eq3A_403, %jit3A_404, %jit3A_402 : i32
          %rem3A_406 = arith.remsi %scan3A_383, %select_n3A_405 : i32
          %ne3A_407 = arith.constant 0 : i32
          %ne3A_408 = arith.cmpi ne, %rem3A_406, %ne3A_407 : i32
          %lt3A_409 = arith.constant 0 : i32
          %lt3A_410 = arith.cmpi slt, %rem3A_406, %lt3A_409 : i32
          %lt3A_411 = arith.constant 0 : i32
          %lt3A_412 = arith.cmpi slt, %select_n3A_405, %lt3A_411 : i32
          %ne3A_413 = arith.xori %lt3A_410, %lt3A_412 : i1
          %and3A_414 = arith.andi %ne3A_413, %ne3A_408 : i1
          %add3A_415 = arith.addi %rem3A_406, %select_n3A_405 : i32
          %select_n3A_416 = arith.select %and3A_414, %add3A_415, %rem3A_406 : i32
          %mul3A_417 = arith.constant 16 : i32
          %mul3A_418 = arith.muli %select_n3A_416, %mul3A_417 : i32
          %get3A_419 = arith.index_cast %add3A_401 : i32 to index
          %get3A_420 = arith.index_cast %mul3A_418 : i32 to index
          %get3A_421 = tpu.vector_load %arg6[%get3A_419, %get3A_420] {strides = array<i32>} : memref<200x128xi32, #tpu.memory_space<vmem>>, vector<1x16xi32>,
          %get3A_422 = vector.shape_cast %get3A_421 : vector<1x16xi32> to vector<16xi32>
          %mul3A_423 = arith.constant 16 : i32
          %mul3A_424 = arith.muli %scan3A_383, %mul3A_423 : i32
          %slice3A_425 = vector.extract_strided_slice %get3A_422 {offsets = [0], sizes = [1], strides = [1]} : vector<16xi32> to vector<1xi32>
          %squeeze3A_426 = vector.extract %slice3A_425[0] : i32 from vector<1xi32>
          %add3A_427 = arith.constant 0 : i32
          %add3A_428 = arith.addi %mul3A_424, %add3A_427 : i32
          %eq3A_429 = arith.constant 5 : i32
          %eq3A_430 = arith.cmpi eq, %squeeze3A_426, %eq3A_429 : i32
          %convert_element_type3A_431 = arith.extui %eq3A_430 : i1 to i32
          %cond3A_432 = arith.constant 0 : i32
          %cond3A_433 = arith.cmpi ne, %convert_element_type3A_431, %cond3A_432 : i32
          scf.if %cond3A_433 {
            %get3A_650 = arith.constant 0 : i32
            %get3A_651 = arith.index_cast %get3A_650 : i32 to index
            %get3A_652 = arith.index_cast %add3A_428 : i32 to index
            %get3A_653 = arith.constant 0 : index
            %get3A_654 = tpu.vector_load %arg7[%get3A_651, %get3A_652, %get3A_653] {strides = array<i32>} : memref<2x512x64xf32, #tpu.memory_space<vmem>>, vector<1x1x16xf32>,
            %get3A_655 = vector.shape_cast %get3A_654 : vector<1x1x16xf32> to vector<16xf32>
            %add3A_656 = arith.addf %get3A_655, %get3A_8 : vector<16xf32>
            %swap3A = arith.constant 0 : i32
            %swap3A_657 = arith.index_cast %swap3A : i32 to index
            %swap3A_658 = arith.index_cast %add3A_428 : i32 to index
            %swap3A_659 = arith.constant 0 : index
            %swap3A_660 = tpu.vector_load %arg7[%swap3A_657, %swap3A_658, %swap3A_659] {strides = array<i32>} : memref<2x512x64xf32, #tpu.memory_space<vmem>>, vector<1x1x16xf32>,
            %swap3A_661 = vector.shape_cast %swap3A_660 : vector<1x1x16xf32> to vector<16xf32>
            %swap3A_662 = vector.shape_cast %add3A_656 : vector<16xf32> to vector<1x1x16xf32>
            tpu.vector_store %arg7[%swap3A_657, %swap3A_658, %swap3A_659], %swap3A_662 {strides = array<i32>} : memref<2x512x64xf32, #tpu.memory_space<vmem>>, vector<1x1x16xf32>,
            %get3A_663 = arith.constant 0 : i32
            %get3A_664 = arith.index_cast %get3A_663 : i32 to index
            %get3A_665 = arith.index_cast %add3A_428 : i32 to index
            %get3A_666 = arith.constant 16 : index
            %get3A_667 = tpu.vector_load %arg7[%get3A_664, %get3A_665, %get3A_666] {strides = array<i32>} : memref<2x512x64xf32, #tpu.memory_space<vmem>>, vector<1x1x16xf32>,
            %get3A_668 = vector.shape_cast %get3A_667 : vector<1x1x16xf32> to vector<16xf32>
            %add3A_669 = arith.addf %get3A_668, %get3A_13 : vector<16xf32>
            %swap3A_670 = arith.constant 0 : i32
            %swap3A_671 = arith.index_cast %swap3A_670 : i32 to index
            %swap3A_672 = arith.index_cast %add3A_428 : i32 to index
            %swap3A_673 = arith.constant 16 : index
            %swap3A_674 = tpu.vector_load %arg7[%swap3A_671, %swap3A_672, %swap3A_673] {strides = array<i32>} : memref<2x512x64xf32, #tpu.memory_space<vmem>>, vector<1x1x16xf32>,
            %swap3A_675 = vector.shape_cast %swap3A_674 : vector<1x1x16xf32> to vector<16xf32>
            %swap3A_676 = vector.shape_cast %add3A_669 : vector<16xf32> to vector<1x1x16xf32>
            tpu.vector_store %arg7[%swap3A_671, %swap3A_672, %swap3A_673], %swap3A_676 {strides = array<i32>} : memref<2x512x64xf32, #tpu.memory_space<vmem>>, vector<1x1x16xf32>,
            %get3A_677 = arith.constant 0 : i32
            %get3A_678 = arith.index_cast %get3A_677 : i32 to index
            %get3A_679 = arith.index_cast %add3A_428 : i32 to index
            %get3A_680 = arith.constant 32 : index
            %get3A_681 = tpu.vector_load %arg7[%get3A_678, %get3A_679, %get3A_680] {strides = array<i32>} : memref<2x512x64xf32, #tpu.memory_space<vmem>>, vector<1x1x16xf32>,
            %get3A_682 = vector.shape_cast %get3A_681 : vector<1x1x16xf32> to vector<16xf32>
            %add3A_683 = arith.addf %get3A_682, %get3A_18 : vector<16xf32>
            %swap3A_684 = arith.constant 0 : i32
            %swap3A_685 = arith.index_cast %swap3A_684 : i32 to index
            %swap3A_686 = arith.index_cast %add3A_428 : i32 to index
            %swap3A_687 = arith.constant 32 : index
            %swap3A_688 = tpu.vector_load %arg7[%swap3A_685, %swap3A_686, %swap3A_687] {strides = array<i32>} : memref<2x512x64xf32, #tpu.memory_space<vmem>>, vector<1x1x16xf32>,
            %swap3A_689 = vector.shape_cast %swap3A_688 : vector<1x1x16xf32> to vector<16xf32>
            %swap3A_690 = vector.shape_cast %add3A_683 : vector<16xf32> to vector<1x1x16xf32>
            tpu.vector_store %arg7[%swap3A_685, %swap3A_686, %swap3A_687], %swap3A_690 {strides = array<i32>} : memref<2x512x64xf32, #tpu.memory_space<vmem>>, vector<1x1x16xf32>,
            %get3A_691 = arith.constant 0 : i32
            %get3A_692 = arith.index_cast %get3A_691 : i32 to index
            %get3A_693 = arith.index_cast %add3A_428 : i32 to index
            %get3A_694 = arith.constant 48 : index
            %get3A_695 = tpu.vector_load %arg7[%get3A_692, %get3A_693, %get3A_694] {strides = array<i32>} : memref<2x512x64xf32, #tpu.memory_space<vmem>>, vector<1x1x16xf32>,
            %get3A_696 = vector.shape_cast %get3A_695 : vector<1x1x16xf32> to vector<16xf32>
            %add3A_697 = arith.addf %get3A_696, %get3A_23 : vector<16xf32>
            %swap3A_698 = arith.constant 0 : i32
            %swap3A_699 = arith.index_cast %swap3A_698 : i32 to index
            %swap3A_700 = arith.index_cast %add3A_428 : i32 to index
            %swap3A_701 = arith.constant 48 : index
            %swap3A_702 = tpu.vector_load %arg7[%swap3A_699, %swap3A_700, %swap3A_701] {strides = array<i32>} : memref<2x512x64xf32, #tpu.memory_space<vmem>>, vector<1x1x16xf32>,
            %swap3A_703 = vector.shape_cast %swap3A_702 : vector<1x1x16xf32> to vector<16xf32>
            %swap3A_704 = vector.shape_cast %add3A_697 : vector<16xf32> to vector<1x1x16xf32>
            tpu.vector_store %arg7[%swap3A_699, %swap3A_700, %swap3A_701], %swap3A_704 {strides = array<i32>} : memref<2x512x64xf32, #tpu.memory_space<vmem>>, vector<1x1x16xf32>,
          } else {
          }
          %eq3A_434 = arith.constant 7 : i32
          %eq3A_435 = arith.cmpi eq, %squeeze3A_426, %eq3A_434 : i32
          %convert_element_type3A_436 = arith.extui %eq3A_435 : i1 to i32
          %cond3A_437 = arith.constant 0 : i32
          %cond3A_438 = arith.cmpi ne, %convert_element_type3A_436, %cond3A_437 : i32
          scf.if %cond3A_438 {
            %get3A_650 = arith.constant 0 : i32
            %get3A_651 = arith.index_cast %get3A_650 : i32 to index
            %get3A_652 = arith.index_cast %add3A_428 : i32 to index
            %get3A_653 = arith.constant 0 : index
            %get3A_654 = tpu.vector_load %arg7[%get3A_651, %get3A_652, %get3A_653] {strides = array<i32>} : memref<2x512x64xf32, #tpu.memory_space<vmem>>, vector<1x1x16xf32>,
            %get3A_655 = vector.shape_cast %get3A_654 : vector<1x1x16xf32> to vector<16xf32>
            %add3A_656 = arith.addf %get3A_655, %get3A_28 : vector<16xf32>
            %swap3A = arith.constant 0 : i32
            %swap3A_657 = arith.index_cast %swap3A : i32 to index
            %swap3A_658 = arith.index_cast %add3A_428 : i32 to index
            %swap3A_659 = arith.constant 0 : index
            %swap3A_660 = tpu.vector_load %arg7[%swap3A_657, %swap3A_658, %swap3A_659] {strides = array<i32>} : memref<2x512x64xf32, #tpu.memory_space<vmem>>, vector<1x1x16xf32>,
            %swap3A_661 = vector.shape_cast %swap3A_660 : vector<1x1x16xf32> to vector<16xf32>
            %swap3A_662 = vector.shape_cast %add3A_656 : vector<16xf32> to vector<1x1x16xf32>
            tpu.vector_store %arg7[%swap3A_657, %swap3A_658, %swap3A_659], %swap3A_662 {strides = array<i32>} : memref<2x512x64xf32, #tpu.memory_space<vmem>>, vector<1x1x16xf32>,
            %get3A_663 = arith.constant 0 : i32
            %get3A_664 = arith.index_cast %get3A_663 : i32 to index
            %get3A_665 = arith.index_cast %add3A_428 : i32 to index
            %get3A_666 = arith.constant 16 : index
            %get3A_667 = tpu.vector_load %arg7[%get3A_664, %get3A_665, %get3A_666] {strides = array<i32>} : memref<2x512x64xf32, #tpu.memory_space<vmem>>, vector<1x1x16xf32>,
            %get3A_668 = vector.shape_cast %get3A_667 : vector<1x1x16xf32> to vector<16xf32>
            %add3A_669 = arith.addf %get3A_668, %get3A_33 : vector<16xf32>
            %swap3A_670 = arith.constant 0 : i32
            %swap3A_671 = arith.index_cast %swap3A_670 : i32 to index
            %swap3A_672 = arith.index_cast %add3A_428 : i32 to index
            %swap3A_673 = arith.constant 16 : index
            %swap3A_674 = tpu.vector_load %arg7[%swap3A_671, %swap3A_672, %swap3A_673] {strides = array<i32>} : memref<2x512x64xf32, #tpu.memory_space<vmem>>, vector<1x1x16xf32>,
            %swap3A_675 = vector.shape_cast %swap3A_674 : vector<1x1x16xf32> to vector<16xf32>
            %swap3A_676 = vector.shape_cast %add3A_669 : vector<16xf32> to vector<1x1x16xf32>
            tpu.vector_store %arg7[%swap3A_671, %swap3A_672, %swap3A_673], %swap3A_676 {strides = array<i32>} : memref<2x512x64xf32, #tpu.memory_space<vmem>>, vector<1x1x16xf32>,
            %get3A_677 = arith.constant 0 : i32
            %get3A_678 = arith.index_cast %get3A_677 : i32 to index
            %get3A_679 = arith.index_cast %add3A_428 : i32 to index
            %get3A_680 = arith.constant 32 : index
            %get3A_681 = tpu.vector_load %arg7[%get3A_678, %get3A_679, %get3A_680] {strides = array<i32>} : memref<2x512x64xf32, #tpu.memory_space<vmem>>, vector<1x1x16xf32>,
            %get3A_682 = vector.shape_cast %get3A_681 : vector<1x1x16xf32> to vector<16xf32>
            %add3A_683 = arith.addf %get3A_682, %get3A_38 : vector<16xf32>
            %swap3A_684 = arith.constant 0 : i32
            %swap3A_685 = arith.index_cast %swap3A_684 : i32 to index
            %swap3A_686 = arith.index_cast %add3A_428 : i32 to index
            %swap3A_687 = arith.constant 32 : index
            %swap3A_688 = tpu.vector_load %arg7[%swap3A_685, %swap3A_686, %swap3A_687] {strides = array<i32>} : memref<2x512x64xf32, #tpu.memory_space<vmem>>, vector<1x1x16xf32>,
            %swap3A_689 = vector.shape_cast %swap3A_688 : vector<1x1x16xf32> to vector<16xf32>
            %swap3A_690 = vector.shape_cast %add3A_683 : vector<16xf32> to vector<1x1x16xf32>
            tpu.vector_store %arg7[%swap3A_685, %swap3A_686, %swap3A_687], %swap3A_690 {strides = array<i32>} : memref<2x512x64xf32, #tpu.memory_space<vmem>>, vector<1x1x16xf32>,
            %get3A_691 = arith.constant 0 : i32
            %get3A_692 = arith.index_cast %get3A_691 : i32 to index
            %get3A_693 = arith.index_cast %add3A_428 : i32 to index
            %get3A_694 = arith.constant 48 : index
            %get3A_695 = tpu.vector_load %arg7[%get3A_692, %get3A_693, %get3A_694] {strides = array<i32>} : memref<2x512x64xf32, #tpu.memory_space<vmem>>, vector<1x1x16xf32>,
            %get3A_696 = vector.shape_cast %get3A_695 : vector<1x1x16xf32> to vector<16xf32>
            %add3A_697 = arith.addf %get3A_696, %get3A_43 : vector<16xf32>
            %swap3A_698 = arith.constant 0 : i32
            %swap3A_699 = arith.index_cast %swap3A_698 : i32 to index
            %swap3A_700 = arith.index_cast %add3A_428 : i32 to index
            %swap3A_701 = arith.constant 48 : index
            %swap3A_702 = tpu.vector_load %arg7[%swap3A_699, %swap3A_700, %swap3A_701] {strides = array<i32>} : memref<2x512x64xf32, #tpu.memory_space<vmem>>, vector<1x1x16xf32>,
            %swap3A_703 = vector.shape_cast %swap3A_702 : vector<1x1x16xf32> to vector<16xf32>
            %swap3A_704 = vector.shape_cast %add3A_697 : vector<16xf32> to vector<1x1x16xf32>
            tpu.vector_store %arg7[%swap3A_699, %swap3A_700, %swap3A_701], %swap3A_704 {strides = array<i32>} : memref<2x512x64xf32, #tpu.memory_space<vmem>>, vector<1x1x16xf32>,
          } else {
          }
          %slice3A_439 = vector.extract_strided_slice %get3A_422 {offsets = [1], sizes = [1], strides = [1]} : vector<16xi32> to vector<1xi32>
          %squeeze3A_440 = vector.extract %slice3A_439[0] : i32 from vector<1xi32>
          %add3A_441 = arith.constant 1 : i32
          %add3A_442 = arith.addi %mul3A_424, %add3A_441 : i32
          %eq3A_443 = arith.constant 5 : i32
          %eq3A_444 = arith.cmpi eq, %squeeze3A_440, %eq3A_443 : i32
          %convert_element_type3A_445 = arith.extui %eq3A_444 : i1 to i32
          %cond3A_446 = arith.constant 0 : i32
          %cond3A_447 = arith.cmpi ne, %convert_element_type3A_445, %cond3A_446 : i32
          scf.if %cond3A_447 {
            %get3A_650 = arith.constant 0 : i32
            %get3A_651 = arith.index_cast %get3A_650 : i32 to index
            %get3A_652 = arith.index_cast %add3A_442 : i32 to index
            %get3A_653 = arith.constant 0 : index
            %get3A_654 = tpu.vector_load %arg7[%get3A_651, %get3A_652, %get3A_653] {strides = array<i32>} : memref<2x512x64xf32, #tpu.memory_space<vmem>>, vector<1x1x16xf32>,
            %get3A_655 = vector.shape_cast %get3A_654 : vector<1x1x16xf32> to vector<16xf32>
            %add3A_656 = arith.addf %get3A_655, %get3A_8 : vector<16xf32>
            %swap3A = arith.constant 0 : i32
            %swap3A_657 = arith.index_cast %swap3A : i32 to index
            %swap3A_658 = arith.index_cast %add3A_442 : i32 to index
            %swap3A_659 = arith.constant 0 : index
            %swap3A_660 = tpu.vector_load %arg7[%swap3A_657, %swap3A_658, %swap3A_659] {strides = array<i32>} : memref<2x512x64xf32, #tpu.memory_space<vmem>>, vector<1x1x16xf32>,
            %swap3A_661 = vector.shape_cast %swap3A_660 : vector<1x1x16xf32> to vector<16xf32>
            %swap3A_662 = vector.shape_cast %add3A_656 : vector<16xf32> to vector<1x1x16xf32>
            tpu.vector_store %arg7[%swap3A_657, %swap3A_658, %swap3A_659], %swap3A_662 {strides = array<i32>} : memref<2x512x64xf32, #tpu.memory_space<vmem>>, vector<1x1x16xf32>,
            %get3A_663 = arith.constant 0 : i32
            %get3A_664 = arith.index_cast %get3A_663 : i32 to index
            %get3A_665 = arith.index_cast %add3A_442 : i32 to index
            %get3A_666 = arith.constant 16 : index
            %get3A_667 = tpu.vector_load %arg7[%get3A_664, %get3A_665, %get3A_666] {strides = array<i32>} : memref<2x512x64xf32, #tpu.memory_space<vmem>>, vector<1x1x16xf32>,
            %get3A_668 = vector.shape_cast %get3A_667 : vector<1x1x16xf32> to vector<16xf32>
            %add3A_669 = arith.addf %get3A_668, %get3A_13 : vector<16xf32>
            %swap3A_670 = arith.constant 0 : i32
            %swap3A_671 = arith.index_cast %swap3A_670 : i32 to index
            %swap3A_672 = arith.index_cast %add3A_442 : i32 to index
            %swap3A_673 = arith.constant 16 : index
            %swap3A_674 = tpu.vector_load %arg7[%swap3A_671, %swap3A_672, %swap3A_673] {strides = array<i32>} : memref<2x512x64xf32, #tpu.memory_space<vmem>>, vector<1x1x16xf32>,
            %swap3A_675 = vector.shape_cast %swap3A_674 : vector<1x1x16xf32> to vector<16xf32>
            %swap3A_676 = vector.shape_cast %add3A_669 : vector<16xf32> to vector<1x1x16xf32>
            tpu.vector_store %arg7[%swap3A_671, %swap3A_672, %swap3A_673], %swap3A_676 {strides = array<i32>} : memref<2x512x64xf32, #tpu.memory_space<vmem>>, vector<1x1x16xf32>,
            %get3A_677 = arith.constant 0 : i32
            %get3A_678 = arith.index_cast %get3A_677 : i32 to index
            %get3A_679 = arith.index_cast %add3A_442 : i32 to index
            %get3A_680 = arith.constant 32 : index
            %get3A_681 = tpu.vector_load %arg7[%get3A_678, %get3A_679, %get3A_680] {strides = array<i32>} : memref<2x512x64xf32, #tpu.memory_space<vmem>>, vector<1x1x16xf32>,
            %get3A_682 = vector.shape_cast %get3A_681 : vector<1x1x16xf32> to vector<16xf32>
            %add3A_683 = arith.addf %get3A_682, %get3A_18 : vector<16xf32>
            %swap3A_684 = arith.constant 0 : i32
            %swap3A_685 = arith.index_cast %swap3A_684 : i32 to index
            %swap3A_686 = arith.index_cast %add3A_442 : i32 to index
            %swap3A_687 = arith.constant 32 : index
            %swap3A_688 = tpu.vector_load %arg7[%swap3A_685, %swap3A_686, %swap3A_687] {strides = array<i32>} : memref<2x512x64xf32, #tpu.memory_space<vmem>>, vector<1x1x16xf32>,
            %swap3A_689 = vector.shape_cast %swap3A_688 : vector<1x1x16xf32> to vector<16xf32>
            %swap3A_690 = vector.shape_cast %add3A_683 : vector<16xf32> to vector<1x1x16xf32>
            tpu.vector_store %arg7[%swap3A_685, %swap3A_686, %swap3A_687], %swap3A_690 {strides = array<i32>} : memref<2x512x64xf32, #tpu.memory_space<vmem>>, vector<1x1x16xf32>,
            %get3A_691 = arith.constant 0 : i32
            %get3A_692 = arith.index_cast %get3A_691 : i32 to index
            %get3A_693 = arith.index_cast %add3A_442 : i32 to index
            %get3A_694 = arith.constant 48 : index
            %get3A_695 = tpu.vector_load %arg7[%get3A_692, %get3A_693, %get3A_694] {strides = array<i32>} : memref<2x512x64xf32, #tpu.memory_space<vmem>>, vector<1x1x16xf32>,
            %get3A_696 = vector.shape_cast %get3A_695 : vector<1x1x16xf32> to vector<16xf32>
            %add3A_697 = arith.addf %get3A_696, %get3A_23 : vector<16xf32>
            %swap3A_698 = arith.constant 0 : i32
            %swap3A_699 = arith.index_cast %swap3A_698 : i32 to index
            %swap3A_700 = arith.index_cast %add3A_442 : i32 to index
            %swap3A_701 = arith.constant 48 : index
            %swap3A_702 = tpu.vector_load %arg7[%swap3A_699, %swap3A_700, %swap3A_701] {strides = array<i32>} : memref<2x512x64xf32, #tpu.memory_space<vmem>>, vector<1x1x16xf32>,
            %swap3A_703 = vector.shape_cast %swap3A_702 : vector<1x1x16xf32> to vector<16xf32>
            %swap3A_704 = vector.shape_cast %add3A_697 : vector<16xf32> to vector<1x1x16xf32>
            tpu.vector_store %arg7[%swap3A_699, %swap3A_700, %swap3A_701], %swap3A_704 {strides = array<i32>} : memref<2x512x64xf32, #tpu.memory_space<vmem>>, vector<1x1x16xf32>,
          } else {
          }
          %eq3A_448 = arith.constant 7 : i32
          %eq3A_449 = arith.cmpi eq, %squeeze3A_440, %eq3A_448 : i32
          %convert_element_type3A_450 = arith.extui %eq3A_449 : i1 to i32
          %cond3A_451 = arith.constant 0 : i32
          %cond3A_452 = arith.cmpi ne, %convert_element_type3A_450, %cond3A_451 : i32
          scf.if %cond3A_452 {
            %get3A_650 = arith.constant 0 : i32
            %get3A_651 = arith.index_cast %get3A_650 : i32 to index
            %get3A_652 = arith.index_cast %add3A_442 : i32 to index
            %get3A_653 = arith.constant 0 : index
            %get3A_654 = tpu.vector_load %arg7[%get3A_651, %get3A_652, %get3A_653] {strides = array<i32>} : memref<2x512x64xf32, #tpu.memory_space<vmem>>, vector<1x1x16xf32>,
            %get3A_655 = vector.shape_cast %get3A_654 : vector<1x1x16xf32> to vector<16xf32>
            %add3A_656 = arith.addf %get3A_655, %get3A_28 : vector<16xf32>
            %swap3A = arith.constant 0 : i32
            %swap3A_657 = arith.index_cast %swap3A : i32 to index
            %swap3A_658 = arith.index_cast %add3A_442 : i32 to index
            %swap3A_659 = arith.constant 0 : index
            %swap3A_660 = tpu.vector_load %arg7[%swap3A_657, %swap3A_658, %swap3A_659] {strides = array<i32>} : memref<2x512x64xf32, #tpu.memory_space<vmem>>, vector<1x1x16xf32>,
            %swap3A_661 = vector.shape_cast %swap3A_660 : vector<1x1x16xf32> to vector<16xf32>
            %swap3A_662 = vector.shape_cast %add3A_656 : vector<16xf32> to vector<1x1x16xf32>
            tpu.vector_store %arg7[%swap3A_657, %swap3A_658, %swap3A_659], %swap3A_662 {strides = array<i32>} : memref<2x512x64xf32, #tpu.memory_space<vmem>>, vector<1x1x16xf32>,
            %get3A_663 = arith.constant 0 : i32
            %get3A_664 = arith.index_cast %get3A_663 : i32 to index
            %get3A_665 = arith.index_cast %add3A_442 : i32 to index
            %get3A_666 = arith.constant 16 : index
            %get3A_667 = tpu.vector_load %arg7[%get3A_664, %get3A_665, %get3A_666] {strides = array<i32>} : memref<2x512x64xf32, #tpu.memory_space<vmem>>, vector<1x1x16xf32>,
            %get3A_668 = vector.shape_cast %get3A_667 : vector<1x1x16xf32> to vector<16xf32>
            %add3A_669 = arith.addf %get3A_668, %get3A_33 : vector<16xf32>
            %swap3A_670 = arith.constant 0 : i32
            %swap3A_671 = arith.index_cast %swap3A_670 : i32 to index
            %swap3A_672 = arith.index_cast %add3A_442 : i32 to index
            %swap3A_673 = arith.constant 16 : index
            %swap3A_674 = tpu.vector_load %arg7[%swap3A_671, %swap3A_672, %swap3A_673] {strides = array<i32>} : memref<2x512x64xf32, #tpu.memory_space<vmem>>, vector<1x1x16xf32>,
            %swap3A_675 = vector.shape_cast %swap3A_674 : vector<1x1x16xf32> to vector<16xf32>
            %swap3A_676 = vector.shape_cast %add3A_669 : vector<16xf32> to vector<1x1x16xf32>
            tpu.vector_store %arg7[%swap3A_671, %swap3A_672, %swap3A_673], %swap3A_676 {strides = array<i32>} : memref<2x512x64xf32, #tpu.memory_space<vmem>>, vector<1x1x16xf32>,
            %get3A_677 = arith.constant 0 : i32
            %get3A_678 = arith.index_cast %get3A_677 : i32 to index
            %get3A_679 = arith.index_cast %add3A_442 : i32 to index
            %get3A_680 = arith.constant 32 : index
            %get3A_681 = tpu.vector_load %arg7[%get3A_678, %get3A_679, %get3A_680] {strides = array<i32>} : memref<2x512x64xf32, #tpu.memory_space<vmem>>, vector<1x1x16xf32>,
            %get3A_682 = vector.shape_cast %get3A_681 : vector<1x1x16xf32> to vector<16xf32>
            %add3A_683 = arith.addf %get3A_682, %get3A_38 : vector<16xf32>
            %swap3A_684 = arith.constant 0 : i32
            %swap3A_685 = arith.index_cast %swap3A_684 : i32 to index
            %swap3A_686 = arith.index_cast %add3A_442 : i32 to index
            %swap3A_687 = arith.constant 32 : index
            %swap3A_688 = tpu.vector_load %arg7[%swap3A_685, %swap3A_686, %swap3A_687] {strides = array<i32>} : memref<2x512x64xf32, #tpu.memory_space<vmem>>, vector<1x1x16xf32>,
            %swap3A_689 = vector.shape_cast %swap3A_688 : vector<1x1x16xf32> to vector<16xf32>
            %swap3A_690 = vector.shape_cast %add3A_683 : vector<16xf32> to vector<1x1x16xf32>
            tpu.vector_store %arg7[%swap3A_685, %swap3A_686, %swap3A_687], %swap3A_690 {strides = array<i32>} : memref<2x512x64xf32, #tpu.memory_space<vmem>>, vector<1x1x16xf32>,
            %get3A_691 = arith.constant 0 : i32
            %get3A_692 = arith.index_cast %get3A_691 : i32 to index
            %get3A_693 = arith.index_cast %add3A_442 : i32 to index
            %get3A_694 = arith.constant 48 : index
            %get3A_695 = tpu.vector_load %arg7[%get3A_692, %get3A_693, %get3A_694] {strides = array<i32>} : memref<2x512x64xf32, #tpu.memory_space<vmem>>, vector<1x1x16xf32>,
            %get3A_696 = vector.shape_cast %get3A_695 : vector<1x1x16xf32> to vector<16xf32>
            %add3A_697 = arith.addf %get3A_696, %get3A_43 : vector<16xf32>
            %swap3A_698 = arith.constant 0 : i32
            %swap3A_699 = arith.index_cast %swap3A_698 : i32 to index
            %swap3A_700 = arith.index_cast %add3A_442 : i32 to index
            %swap3A_701 = arith.constant 48 : index
            %swap3A_702 = tpu.vector_load %arg7[%swap3A_699, %swap3A_700, %swap3A_701] {strides = array<i32>} : memref<2x512x64xf32, #tpu.memory_space<vmem>>, vector<1x1x16xf32>,
            %swap3A_703 = vector.shape_cast %swap3A_702 : vector<1x1x16xf32> to vector<16xf32>
            %swap3A_704 = vector.shape_cast %add3A_697 : vector<16xf32> to vector<1x1x16xf32>
            tpu.vector_store %arg7[%swap3A_699, %swap3A_700, %swap3A_701], %swap3A_704 {strides = array<i32>} : memref<2x512x64xf32, #tpu.memory_space<vmem>>, vector<1x1x16xf32>,
          } else {
          }
          %slice3A_453 = vector.extract_strided_slice %get3A_422 {offsets = [2], sizes = [1], strides = [1]} : vector<16xi32> to vector<1xi32>
          %squeeze3A_454 = vector.extract %slice3A_453[0] : i32 from vector<1xi32>
          %add3A_455 = arith.constant 2 : i32
          %add3A_456 = arith.addi %mul3A_424, %add3A_455 : i32
          %eq3A_457 = arith.constant 5 : i32
          %eq3A_458 = arith.cmpi eq, %squeeze3A_454, %eq3A_457 : i32
          %convert_element_type3A_459 = arith.extui %eq3A_458 : i1 to i32
          %cond3A_460 = arith.constant 0 : i32
          %cond3A_461 = arith.cmpi ne, %convert_element_type3A_459, %cond3A_460 : i32
          scf.if %cond3A_461 {
            %get3A_650 = arith.constant 0 : i32
            %get3A_651 = arith.index_cast %get3A_650 : i32 to index
            %get3A_652 = arith.index_cast %add3A_456 : i32 to index
            %get3A_653 = arith.constant 0 : index
            %get3A_654 = tpu.vector_load %arg7[%get3A_651, %get3A_652, %get3A_653] {strides = array<i32>} : memref<2x512x64xf32, #tpu.memory_space<vmem>>, vector<1x1x16xf32>,
            %get3A_655 = vector.shape_cast %get3A_654 : vector<1x1x16xf32> to vector<16xf32>
            %add3A_656 = arith.addf %get3A_655, %get3A_8 : vector<16xf32>
            %swap3A = arith.constant 0 : i32
            %swap3A_657 = arith.index_cast %swap3A : i32 to index
            %swap3A_658 = arith.index_cast %add3A_456 : i32 to index
            %swap3A_659 = arith.constant 0 : index
            %swap3A_660 = tpu.vector_load %arg7[%swap3A_657, %swap3A_658, %swap3A_659] {strides = array<i32>} : memref<2x512x64xf32, #tpu.memory_space<vmem>>, vector<1x1x16xf32>,
            %swap3A_661 = vector.shape_cast %swap3A_660 : vector<1x1x16xf32> to vector<16xf32>
            %swap3A_662 = vector.shape_cast %add3A_656 : vector<16xf32> to vector<1x1x16xf32>
            tpu.vector_store %arg7[%swap3A_657, %swap3A_658, %swap3A_659], %swap3A_662 {strides = array<i32>} : memref<2x512x64xf32, #tpu.memory_space<vmem>>, vector<1x1x16xf32>,
            %get3A_663 = arith.constant 0 : i32
            %get3A_664 = arith.index_cast %get3A_663 : i32 to index
            %get3A_665 = arith.index_cast %add3A_456 : i32 to index
            %get3A_666 = arith.constant 16 : index
            %get3A_667 = tpu.vector_load %arg7[%get3A_664, %get3A_665, %get3A_666] {strides = array<i32>} : memref<2x512x64xf32, #tpu.memory_space<vmem>>, vector<1x1x16xf32>,
            %get3A_668 = vector.shape_cast %get3A_667 : vector<1x1x16xf32> to vector<16xf32>
            %add3A_669 = arith.addf %get3A_668, %get3A_13 : vector<16xf32>
            %swap3A_670 = arith.constant 0 : i32
            %swap3A_671 = arith.index_cast %swap3A_670 : i32 to index
            %swap3A_672 = arith.index_cast %add3A_456 : i32 to index
            %swap3A_673 = arith.constant 16 : index
            %swap3A_674 = tpu.vector_load %arg7[%swap3A_671, %swap3A_672, %swap3A_673] {strides = array<i32>} : memref<2x512x64xf32, #tpu.memory_space<vmem>>, vector<1x1x16xf32>,
            %swap3A_675 = vector.shape_cast %swap3A_674 : vector<1x1x16xf32> to vector<16xf32>
            %swap3A_676 = vector.shape_cast %add3A_669 : vector<16xf32> to vector<1x1x16xf32>
            tpu.vector_store %arg7[%swap3A_671, %swap3A_672, %swap3A_673], %swap3A_676 {strides = array<i32>} : memref<2x512x64xf32, #tpu.memory_space<vmem>>, vector<1x1x16xf32>,
            %get3A_677 = arith.constant 0 : i32
            %get3A_678 = arith.index_cast %get3A_677 : i32 to index
            %get3A_679 = arith.index_cast %add3A_456 : i32 to index
            %get3A_680 = arith.constant 32 : index
            %get3A_681 = tpu.vector_load %arg7[%get3A_678, %get3A_679, %get3A_680] {strides = array<i32>} : memref<2x512x64xf32, #tpu.memory_space<vmem>>, vector<1x1x16xf32>,
            %get3A_682 = vector.shape_cast %get3A_681 : vector<1x1x16xf32> to vector<16xf32>
            %add3A_683 = arith.addf %get3A_682, %get3A_18 : vector<16xf32>
            %swap3A_684 = arith.constant 0 : i32
            %swap3A_685 = arith.index_cast %swap3A_684 : i32 to index
            %swap3A_686 = arith.index_cast %add3A_456 : i32 to index
            %swap3A_687 = arith.constant 32 : index
            %swap3A_688 = tpu.vector_load %arg7[%swap3A_685, %swap3A_686, %swap3A_687] {strides = array<i32>} : memref<2x512x64xf32, #tpu.memory_space<vmem>>, vector<1x1x16xf32>,
            %swap3A_689 = vector.shape_cast %swap3A_688 : vector<1x1x16xf32> to vector<16xf32>
            %swap3A_690 = vector.shape_cast %add3A_683 : vector<16xf32> to vector<1x1x16xf32>
            tpu.vector_store %arg7[%swap3A_685, %swap3A_686, %swap3A_687], %swap3A_690 {strides = array<i32>} : memref<2x512x64xf32, #tpu.memory_space<vmem>>, vector<1x1x16xf32>,
            %get3A_691 = arith.constant 0 : i32
            %get3A_692 = arith.index_cast %get3A_691 : i32 to index
            %get3A_693 = arith.index_cast %add3A_456 : i32 to index
            %get3A_694 = arith.constant 48 : index
            %get3A_695 = tpu.vector_load %arg7[%get3A_692, %get3A_693, %get3A_694] {strides = array<i32>} : memref<2x512x64xf32, #tpu.memory_space<vmem>>, vector<1x1x16xf32>,
            %get3A_696 = vector.shape_cast %get3A_695 : vector<1x1x16xf32> to vector<16xf32>
            %add3A_697 = arith.addf %get3A_696, %get3A_23 : vector<16xf32>
            %swap3A_698 = arith.constant 0 : i32
            %swap3A_699 = arith.index_cast %swap3A_698 : i32 to index
            %swap3A_700 = arith.index_cast %add3A_456 : i32 to index
            %swap3A_701 = arith.constant 48 : index
            %swap3A_702 = tpu.vector_load %arg7[%swap3A_699, %swap3A_700, %swap3A_701] {strides = array<i32>} : memref<2x512x64xf32, #tpu.memory_space<vmem>>, vector<1x1x16xf32>,
            %swap3A_703 = vector.shape_cast %swap3A_702 : vector<1x1x16xf32> to vector<16xf32>
            %swap3A_704 = vector.shape_cast %add3A_697 : vector<16xf32> to vector<1x1x16xf32>
            tpu.vector_store %arg7[%swap3A_699, %swap3A_700, %swap3A_701], %swap3A_704 {strides = array<i32>} : memref<2x512x64xf32, #tpu.memory_space<vmem>>, vector<1x1x16xf32>,
          } else {
          }
          %eq3A_462 = arith.constant 7 : i32
          %eq3A_463 = arith.cmpi eq, %squeeze3A_454, %eq3A_462 : i32
          %convert_element_type3A_464 = arith.extui %eq3A_463 : i1 to i32
          %cond3A_465 = arith.constant 0 : i32
          %cond3A_466 = arith.cmpi ne, %convert_element_type3A_464, %cond3A_465 : i32
          scf.if %cond3A_466 {
            %get3A_650 = arith.constant 0 : i32
            %get3A_651 = arith.index_cast %get3A_650 : i32 to index
            %get3A_652 = arith.index_cast %add3A_456 : i32 to index
            %get3A_653 = arith.constant 0 : index
            %get3A_654 = tpu.vector_load %arg7[%get3A_651, %get3A_652, %get3A_653] {strides = array<i32>} : memref<2x512x64xf32, #tpu.memory_space<vmem>>, vector<1x1x16xf32>,
            %get3A_655 = vector.shape_cast %get3A_654 : vector<1x1x16xf32> to vector<16xf32>
            %add3A_656 = arith.addf %get3A_655, %get3A_28 : vector<16xf32>
            %swap3A = arith.constant 0 : i32
            %swap3A_657 = arith.index_cast %swap3A : i32 to index
            %swap3A_658 = arith.index_cast %add3A_456 : i32 to index
            %swap3A_659 = arith.constant 0 : index
            %swap3A_660 = tpu.vector_load %arg7[%swap3A_657, %swap3A_658, %swap3A_659] {strides = array<i32>} : memref<2x512x64xf32, #tpu.memory_space<vmem>>, vector<1x1x16xf32>,
            %swap3A_661 = vector.shape_cast %swap3A_660 : vector<1x1x16xf32> to vector<16xf32>
            %swap3A_662 = vector.shape_cast %add3A_656 : vector<16xf32> to vector<1x1x16xf32>
            tpu.vector_store %arg7[%swap3A_657, %swap3A_658, %swap3A_659], %swap3A_662 {strides = array<i32>} : memref<2x512x64xf32, #tpu.memory_space<vmem>>, vector<1x1x16xf32>,
            %get3A_663 = arith.constant 0 : i32
            %get3A_664 = arith.index_cast %get3A_663 : i32 to index
            %get3A_665 = arith.index_cast %add3A_456 : i32 to index
            %get3A_666 = arith.constant 16 : index
            %get3A_667 = tpu.vector_load %arg7[%get3A_664, %get3A_665, %get3A_666] {strides = array<i32>} : memref<2x512x64xf32, #tpu.memory_space<vmem>>, vector<1x1x16xf32>,
            %get3A_668 = vector.shape_cast %get3A_667 : vector<1x1x16xf32> to vector<16xf32>
            %add3A_669 = arith.addf %get3A_668, %get3A_33 : vector<16xf32>
            %swap3A_670 = arith.constant 0 : i32
            %swap3A_671 = arith.index_cast %swap3A_670 : i32 to index
            %swap3A_672 = arith.index_cast %add3A_456 : i32 to index
            %swap3A_673 = arith.constant 16 : index
            %swap3A_674 = tpu.vector_load %arg7[%swap3A_671, %swap3A_672, %swap3A_673] {strides = array<i32>} : memref<2x512x64xf32, #tpu.memory_space<vmem>>, vector<1x1x16xf32>,
            %swap3A_675 = vector.shape_cast %swap3A_674 : vector<1x1x16xf32> to vector<16xf32>
            %swap3A_676 = vector.shape_cast %add3A_669 : vector<16xf32> to vector<1x1x16xf32>
            tpu.vector_store %arg7[%swap3A_671, %swap3A_672, %swap3A_673], %swap3A_676 {strides = array<i32>} : memref<2x512x64xf32, #tpu.memory_space<vmem>>, vector<1x1x16xf32>,
            %get3A_677 = arith.constant 0 : i32
            %get3A_678 = arith.index_cast %get3A_677 : i32 to index
            %get3A_679 = arith.index_cast %add3A_456 : i32 to index
            %get3A_680 = arith.constant 32 : index
            %get3A_681 = tpu.vector_load %arg7[%get3A_678, %get3A_679, %get3A_680] {strides = array<i32>} : memref<2x512x64xf32, #tpu.memory_space<vmem>>, vector<1x1x16xf32>,
            %get3A_682 = vector.shape_cast %get3A_681 : vector<1x1x16xf32> to vector<16xf32>
            %add3A_683 = arith.addf %get3A_682, %get3A_38 : vector<16xf32>
            %swap3A_684 = arith.constant 0 : i32
            %swap3A_685 = arith.index_cast %swap3A_684 : i32 to index
            %swap3A_686 = arith.index_cast %add3A_456 : i32 to index
            %swap3A_687 = arith.constant 32 : index
            %swap3A_688 = tpu.vector_load %arg7[%swap3A_685, %swap3A_686, %swap3A_687] {strides = array<i32>} : memref<2x512x64xf32, #tpu.memory_space<vmem>>, vector<1x1x16xf32>,
            %swap3A_689 = vector.shape_cast %swap3A_688 : vector<1x1x16xf32> to vector<16xf32>
            %swap3A_690 = vector.shape_cast %add3A_683 : vector<16xf32> to vector<1x1x16xf32>
            tpu.vector_store %arg7[%swap3A_685, %swap3A_686, %swap3A_687], %swap3A_690 {strides = array<i32>} : memref<2x512x64xf32, #tpu.memory_space<vmem>>, vector<1x1x16xf32>,
            %get3A_691 = arith.constant 0 : i32
            %get3A_692 = arith.index_cast %get3A_691 : i32 to index
            %get3A_693 = arith.index_cast %add3A_456 : i32 to index
            %get3A_694 = arith.constant 48 : index
            %get3A_695 = tpu.vector_load %arg7[%get3A_692, %get3A_693, %get3A_694] {strides = array<i32>} : memref<2x512x64xf32, #tpu.memory_space<vmem>>, vector<1x1x16xf32>,
            %get3A_696 = vector.shape_cast %get3A_695 : vector<1x1x16xf32> to vector<16xf32>
            %add3A_697 = arith.addf %get3A_696, %get3A_43 : vector<16xf32>
            %swap3A_698 = arith.constant 0 : i32
            %swap3A_699 = arith.index_cast %swap3A_698 : i32 to index
            %swap3A_700 = arith.index_cast %add3A_456 : i32 to index
            %swap3A_701 = arith.constant 48 : index
            %swap3A_702 = tpu.vector_load %arg7[%swap3A_699, %swap3A_700, %swap3A_701] {strides = array<i32>} : memref<2x512x64xf32, #tpu.memory_space<vmem>>, vector<1x1x16xf32>,
            %swap3A_703 = vector.shape_cast %swap3A_702 : vector<1x1x16xf32> to vector<16xf32>
            %swap3A_704 = vector.shape_cast %add3A_697 : vector<16xf32> to vector<1x1x16xf32>
            tpu.vector_store %arg7[%swap3A_699, %swap3A_700, %swap3A_701], %swap3A_704 {strides = array<i32>} : memref<2x512x64xf32, #tpu.memory_space<vmem>>, vector<1x1x16xf32>,
          } else {
          }
          %slice3A_467 = vector.extract_strided_slice %get3A_422 {offsets = [3], sizes = [1], strides = [1]} : vector<16xi32> to vector<1xi32>
          %squeeze3A_468 = vector.extract %slice3A_467[0] : i32 from vector<1xi32>
          %add3A_469 = arith.constant 3 : i32
          %add3A_470 = arith.addi %mul3A_424, %add3A_469 : i32
          %eq3A_471 = arith.constant 5 : i32
          %eq3A_472 = arith.cmpi eq, %squeeze3A_468, %eq3A_471 : i32
          %convert_element_type3A_473 = arith.extui %eq3A_472 : i1 to i32
          %cond3A_474 = arith.constant 0 : i32
          %cond3A_475 = arith.cmpi ne, %convert_element_type3A_473, %cond3A_474 : i32
          scf.if %cond3A_475 {
            %get3A_650 = arith.constant 0 : i32
            %get3A_651 = arith.index_cast %get3A_650 : i32 to index
            %get3A_652 = arith.index_cast %add3A_470 : i32 to index
            %get3A_653 = arith.constant 0 : index
            %get3A_654 = tpu.vector_load %arg7[%get3A_651, %get3A_652, %get3A_653] {strides = array<i32>} : memref<2x512x64xf32, #tpu.memory_space<vmem>>, vector<1x1x16xf32>,
            %get3A_655 = vector.shape_cast %get3A_654 : vector<1x1x16xf32> to vector<16xf32>
            %add3A_656 = arith.addf %get3A_655, %get3A_8 : vector<16xf32>
            %swap3A = arith.constant 0 : i32
            %swap3A_657 = arith.index_cast %swap3A : i32 to index
            %swap3A_658 = arith.index_cast %add3A_470 : i32 to index
            %swap3A_659 = arith.constant 0 : index
            %swap3A_660 = tpu.vector_load %arg7[%swap3A_657, %swap3A_658, %swap3A_659] {strides = array<i32>} : memref<2x512x64xf32, #tpu.memory_space<vmem>>, vector<1x1x16xf32>,
            %swap3A_661 = vector.shape_cast %swap3A_660 : vector<1x1x16xf32> to vector<16xf32>
            %swap3A_662 = vector.shape_cast %add3A_656 : vector<16xf32> to vector<1x1x16xf32>
            tpu.vector_store %arg7[%swap3A_657, %swap3A_658, %swap3A_659], %swap3A_662 {strides = array<i32>} : memref<2x512x64xf32, #tpu.memory_space<vmem>>, vector<1x1x16xf32>,
            %get3A_663 = arith.constant 0 : i32
            %get3A_664 = arith.index_cast %get3A_663 : i32 to index
            %get3A_665 = arith.index_cast %add3A_470 : i32 to index
            %get3A_666 = arith.constant 16 : index
            %get3A_667 = tpu.vector_load %arg7[%get3A_664, %get3A_665, %get3A_666] {strides = array<i32>} : memref<2x512x64xf32, #tpu.memory_space<vmem>>, vector<1x1x16xf32>,
            %get3A_668 = vector.shape_cast %get3A_667 : vector<1x1x16xf32> to vector<16xf32>
            %add3A_669 = arith.addf %get3A_668, %get3A_13 : vector<16xf32>
            %swap3A_670 = arith.constant 0 : i32
            %swap3A_671 = arith.index_cast %swap3A_670 : i32 to index
            %swap3A_672 = arith.index_cast %add3A_470 : i32 to index
            %swap3A_673 = arith.constant 16 : index
            %swap3A_674 = tpu.vector_load %arg7[%swap3A_671, %swap3A_672, %swap3A_673] {strides = array<i32>} : memref<2x512x64xf32, #tpu.memory_space<vmem>>, vector<1x1x16xf32>,
            %swap3A_675 = vector.shape_cast %swap3A_674 : vector<1x1x16xf32> to vector<16xf32>
            %swap3A_676 = vector.shape_cast %add3A_669 : vector<16xf32> to vector<1x1x16xf32>
            tpu.vector_store %arg7[%swap3A_671, %swap3A_672, %swap3A_673], %swap3A_676 {strides = array<i32>} : memref<2x512x64xf32, #tpu.memory_space<vmem>>, vector<1x1x16xf32>,
            %get3A_677 = arith.constant 0 : i32
            %get3A_678 = arith.index_cast %get3A_677 : i32 to index
            %get3A_679 = arith.index_cast %add3A_470 : i32 to index
            %get3A_680 = arith.constant 32 : index
            %get3A_681 = tpu.vector_load %arg7[%get3A_678, %get3A_679, %get3A_680] {strides = array<i32>} : memref<2x512x64xf32, #tpu.memory_space<vmem>>, vector<1x1x16xf32>,
            %get3A_682 = vector.shape_cast %get3A_681 : vector<1x1x16xf32> to vector<16xf32>
            %add3A_683 = arith.addf %get3A_682, %get3A_18 : vector<16xf32>
            %swap3A_684 = arith.constant 0 : i32
            %swap3A_685 = arith.index_cast %swap3A_684 : i32 to index
            %swap3A_686 = arith.index_cast %add3A_470 : i32 to index
            %swap3A_687 = arith.constant 32 : index
            %swap3A_688 = tpu.vector_load %arg7[%swap3A_685, %swap3A_686, %swap3A_687] {strides = array<i32>} : memref<2x512x64xf32, #tpu.memory_space<vmem>>, vector<1x1x16xf32>,
            %swap3A_689 = vector.shape_cast %swap3A_688 : vector<1x1x16xf32> to vector<16xf32>
            %swap3A_690 = vector.shape_cast %add3A_683 : vector<16xf32> to vector<1x1x16xf32>
            tpu.vector_store %arg7[%swap3A_685, %swap3A_686, %swap3A_687], %swap3A_690 {strides = array<i32>} : memref<2x512x64xf32, #tpu.memory_space<vmem>>, vector<1x1x16xf32>,
            %get3A_691 = arith.constant 0 : i32
            %get3A_692 = arith.index_cast %get3A_691 : i32 to index
            %get3A_693 = arith.index_cast %add3A_470 : i32 to index
            %get3A_694 = arith.constant 48 : index
            %get3A_695 = tpu.vector_load %arg7[%get3A_692, %get3A_693, %get3A_694] {strides = array<i32>} : memref<2x512x64xf32, #tpu.memory_space<vmem>>, vector<1x1x16xf32>,
            %get3A_696 = vector.shape_cast %get3A_695 : vector<1x1x16xf32> to vector<16xf32>
            %add3A_697 = arith.addf %get3A_696, %get3A_23 : vector<16xf32>
            %swap3A_698 = arith.constant 0 : i32
            %swap3A_699 = arith.index_cast %swap3A_698 : i32 to index
            %swap3A_700 = arith.index_cast %add3A_470 : i32 to index
            %swap3A_701 = arith.constant 48 : index
            %swap3A_702 = tpu.vector_load %arg7[%swap3A_699, %swap3A_700, %swap3A_701] {strides = array<i32>} : memref<2x512x64xf32, #tpu.memory_space<vmem>>, vector<1x1x16xf32>,
            %swap3A_703 = vector.shape_cast %swap3A_702 : vector<1x1x16xf32> to vector<16xf32>
            %swap3A_704 = vector.shape_cast %add3A_697 : vector<16xf32> to vector<1x1x16xf32>
            tpu.vector_store %arg7[%swap3A_699, %swap3A_700, %swap3A_701], %swap3A_704 {strides = array<i32>} : memref<2x512x64xf32, #tpu.memory_space<vmem>>, vector<1x1x16xf32>,
          } else {
          }
          %eq3A_476 = arith.constant 7 : i32
          %eq3A_477 = arith.cmpi eq, %squeeze3A_468, %eq3A_476 : i32
          %convert_element_type3A_478 = arith.extui %eq3A_477 : i1 to i32
          %cond3A_479 = arith.constant 0 : i32
          %cond3A_480 = arith.cmpi ne, %convert_element_type3A_478, %cond3A_479 : i32
          scf.if %cond3A_480 {
            %get3A_650 = arith.constant 0 : i32
            %get3A_651 = arith.index_cast %get3A_650 : i32 to index
            %get3A_652 = arith.index_cast %add3A_470 : i32 to index
            %get3A_653 = arith.constant 0 : index
            %get3A_654 = tpu.vector_load %arg7[%get3A_651, %get3A_652, %get3A_653] {strides = array<i32>} : memref<2x512x64xf32, #tpu.memory_space<vmem>>, vector<1x1x16xf32>,
            %get3A_655 = vector.shape_cast %get3A_654 : vector<1x1x16xf32> to vector<16xf32>
            %add3A_656 = arith.addf %get3A_655, %get3A_28 : vector<16xf32>
            %swap3A = arith.constant 0 : i32
            %swap3A_657 = arith.index_cast %swap3A : i32 to index
            %swap3A_658 = arith.index_cast %add3A_470 : i32 to index
            %swap3A_659 = arith.constant 0 : index
            %swap3A_660 = tpu.vector_load %arg7[%swap3A_657, %swap3A_658, %swap3A_659] {strides = array<i32>} : memref<2x512x64xf32, #tpu.memory_space<vmem>>, vector<1x1x16xf32>,
            %swap3A_661 = vector.shape_cast %swap3A_660 : vector<1x1x16xf32> to vector<16xf32>
            %swap3A_662 = vector.shape_cast %add3A_656 : vector<16xf32> to vector<1x1x16xf32>
            tpu.vector_store %arg7[%swap3A_657, %swap3A_658, %swap3A_659], %swap3A_662 {strides = array<i32>} : memref<2x512x64xf32, #tpu.memory_space<vmem>>, vector<1x1x16xf32>,
            %get3A_663 = arith.constant 0 : i32
            %get3A_664 = arith.index_cast %get3A_663 : i32 to index
            %get3A_665 = arith.index_cast %add3A_470 : i32 to index
            %get3A_666 = arith.constant 16 : index
            %get3A_667 = tpu.vector_load %arg7[%get3A_664, %get3A_665, %get3A_666] {strides = array<i32>} : memref<2x512x64xf32, #tpu.memory_space<vmem>>, vector<1x1x16xf32>,
            %get3A_668 = vector.shape_cast %get3A_667 : vector<1x1x16xf32> to vector<16xf32>
            %add3A_669 = arith.addf %get3A_668, %get3A_33 : vector<16xf32>
            %swap3A_670 = arith.constant 0 : i32
            %swap3A_671 = arith.index_cast %swap3A_670 : i32 to index
            %swap3A_672 = arith.index_cast %add3A_470 : i32 to index
            %swap3A_673 = arith.constant 16 : index
            %swap3A_674 = tpu.vector_load %arg7[%swap3A_671, %swap3A_672, %swap3A_673] {strides = array<i32>} : memref<2x512x64xf32, #tpu.memory_space<vmem>>, vector<1x1x16xf32>,
            %swap3A_675 = vector.shape_cast %swap3A_674 : vector<1x1x16xf32> to vector<16xf32>
            %swap3A_676 = vector.shape_cast %add3A_669 : vector<16xf32> to vector<1x1x16xf32>
            tpu.vector_store %arg7[%swap3A_671, %swap3A_672, %swap3A_673], %swap3A_676 {strides = array<i32>} : memref<2x512x64xf32, #tpu.memory_space<vmem>>, vector<1x1x16xf32>,
            %get3A_677 = arith.constant 0 : i32
            %get3A_678 = arith.index_cast %get3A_677 : i32 to index
            %get3A_679 = arith.index_cast %add3A_470 : i32 to index
            %get3A_680 = arith.constant 32 : index
            %get3A_681 = tpu.vector_load %arg7[%get3A_678, %get3A_679, %get3A_680] {strides = array<i32>} : memref<2x512x64xf32, #tpu.memory_space<vmem>>, vector<1x1x16xf32>,
            %get3A_682 = vector.shape_cast %get3A_681 : vector<1x1x16xf32> to vector<16xf32>
            %add3A_683 = arith.addf %get3A_682, %get3A_38 : vector<16xf32>
            %swap3A_684 = arith.constant 0 : i32
            %swap3A_685 = arith.index_cast %swap3A_684 : i32 to index
            %swap3A_686 = arith.index_cast %add3A_470 : i32 to index
            %swap3A_687 = arith.constant 32 : index
            %swap3A_688 = tpu.vector_load %arg7[%swap3A_685, %swap3A_686, %swap3A_687] {strides = array<i32>} : memref<2x512x64xf32, #tpu.memory_space<vmem>>, vector<1x1x16xf32>,
            %swap3A_689 = vector.shape_cast %swap3A_688 : vector<1x1x16xf32> to vector<16xf32>
            %swap3A_690 = vector.shape_cast %add3A_683 : vector<16xf32> to vector<1x1x16xf32>
            tpu.vector_store %arg7[%swap3A_685, %swap3A_686, %swap3A_687], %swap3A_690 {strides = array<i32>} : memref<2x512x64xf32, #tpu.memory_space<vmem>>, vector<1x1x16xf32>,
            %get3A_691 = arith.constant 0 : i32
            %get3A_692 = arith.index_cast %get3A_691 : i32 to index
            %get3A_693 = arith.index_cast %add3A_470 : i32 to index
            %get3A_694 = arith.constant 48 : index
            %get3A_695 = tpu.vector_load %arg7[%get3A_692, %get3A_693, %get3A_694] {strides = array<i32>} : memref<2x512x64xf32, #tpu.memory_space<vmem>>, vector<1x1x16xf32>,
            %get3A_696 = vector.shape_cast %get3A_695 : vector<1x1x16xf32> to vector<16xf32>
            %add3A_697 = arith.addf %get3A_696, %get3A_43 : vector<16xf32>
            %swap3A_698 = arith.constant 0 : i32
            %swap3A_699 = arith.index_cast %swap3A_698 : i32 to index
            %swap3A_700 = arith.index_cast %add3A_470 : i32 to index
            %swap3A_701 = arith.constant 48 : index
            %swap3A_702 = tpu.vector_load %arg7[%swap3A_699, %swap3A_700, %swap3A_701] {strides = array<i32>} : memref<2x512x64xf32, #tpu.memory_space<vmem>>, vector<1x1x16xf32>,
            %swap3A_703 = vector.shape_cast %swap3A_702 : vector<1x1x16xf32> to vector<16xf32>
            %swap3A_704 = vector.shape_cast %add3A_697 : vector<16xf32> to vector<1x1x16xf32>
            tpu.vector_store %arg7[%swap3A_699, %swap3A_700, %swap3A_701], %swap3A_704 {strides = array<i32>} : memref<2x512x64xf32, #tpu.memory_space<vmem>>, vector<1x1x16xf32>,
          } else {
          }
          %slice3A_481 = vector.extract_strided_slice %get3A_422 {offsets = [4], sizes = [1], strides = [1]} : vector<16xi32> to vector<1xi32>
          %squeeze3A_482 = vector.extract %slice3A_481[0] : i32 from vector<1xi32>
          %add3A_483 = arith.constant 4 : i32
          %add3A_484 = arith.addi %mul3A_424, %add3A_483 : i32
          %eq3A_485 = arith.constant 5 : i32
          %eq3A_486 = arith.cmpi eq, %squeeze3A_482, %eq3A_485 : i32
          %convert_element_type3A_487 = arith.extui %eq3A_486 : i1 to i32
          %cond3A_488 = arith.constant 0 : i32
          %cond3A_489 = arith.cmpi ne, %convert_element_type3A_487, %cond3A_488 : i32
          scf.if %cond3A_489 {
            %get3A_650 = arith.constant 0 : i32
            %get3A_651 = arith.index_cast %get3A_650 : i32 to index
            %get3A_652 = arith.index_cast %add3A_484 : i32 to index
            %get3A_653 = arith.constant 0 : index
            %get3A_654 = tpu.vector_load %arg7[%get3A_651, %get3A_652, %get3A_653] {strides = array<i32>} : memref<2x512x64xf32, #tpu.memory_space<vmem>>, vector<1x1x16xf32>,
            %get3A_655 = vector.shape_cast %get3A_654 : vector<1x1x16xf32> to vector<16xf32>
            %add3A_656 = arith.addf %get3A_655, %get3A_8 : vector<16xf32>
            %swap3A = arith.constant 0 : i32
            %swap3A_657 = arith.index_cast %swap3A : i32 to index
            %swap3A_658 = arith.index_cast %add3A_484 : i32 to index
            %swap3A_659 = arith.constant 0 : index
            %swap3A_660 = tpu.vector_load %arg7[%swap3A_657, %swap3A_658, %swap3A_659] {strides = array<i32>} : memref<2x512x64xf32, #tpu.memory_space<vmem>>, vector<1x1x16xf32>,
            %swap3A_661 = vector.shape_cast %swap3A_660 : vector<1x1x16xf32> to vector<16xf32>
            %swap3A_662 = vector.shape_cast %add3A_656 : vector<16xf32> to vector<1x1x16xf32>
            tpu.vector_store %arg7[%swap3A_657, %swap3A_658, %swap3A_659], %swap3A_662 {strides = array<i32>} : memref<2x512x64xf32, #tpu.memory_space<vmem>>, vector<1x1x16xf32>,
            %get3A_663 = arith.constant 0 : i32
            %get3A_664 = arith.index_cast %get3A_663 : i32 to index
            %get3A_665 = arith.index_cast %add3A_484 : i32 to index
            %get3A_666 = arith.constant 16 : index
            %get3A_667 = tpu.vector_load %arg7[%get3A_664, %get3A_665, %get3A_666] {strides = array<i32>} : memref<2x512x64xf32, #tpu.memory_space<vmem>>, vector<1x1x16xf32>,
            %get3A_668 = vector.shape_cast %get3A_667 : vector<1x1x16xf32> to vector<16xf32>
            %add3A_669 = arith.addf %get3A_668, %get3A_13 : vector<16xf32>
            %swap3A_670 = arith.constant 0 : i32
            %swap3A_671 = arith.index_cast %swap3A_670 : i32 to index
            %swap3A_672 = arith.index_cast %add3A_484 : i32 to index
            %swap3A_673 = arith.constant 16 : index
            %swap3A_674 = tpu.vector_load %arg7[%swap3A_671, %swap3A_672, %swap3A_673] {strides = array<i32>} : memref<2x512x64xf32, #tpu.memory_space<vmem>>, vector<1x1x16xf32>,
            %swap3A_675 = vector.shape_cast %swap3A_674 : vector<1x1x16xf32> to vector<16xf32>
            %swap3A_676 = vector.shape_cast %add3A_669 : vector<16xf32> to vector<1x1x16xf32>
            tpu.vector_store %arg7[%swap3A_671, %swap3A_672, %swap3A_673], %swap3A_676 {strides = array<i32>} : memref<2x512x64xf32, #tpu.memory_space<vmem>>, vector<1x1x16xf32>,
            %get3A_677 = arith.constant 0 : i32
            %get3A_678 = arith.index_cast %get3A_677 : i32 to index
            %get3A_679 = arith.index_cast %add3A_484 : i32 to index
            %get3A_680 = arith.constant 32 : index
            %get3A_681 = tpu.vector_load %arg7[%get3A_678, %get3A_679, %get3A_680] {strides = array<i32>} : memref<2x512x64xf32, #tpu.memory_space<vmem>>, vector<1x1x16xf32>,
            %get3A_682 = vector.shape_cast %get3A_681 : vector<1x1x16xf32> to vector<16xf32>
            %add3A_683 = arith.addf %get3A_682, %get3A_18 : vector<16xf32>
            %swap3A_684 = arith.constant 0 : i32
            %swap3A_685 = arith.index_cast %swap3A_684 : i32 to index
            %swap3A_686 = arith.index_cast %add3A_484 : i32 to index
            %swap3A_687 = arith.constant 32 : index
            %swap3A_688 = tpu.vector_load %arg7[%swap3A_685, %swap3A_686, %swap3A_687] {strides = array<i32>} : memref<2x512x64xf32, #tpu.memory_space<vmem>>, vector<1x1x16xf32>,
            %swap3A_689 = vector.shape_cast %swap3A_688 : vector<1x1x16xf32> to vector<16xf32>
            %swap3A_690 = vector.shape_cast %add3A_683 : vector<16xf32> to vector<1x1x16xf32>
            tpu.vector_store %arg7[%swap3A_685, %swap3A_686, %swap3A_687], %swap3A_690 {strides = array<i32>} : memref<2x512x64xf32, #tpu.memory_space<vmem>>, vector<1x1x16xf32>,
            %get3A_691 = arith.constant 0 : i32
            %get3A_692 = arith.index_cast %get3A_691 : i32 to index
            %get3A_693 = arith.index_cast %add3A_484 : i32 to index
            %get3A_694 = arith.constant 48 : index
            %get3A_695 = tpu.vector_load %arg7[%get3A_692, %get3A_693, %get3A_694] {strides = array<i32>} : memref<2x512x64xf32, #tpu.memory_space<vmem>>, vector<1x1x16xf32>,
            %get3A_696 = vector.shape_cast %get3A_695 : vector<1x1x16xf32> to vector<16xf32>
            %add3A_697 = arith.addf %get3A_696, %get3A_23 : vector<16xf32>
            %swap3A_698 = arith.constant 0 : i32
            %swap3A_699 = arith.index_cast %swap3A_698 : i32 to index
            %swap3A_700 = arith.index_cast %add3A_484 : i32 to index
            %swap3A_701 = arith.constant 48 : index
            %swap3A_702 = tpu.vector_load %arg7[%swap3A_699, %swap3A_700, %swap3A_701] {strides = array<i32>} : memref<2x512x64xf32, #tpu.memory_space<vmem>>, vector<1x1x16xf32>,
            %swap3A_703 = vector.shape_cast %swap3A_702 : vector<1x1x16xf32> to vector<16xf32>
            %swap3A_704 = vector.shape_cast %add3A_697 : vector<16xf32> to vector<1x1x16xf32>
            tpu.vector_store %arg7[%swap3A_699, %swap3A_700, %swap3A_701], %swap3A_704 {strides = array<i32>} : memref<2x512x64xf32, #tpu.memory_space<vmem>>, vector<1x1x16xf32>,
          } else {
          }
          %eq3A_490 = arith.constant 7 : i32
          %eq3A_491 = arith.cmpi eq, %squeeze3A_482, %eq3A_490 : i32
          %convert_element_type3A_492 = arith.extui %eq3A_491 : i1 to i32
          %cond3A_493 = arith.constant 0 : i32
          %cond3A_494 = arith.cmpi ne, %convert_element_type3A_492, %cond3A_493 : i32
          scf.if %cond3A_494 {
            %get3A_650 = arith.constant 0 : i32
            %get3A_651 = arith.index_cast %get3A_650 : i32 to index
            %get3A_652 = arith.index_cast %add3A_484 : i32 to index
            %get3A_653 = arith.constant 0 : index
            %get3A_654 = tpu.vector_load %arg7[%get3A_651, %get3A_652, %get3A_653] {strides = array<i32>} : memref<2x512x64xf32, #tpu.memory_space<vmem>>, vector<1x1x16xf32>,
            %get3A_655 = vector.shape_cast %get3A_654 : vector<1x1x16xf32> to vector<16xf32>
            %add3A_656 = arith.addf %get3A_655, %get3A_28 : vector<16xf32>
            %swap3A = arith.constant 0 : i32
            %swap3A_657 = arith.index_cast %swap3A : i32 to index
            %swap3A_658 = arith.index_cast %add3A_484 : i32 to index
            %swap3A_659 = arith.constant 0 : index
            %swap3A_660 = tpu.vector_load %arg7[%swap3A_657, %swap3A_658, %swap3A_659] {strides = array<i32>} : memref<2x512x64xf32, #tpu.memory_space<vmem>>, vector<1x1x16xf32>,
            %swap3A_661 = vector.shape_cast %swap3A_660 : vector<1x1x16xf32> to vector<16xf32>
            %swap3A_662 = vector.shape_cast %add3A_656 : vector<16xf32> to vector<1x1x16xf32>
            tpu.vector_store %arg7[%swap3A_657, %swap3A_658, %swap3A_659], %swap3A_662 {strides = array<i32>} : memref<2x512x64xf32, #tpu.memory_space<vmem>>, vector<1x1x16xf32>,
            %get3A_663 = arith.constant 0 : i32
            %get3A_664 = arith.index_cast %get3A_663 : i32 to index
            %get3A_665 = arith.index_cast %add3A_484 : i32 to index
            %get3A_666 = arith.constant 16 : index
            %get3A_667 = tpu.vector_load %arg7[%get3A_664, %get3A_665, %get3A_666] {strides = array<i32>} : memref<2x512x64xf32, #tpu.memory_space<vmem>>, vector<1x1x16xf32>,
            %get3A_668 = vector.shape_cast %get3A_667 : vector<1x1x16xf32> to vector<16xf32>
            %add3A_669 = arith.addf %get3A_668, %get3A_33 : vector<16xf32>
            %swap3A_670 = arith.constant 0 : i32
            %swap3A_671 = arith.index_cast %swap3A_670 : i32 to index
            %swap3A_672 = arith.index_cast %add3A_484 : i32 to index
            %swap3A_673 = arith.constant 16 : index
            %swap3A_674 = tpu.vector_load %arg7[%swap3A_671, %swap3A_672, %swap3A_673] {strides = array<i32>} : memref<2x512x64xf32, #tpu.memory_space<vmem>>, vector<1x1x16xf32>,
            %swap3A_675 = vector.shape_cast %swap3A_674 : vector<1x1x16xf32> to vector<16xf32>
            %swap3A_676 = vector.shape_cast %add3A_669 : vector<16xf32> to vector<1x1x16xf32>
            tpu.vector_store %arg7[%swap3A_671, %swap3A_672, %swap3A_673], %swap3A_676 {strides = array<i32>} : memref<2x512x64xf32, #tpu.memory_space<vmem>>, vector<1x1x16xf32>,
            %get3A_677 = arith.constant 0 : i32
            %get3A_678 = arith.index_cast %get3A_677 : i32 to index
            %get3A_679 = arith.index_cast %add3A_484 : i32 to index
            %get3A_680 = arith.constant 32 : index
            %get3A_681 = tpu.vector_load %arg7[%get3A_678, %get3A_679, %get3A_680] {strides = array<i32>} : memref<2x512x64xf32, #tpu.memory_space<vmem>>, vector<1x1x16xf32>,
            %get3A_682 = vector.shape_cast %get3A_681 : vector<1x1x16xf32> to vector<16xf32>
            %add3A_683 = arith.addf %get3A_682, %get3A_38 : vector<16xf32>
            %swap3A_684 = arith.constant 0 : i32
            %swap3A_685 = arith.index_cast %swap3A_684 : i32 to index
            %swap3A_686 = arith.index_cast %add3A_484 : i32 to index
            %swap3A_687 = arith.constant 32 : index
            %swap3A_688 = tpu.vector_load %arg7[%swap3A_685, %swap3A_686, %swap3A_687] {strides = array<i32>} : memref<2x512x64xf32, #tpu.memory_space<vmem>>, vector<1x1x16xf32>,
            %swap3A_689 = vector.shape_cast %swap3A_688 : vector<1x1x16xf32> to vector<16xf32>
            %swap3A_690 = vector.shape_cast %add3A_683 : vector<16xf32> to vector<1x1x16xf32>
            tpu.vector_store %arg7[%swap3A_685, %swap3A_686, %swap3A_687], %swap3A_690 {strides = array<i32>} : memref<2x512x64xf32, #tpu.memory_space<vmem>>, vector<1x1x16xf32>,
            %get3A_691 = arith.constant 0 : i32
            %get3A_692 = arith.index_cast %get3A_691 : i32 to index
            %get3A_693 = arith.index_cast %add3A_484 : i32 to index
            %get3A_694 = arith.constant 48 : index
            %get3A_695 = tpu.vector_load %arg7[%get3A_692, %get3A_693, %get3A_694] {strides = array<i32>} : memref<2x512x64xf32, #tpu.memory_space<vmem>>, vector<1x1x16xf32>,
            %get3A_696 = vector.shape_cast %get3A_695 : vector<1x1x16xf32> to vector<16xf32>
            %add3A_697 = arith.addf %get3A_696, %get3A_43 : vector<16xf32>
            %swap3A_698 = arith.constant 0 : i32
            %swap3A_699 = arith.index_cast %swap3A_698 : i32 to index
            %swap3A_700 = arith.index_cast %add3A_484 : i32 to index
            %swap3A_701 = arith.constant 48 : index
            %swap3A_702 = tpu.vector_load %arg7[%swap3A_699, %swap3A_700, %swap3A_701] {strides = array<i32>} : memref<2x512x64xf32, #tpu.memory_space<vmem>>, vector<1x1x16xf32>,
            %swap3A_703 = vector.shape_cast %swap3A_702 : vector<1x1x16xf32> to vector<16xf32>
            %swap3A_704 = vector.shape_cast %add3A_697 : vector<16xf32> to vector<1x1x16xf32>
            tpu.vector_store %arg7[%swap3A_699, %swap3A_700, %swap3A_701], %swap3A_704 {strides = array<i32>} : memref<2x512x64xf32, #tpu.memory_space<vmem>>, vector<1x1x16xf32>,
          } else {
          }
          %slice3A_495 = vector.extract_strided_slice %get3A_422 {offsets = [5], sizes = [1], strides = [1]} : vector<16xi32> to vector<1xi32>
          %squeeze3A_496 = vector.extract %slice3A_495[0] : i32 from vector<1xi32>
          %add3A_497 = arith.constant 5 : i32
          %add3A_498 = arith.addi %mul3A_424, %add3A_497 : i32
          %eq3A_499 = arith.constant 5 : i32
          %eq3A_500 = arith.cmpi eq, %squeeze3A_496, %eq3A_499 : i32
          %convert_element_type3A_501 = arith.extui %eq3A_500 : i1 to i32
          %cond3A_502 = arith.constant 0 : i32
          %cond3A_503 = arith.cmpi ne, %convert_element_type3A_501, %cond3A_502 : i32
          scf.if %cond3A_503 {
            %get3A_650 = arith.constant 0 : i32
            %get3A_651 = arith.index_cast %get3A_650 : i32 to index
            %get3A_652 = arith.index_cast %add3A_498 : i32 to index
            %get3A_653 = arith.constant 0 : index
            %get3A_654 = tpu.vector_load %arg7[%get3A_651, %get3A_652, %get3A_653] {strides = array<i32>} : memref<2x512x64xf32, #tpu.memory_space<vmem>>, vector<1x1x16xf32>,
            %get3A_655 = vector.shape_cast %get3A_654 : vector<1x1x16xf32> to vector<16xf32>
            %add3A_656 = arith.addf %get3A_655, %get3A_8 : vector<16xf32>
            %swap3A = arith.constant 0 : i32
            %swap3A_657 = arith.index_cast %swap3A : i32 to index
            %swap3A_658 = arith.index_cast %add3A_498 : i32 to index
            %swap3A_659 = arith.constant 0 : index
            %swap3A_660 = tpu.vector_load %arg7[%swap3A_657, %swap3A_658, %swap3A_659] {strides = array<i32>} : memref<2x512x64xf32, #tpu.memory_space<vmem>>, vector<1x1x16xf32>,
            %swap3A_661 = vector.shape_cast %swap3A_660 : vector<1x1x16xf32> to vector<16xf32>
            %swap3A_662 = vector.shape_cast %add3A_656 : vector<16xf32> to vector<1x1x16xf32>
            tpu.vector_store %arg7[%swap3A_657, %swap3A_658, %swap3A_659], %swap3A_662 {strides = array<i32>} : memref<2x512x64xf32, #tpu.memory_space<vmem>>, vector<1x1x16xf32>,
            %get3A_663 = arith.constant 0 : i32
            %get3A_664 = arith.index_cast %get3A_663 : i32 to index
            %get3A_665 = arith.index_cast %add3A_498 : i32 to index
            %get3A_666 = arith.constant 16 : index
            %get3A_667 = tpu.vector_load %arg7[%get3A_664, %get3A_665, %get3A_666] {strides = array<i32>} : memref<2x512x64xf32, #tpu.memory_space<vmem>>, vector<1x1x16xf32>,
            %get3A_668 = vector.shape_cast %get3A_667 : vector<1x1x16xf32> to vector<16xf32>
            %add3A_669 = arith.addf %get3A_668, %get3A_13 : vector<16xf32>
            %swap3A_670 = arith.constant 0 : i32
            %swap3A_671 = arith.index_cast %swap3A_670 : i32 to index
            %swap3A_672 = arith.index_cast %add3A_498 : i32 to index
            %swap3A_673 = arith.constant 16 : index
            %swap3A_674 = tpu.vector_load %arg7[%swap3A_671, %swap3A_672, %swap3A_673] {strides = array<i32>} : memref<2x512x64xf32, #tpu.memory_space<vmem>>, vector<1x1x16xf32>,
            %swap3A_675 = vector.shape_cast %swap3A_674 : vector<1x1x16xf32> to vector<16xf32>
            %swap3A_676 = vector.shape_cast %add3A_669 : vector<16xf32> to vector<1x1x16xf32>
            tpu.vector_store %arg7[%swap3A_671, %swap3A_672, %swap3A_673], %swap3A_676 {strides = array<i32>} : memref<2x512x64xf32, #tpu.memory_space<vmem>>, vector<1x1x16xf32>,
            %get3A_677 = arith.constant 0 : i32
            %get3A_678 = arith.index_cast %get3A_677 : i32 to index
            %get3A_679 = arith.index_cast %add3A_498 : i32 to index
            %get3A_680 = arith.constant 32 : index
            %get3A_681 = tpu.vector_load %arg7[%get3A_678, %get3A_679, %get3A_680] {strides = array<i32>} : memref<2x512x64xf32, #tpu.memory_space<vmem>>, vector<1x1x16xf32>,
            %get3A_682 = vector.shape_cast %get3A_681 : vector<1x1x16xf32> to vector<16xf32>
            %add3A_683 = arith.addf %get3A_682, %get3A_18 : vector<16xf32>
            %swap3A_684 = arith.constant 0 : i32
            %swap3A_685 = arith.index_cast %swap3A_684 : i32 to index
            %swap3A_686 = arith.index_cast %add3A_498 : i32 to index
            %swap3A_687 = arith.constant 32 : index
            %swap3A_688 = tpu.vector_load %arg7[%swap3A_685, %swap3A_686, %swap3A_687] {strides = array<i32>} : memref<2x512x64xf32, #tpu.memory_space<vmem>>, vector<1x1x16xf32>,
            %swap3A_689 = vector.shape_cast %swap3A_688 : vector<1x1x16xf32> to vector<16xf32>
            %swap3A_690 = vector.shape_cast %add3A_683 : vector<16xf32> to vector<1x1x16xf32>
            tpu.vector_store %arg7[%swap3A_685, %swap3A_686, %swap3A_687], %swap3A_690 {strides = array<i32>} : memref<2x512x64xf32, #tpu.memory_space<vmem>>, vector<1x1x16xf32>,
            %get3A_691 = arith.constant 0 : i32
            %get3A_692 = arith.index_cast %get3A_691 : i32 to index
            %get3A_693 = arith.index_cast %add3A_498 : i32 to index
            %get3A_694 = arith.constant 48 : index
            %get3A_695 = tpu.vector_load %arg7[%get3A_692, %get3A_693, %get3A_694] {strides = array<i32>} : memref<2x512x64xf32, #tpu.memory_space<vmem>>, vector<1x1x16xf32>,
            %get3A_696 = vector.shape_cast %get3A_695 : vector<1x1x16xf32> to vector<16xf32>
            %add3A_697 = arith.addf %get3A_696, %get3A_23 : vector<16xf32>
            %swap3A_698 = arith.constant 0 : i32
            %swap3A_699 = arith.index_cast %swap3A_698 : i32 to index
            %swap3A_700 = arith.index_cast %add3A_498 : i32 to index
            %swap3A_701 = arith.constant 48 : index
            %swap3A_702 = tpu.vector_load %arg7[%swap3A_699, %swap3A_700, %swap3A_701] {strides = array<i32>} : memref<2x512x64xf32, #tpu.memory_space<vmem>>, vector<1x1x16xf32>,
            %swap3A_703 = vector.shape_cast %swap3A_702 : vector<1x1x16xf32> to vector<16xf32>
            %swap3A_704 = vector.shape_cast %add3A_697 : vector<16xf32> to vector<1x1x16xf32>
            tpu.vector_store %arg7[%swap3A_699, %swap3A_700, %swap3A_701], %swap3A_704 {strides = array<i32>} : memref<2x512x64xf32, #tpu.memory_space<vmem>>, vector<1x1x16xf32>,
          } else {
          }
          %eq3A_504 = arith.constant 7 : i32
          %eq3A_505 = arith.cmpi eq, %squeeze3A_496, %eq3A_504 : i32
          %convert_element_type3A_506 = arith.extui %eq3A_505 : i1 to i32
          %cond3A_507 = arith.constant 0 : i32
          %cond3A_508 = arith.cmpi ne, %convert_element_type3A_506, %cond3A_507 : i32
          scf.if %cond3A_508 {
            %get3A_650 = arith.constant 0 : i32
            %get3A_651 = arith.index_cast %get3A_650 : i32 to index
            %get3A_652 = arith.index_cast %add3A_498 : i32 to index
            %get3A_653 = arith.constant 0 : index
            %get3A_654 = tpu.vector_load %arg7[%get3A_651, %get3A_652, %get3A_653] {strides = array<i32>} : memref<2x512x64xf32, #tpu.memory_space<vmem>>, vector<1x1x16xf32>,
            %get3A_655 = vector.shape_cast %get3A_654 : vector<1x1x16xf32> to vector<16xf32>
            %add3A_656 = arith.addf %get3A_655, %get3A_28 : vector<16xf32>
            %swap3A = arith.constant 0 : i32
            %swap3A_657 = arith.index_cast %swap3A : i32 to index
            %swap3A_658 = arith.index_cast %add3A_498 : i32 to index
            %swap3A_659 = arith.constant 0 : index
            %swap3A_660 = tpu.vector_load %arg7[%swap3A_657, %swap3A_658, %swap3A_659] {strides = array<i32>} : memref<2x512x64xf32, #tpu.memory_space<vmem>>, vector<1x1x16xf32>,
            %swap3A_661 = vector.shape_cast %swap3A_660 : vector<1x1x16xf32> to vector<16xf32>
            %swap3A_662 = vector.shape_cast %add3A_656 : vector<16xf32> to vector<1x1x16xf32>
            tpu.vector_store %arg7[%swap3A_657, %swap3A_658, %swap3A_659], %swap3A_662 {strides = array<i32>} : memref<2x512x64xf32, #tpu.memory_space<vmem>>, vector<1x1x16xf32>,
            %get3A_663 = arith.constant 0 : i32
            %get3A_664 = arith.index_cast %get3A_663 : i32 to index
            %get3A_665 = arith.index_cast %add3A_498 : i32 to index
            %get3A_666 = arith.constant 16 : index
            %get3A_667 = tpu.vector_load %arg7[%get3A_664, %get3A_665, %get3A_666] {strides = array<i32>} : memref<2x512x64xf32, #tpu.memory_space<vmem>>, vector<1x1x16xf32>,
            %get3A_668 = vector.shape_cast %get3A_667 : vector<1x1x16xf32> to vector<16xf32>
            %add3A_669 = arith.addf %get3A_668, %get3A_33 : vector<16xf32>
            %swap3A_670 = arith.constant 0 : i32
            %swap3A_671 = arith.index_cast %swap3A_670 : i32 to index
            %swap3A_672 = arith.index_cast %add3A_498 : i32 to index
            %swap3A_673 = arith.constant 16 : index
            %swap3A_674 = tpu.vector_load %arg7[%swap3A_671, %swap3A_672, %swap3A_673] {strides = array<i32>} : memref<2x512x64xf32, #tpu.memory_space<vmem>>, vector<1x1x16xf32>,
            %swap3A_675 = vector.shape_cast %swap3A_674 : vector<1x1x16xf32> to vector<16xf32>
            %swap3A_676 = vector.shape_cast %add3A_669 : vector<16xf32> to vector<1x1x16xf32>
            tpu.vector_store %arg7[%swap3A_671, %swap3A_672, %swap3A_673], %swap3A_676 {strides = array<i32>} : memref<2x512x64xf32, #tpu.memory_space<vmem>>, vector<1x1x16xf32>,
            %get3A_677 = arith.constant 0 : i32
            %get3A_678 = arith.index_cast %get3A_677 : i32 to index
            %get3A_679 = arith.index_cast %add3A_498 : i32 to index
            %get3A_680 = arith.constant 32 : index
            %get3A_681 = tpu.vector_load %arg7[%get3A_678, %get3A_679, %get3A_680] {strides = array<i32>} : memref<2x512x64xf32, #tpu.memory_space<vmem>>, vector<1x1x16xf32>,
            %get3A_682 = vector.shape_cast %get3A_681 : vector<1x1x16xf32> to vector<16xf32>
            %add3A_683 = arith.addf %get3A_682, %get3A_38 : vector<16xf32>
            %swap3A_684 = arith.constant 0 : i32
            %swap3A_685 = arith.index_cast %swap3A_684 : i32 to index
            %swap3A_686 = arith.index_cast %add3A_498 : i32 to index
            %swap3A_687 = arith.constant 32 : index
            %swap3A_688 = tpu.vector_load %arg7[%swap3A_685, %swap3A_686, %swap3A_687] {strides = array<i32>} : memref<2x512x64xf32, #tpu.memory_space<vmem>>, vector<1x1x16xf32>,
            %swap3A_689 = vector.shape_cast %swap3A_688 : vector<1x1x16xf32> to vector<16xf32>
            %swap3A_690 = vector.shape_cast %add3A_683 : vector<16xf32> to vector<1x1x16xf32>
            tpu.vector_store %arg7[%swap3A_685, %swap3A_686, %swap3A_687], %swap3A_690 {strides = array<i32>} : memref<2x512x64xf32, #tpu.memory_space<vmem>>, vector<1x1x16xf32>,
            %get3A_691 = arith.constant 0 : i32
            %get3A_692 = arith.index_cast %get3A_691 : i32 to index
            %get3A_693 = arith.index_cast %add3A_498 : i32 to index
            %get3A_694 = arith.constant 48 : index
            %get3A_695 = tpu.vector_load %arg7[%get3A_692, %get3A_693, %get3A_694] {strides = array<i32>} : memref<2x512x64xf32, #tpu.memory_space<vmem>>, vector<1x1x16xf32>,
            %get3A_696 = vector.shape_cast %get3A_695 : vector<1x1x16xf32> to vector<16xf32>
            %add3A_697 = arith.addf %get3A_696, %get3A_43 : vector<16xf32>
            %swap3A_698 = arith.constant 0 : i32
            %swap3A_699 = arith.index_cast %swap3A_698 : i32 to index
            %swap3A_700 = arith.index_cast %add3A_498 : i32 to index
            %swap3A_701 = arith.constant 48 : index
            %swap3A_702 = tpu.vector_load %arg7[%swap3A_699, %swap3A_700, %swap3A_701] {strides = array<i32>} : memref<2x512x64xf32, #tpu.memory_space<vmem>>, vector<1x1x16xf32>,
            %swap3A_703 = vector.shape_cast %swap3A_702 : vector<1x1x16xf32> to vector<16xf32>
            %swap3A_704 = vector.shape_cast %add3A_697 : vector<16xf32> to vector<1x1x16xf32>
            tpu.vector_store %arg7[%swap3A_699, %swap3A_700, %swap3A_701], %swap3A_704 {strides = array<i32>} : memref<2x512x64xf32, #tpu.memory_space<vmem>>, vector<1x1x16xf32>,
          } else {
          }
          %slice3A_509 = vector.extract_strided_slice %get3A_422 {offsets = [6], sizes = [1], strides = [1]} : vector<16xi32> to vector<1xi32>
          %squeeze3A_510 = vector.extract %slice3A_509[0] : i32 from vector<1xi32>
          %add3A_511 = arith.constant 6 : i32
          %add3A_512 = arith.addi %mul3A_424, %add3A_511 : i32
          %eq3A_513 = arith.constant 5 : i32
          %eq3A_514 = arith.cmpi eq, %squeeze3A_510, %eq3A_513 : i32
          %convert_element_type3A_515 = arith.extui %eq3A_514 : i1 to i32
          %cond3A_516 = arith.constant 0 : i32
          %cond3A_517 = arith.cmpi ne, %convert_element_type3A_515, %cond3A_516 : i32
          scf.if %cond3A_517 {
            %get3A_650 = arith.constant 0 : i32
            %get3A_651 = arith.index_cast %get3A_650 : i32 to index
            %get3A_652 = arith.index_cast %add3A_512 : i32 to index
            %get3A_653 = arith.constant 0 : index
            %get3A_654 = tpu.vector_load %arg7[%get3A_651, %get3A_652, %get3A_653] {strides = array<i32>} : memref<2x512x64xf32, #tpu.memory_space<vmem>>, vector<1x1x16xf32>,
            %get3A_655 = vector.shape_cast %get3A_654 : vector<1x1x16xf32> to vector<16xf32>
            %add3A_656 = arith.addf %get3A_655, %get3A_8 : vector<16xf32>
            %swap3A = arith.constant 0 : i32
            %swap3A_657 = arith.index_cast %swap3A : i32 to index
            %swap3A_658 = arith.index_cast %add3A_512 : i32 to index
            %swap3A_659 = arith.constant 0 : index
            %swap3A_660 = tpu.vector_load %arg7[%swap3A_657, %swap3A_658, %swap3A_659] {strides = array<i32>} : memref<2x512x64xf32, #tpu.memory_space<vmem>>, vector<1x1x16xf32>,
            %swap3A_661 = vector.shape_cast %swap3A_660 : vector<1x1x16xf32> to vector<16xf32>
            %swap3A_662 = vector.shape_cast %add3A_656 : vector<16xf32> to vector<1x1x16xf32>
            tpu.vector_store %arg7[%swap3A_657, %swap3A_658, %swap3A_659], %swap3A_662 {strides = array<i32>} : memref<2x512x64xf32, #tpu.memory_space<vmem>>, vector<1x1x16xf32>,
            %get3A_663 = arith.constant 0 : i32
            %get3A_664 = arith.index_cast %get3A_663 : i32 to index
            %get3A_665 = arith.index_cast %add3A_512 : i32 to index
            %get3A_666 = arith.constant 16 : index
            %get3A_667 = tpu.vector_load %arg7[%get3A_664, %get3A_665, %get3A_666] {strides = array<i32>} : memref<2x512x64xf32, #tpu.memory_space<vmem>>, vector<1x1x16xf32>,
            %get3A_668 = vector.shape_cast %get3A_667 : vector<1x1x16xf32> to vector<16xf32>
            %add3A_669 = arith.addf %get3A_668, %get3A_13 : vector<16xf32>
            %swap3A_670 = arith.constant 0 : i32
            %swap3A_671 = arith.index_cast %swap3A_670 : i32 to index
            %swap3A_672 = arith.index_cast %add3A_512 : i32 to index
            %swap3A_673 = arith.constant 16 : index
            %swap3A_674 = tpu.vector_load %arg7[%swap3A_671, %swap3A_672, %swap3A_673] {strides = array<i32>} : memref<2x512x64xf32, #tpu.memory_space<vmem>>, vector<1x1x16xf32>,
            %swap3A_675 = vector.shape_cast %swap3A_674 : vector<1x1x16xf32> to vector<16xf32>
            %swap3A_676 = vector.shape_cast %add3A_669 : vector<16xf32> to vector<1x1x16xf32>
            tpu.vector_store %arg7[%swap3A_671, %swap3A_672, %swap3A_673], %swap3A_676 {strides = array<i32>} : memref<2x512x64xf32, #tpu.memory_space<vmem>>, vector<1x1x16xf32>,
            %get3A_677 = arith.constant 0 : i32
            %get3A_678 = arith.index_cast %get3A_677 : i32 to index
            %get3A_679 = arith.index_cast %add3A_512 : i32 to index
            %get3A_680 = arith.constant 32 : index
            %get3A_681 = tpu.vector_load %arg7[%get3A_678, %get3A_679, %get3A_680] {strides = array<i32>} : memref<2x512x64xf32, #tpu.memory_space<vmem>>, vector<1x1x16xf32>,
            %get3A_682 = vector.shape_cast %get3A_681 : vector<1x1x16xf32> to vector<16xf32>
            %add3A_683 = arith.addf %get3A_682, %get3A_18 : vector<16xf32>
            %swap3A_684 = arith.constant 0 : i32
            %swap3A_685 = arith.index_cast %swap3A_684 : i32 to index
            %swap3A_686 = arith.index_cast %add3A_512 : i32 to index
            %swap3A_687 = arith.constant 32 : index
            %swap3A_688 = tpu.vector_load %arg7[%swap3A_685, %swap3A_686, %swap3A_687] {strides = array<i32>} : memref<2x512x64xf32, #tpu.memory_space<vmem>>, vector<1x1x16xf32>,
            %swap3A_689 = vector.shape_cast %swap3A_688 : vector<1x1x16xf32> to vector<16xf32>
            %swap3A_690 = vector.shape_cast %add3A_683 : vector<16xf32> to vector<1x1x16xf32>
            tpu.vector_store %arg7[%swap3A_685, %swap3A_686, %swap3A_687], %swap3A_690 {strides = array<i32>} : memref<2x512x64xf32, #tpu.memory_space<vmem>>, vector<1x1x16xf32>,
            %get3A_691 = arith.constant 0 : i32
            %get3A_692 = arith.index_cast %get3A_691 : i32 to index
            %get3A_693 = arith.index_cast %add3A_512 : i32 to index
            %get3A_694 = arith.constant 48 : index
            %get3A_695 = tpu.vector_load %arg7[%get3A_692, %get3A_693, %get3A_694] {strides = array<i32>} : memref<2x512x64xf32, #tpu.memory_space<vmem>>, vector<1x1x16xf32>,
            %get3A_696 = vector.shape_cast %get3A_695 : vector<1x1x16xf32> to vector<16xf32>
            %add3A_697 = arith.addf %get3A_696, %get3A_23 : vector<16xf32>
            %swap3A_698 = arith.constant 0 : i32
            %swap3A_699 = arith.index_cast %swap3A_698 : i32 to index
            %swap3A_700 = arith.index_cast %add3A_512 : i32 to index
            %swap3A_701 = arith.constant 48 : index
            %swap3A_702 = tpu.vector_load %arg7[%swap3A_699, %swap3A_700, %swap3A_701] {strides = array<i32>} : memref<2x512x64xf32, #tpu.memory_space<vmem>>, vector<1x1x16xf32>,
            %swap3A_703 = vector.shape_cast %swap3A_702 : vector<1x1x16xf32> to vector<16xf32>
            %swap3A_704 = vector.shape_cast %add3A_697 : vector<16xf32> to vector<1x1x16xf32>
            tpu.vector_store %arg7[%swap3A_699, %swap3A_700, %swap3A_701], %swap3A_704 {strides = array<i32>} : memref<2x512x64xf32, #tpu.memory_space<vmem>>, vector<1x1x16xf32>,
          } else {
          }
          %eq3A_518 = arith.constant 7 : i32
          %eq3A_519 = arith.cmpi eq, %squeeze3A_510, %eq3A_518 : i32
          %convert_element_type3A_520 = arith.extui %eq3A_519 : i1 to i32
          %cond3A_521 = arith.constant 0 : i32
          %cond3A_522 = arith.cmpi ne, %convert_element_type3A_520, %cond3A_521 : i32
          scf.if %cond3A_522 {
            %get3A_650 = arith.constant 0 : i32
            %get3A_651 = arith.index_cast %get3A_650 : i32 to index
            %get3A_652 = arith.index_cast %add3A_512 : i32 to index
            %get3A_653 = arith.constant 0 : index
            %get3A_654 = tpu.vector_load %arg7[%get3A_651, %get3A_652, %get3A_653] {strides = array<i32>} : memref<2x512x64xf32, #tpu.memory_space<vmem>>, vector<1x1x16xf32>,
            %get3A_655 = vector.shape_cast %get3A_654 : vector<1x1x16xf32> to vector<16xf32>
            %add3A_656 = arith.addf %get3A_655, %get3A_28 : vector<16xf32>
            %swap3A = arith.constant 0 : i32
            %swap3A_657 = arith.index_cast %swap3A : i32 to index
            %swap3A_658 = arith.index_cast %add3A_512 : i32 to index
            %swap3A_659 = arith.constant 0 : index
            %swap3A_660 = tpu.vector_load %arg7[%swap3A_657, %swap3A_658, %swap3A_659] {strides = array<i32>} : memref<2x512x64xf32, #tpu.memory_space<vmem>>, vector<1x1x16xf32>,
            %swap3A_661 = vector.shape_cast %swap3A_660 : vector<1x1x16xf32> to vector<16xf32>
            %swap3A_662 = vector.shape_cast %add3A_656 : vector<16xf32> to vector<1x1x16xf32>
            tpu.vector_store %arg7[%swap3A_657, %swap3A_658, %swap3A_659], %swap3A_662 {strides = array<i32>} : memref<2x512x64xf32, #tpu.memory_space<vmem>>, vector<1x1x16xf32>,
            %get3A_663 = arith.constant 0 : i32
            %get3A_664 = arith.index_cast %get3A_663 : i32 to index
            %get3A_665 = arith.index_cast %add3A_512 : i32 to index
            %get3A_666 = arith.constant 16 : index
            %get3A_667 = tpu.vector_load %arg7[%get3A_664, %get3A_665, %get3A_666] {strides = array<i32>} : memref<2x512x64xf32, #tpu.memory_space<vmem>>, vector<1x1x16xf32>,
            %get3A_668 = vector.shape_cast %get3A_667 : vector<1x1x16xf32> to vector<16xf32>
            %add3A_669 = arith.addf %get3A_668, %get3A_33 : vector<16xf32>
            %swap3A_670 = arith.constant 0 : i32
            %swap3A_671 = arith.index_cast %swap3A_670 : i32 to index
            %swap3A_672 = arith.index_cast %add3A_512 : i32 to index
            %swap3A_673 = arith.constant 16 : index
            %swap3A_674 = tpu.vector_load %arg7[%swap3A_671, %swap3A_672, %swap3A_673] {strides = array<i32>} : memref<2x512x64xf32, #tpu.memory_space<vmem>>, vector<1x1x16xf32>,
            %swap3A_675 = vector.shape_cast %swap3A_674 : vector<1x1x16xf32> to vector<16xf32>
            %swap3A_676 = vector.shape_cast %add3A_669 : vector<16xf32> to vector<1x1x16xf32>
            tpu.vector_store %arg7[%swap3A_671, %swap3A_672, %swap3A_673], %swap3A_676 {strides = array<i32>} : memref<2x512x64xf32, #tpu.memory_space<vmem>>, vector<1x1x16xf32>,
            %get3A_677 = arith.constant 0 : i32
            %get3A_678 = arith.index_cast %get3A_677 : i32 to index
            %get3A_679 = arith.index_cast %add3A_512 : i32 to index
            %get3A_680 = arith.constant 32 : index
            %get3A_681 = tpu.vector_load %arg7[%get3A_678, %get3A_679, %get3A_680] {strides = array<i32>} : memref<2x512x64xf32, #tpu.memory_space<vmem>>, vector<1x1x16xf32>,
            %get3A_682 = vector.shape_cast %get3A_681 : vector<1x1x16xf32> to vector<16xf32>
            %add3A_683 = arith.addf %get3A_682, %get3A_38 : vector<16xf32>
            %swap3A_684 = arith.constant 0 : i32
            %swap3A_685 = arith.index_cast %swap3A_684 : i32 to index
            %swap3A_686 = arith.index_cast %add3A_512 : i32 to index
            %swap3A_687 = arith.constant 32 : index
            %swap3A_688 = tpu.vector_load %arg7[%swap3A_685, %swap3A_686, %swap3A_687] {strides = array<i32>} : memref<2x512x64xf32, #tpu.memory_space<vmem>>, vector<1x1x16xf32>,
            %swap3A_689 = vector.shape_cast %swap3A_688 : vector<1x1x16xf32> to vector<16xf32>
            %swap3A_690 = vector.shape_cast %add3A_683 : vector<16xf32> to vector<1x1x16xf32>
            tpu.vector_store %arg7[%swap3A_685, %swap3A_686, %swap3A_687], %swap3A_690 {strides = array<i32>} : memref<2x512x64xf32, #tpu.memory_space<vmem>>, vector<1x1x16xf32>,
            %get3A_691 = arith.constant 0 : i32
            %get3A_692 = arith.index_cast %get3A_691 : i32 to index
            %get3A_693 = arith.index_cast %add3A_512 : i32 to index
            %get3A_694 = arith.constant 48 : index
            %get3A_695 = tpu.vector_load %arg7[%get3A_692, %get3A_693, %get3A_694] {strides = array<i32>} : memref<2x512x64xf32, #tpu.memory_space<vmem>>, vector<1x1x16xf32>,
            %get3A_696 = vector.shape_cast %get3A_695 : vector<1x1x16xf32> to vector<16xf32>
            %add3A_697 = arith.addf %get3A_696, %get3A_43 : vector<16xf32>
            %swap3A_698 = arith.constant 0 : i32
            %swap3A_699 = arith.index_cast %swap3A_698 : i32 to index
            %swap3A_700 = arith.index_cast %add3A_512 : i32 to index
            %swap3A_701 = arith.constant 48 : index
            %swap3A_702 = tpu.vector_load %arg7[%swap3A_699, %swap3A_700, %swap3A_701] {strides = array<i32>} : memref<2x512x64xf32, #tpu.memory_space<vmem>>, vector<1x1x16xf32>,
            %swap3A_703 = vector.shape_cast %swap3A_702 : vector<1x1x16xf32> to vector<16xf32>
            %swap3A_704 = vector.shape_cast %add3A_697 : vector<16xf32> to vector<1x1x16xf32>
            tpu.vector_store %arg7[%swap3A_699, %swap3A_700, %swap3A_701], %swap3A_704 {strides = array<i32>} : memref<2x512x64xf32, #tpu.memory_space<vmem>>, vector<1x1x16xf32>,
          } else {
          }
          %slice3A_523 = vector.extract_strided_slice %get3A_422 {offsets = [7], sizes = [1], strides = [1]} : vector<16xi32> to vector<1xi32>
          %squeeze3A_524 = vector.extract %slice3A_523[0] : i32 from vector<1xi32>
          %add3A_525 = arith.constant 7 : i32
          %add3A_526 = arith.addi %mul3A_424, %add3A_525 : i32
          %eq3A_527 = arith.constant 5 : i32
          %eq3A_528 = arith.cmpi eq, %squeeze3A_524, %eq3A_527 : i32
          %convert_element_type3A_529 = arith.extui %eq3A_528 : i1 to i32
          %cond3A_530 = arith.constant 0 : i32
          %cond3A_531 = arith.cmpi ne, %convert_element_type3A_529, %cond3A_530 : i32
          scf.if %cond3A_531 {
            %get3A_650 = arith.constant 0 : i32
            %get3A_651 = arith.index_cast %get3A_650 : i32 to index
            %get3A_652 = arith.index_cast %add3A_526 : i32 to index
            %get3A_653 = arith.constant 0 : index
            %get3A_654 = tpu.vector_load %arg7[%get3A_651, %get3A_652, %get3A_653] {strides = array<i32>} : memref<2x512x64xf32, #tpu.memory_space<vmem>>, vector<1x1x16xf32>,
            %get3A_655 = vector.shape_cast %get3A_654 : vector<1x1x16xf32> to vector<16xf32>
            %add3A_656 = arith.addf %get3A_655, %get3A_8 : vector<16xf32>
            %swap3A = arith.constant 0 : i32
            %swap3A_657 = arith.index_cast %swap3A : i32 to index
            %swap3A_658 = arith.index_cast %add3A_526 : i32 to index
            %swap3A_659 = arith.constant 0 : index
            %swap3A_660 = tpu.vector_load %arg7[%swap3A_657, %swap3A_658, %swap3A_659] {strides = array<i32>} : memref<2x512x64xf32, #tpu.memory_space<vmem>>, vector<1x1x16xf32>,
            %swap3A_661 = vector.shape_cast %swap3A_660 : vector<1x1x16xf32> to vector<16xf32>
            %swap3A_662 = vector.shape_cast %add3A_656 : vector<16xf32> to vector<1x1x16xf32>
            tpu.vector_store %arg7[%swap3A_657, %swap3A_658, %swap3A_659], %swap3A_662 {strides = array<i32>} : memref<2x512x64xf32, #tpu.memory_space<vmem>>, vector<1x1x16xf32>,
            %get3A_663 = arith.constant 0 : i32
            %get3A_664 = arith.index_cast %get3A_663 : i32 to index
            %get3A_665 = arith.index_cast %add3A_526 : i32 to index
            %get3A_666 = arith.constant 16 : index
            %get3A_667 = tpu.vector_load %arg7[%get3A_664, %get3A_665, %get3A_666] {strides = array<i32>} : memref<2x512x64xf32, #tpu.memory_space<vmem>>, vector<1x1x16xf32>,
            %get3A_668 = vector.shape_cast %get3A_667 : vector<1x1x16xf32> to vector<16xf32>
            %add3A_669 = arith.addf %get3A_668, %get3A_13 : vector<16xf32>
            %swap3A_670 = arith.constant 0 : i32
            %swap3A_671 = arith.index_cast %swap3A_670 : i32 to index
            %swap3A_672 = arith.index_cast %add3A_526 : i32 to index
            %swap3A_673 = arith.constant 16 : index
            %swap3A_674 = tpu.vector_load %arg7[%swap3A_671, %swap3A_672, %swap3A_673] {strides = array<i32>} : memref<2x512x64xf32, #tpu.memory_space<vmem>>, vector<1x1x16xf32>,
            %swap3A_675 = vector.shape_cast %swap3A_674 : vector<1x1x16xf32> to vector<16xf32>
            %swap3A_676 = vector.shape_cast %add3A_669 : vector<16xf32> to vector<1x1x16xf32>
            tpu.vector_store %arg7[%swap3A_671, %swap3A_672, %swap3A_673], %swap3A_676 {strides = array<i32>} : memref<2x512x64xf32, #tpu.memory_space<vmem>>, vector<1x1x16xf32>,
            %get3A_677 = arith.constant 0 : i32
            %get3A_678 = arith.index_cast %get3A_677 : i32 to index
            %get3A_679 = arith.index_cast %add3A_526 : i32 to index
            %get3A_680 = arith.constant 32 : index
            %get3A_681 = tpu.vector_load %arg7[%get3A_678, %get3A_679, %get3A_680] {strides = array<i32>} : memref<2x512x64xf32, #tpu.memory_space<vmem>>, vector<1x1x16xf32>,
            %get3A_682 = vector.shape_cast %get3A_681 : vector<1x1x16xf32> to vector<16xf32>
            %add3A_683 = arith.addf %get3A_682, %get3A_18 : vector<16xf32>
            %swap3A_684 = arith.constant 0 : i32
            %swap3A_685 = arith.index_cast %swap3A_684 : i32 to index
            %swap3A_686 = arith.index_cast %add3A_526 : i32 to index
            %swap3A_687 = arith.constant 32 : index
            %swap3A_688 = tpu.vector_load %arg7[%swap3A_685, %swap3A_686, %swap3A_687] {strides = array<i32>} : memref<2x512x64xf32, #tpu.memory_space<vmem>>, vector<1x1x16xf32>,
            %swap3A_689 = vector.shape_cast %swap3A_688 : vector<1x1x16xf32> to vector<16xf32>
            %swap3A_690 = vector.shape_cast %add3A_683 : vector<16xf32> to vector<1x1x16xf32>
            tpu.vector_store %arg7[%swap3A_685, %swap3A_686, %swap3A_687], %swap3A_690 {strides = array<i32>} : memref<2x512x64xf32, #tpu.memory_space<vmem>>, vector<1x1x16xf32>,
            %get3A_691 = arith.constant 0 : i32
            %get3A_692 = arith.index_cast %get3A_691 : i32 to index
            %get3A_693 = arith.index_cast %add3A_526 : i32 to index
            %get3A_694 = arith.constant 48 : index
            %get3A_695 = tpu.vector_load %arg7[%get3A_692, %get3A_693, %get3A_694] {strides = array<i32>} : memref<2x512x64xf32, #tpu.memory_space<vmem>>, vector<1x1x16xf32>,
            %get3A_696 = vector.shape_cast %get3A_695 : vector<1x1x16xf32> to vector<16xf32>
            %add3A_697 = arith.addf %get3A_696, %get3A_23 : vector<16xf32>
            %swap3A_698 = arith.constant 0 : i32
            %swap3A_699 = arith.index_cast %swap3A_698 : i32 to index
            %swap3A_700 = arith.index_cast %add3A_526 : i32 to index
            %swap3A_701 = arith.constant 48 : index
            %swap3A_702 = tpu.vector_load %arg7[%swap3A_699, %swap3A_700, %swap3A_701] {strides = array<i32>} : memref<2x512x64xf32, #tpu.memory_space<vmem>>, vector<1x1x16xf32>,
            %swap3A_703 = vector.shape_cast %swap3A_702 : vector<1x1x16xf32> to vector<16xf32>
            %swap3A_704 = vector.shape_cast %add3A_697 : vector<16xf32> to vector<1x1x16xf32>
            tpu.vector_store %arg7[%swap3A_699, %swap3A_700, %swap3A_701], %swap3A_704 {strides = array<i32>} : memref<2x512x64xf32, #tpu.memory_space<vmem>>, vector<1x1x16xf32>,
          } else {
          }
          %eq3A_532 = arith.constant 7 : i32
          %eq3A_533 = arith.cmpi eq, %squeeze3A_524, %eq3A_532 : i32
          %convert_element_type3A_534 = arith.extui %eq3A_533 : i1 to i32
          %cond3A_535 = arith.constant 0 : i32
          %cond3A_536 = arith.cmpi ne, %convert_element_type3A_534, %cond3A_535 : i32
          scf.if %cond3A_536 {
            %get3A_650 = arith.constant 0 : i32
            %get3A_651 = arith.index_cast %get3A_650 : i32 to index
            %get3A_652 = arith.index_cast %add3A_526 : i32 to index
            %get3A_653 = arith.constant 0 : index
            %get3A_654 = tpu.vector_load %arg7[%get3A_651, %get3A_652, %get3A_653] {strides = array<i32>} : memref<2x512x64xf32, #tpu.memory_space<vmem>>, vector<1x1x16xf32>,
            %get3A_655 = vector.shape_cast %get3A_654 : vector<1x1x16xf32> to vector<16xf32>
            %add3A_656 = arith.addf %get3A_655, %get3A_28 : vector<16xf32>
            %swap3A = arith.constant 0 : i32
            %swap3A_657 = arith.index_cast %swap3A : i32 to index
            %swap3A_658 = arith.index_cast %add3A_526 : i32 to index
            %swap3A_659 = arith.constant 0 : index
            %swap3A_660 = tpu.vector_load %arg7[%swap3A_657, %swap3A_658, %swap3A_659] {strides = array<i32>} : memref<2x512x64xf32, #tpu.memory_space<vmem>>, vector<1x1x16xf32>,
            %swap3A_661 = vector.shape_cast %swap3A_660 : vector<1x1x16xf32> to vector<16xf32>
            %swap3A_662 = vector.shape_cast %add3A_656 : vector<16xf32> to vector<1x1x16xf32>
            tpu.vector_store %arg7[%swap3A_657, %swap3A_658, %swap3A_659], %swap3A_662 {strides = array<i32>} : memref<2x512x64xf32, #tpu.memory_space<vmem>>, vector<1x1x16xf32>,
            %get3A_663 = arith.constant 0 : i32
            %get3A_664 = arith.index_cast %get3A_663 : i32 to index
            %get3A_665 = arith.index_cast %add3A_526 : i32 to index
            %get3A_666 = arith.constant 16 : index
            %get3A_667 = tpu.vector_load %arg7[%get3A_664, %get3A_665, %get3A_666] {strides = array<i32>} : memref<2x512x64xf32, #tpu.memory_space<vmem>>, vector<1x1x16xf32>,
            %get3A_668 = vector.shape_cast %get3A_667 : vector<1x1x16xf32> to vector<16xf32>
            %add3A_669 = arith.addf %get3A_668, %get3A_33 : vector<16xf32>
            %swap3A_670 = arith.constant 0 : i32
            %swap3A_671 = arith.index_cast %swap3A_670 : i32 to index
            %swap3A_672 = arith.index_cast %add3A_526 : i32 to index
            %swap3A_673 = arith.constant 16 : index
            %swap3A_674 = tpu.vector_load %arg7[%swap3A_671, %swap3A_672, %swap3A_673] {strides = array<i32>} : memref<2x512x64xf32, #tpu.memory_space<vmem>>, vector<1x1x16xf32>,
            %swap3A_675 = vector.shape_cast %swap3A_674 : vector<1x1x16xf32> to vector<16xf32>
            %swap3A_676 = vector.shape_cast %add3A_669 : vector<16xf32> to vector<1x1x16xf32>
            tpu.vector_store %arg7[%swap3A_671, %swap3A_672, %swap3A_673], %swap3A_676 {strides = array<i32>} : memref<2x512x64xf32, #tpu.memory_space<vmem>>, vector<1x1x16xf32>,
            %get3A_677 = arith.constant 0 : i32
            %get3A_678 = arith.index_cast %get3A_677 : i32 to index
            %get3A_679 = arith.index_cast %add3A_526 : i32 to index
            %get3A_680 = arith.constant 32 : index
            %get3A_681 = tpu.vector_load %arg7[%get3A_678, %get3A_679, %get3A_680] {strides = array<i32>} : memref<2x512x64xf32, #tpu.memory_space<vmem>>, vector<1x1x16xf32>,
            %get3A_682 = vector.shape_cast %get3A_681 : vector<1x1x16xf32> to vector<16xf32>
            %add3A_683 = arith.addf %get3A_682, %get3A_38 : vector<16xf32>
            %swap3A_684 = arith.constant 0 : i32
            %swap3A_685 = arith.index_cast %swap3A_684 : i32 to index
            %swap3A_686 = arith.index_cast %add3A_526 : i32 to index
            %swap3A_687 = arith.constant 32 : index
            %swap3A_688 = tpu.vector_load %arg7[%swap3A_685, %swap3A_686, %swap3A_687] {strides = array<i32>} : memref<2x512x64xf32, #tpu.memory_space<vmem>>, vector<1x1x16xf32>,
            %swap3A_689 = vector.shape_cast %swap3A_688 : vector<1x1x16xf32> to vector<16xf32>
            %swap3A_690 = vector.shape_cast %add3A_683 : vector<16xf32> to vector<1x1x16xf32>
            tpu.vector_store %arg7[%swap3A_685, %swap3A_686, %swap3A_687], %swap3A_690 {strides = array<i32>} : memref<2x512x64xf32, #tpu.memory_space<vmem>>, vector<1x1x16xf32>,
            %get3A_691 = arith.constant 0 : i32
            %get3A_692 = arith.index_cast %get3A_691 : i32 to index
            %get3A_693 = arith.index_cast %add3A_526 : i32 to index
            %get3A_694 = arith.constant 48 : index
            %get3A_695 = tpu.vector_load %arg7[%get3A_692, %get3A_693, %get3A_694] {strides = array<i32>} : memref<2x512x64xf32, #tpu.memory_space<vmem>>, vector<1x1x16xf32>,
            %get3A_696 = vector.shape_cast %get3A_695 : vector<1x1x16xf32> to vector<16xf32>
            %add3A_697 = arith.addf %get3A_696, %get3A_43 : vector<16xf32>
            %swap3A_698 = arith.constant 0 : i32
            %swap3A_699 = arith.index_cast %swap3A_698 : i32 to index
            %swap3A_700 = arith.index_cast %add3A_526 : i32 to index
            %swap3A_701 = arith.constant 48 : index
            %swap3A_702 = tpu.vector_load %arg7[%swap3A_699, %swap3A_700, %swap3A_701] {strides = array<i32>} : memref<2x512x64xf32, #tpu.memory_space<vmem>>, vector<1x1x16xf32>,
            %swap3A_703 = vector.shape_cast %swap3A_702 : vector<1x1x16xf32> to vector<16xf32>
            %swap3A_704 = vector.shape_cast %add3A_697 : vector<16xf32> to vector<1x1x16xf32>
            tpu.vector_store %arg7[%swap3A_699, %swap3A_700, %swap3A_701], %swap3A_704 {strides = array<i32>} : memref<2x512x64xf32, #tpu.memory_space<vmem>>, vector<1x1x16xf32>,
          } else {
          }
          %slice3A_537 = vector.extract_strided_slice %get3A_422 {offsets = [8], sizes = [1], strides = [1]} : vector<16xi32> to vector<1xi32>
          %squeeze3A_538 = vector.extract %slice3A_537[0] : i32 from vector<1xi32>
          %add3A_539 = arith.constant 8 : i32
          %add3A_540 = arith.addi %mul3A_424, %add3A_539 : i32
          %eq3A_541 = arith.constant 5 : i32
          %eq3A_542 = arith.cmpi eq, %squeeze3A_538, %eq3A_541 : i32
          %convert_element_type3A_543 = arith.extui %eq3A_542 : i1 to i32
          %cond3A_544 = arith.constant 0 : i32
          %cond3A_545 = arith.cmpi ne, %convert_element_type3A_543, %cond3A_544 : i32
          scf.if %cond3A_545 {
            %get3A_650 = arith.constant 0 : i32
            %get3A_651 = arith.index_cast %get3A_650 : i32 to index
            %get3A_652 = arith.index_cast %add3A_540 : i32 to index
            %get3A_653 = arith.constant 0 : index
            %get3A_654 = tpu.vector_load %arg7[%get3A_651, %get3A_652, %get3A_653] {strides = array<i32>} : memref<2x512x64xf32, #tpu.memory_space<vmem>>, vector<1x1x16xf32>,
            %get3A_655 = vector.shape_cast %get3A_654 : vector<1x1x16xf32> to vector<16xf32>
            %add3A_656 = arith.addf %get3A_655, %get3A_8 : vector<16xf32>
            %swap3A = arith.constant 0 : i32
            %swap3A_657 = arith.index_cast %swap3A : i32 to index
            %swap3A_658 = arith.index_cast %add3A_540 : i32 to index
            %swap3A_659 = arith.constant 0 : index
            %swap3A_660 = tpu.vector_load %arg7[%swap3A_657, %swap3A_658, %swap3A_659] {strides = array<i32>} : memref<2x512x64xf32, #tpu.memory_space<vmem>>, vector<1x1x16xf32>,
            %swap3A_661 = vector.shape_cast %swap3A_660 : vector<1x1x16xf32> to vector<16xf32>
            %swap3A_662 = vector.shape_cast %add3A_656 : vector<16xf32> to vector<1x1x16xf32>
            tpu.vector_store %arg7[%swap3A_657, %swap3A_658, %swap3A_659], %swap3A_662 {strides = array<i32>} : memref<2x512x64xf32, #tpu.memory_space<vmem>>, vector<1x1x16xf32>,
            %get3A_663 = arith.constant 0 : i32
            %get3A_664 = arith.index_cast %get3A_663 : i32 to index
            %get3A_665 = arith.index_cast %add3A_540 : i32 to index
            %get3A_666 = arith.constant 16 : index
            %get3A_667 = tpu.vector_load %arg7[%get3A_664, %get3A_665, %get3A_666] {strides = array<i32>} : memref<2x512x64xf32, #tpu.memory_space<vmem>>, vector<1x1x16xf32>,
            %get3A_668 = vector.shape_cast %get3A_667 : vector<1x1x16xf32> to vector<16xf32>
            %add3A_669 = arith.addf %get3A_668, %get3A_13 : vector<16xf32>
            %swap3A_670 = arith.constant 0 : i32
            %swap3A_671 = arith.index_cast %swap3A_670 : i32 to index
            %swap3A_672 = arith.index_cast %add3A_540 : i32 to index
            %swap3A_673 = arith.constant 16 : index
            %swap3A_674 = tpu.vector_load %arg7[%swap3A_671, %swap3A_672, %swap3A_673] {strides = array<i32>} : memref<2x512x64xf32, #tpu.memory_space<vmem>>, vector<1x1x16xf32>,
            %swap3A_675 = vector.shape_cast %swap3A_674 : vector<1x1x16xf32> to vector<16xf32>
            %swap3A_676 = vector.shape_cast %add3A_669 : vector<16xf32> to vector<1x1x16xf32>
            tpu.vector_store %arg7[%swap3A_671, %swap3A_672, %swap3A_673], %swap3A_676 {strides = array<i32>} : memref<2x512x64xf32, #tpu.memory_space<vmem>>, vector<1x1x16xf32>,
            %get3A_677 = arith.constant 0 : i32
            %get3A_678 = arith.index_cast %get3A_677 : i32 to index
            %get3A_679 = arith.index_cast %add3A_540 : i32 to index
            %get3A_680 = arith.constant 32 : index
            %get3A_681 = tpu.vector_load %arg7[%get3A_678, %get3A_679, %get3A_680] {strides = array<i32>} : memref<2x512x64xf32, #tpu.memory_space<vmem>>, vector<1x1x16xf32>,
            %get3A_682 = vector.shape_cast %get3A_681 : vector<1x1x16xf32> to vector<16xf32>
            %add3A_683 = arith.addf %get3A_682, %get3A_18 : vector<16xf32>
            %swap3A_684 = arith.constant 0 : i32
            %swap3A_685 = arith.index_cast %swap3A_684 : i32 to index
            %swap3A_686 = arith.index_cast %add3A_540 : i32 to index
            %swap3A_687 = arith.constant 32 : index
            %swap3A_688 = tpu.vector_load %arg7[%swap3A_685, %swap3A_686, %swap3A_687] {strides = array<i32>} : memref<2x512x64xf32, #tpu.memory_space<vmem>>, vector<1x1x16xf32>,
            %swap3A_689 = vector.shape_cast %swap3A_688 : vector<1x1x16xf32> to vector<16xf32>
            %swap3A_690 = vector.shape_cast %add3A_683 : vector<16xf32> to vector<1x1x16xf32>
            tpu.vector_store %arg7[%swap3A_685, %swap3A_686, %swap3A_687], %swap3A_690 {strides = array<i32>} : memref<2x512x64xf32, #tpu.memory_space<vmem>>, vector<1x1x16xf32>,
            %get3A_691 = arith.constant 0 : i32
            %get3A_692 = arith.index_cast %get3A_691 : i32 to index
            %get3A_693 = arith.index_cast %add3A_540 : i32 to index
            %get3A_694 = arith.constant 48 : index
            %get3A_695 = tpu.vector_load %arg7[%get3A_692, %get3A_693, %get3A_694] {strides = array<i32>} : memref<2x512x64xf32, #tpu.memory_space<vmem>>, vector<1x1x16xf32>,
            %get3A_696 = vector.shape_cast %get3A_695 : vector<1x1x16xf32> to vector<16xf32>
            %add3A_697 = arith.addf %get3A_696, %get3A_23 : vector<16xf32>
            %swap3A_698 = arith.constant 0 : i32
            %swap3A_699 = arith.index_cast %swap3A_698 : i32 to index
            %swap3A_700 = arith.index_cast %add3A_540 : i32 to index
            %swap3A_701 = arith.constant 48 : index
            %swap3A_702 = tpu.vector_load %arg7[%swap3A_699, %swap3A_700, %swap3A_701] {strides = array<i32>} : memref<2x512x64xf32, #tpu.memory_space<vmem>>, vector<1x1x16xf32>,
            %swap3A_703 = vector.shape_cast %swap3A_702 : vector<1x1x16xf32> to vector<16xf32>
            %swap3A_704 = vector.shape_cast %add3A_697 : vector<16xf32> to vector<1x1x16xf32>
            tpu.vector_store %arg7[%swap3A_699, %swap3A_700, %swap3A_701], %swap3A_704 {strides = array<i32>} : memref<2x512x64xf32, #tpu.memory_space<vmem>>, vector<1x1x16xf32>,
          } else {
          }
          %eq3A_546 = arith.constant 7 : i32
          %eq3A_547 = arith.cmpi eq, %squeeze3A_538, %eq3A_546 : i32
          %convert_element_type3A_548 = arith.extui %eq3A_547 : i1 to i32
          %cond3A_549 = arith.constant 0 : i32
          %cond3A_550 = arith.cmpi ne, %convert_element_type3A_548, %cond3A_549 : i32
          scf.if %cond3A_550 {
            %get3A_650 = arith.constant 0 : i32
            %get3A_651 = arith.index_cast %get3A_650 : i32 to index
            %get3A_652 = arith.index_cast %add3A_540 : i32 to index
            %get3A_653 = arith.constant 0 : index
            %get3A_654 = tpu.vector_load %arg7[%get3A_651, %get3A_652, %get3A_653] {strides = array<i32>} : memref<2x512x64xf32, #tpu.memory_space<vmem>>, vector<1x1x16xf32>,
            %get3A_655 = vector.shape_cast %get3A_654 : vector<1x1x16xf32> to vector<16xf32>
            %add3A_656 = arith.addf %get3A_655, %get3A_28 : vector<16xf32>
            %swap3A = arith.constant 0 : i32
            %swap3A_657 = arith.index_cast %swap3A : i32 to index
            %swap3A_658 = arith.index_cast %add3A_540 : i32 to index
            %swap3A_659 = arith.constant 0 : index
            %swap3A_660 = tpu.vector_load %arg7[%swap3A_657, %swap3A_658, %swap3A_659] {strides = array<i32>} : memref<2x512x64xf32, #tpu.memory_space<vmem>>, vector<1x1x16xf32>,
            %swap3A_661 = vector.shape_cast %swap3A_660 : vector<1x1x16xf32> to vector<16xf32>
            %swap3A_662 = vector.shape_cast %add3A_656 : vector<16xf32> to vector<1x1x16xf32>
            tpu.vector_store %arg7[%swap3A_657, %swap3A_658, %swap3A_659], %swap3A_662 {strides = array<i32>} : memref<2x512x64xf32, #tpu.memory_space<vmem>>, vector<1x1x16xf32>,
            %get3A_663 = arith.constant 0 : i32
            %get3A_664 = arith.index_cast %get3A_663 : i32 to index
            %get3A_665 = arith.index_cast %add3A_540 : i32 to index
            %get3A_666 = arith.constant 16 : index
            %get3A_667 = tpu.vector_load %arg7[%get3A_664, %get3A_665, %get3A_666] {strides = array<i32>} : memref<2x512x64xf32, #tpu.memory_space<vmem>>, vector<1x1x16xf32>,
            %get3A_668 = vector.shape_cast %get3A_667 : vector<1x1x16xf32> to vector<16xf32>
            %add3A_669 = arith.addf %get3A_668, %get3A_33 : vector<16xf32>
            %swap3A_670 = arith.constant 0 : i32
            %swap3A_671 = arith.index_cast %swap3A_670 : i32 to index
            %swap3A_672 = arith.index_cast %add3A_540 : i32 to index
            %swap3A_673 = arith.constant 16 : index
            %swap3A_674 = tpu.vector_load %arg7[%swap3A_671, %swap3A_672, %swap3A_673] {strides = array<i32>} : memref<2x512x64xf32, #tpu.memory_space<vmem>>, vector<1x1x16xf32>,
            %swap3A_675 = vector.shape_cast %swap3A_674 : vector<1x1x16xf32> to vector<16xf32>
            %swap3A_676 = vector.shape_cast %add3A_669 : vector<16xf32> to vector<1x1x16xf32>
            tpu.vector_store %arg7[%swap3A_671, %swap3A_672, %swap3A_673], %swap3A_676 {strides = array<i32>} : memref<2x512x64xf32, #tpu.memory_space<vmem>>, vector<1x1x16xf32>,
            %get3A_677 = arith.constant 0 : i32
            %get3A_678 = arith.index_cast %get3A_677 : i32 to index
            %get3A_679 = arith.index_cast %add3A_540 : i32 to index
            %get3A_680 = arith.constant 32 : index
            %get3A_681 = tpu.vector_load %arg7[%get3A_678, %get3A_679, %get3A_680] {strides = array<i32>} : memref<2x512x64xf32, #tpu.memory_space<vmem>>, vector<1x1x16xf32>,
            %get3A_682 = vector.shape_cast %get3A_681 : vector<1x1x16xf32> to vector<16xf32>
            %add3A_683 = arith.addf %get3A_682, %get3A_38 : vector<16xf32>
            %swap3A_684 = arith.constant 0 : i32
            %swap3A_685 = arith.index_cast %swap3A_684 : i32 to index
            %swap3A_686 = arith.index_cast %add3A_540 : i32 to index
            %swap3A_687 = arith.constant 32 : index
            %swap3A_688 = tpu.vector_load %arg7[%swap3A_685, %swap3A_686, %swap3A_687] {strides = array<i32>} : memref<2x512x64xf32, #tpu.memory_space<vmem>>, vector<1x1x16xf32>,
            %swap3A_689 = vector.shape_cast %swap3A_688 : vector<1x1x16xf32> to vector<16xf32>
            %swap3A_690 = vector.shape_cast %add3A_683 : vector<16xf32> to vector<1x1x16xf32>
            tpu.vector_store %arg7[%swap3A_685, %swap3A_686, %swap3A_687], %swap3A_690 {strides = array<i32>} : memref<2x512x64xf32, #tpu.memory_space<vmem>>, vector<1x1x16xf32>,
            %get3A_691 = arith.constant 0 : i32
            %get3A_692 = arith.index_cast %get3A_691 : i32 to index
            %get3A_693 = arith.index_cast %add3A_540 : i32 to index
            %get3A_694 = arith.constant 48 : index
            %get3A_695 = tpu.vector_load %arg7[%get3A_692, %get3A_693, %get3A_694] {strides = array<i32>} : memref<2x512x64xf32, #tpu.memory_space<vmem>>, vector<1x1x16xf32>,
            %get3A_696 = vector.shape_cast %get3A_695 : vector<1x1x16xf32> to vector<16xf32>
            %add3A_697 = arith.addf %get3A_696, %get3A_43 : vector<16xf32>
            %swap3A_698 = arith.constant 0 : i32
            %swap3A_699 = arith.index_cast %swap3A_698 : i32 to index
            %swap3A_700 = arith.index_cast %add3A_540 : i32 to index
            %swap3A_701 = arith.constant 48 : index
            %swap3A_702 = tpu.vector_load %arg7[%swap3A_699, %swap3A_700, %swap3A_701] {strides = array<i32>} : memref<2x512x64xf32, #tpu.memory_space<vmem>>, vector<1x1x16xf32>,
            %swap3A_703 = vector.shape_cast %swap3A_702 : vector<1x1x16xf32> to vector<16xf32>
            %swap3A_704 = vector.shape_cast %add3A_697 : vector<16xf32> to vector<1x1x16xf32>
            tpu.vector_store %arg7[%swap3A_699, %swap3A_700, %swap3A_701], %swap3A_704 {strides = array<i32>} : memref<2x512x64xf32, #tpu.memory_space<vmem>>, vector<1x1x16xf32>,
          } else {
          }
          %slice3A_551 = vector.extract_strided_slice %get3A_422 {offsets = [9], sizes = [1], strides = [1]} : vector<16xi32> to vector<1xi32>
          %squeeze3A_552 = vector.extract %slice3A_551[0] : i32 from vector<1xi32>
          %add3A_553 = arith.constant 9 : i32
          %add3A_554 = arith.addi %mul3A_424, %add3A_553 : i32
          %eq3A_555 = arith.constant 5 : i32
          %eq3A_556 = arith.cmpi eq, %squeeze3A_552, %eq3A_555 : i32
          %convert_element_type3A_557 = arith.extui %eq3A_556 : i1 to i32
          %cond3A_558 = arith.constant 0 : i32
          %cond3A_559 = arith.cmpi ne, %convert_element_type3A_557, %cond3A_558 : i32
          scf.if %cond3A_559 {
            %get3A_650 = arith.constant 0 : i32
            %get3A_651 = arith.index_cast %get3A_650 : i32 to index
            %get3A_652 = arith.index_cast %add3A_554 : i32 to index
            %get3A_653 = arith.constant 0 : index
            %get3A_654 = tpu.vector_load %arg7[%get3A_651, %get3A_652, %get3A_653] {strides = array<i32>} : memref<2x512x64xf32, #tpu.memory_space<vmem>>, vector<1x1x16xf32>,
            %get3A_655 = vector.shape_cast %get3A_654 : vector<1x1x16xf32> to vector<16xf32>
            %add3A_656 = arith.addf %get3A_655, %get3A_8 : vector<16xf32>
            %swap3A = arith.constant 0 : i32
            %swap3A_657 = arith.index_cast %swap3A : i32 to index
            %swap3A_658 = arith.index_cast %add3A_554 : i32 to index
            %swap3A_659 = arith.constant 0 : index
            %swap3A_660 = tpu.vector_load %arg7[%swap3A_657, %swap3A_658, %swap3A_659] {strides = array<i32>} : memref<2x512x64xf32, #tpu.memory_space<vmem>>, vector<1x1x16xf32>,
            %swap3A_661 = vector.shape_cast %swap3A_660 : vector<1x1x16xf32> to vector<16xf32>
            %swap3A_662 = vector.shape_cast %add3A_656 : vector<16xf32> to vector<1x1x16xf32>
            tpu.vector_store %arg7[%swap3A_657, %swap3A_658, %swap3A_659], %swap3A_662 {strides = array<i32>} : memref<2x512x64xf32, #tpu.memory_space<vmem>>, vector<1x1x16xf32>,
            %get3A_663 = arith.constant 0 : i32
            %get3A_664 = arith.index_cast %get3A_663 : i32 to index
            %get3A_665 = arith.index_cast %add3A_554 : i32 to index
            %get3A_666 = arith.constant 16 : index
            %get3A_667 = tpu.vector_load %arg7[%get3A_664, %get3A_665, %get3A_666] {strides = array<i32>} : memref<2x512x64xf32, #tpu.memory_space<vmem>>, vector<1x1x16xf32>,
            %get3A_668 = vector.shape_cast %get3A_667 : vector<1x1x16xf32> to vector<16xf32>
            %add3A_669 = arith.addf %get3A_668, %get3A_13 : vector<16xf32>
            %swap3A_670 = arith.constant 0 : i32
            %swap3A_671 = arith.index_cast %swap3A_670 : i32 to index
            %swap3A_672 = arith.index_cast %add3A_554 : i32 to index
            %swap3A_673 = arith.constant 16 : index
            %swap3A_674 = tpu.vector_load %arg7[%swap3A_671, %swap3A_672, %swap3A_673] {strides = array<i32>} : memref<2x512x64xf32, #tpu.memory_space<vmem>>, vector<1x1x16xf32>,
            %swap3A_675 = vector.shape_cast %swap3A_674 : vector<1x1x16xf32> to vector<16xf32>
            %swap3A_676 = vector.shape_cast %add3A_669 : vector<16xf32> to vector<1x1x16xf32>
            tpu.vector_store %arg7[%swap3A_671, %swap3A_672, %swap3A_673], %swap3A_676 {strides = array<i32>} : memref<2x512x64xf32, #tpu.memory_space<vmem>>, vector<1x1x16xf32>,
            %get3A_677 = arith.constant 0 : i32
            %get3A_678 = arith.index_cast %get3A_677 : i32 to index
            %get3A_679 = arith.index_cast %add3A_554 : i32 to index
            %get3A_680 = arith.constant 32 : index
            %get3A_681 = tpu.vector_load %arg7[%get3A_678, %get3A_679, %get3A_680] {strides = array<i32>} : memref<2x512x64xf32, #tpu.memory_space<vmem>>, vector<1x1x16xf32>,
            %get3A_682 = vector.shape_cast %get3A_681 : vector<1x1x16xf32> to vector<16xf32>
            %add3A_683 = arith.addf %get3A_682, %get3A_18 : vector<16xf32>
            %swap3A_684 = arith.constant 0 : i32
            %swap3A_685 = arith.index_cast %swap3A_684 : i32 to index
            %swap3A_686 = arith.index_cast %add3A_554 : i32 to index
            %swap3A_687 = arith.constant 32 : index
            %swap3A_688 = tpu.vector_load %arg7[%swap3A_685, %swap3A_686, %swap3A_687] {strides = array<i32>} : memref<2x512x64xf32, #tpu.memory_space<vmem>>, vector<1x1x16xf32>,
            %swap3A_689 = vector.shape_cast %swap3A_688 : vector<1x1x16xf32> to vector<16xf32>
            %swap3A_690 = vector.shape_cast %add3A_683 : vector<16xf32> to vector<1x1x16xf32>
            tpu.vector_store %arg7[%swap3A_685, %swap3A_686, %swap3A_687], %swap3A_690 {strides = array<i32>} : memref<2x512x64xf32, #tpu.memory_space<vmem>>, vector<1x1x16xf32>,
            %get3A_691 = arith.constant 0 : i32
            %get3A_692 = arith.index_cast %get3A_691 : i32 to index
            %get3A_693 = arith.index_cast %add3A_554 : i32 to index
            %get3A_694 = arith.constant 48 : index
            %get3A_695 = tpu.vector_load %arg7[%get3A_692, %get3A_693, %get3A_694] {strides = array<i32>} : memref<2x512x64xf32, #tpu.memory_space<vmem>>, vector<1x1x16xf32>,
            %get3A_696 = vector.shape_cast %get3A_695 : vector<1x1x16xf32> to vector<16xf32>
            %add3A_697 = arith.addf %get3A_696, %get3A_23 : vector<16xf32>
            %swap3A_698 = arith.constant 0 : i32
            %swap3A_699 = arith.index_cast %swap3A_698 : i32 to index
            %swap3A_700 = arith.index_cast %add3A_554 : i32 to index
            %swap3A_701 = arith.constant 48 : index
            %swap3A_702 = tpu.vector_load %arg7[%swap3A_699, %swap3A_700, %swap3A_701] {strides = array<i32>} : memref<2x512x64xf32, #tpu.memory_space<vmem>>, vector<1x1x16xf32>,
            %swap3A_703 = vector.shape_cast %swap3A_702 : vector<1x1x16xf32> to vector<16xf32>
            %swap3A_704 = vector.shape_cast %add3A_697 : vector<16xf32> to vector<1x1x16xf32>
            tpu.vector_store %arg7[%swap3A_699, %swap3A_700, %swap3A_701], %swap3A_704 {strides = array<i32>} : memref<2x512x64xf32, #tpu.memory_space<vmem>>, vector<1x1x16xf32>,
          } else {
          }
          %eq3A_560 = arith.constant 7 : i32
          %eq3A_561 = arith.cmpi eq, %squeeze3A_552, %eq3A_560 : i32
          %convert_element_type3A_562 = arith.extui %eq3A_561 : i1 to i32
          %cond3A_563 = arith.constant 0 : i32
          %cond3A_564 = arith.cmpi ne, %convert_element_type3A_562, %cond3A_563 : i32
          scf.if %cond3A_564 {
            %get3A_650 = arith.constant 0 : i32
            %get3A_651 = arith.index_cast %get3A_650 : i32 to index
            %get3A_652 = arith.index_cast %add3A_554 : i32 to index
            %get3A_653 = arith.constant 0 : index
            %get3A_654 = tpu.vector_load %arg7[%get3A_651, %get3A_652, %get3A_653] {strides = array<i32>} : memref<2x512x64xf32, #tpu.memory_space<vmem>>, vector<1x1x16xf32>,
            %get3A_655 = vector.shape_cast %get3A_654 : vector<1x1x16xf32> to vector<16xf32>
            %add3A_656 = arith.addf %get3A_655, %get3A_28 : vector<16xf32>
            %swap3A = arith.constant 0 : i32
            %swap3A_657 = arith.index_cast %swap3A : i32 to index
            %swap3A_658 = arith.index_cast %add3A_554 : i32 to index
            %swap3A_659 = arith.constant 0 : index
            %swap3A_660 = tpu.vector_load %arg7[%swap3A_657, %swap3A_658, %swap3A_659] {strides = array<i32>} : memref<2x512x64xf32, #tpu.memory_space<vmem>>, vector<1x1x16xf32>,
            %swap3A_661 = vector.shape_cast %swap3A_660 : vector<1x1x16xf32> to vector<16xf32>
            %swap3A_662 = vector.shape_cast %add3A_656 : vector<16xf32> to vector<1x1x16xf32>
            tpu.vector_store %arg7[%swap3A_657, %swap3A_658, %swap3A_659], %swap3A_662 {strides = array<i32>} : memref<2x512x64xf32, #tpu.memory_space<vmem>>, vector<1x1x16xf32>,
            %get3A_663 = arith.constant 0 : i32
            %get3A_664 = arith.index_cast %get3A_663 : i32 to index
            %get3A_665 = arith.index_cast %add3A_554 : i32 to index
            %get3A_666 = arith.constant 16 : index
            %get3A_667 = tpu.vector_load %arg7[%get3A_664, %get3A_665, %get3A_666] {strides = array<i32>} : memref<2x512x64xf32, #tpu.memory_space<vmem>>, vector<1x1x16xf32>,
            %get3A_668 = vector.shape_cast %get3A_667 : vector<1x1x16xf32> to vector<16xf32>
            %add3A_669 = arith.addf %get3A_668, %get3A_33 : vector<16xf32>
            %swap3A_670 = arith.constant 0 : i32
            %swap3A_671 = arith.index_cast %swap3A_670 : i32 to index
            %swap3A_672 = arith.index_cast %add3A_554 : i32 to index
            %swap3A_673 = arith.constant 16 : index
            %swap3A_674 = tpu.vector_load %arg7[%swap3A_671, %swap3A_672, %swap3A_673] {strides = array<i32>} : memref<2x512x64xf32, #tpu.memory_space<vmem>>, vector<1x1x16xf32>,
            %swap3A_675 = vector.shape_cast %swap3A_674 : vector<1x1x16xf32> to vector<16xf32>
            %swap3A_676 = vector.shape_cast %add3A_669 : vector<16xf32> to vector<1x1x16xf32>
            tpu.vector_store %arg7[%swap3A_671, %swap3A_672, %swap3A_673], %swap3A_676 {strides = array<i32>} : memref<2x512x64xf32, #tpu.memory_space<vmem>>, vector<1x1x16xf32>,
            %get3A_677 = arith.constant 0 : i32
            %get3A_678 = arith.index_cast %get3A_677 : i32 to index
            %get3A_679 = arith.index_cast %add3A_554 : i32 to index
            %get3A_680 = arith.constant 32 : index
            %get3A_681 = tpu.vector_load %arg7[%get3A_678, %get3A_679, %get3A_680] {strides = array<i32>} : memref<2x512x64xf32, #tpu.memory_space<vmem>>, vector<1x1x16xf32>,
            %get3A_682 = vector.shape_cast %get3A_681 : vector<1x1x16xf32> to vector<16xf32>
            %add3A_683 = arith.addf %get3A_682, %get3A_38 : vector<16xf32>
            %swap3A_684 = arith.constant 0 : i32
            %swap3A_685 = arith.index_cast %swap3A_684 : i32 to index
            %swap3A_686 = arith.index_cast %add3A_554 : i32 to index
            %swap3A_687 = arith.constant 32 : index
            %swap3A_688 = tpu.vector_load %arg7[%swap3A_685, %swap3A_686, %swap3A_687] {strides = array<i32>} : memref<2x512x64xf32, #tpu.memory_space<vmem>>, vector<1x1x16xf32>,
            %swap3A_689 = vector.shape_cast %swap3A_688 : vector<1x1x16xf32> to vector<16xf32>
            %swap3A_690 = vector.shape_cast %add3A_683 : vector<16xf32> to vector<1x1x16xf32>
            tpu.vector_store %arg7[%swap3A_685, %swap3A_686, %swap3A_687], %swap3A_690 {strides = array<i32>} : memref<2x512x64xf32, #tpu.memory_space<vmem>>, vector<1x1x16xf32>,
            %get3A_691 = arith.constant 0 : i32
            %get3A_692 = arith.index_cast %get3A_691 : i32 to index
            %get3A_693 = arith.index_cast %add3A_554 : i32 to index
            %get3A_694 = arith.constant 48 : index
            %get3A_695 = tpu.vector_load %arg7[%get3A_692, %get3A_693, %get3A_694] {strides = array<i32>} : memref<2x512x64xf32, #tpu.memory_space<vmem>>, vector<1x1x16xf32>,
            %get3A_696 = vector.shape_cast %get3A_695 : vector<1x1x16xf32> to vector<16xf32>
            %add3A_697 = arith.addf %get3A_696, %get3A_43 : vector<16xf32>
            %swap3A_698 = arith.constant 0 : i32
            %swap3A_699 = arith.index_cast %swap3A_698 : i32 to index
            %swap3A_700 = arith.index_cast %add3A_554 : i32 to index
            %swap3A_701 = arith.constant 48 : index
            %swap3A_702 = tpu.vector_load %arg7[%swap3A_699, %swap3A_700, %swap3A_701] {strides = array<i32>} : memref<2x512x64xf32, #tpu.memory_space<vmem>>, vector<1x1x16xf32>,
            %swap3A_703 = vector.shape_cast %swap3A_702 : vector<1x1x16xf32> to vector<16xf32>
            %swap3A_704 = vector.shape_cast %add3A_697 : vector<16xf32> to vector<1x1x16xf32>
            tpu.vector_store %arg7[%swap3A_699, %swap3A_700, %swap3A_701], %swap3A_704 {strides = array<i32>} : memref<2x512x64xf32, #tpu.memory_space<vmem>>, vector<1x1x16xf32>,
          } else {
          }
          %slice3A_565 = vector.extract_strided_slice %get3A_422 {offsets = [10], sizes = [1], strides = [1]} : vector<16xi32> to vector<1xi32>
          %squeeze3A_566 = vector.extract %slice3A_565[0] : i32 from vector<1xi32>
          %add3A_567 = arith.constant 10 : i32
          %add3A_568 = arith.addi %mul3A_424, %add3A_567 : i32
          %eq3A_569 = arith.constant 5 : i32
          %eq3A_570 = arith.cmpi eq, %squeeze3A_566, %eq3A_569 : i32
          %convert_element_type3A_571 = arith.extui %eq3A_570 : i1 to i32
          %cond3A_572 = arith.constant 0 : i32
          %cond3A_573 = arith.cmpi ne, %convert_element_type3A_571, %cond3A_572 : i32
          scf.if %cond3A_573 {
            %get3A_650 = arith.constant 0 : i32
            %get3A_651 = arith.index_cast %get3A_650 : i32 to index
            %get3A_652 = arith.index_cast %add3A_568 : i32 to index
            %get3A_653 = arith.constant 0 : index
            %get3A_654 = tpu.vector_load %arg7[%get3A_651, %get3A_652, %get3A_653] {strides = array<i32>} : memref<2x512x64xf32, #tpu.memory_space<vmem>>, vector<1x1x16xf32>,
            %get3A_655 = vector.shape_cast %get3A_654 : vector<1x1x16xf32> to vector<16xf32>
            %add3A_656 = arith.addf %get3A_655, %get3A_8 : vector<16xf32>
            %swap3A = arith.constant 0 : i32
            %swap3A_657 = arith.index_cast %swap3A : i32 to index
            %swap3A_658 = arith.index_cast %add3A_568 : i32 to index
            %swap3A_659 = arith.constant 0 : index
            %swap3A_660 = tpu.vector_load %arg7[%swap3A_657, %swap3A_658, %swap3A_659] {strides = array<i32>} : memref<2x512x64xf32, #tpu.memory_space<vmem>>, vector<1x1x16xf32>,
            %swap3A_661 = vector.shape_cast %swap3A_660 : vector<1x1x16xf32> to vector<16xf32>
            %swap3A_662 = vector.shape_cast %add3A_656 : vector<16xf32> to vector<1x1x16xf32>
            tpu.vector_store %arg7[%swap3A_657, %swap3A_658, %swap3A_659], %swap3A_662 {strides = array<i32>} : memref<2x512x64xf32, #tpu.memory_space<vmem>>, vector<1x1x16xf32>,
            %get3A_663 = arith.constant 0 : i32
            %get3A_664 = arith.index_cast %get3A_663 : i32 to index
            %get3A_665 = arith.index_cast %add3A_568 : i32 to index
            %get3A_666 = arith.constant 16 : index
            %get3A_667 = tpu.vector_load %arg7[%get3A_664, %get3A_665, %get3A_666] {strides = array<i32>} : memref<2x512x64xf32, #tpu.memory_space<vmem>>, vector<1x1x16xf32>,
            %get3A_668 = vector.shape_cast %get3A_667 : vector<1x1x16xf32> to vector<16xf32>
            %add3A_669 = arith.addf %get3A_668, %get3A_13 : vector<16xf32>
            %swap3A_670 = arith.constant 0 : i32
            %swap3A_671 = arith.index_cast %swap3A_670 : i32 to index
            %swap3A_672 = arith.index_cast %add3A_568 : i32 to index
            %swap3A_673 = arith.constant 16 : index
            %swap3A_674 = tpu.vector_load %arg7[%swap3A_671, %swap3A_672, %swap3A_673] {strides = array<i32>} : memref<2x512x64xf32, #tpu.memory_space<vmem>>, vector<1x1x16xf32>,
            %swap3A_675 = vector.shape_cast %swap3A_674 : vector<1x1x16xf32> to vector<16xf32>
            %swap3A_676 = vector.shape_cast %add3A_669 : vector<16xf32> to vector<1x1x16xf32>
            tpu.vector_store %arg7[%swap3A_671, %swap3A_672, %swap3A_673], %swap3A_676 {strides = array<i32>} : memref<2x512x64xf32, #tpu.memory_space<vmem>>, vector<1x1x16xf32>,
            %get3A_677 = arith.constant 0 : i32
            %get3A_678 = arith.index_cast %get3A_677 : i32 to index
            %get3A_679 = arith.index_cast %add3A_568 : i32 to index
            %get3A_680 = arith.constant 32 : index
            %get3A_681 = tpu.vector_load %arg7[%get3A_678, %get3A_679, %get3A_680] {strides = array<i32>} : memref<2x512x64xf32, #tpu.memory_space<vmem>>, vector<1x1x16xf32>,
            %get3A_682 = vector.shape_cast %get3A_681 : vector<1x1x16xf32> to vector<16xf32>
            %add3A_683 = arith.addf %get3A_682, %get3A_18 : vector<16xf32>
            %swap3A_684 = arith.constant 0 : i32
            %swap3A_685 = arith.index_cast %swap3A_684 : i32 to index
            %swap3A_686 = arith.index_cast %add3A_568 : i32 to index
            %swap3A_687 = arith.constant 32 : index
            %swap3A_688 = tpu.vector_load %arg7[%swap3A_685, %swap3A_686, %swap3A_687] {strides = array<i32>} : memref<2x512x64xf32, #tpu.memory_space<vmem>>, vector<1x1x16xf32>,
            %swap3A_689 = vector.shape_cast %swap3A_688 : vector<1x1x16xf32> to vector<16xf32>
            %swap3A_690 = vector.shape_cast %add3A_683 : vector<16xf32> to vector<1x1x16xf32>
            tpu.vector_store %arg7[%swap3A_685, %swap3A_686, %swap3A_687], %swap3A_690 {strides = array<i32>} : memref<2x512x64xf32, #tpu.memory_space<vmem>>, vector<1x1x16xf32>,
            %get3A_691 = arith.constant 0 : i32
            %get3A_692 = arith.index_cast %get3A_691 : i32 to index
            %get3A_693 = arith.index_cast %add3A_568 : i32 to index
            %get3A_694 = arith.constant 48 : index
            %get3A_695 = tpu.vector_load %arg7[%get3A_692, %get3A_693, %get3A_694] {strides = array<i32>} : memref<2x512x64xf32, #tpu.memory_space<vmem>>, vector<1x1x16xf32>,
            %get3A_696 = vector.shape_cast %get3A_695 : vector<1x1x16xf32> to vector<16xf32>
            %add3A_697 = arith.addf %get3A_696, %get3A_23 : vector<16xf32>
            %swap3A_698 = arith.constant 0 : i32
            %swap3A_699 = arith.index_cast %swap3A_698 : i32 to index
            %swap3A_700 = arith.index_cast %add3A_568 : i32 to index
            %swap3A_701 = arith.constant 48 : index
            %swap3A_702 = tpu.vector_load %arg7[%swap3A_699, %swap3A_700, %swap3A_701] {strides = array<i32>} : memref<2x512x64xf32, #tpu.memory_space<vmem>>, vector<1x1x16xf32>,
            %swap3A_703 = vector.shape_cast %swap3A_702 : vector<1x1x16xf32> to vector<16xf32>
            %swap3A_704 = vector.shape_cast %add3A_697 : vector<16xf32> to vector<1x1x16xf32>
            tpu.vector_store %arg7[%swap3A_699, %swap3A_700, %swap3A_701], %swap3A_704 {strides = array<i32>} : memref<2x512x64xf32, #tpu.memory_space<vmem>>, vector<1x1x16xf32>,
          } else {
          }
          %eq3A_574 = arith.constant 7 : i32
          %eq3A_575 = arith.cmpi eq, %squeeze3A_566, %eq3A_574 : i32
          %convert_element_type3A_576 = arith.extui %eq3A_575 : i1 to i32
          %cond3A_577 = arith.constant 0 : i32
          %cond3A_578 = arith.cmpi ne, %convert_element_type3A_576, %cond3A_577 : i32
          scf.if %cond3A_578 {
            %get3A_650 = arith.constant 0 : i32
            %get3A_651 = arith.index_cast %get3A_650 : i32 to index
            %get3A_652 = arith.index_cast %add3A_568 : i32 to index
            %get3A_653 = arith.constant 0 : index
            %get3A_654 = tpu.vector_load %arg7[%get3A_651, %get3A_652, %get3A_653] {strides = array<i32>} : memref<2x512x64xf32, #tpu.memory_space<vmem>>, vector<1x1x16xf32>,
            %get3A_655 = vector.shape_cast %get3A_654 : vector<1x1x16xf32> to vector<16xf32>
            %add3A_656 = arith.addf %get3A_655, %get3A_28 : vector<16xf32>
            %swap3A = arith.constant 0 : i32
            %swap3A_657 = arith.index_cast %swap3A : i32 to index
            %swap3A_658 = arith.index_cast %add3A_568 : i32 to index
            %swap3A_659 = arith.constant 0 : index
            %swap3A_660 = tpu.vector_load %arg7[%swap3A_657, %swap3A_658, %swap3A_659] {strides = array<i32>} : memref<2x512x64xf32, #tpu.memory_space<vmem>>, vector<1x1x16xf32>,
            %swap3A_661 = vector.shape_cast %swap3A_660 : vector<1x1x16xf32> to vector<16xf32>
            %swap3A_662 = vector.shape_cast %add3A_656 : vector<16xf32> to vector<1x1x16xf32>
            tpu.vector_store %arg7[%swap3A_657, %swap3A_658, %swap3A_659], %swap3A_662 {strides = array<i32>} : memref<2x512x64xf32, #tpu.memory_space<vmem>>, vector<1x1x16xf32>,
            %get3A_663 = arith.constant 0 : i32
            %get3A_664 = arith.index_cast %get3A_663 : i32 to index
            %get3A_665 = arith.index_cast %add3A_568 : i32 to index
            %get3A_666 = arith.constant 16 : index
            %get3A_667 = tpu.vector_load %arg7[%get3A_664, %get3A_665, %get3A_666] {strides = array<i32>} : memref<2x512x64xf32, #tpu.memory_space<vmem>>, vector<1x1x16xf32>,
            %get3A_668 = vector.shape_cast %get3A_667 : vector<1x1x16xf32> to vector<16xf32>
            %add3A_669 = arith.addf %get3A_668, %get3A_33 : vector<16xf32>
            %swap3A_670 = arith.constant 0 : i32
            %swap3A_671 = arith.index_cast %swap3A_670 : i32 to index
            %swap3A_672 = arith.index_cast %add3A_568 : i32 to index
            %swap3A_673 = arith.constant 16 : index
            %swap3A_674 = tpu.vector_load %arg7[%swap3A_671, %swap3A_672, %swap3A_673] {strides = array<i32>} : memref<2x512x64xf32, #tpu.memory_space<vmem>>, vector<1x1x16xf32>,
            %swap3A_675 = vector.shape_cast %swap3A_674 : vector<1x1x16xf32> to vector<16xf32>
            %swap3A_676 = vector.shape_cast %add3A_669 : vector<16xf32> to vector<1x1x16xf32>
            tpu.vector_store %arg7[%swap3A_671, %swap3A_672, %swap3A_673], %swap3A_676 {strides = array<i32>} : memref<2x512x64xf32, #tpu.memory_space<vmem>>, vector<1x1x16xf32>,
            %get3A_677 = arith.constant 0 : i32
            %get3A_678 = arith.index_cast %get3A_677 : i32 to index
            %get3A_679 = arith.index_cast %add3A_568 : i32 to index
            %get3A_680 = arith.constant 32 : index
            %get3A_681 = tpu.vector_load %arg7[%get3A_678, %get3A_679, %get3A_680] {strides = array<i32>} : memref<2x512x64xf32, #tpu.memory_space<vmem>>, vector<1x1x16xf32>,
            %get3A_682 = vector.shape_cast %get3A_681 : vector<1x1x16xf32> to vector<16xf32>
            %add3A_683 = arith.addf %get3A_682, %get3A_38 : vector<16xf32>
            %swap3A_684 = arith.constant 0 : i32
            %swap3A_685 = arith.index_cast %swap3A_684 : i32 to index
            %swap3A_686 = arith.index_cast %add3A_568 : i32 to index
            %swap3A_687 = arith.constant 32 : index
            %swap3A_688 = tpu.vector_load %arg7[%swap3A_685, %swap3A_686, %swap3A_687] {strides = array<i32>} : memref<2x512x64xf32, #tpu.memory_space<vmem>>, vector<1x1x16xf32>,
            %swap3A_689 = vector.shape_cast %swap3A_688 : vector<1x1x16xf32> to vector<16xf32>
            %swap3A_690 = vector.shape_cast %add3A_683 : vector<16xf32> to vector<1x1x16xf32>
            tpu.vector_store %arg7[%swap3A_685, %swap3A_686, %swap3A_687], %swap3A_690 {strides = array<i32>} : memref<2x512x64xf32, #tpu.memory_space<vmem>>, vector<1x1x16xf32>,
            %get3A_691 = arith.constant 0 : i32
            %get3A_692 = arith.index_cast %get3A_691 : i32 to index
            %get3A_693 = arith.index_cast %add3A_568 : i32 to index
            %get3A_694 = arith.constant 48 : index
            %get3A_695 = tpu.vector_load %arg7[%get3A_692, %get3A_693, %get3A_694] {strides = array<i32>} : memref<2x512x64xf32, #tpu.memory_space<vmem>>, vector<1x1x16xf32>,
            %get3A_696 = vector.shape_cast %get3A_695 : vector<1x1x16xf32> to vector<16xf32>
            %add3A_697 = arith.addf %get3A_696, %get3A_43 : vector<16xf32>
            %swap3A_698 = arith.constant 0 : i32
            %swap3A_699 = arith.index_cast %swap3A_698 : i32 to index
            %swap3A_700 = arith.index_cast %add3A_568 : i32 to index
            %swap3A_701 = arith.constant 48 : index
            %swap3A_702 = tpu.vector_load %arg7[%swap3A_699, %swap3A_700, %swap3A_701] {strides = array<i32>} : memref<2x512x64xf32, #tpu.memory_space<vmem>>, vector<1x1x16xf32>,
            %swap3A_703 = vector.shape_cast %swap3A_702 : vector<1x1x16xf32> to vector<16xf32>
            %swap3A_704 = vector.shape_cast %add3A_697 : vector<16xf32> to vector<1x1x16xf32>
            tpu.vector_store %arg7[%swap3A_699, %swap3A_700, %swap3A_701], %swap3A_704 {strides = array<i32>} : memref<2x512x64xf32, #tpu.memory_space<vmem>>, vector<1x1x16xf32>,
          } else {
          }
          %slice3A_579 = vector.extract_strided_slice %get3A_422 {offsets = [11], sizes = [1], strides = [1]} : vector<16xi32> to vector<1xi32>
          %squeeze3A_580 = vector.extract %slice3A_579[0] : i32 from vector<1xi32>
          %add3A_581 = arith.constant 11 : i32
          %add3A_582 = arith.addi %mul3A_424, %add3A_581 : i32
          %eq3A_583 = arith.constant 5 : i32
          %eq3A_584 = arith.cmpi eq, %squeeze3A_580, %eq3A_583 : i32
          %convert_element_type3A_585 = arith.extui %eq3A_584 : i1 to i32
          %cond3A_586 = arith.constant 0 : i32
          %cond3A_587 = arith.cmpi ne, %convert_element_type3A_585, %cond3A_586 : i32
          scf.if %cond3A_587 {
            %get3A_650 = arith.constant 0 : i32
            %get3A_651 = arith.index_cast %get3A_650 : i32 to index
            %get3A_652 = arith.index_cast %add3A_582 : i32 to index
            %get3A_653 = arith.constant 0 : index
            %get3A_654 = tpu.vector_load %arg7[%get3A_651, %get3A_652, %get3A_653] {strides = array<i32>} : memref<2x512x64xf32, #tpu.memory_space<vmem>>, vector<1x1x16xf32>,
            %get3A_655 = vector.shape_cast %get3A_654 : vector<1x1x16xf32> to vector<16xf32>
            %add3A_656 = arith.addf %get3A_655, %get3A_8 : vector<16xf32>
            %swap3A = arith.constant 0 : i32
            %swap3A_657 = arith.index_cast %swap3A : i32 to index
            %swap3A_658 = arith.index_cast %add3A_582 : i32 to index
            %swap3A_659 = arith.constant 0 : index
            %swap3A_660 = tpu.vector_load %arg7[%swap3A_657, %swap3A_658, %swap3A_659] {strides = array<i32>} : memref<2x512x64xf32, #tpu.memory_space<vmem>>, vector<1x1x16xf32>,
            %swap3A_661 = vector.shape_cast %swap3A_660 : vector<1x1x16xf32> to vector<16xf32>
            %swap3A_662 = vector.shape_cast %add3A_656 : vector<16xf32> to vector<1x1x16xf32>
            tpu.vector_store %arg7[%swap3A_657, %swap3A_658, %swap3A_659], %swap3A_662 {strides = array<i32>} : memref<2x512x64xf32, #tpu.memory_space<vmem>>, vector<1x1x16xf32>,
            %get3A_663 = arith.constant 0 : i32
            %get3A_664 = arith.index_cast %get3A_663 : i32 to index
            %get3A_665 = arith.index_cast %add3A_582 : i32 to index
            %get3A_666 = arith.constant 16 : index
            %get3A_667 = tpu.vector_load %arg7[%get3A_664, %get3A_665, %get3A_666] {strides = array<i32>} : memref<2x512x64xf32, #tpu.memory_space<vmem>>, vector<1x1x16xf32>,
            %get3A_668 = vector.shape_cast %get3A_667 : vector<1x1x16xf32> to vector<16xf32>
            %add3A_669 = arith.addf %get3A_668, %get3A_13 : vector<16xf32>
            %swap3A_670 = arith.constant 0 : i32
            %swap3A_671 = arith.index_cast %swap3A_670 : i32 to index
            %swap3A_672 = arith.index_cast %add3A_582 : i32 to index
            %swap3A_673 = arith.constant 16 : index
            %swap3A_674 = tpu.vector_load %arg7[%swap3A_671, %swap3A_672, %swap3A_673] {strides = array<i32>} : memref<2x512x64xf32, #tpu.memory_space<vmem>>, vector<1x1x16xf32>,
            %swap3A_675 = vector.shape_cast %swap3A_674 : vector<1x1x16xf32> to vector<16xf32>
            %swap3A_676 = vector.shape_cast %add3A_669 : vector<16xf32> to vector<1x1x16xf32>
            tpu.vector_store %arg7[%swap3A_671, %swap3A_672, %swap3A_673], %swap3A_676 {strides = array<i32>} : memref<2x512x64xf32, #tpu.memory_space<vmem>>, vector<1x1x16xf32>,
            %get3A_677 = arith.constant 0 : i32
            %get3A_678 = arith.index_cast %get3A_677 : i32 to index
            %get3A_679 = arith.index_cast %add3A_582 : i32 to index
            %get3A_680 = arith.constant 32 : index
            %get3A_681 = tpu.vector_load %arg7[%get3A_678, %get3A_679, %get3A_680] {strides = array<i32>} : memref<2x512x64xf32, #tpu.memory_space<vmem>>, vector<1x1x16xf32>,
            %get3A_682 = vector.shape_cast %get3A_681 : vector<1x1x16xf32> to vector<16xf32>
            %add3A_683 = arith.addf %get3A_682, %get3A_18 : vector<16xf32>
            %swap3A_684 = arith.constant 0 : i32
            %swap3A_685 = arith.index_cast %swap3A_684 : i32 to index
            %swap3A_686 = arith.index_cast %add3A_582 : i32 to index
            %swap3A_687 = arith.constant 32 : index
            %swap3A_688 = tpu.vector_load %arg7[%swap3A_685, %swap3A_686, %swap3A_687] {strides = array<i32>} : memref<2x512x64xf32, #tpu.memory_space<vmem>>, vector<1x1x16xf32>,
            %swap3A_689 = vector.shape_cast %swap3A_688 : vector<1x1x16xf32> to vector<16xf32>
            %swap3A_690 = vector.shape_cast %add3A_683 : vector<16xf32> to vector<1x1x16xf32>
            tpu.vector_store %arg7[%swap3A_685, %swap3A_686, %swap3A_687], %swap3A_690 {strides = array<i32>} : memref<2x512x64xf32, #tpu.memory_space<vmem>>, vector<1x1x16xf32>,
            %get3A_691 = arith.constant 0 : i32
            %get3A_692 = arith.index_cast %get3A_691 : i32 to index
            %get3A_693 = arith.index_cast %add3A_582 : i32 to index
            %get3A_694 = arith.constant 48 : index
            %get3A_695 = tpu.vector_load %arg7[%get3A_692, %get3A_693, %get3A_694] {strides = array<i32>} : memref<2x512x64xf32, #tpu.memory_space<vmem>>, vector<1x1x16xf32>,
            %get3A_696 = vector.shape_cast %get3A_695 : vector<1x1x16xf32> to vector<16xf32>
            %add3A_697 = arith.addf %get3A_696, %get3A_23 : vector<16xf32>
            %swap3A_698 = arith.constant 0 : i32
            %swap3A_699 = arith.index_cast %swap3A_698 : i32 to index
            %swap3A_700 = arith.index_cast %add3A_582 : i32 to index
            %swap3A_701 = arith.constant 48 : index
            %swap3A_702 = tpu.vector_load %arg7[%swap3A_699, %swap3A_700, %swap3A_701] {strides = array<i32>} : memref<2x512x64xf32, #tpu.memory_space<vmem>>, vector<1x1x16xf32>,
            %swap3A_703 = vector.shape_cast %swap3A_702 : vector<1x1x16xf32> to vector<16xf32>
            %swap3A_704 = vector.shape_cast %add3A_697 : vector<16xf32> to vector<1x1x16xf32>
            tpu.vector_store %arg7[%swap3A_699, %swap3A_700, %swap3A_701], %swap3A_704 {strides = array<i32>} : memref<2x512x64xf32, #tpu.memory_space<vmem>>, vector<1x1x16xf32>,
          } else {
          }
          %eq3A_588 = arith.constant 7 : i32
          %eq3A_589 = arith.cmpi eq, %squeeze3A_580, %eq3A_588 : i32
          %convert_element_type3A_590 = arith.extui %eq3A_589 : i1 to i32
          %cond3A_591 = arith.constant 0 : i32
          %cond3A_592 = arith.cmpi ne, %convert_element_type3A_590, %cond3A_591 : i32
          scf.if %cond3A_592 {
            %get3A_650 = arith.constant 0 : i32
            %get3A_651 = arith.index_cast %get3A_650 : i32 to index
            %get3A_652 = arith.index_cast %add3A_582 : i32 to index
            %get3A_653 = arith.constant 0 : index
            %get3A_654 = tpu.vector_load %arg7[%get3A_651, %get3A_652, %get3A_653] {strides = array<i32>} : memref<2x512x64xf32, #tpu.memory_space<vmem>>, vector<1x1x16xf32>,
            %get3A_655 = vector.shape_cast %get3A_654 : vector<1x1x16xf32> to vector<16xf32>
            %add3A_656 = arith.addf %get3A_655, %get3A_28 : vector<16xf32>
            %swap3A = arith.constant 0 : i32
            %swap3A_657 = arith.index_cast %swap3A : i32 to index
            %swap3A_658 = arith.index_cast %add3A_582 : i32 to index
            %swap3A_659 = arith.constant 0 : index
            %swap3A_660 = tpu.vector_load %arg7[%swap3A_657, %swap3A_658, %swap3A_659] {strides = array<i32>} : memref<2x512x64xf32, #tpu.memory_space<vmem>>, vector<1x1x16xf32>,
            %swap3A_661 = vector.shape_cast %swap3A_660 : vector<1x1x16xf32> to vector<16xf32>
            %swap3A_662 = vector.shape_cast %add3A_656 : vector<16xf32> to vector<1x1x16xf32>
            tpu.vector_store %arg7[%swap3A_657, %swap3A_658, %swap3A_659], %swap3A_662 {strides = array<i32>} : memref<2x512x64xf32, #tpu.memory_space<vmem>>, vector<1x1x16xf32>,
            %get3A_663 = arith.constant 0 : i32
            %get3A_664 = arith.index_cast %get3A_663 : i32 to index
            %get3A_665 = arith.index_cast %add3A_582 : i32 to index
            %get3A_666 = arith.constant 16 : index
            %get3A_667 = tpu.vector_load %arg7[%get3A_664, %get3A_665, %get3A_666] {strides = array<i32>} : memref<2x512x64xf32, #tpu.memory_space<vmem>>, vector<1x1x16xf32>,
            %get3A_668 = vector.shape_cast %get3A_667 : vector<1x1x16xf32> to vector<16xf32>
            %add3A_669 = arith.addf %get3A_668, %get3A_33 : vector<16xf32>
            %swap3A_670 = arith.constant 0 : i32
            %swap3A_671 = arith.index_cast %swap3A_670 : i32 to index
            %swap3A_672 = arith.index_cast %add3A_582 : i32 to index
            %swap3A_673 = arith.constant 16 : index
            %swap3A_674 = tpu.vector_load %arg7[%swap3A_671, %swap3A_672, %swap3A_673] {strides = array<i32>} : memref<2x512x64xf32, #tpu.memory_space<vmem>>, vector<1x1x16xf32>,
            %swap3A_675 = vector.shape_cast %swap3A_674 : vector<1x1x16xf32> to vector<16xf32>
            %swap3A_676 = vector.shape_cast %add3A_669 : vector<16xf32> to vector<1x1x16xf32>
            tpu.vector_store %arg7[%swap3A_671, %swap3A_672, %swap3A_673], %swap3A_676 {strides = array<i32>} : memref<2x512x64xf32, #tpu.memory_space<vmem>>, vector<1x1x16xf32>,
            %get3A_677 = arith.constant 0 : i32
            %get3A_678 = arith.index_cast %get3A_677 : i32 to index
            %get3A_679 = arith.index_cast %add3A_582 : i32 to index
            %get3A_680 = arith.constant 32 : index
            %get3A_681 = tpu.vector_load %arg7[%get3A_678, %get3A_679, %get3A_680] {strides = array<i32>} : memref<2x512x64xf32, #tpu.memory_space<vmem>>, vector<1x1x16xf32>,
            %get3A_682 = vector.shape_cast %get3A_681 : vector<1x1x16xf32> to vector<16xf32>
            %add3A_683 = arith.addf %get3A_682, %get3A_38 : vector<16xf32>
            %swap3A_684 = arith.constant 0 : i32
            %swap3A_685 = arith.index_cast %swap3A_684 : i32 to index
            %swap3A_686 = arith.index_cast %add3A_582 : i32 to index
            %swap3A_687 = arith.constant 32 : index
            %swap3A_688 = tpu.vector_load %arg7[%swap3A_685, %swap3A_686, %swap3A_687] {strides = array<i32>} : memref<2x512x64xf32, #tpu.memory_space<vmem>>, vector<1x1x16xf32>,
            %swap3A_689 = vector.shape_cast %swap3A_688 : vector<1x1x16xf32> to vector<16xf32>
            %swap3A_690 = vector.shape_cast %add3A_683 : vector<16xf32> to vector<1x1x16xf32>
            tpu.vector_store %arg7[%swap3A_685, %swap3A_686, %swap3A_687], %swap3A_690 {strides = array<i32>} : memref<2x512x64xf32, #tpu.memory_space<vmem>>, vector<1x1x16xf32>,
            %get3A_691 = arith.constant 0 : i32
            %get3A_692 = arith.index_cast %get3A_691 : i32 to index
            %get3A_693 = arith.index_cast %add3A_582 : i32 to index
            %get3A_694 = arith.constant 48 : index
            %get3A_695 = tpu.vector_load %arg7[%get3A_692, %get3A_693, %get3A_694] {strides = array<i32>} : memref<2x512x64xf32, #tpu.memory_space<vmem>>, vector<1x1x16xf32>,
            %get3A_696 = vector.shape_cast %get3A_695 : vector<1x1x16xf32> to vector<16xf32>
            %add3A_697 = arith.addf %get3A_696, %get3A_43 : vector<16xf32>
            %swap3A_698 = arith.constant 0 : i32
            %swap3A_699 = arith.index_cast %swap3A_698 : i32 to index
            %swap3A_700 = arith.index_cast %add3A_582 : i32 to index
            %swap3A_701 = arith.constant 48 : index
            %swap3A_702 = tpu.vector_load %arg7[%swap3A_699, %swap3A_700, %swap3A_701] {strides = array<i32>} : memref<2x512x64xf32, #tpu.memory_space<vmem>>, vector<1x1x16xf32>,
            %swap3A_703 = vector.shape_cast %swap3A_702 : vector<1x1x16xf32> to vector<16xf32>
            %swap3A_704 = vector.shape_cast %add3A_697 : vector<16xf32> to vector<1x1x16xf32>
            tpu.vector_store %arg7[%swap3A_699, %swap3A_700, %swap3A_701], %swap3A_704 {strides = array<i32>} : memref<2x512x64xf32, #tpu.memory_space<vmem>>, vector<1x1x16xf32>,
          } else {
          }
          %slice3A_593 = vector.extract_strided_slice %get3A_422 {offsets = [12], sizes = [1], strides = [1]} : vector<16xi32> to vector<1xi32>
          %squeeze3A_594 = vector.extract %slice3A_593[0] : i32 from vector<1xi32>
          %add3A_595 = arith.constant 12 : i32
          %add3A_596 = arith.addi %mul3A_424, %add3A_595 : i32
          %eq3A_597 = arith.constant 5 : i32
          %eq3A_598 = arith.cmpi eq, %squeeze3A_594, %eq3A_597 : i32
          %convert_element_type3A_599 = arith.extui %eq3A_598 : i1 to i32
          %cond3A_600 = arith.constant 0 : i32
          %cond3A_601 = arith.cmpi ne, %convert_element_type3A_599, %cond3A_600 : i32
          scf.if %cond3A_601 {
            %get3A_650 = arith.constant 0 : i32
            %get3A_651 = arith.index_cast %get3A_650 : i32 to index
            %get3A_652 = arith.index_cast %add3A_596 : i32 to index
            %get3A_653 = arith.constant 0 : index
            %get3A_654 = tpu.vector_load %arg7[%get3A_651, %get3A_652, %get3A_653] {strides = array<i32>} : memref<2x512x64xf32, #tpu.memory_space<vmem>>, vector<1x1x16xf32>,
            %get3A_655 = vector.shape_cast %get3A_654 : vector<1x1x16xf32> to vector<16xf32>
            %add3A_656 = arith.addf %get3A_655, %get3A_8 : vector<16xf32>
            %swap3A = arith.constant 0 : i32
            %swap3A_657 = arith.index_cast %swap3A : i32 to index
            %swap3A_658 = arith.index_cast %add3A_596 : i32 to index
            %swap3A_659 = arith.constant 0 : index
            %swap3A_660 = tpu.vector_load %arg7[%swap3A_657, %swap3A_658, %swap3A_659] {strides = array<i32>} : memref<2x512x64xf32, #tpu.memory_space<vmem>>, vector<1x1x16xf32>,
            %swap3A_661 = vector.shape_cast %swap3A_660 : vector<1x1x16xf32> to vector<16xf32>
            %swap3A_662 = vector.shape_cast %add3A_656 : vector<16xf32> to vector<1x1x16xf32>
            tpu.vector_store %arg7[%swap3A_657, %swap3A_658, %swap3A_659], %swap3A_662 {strides = array<i32>} : memref<2x512x64xf32, #tpu.memory_space<vmem>>, vector<1x1x16xf32>,
            %get3A_663 = arith.constant 0 : i32
            %get3A_664 = arith.index_cast %get3A_663 : i32 to index
            %get3A_665 = arith.index_cast %add3A_596 : i32 to index
            %get3A_666 = arith.constant 16 : index
            %get3A_667 = tpu.vector_load %arg7[%get3A_664, %get3A_665, %get3A_666] {strides = array<i32>} : memref<2x512x64xf32, #tpu.memory_space<vmem>>, vector<1x1x16xf32>,
            %get3A_668 = vector.shape_cast %get3A_667 : vector<1x1x16xf32> to vector<16xf32>
            %add3A_669 = arith.addf %get3A_668, %get3A_13 : vector<16xf32>
            %swap3A_670 = arith.constant 0 : i32
            %swap3A_671 = arith.index_cast %swap3A_670 : i32 to index
            %swap3A_672 = arith.index_cast %add3A_596 : i32 to index
            %swap3A_673 = arith.constant 16 : index
            %swap3A_674 = tpu.vector_load %arg7[%swap3A_671, %swap3A_672, %swap3A_673] {strides = array<i32>} : memref<2x512x64xf32, #tpu.memory_space<vmem>>, vector<1x1x16xf32>,
            %swap3A_675 = vector.shape_cast %swap3A_674 : vector<1x1x16xf32> to vector<16xf32>
            %swap3A_676 = vector.shape_cast %add3A_669 : vector<16xf32> to vector<1x1x16xf32>
            tpu.vector_store %arg7[%swap3A_671, %swap3A_672, %swap3A_673], %swap3A_676 {strides = array<i32>} : memref<2x512x64xf32, #tpu.memory_space<vmem>>, vector<1x1x16xf32>,
            %get3A_677 = arith.constant 0 : i32
            %get3A_678 = arith.index_cast %get3A_677 : i32 to index
            %get3A_679 = arith.index_cast %add3A_596 : i32 to index
            %get3A_680 = arith.constant 32 : index
            %get3A_681 = tpu.vector_load %arg7[%get3A_678, %get3A_679, %get3A_680] {strides = array<i32>} : memref<2x512x64xf32, #tpu.memory_space<vmem>>, vector<1x1x16xf32>,
            %get3A_682 = vector.shape_cast %get3A_681 : vector<1x1x16xf32> to vector<16xf32>
            %add3A_683 = arith.addf %get3A_682, %get3A_18 : vector<16xf32>
            %swap3A_684 = arith.constant 0 : i32
            %swap3A_685 = arith.index_cast %swap3A_684 : i32 to index
            %swap3A_686 = arith.index_cast %add3A_596 : i32 to index
            %swap3A_687 = arith.constant 32 : index
            %swap3A_688 = tpu.vector_load %arg7[%swap3A_685, %swap3A_686, %swap3A_687] {strides = array<i32>} : memref<2x512x64xf32, #tpu.memory_space<vmem>>, vector<1x1x16xf32>,
            %swap3A_689 = vector.shape_cast %swap3A_688 : vector<1x1x16xf32> to vector<16xf32>
            %swap3A_690 = vector.shape_cast %add3A_683 : vector<16xf32> to vector<1x1x16xf32>
            tpu.vector_store %arg7[%swap3A_685, %swap3A_686, %swap3A_687], %swap3A_690 {strides = array<i32>} : memref<2x512x64xf32, #tpu.memory_space<vmem>>, vector<1x1x16xf32>,
            %get3A_691 = arith.constant 0 : i32
            %get3A_692 = arith.index_cast %get3A_691 : i32 to index
            %get3A_693 = arith.index_cast %add3A_596 : i32 to index
            %get3A_694 = arith.constant 48 : index
            %get3A_695 = tpu.vector_load %arg7[%get3A_692, %get3A_693, %get3A_694] {strides = array<i32>} : memref<2x512x64xf32, #tpu.memory_space<vmem>>, vector<1x1x16xf32>,
            %get3A_696 = vector.shape_cast %get3A_695 : vector<1x1x16xf32> to vector<16xf32>
            %add3A_697 = arith.addf %get3A_696, %get3A_23 : vector<16xf32>
            %swap3A_698 = arith.constant 0 : i32
            %swap3A_699 = arith.index_cast %swap3A_698 : i32 to index
            %swap3A_700 = arith.index_cast %add3A_596 : i32 to index
            %swap3A_701 = arith.constant 48 : index
            %swap3A_702 = tpu.vector_load %arg7[%swap3A_699, %swap3A_700, %swap3A_701] {strides = array<i32>} : memref<2x512x64xf32, #tpu.memory_space<vmem>>, vector<1x1x16xf32>,
            %swap3A_703 = vector.shape_cast %swap3A_702 : vector<1x1x16xf32> to vector<16xf32>
            %swap3A_704 = vector.shape_cast %add3A_697 : vector<16xf32> to vector<1x1x16xf32>
            tpu.vector_store %arg7[%swap3A_699, %swap3A_700, %swap3A_701], %swap3A_704 {strides = array<i32>} : memref<2x512x64xf32, #tpu.memory_space<vmem>>, vector<1x1x16xf32>,
          } else {
          }
          %eq3A_602 = arith.constant 7 : i32
          %eq3A_603 = arith.cmpi eq, %squeeze3A_594, %eq3A_602 : i32
          %convert_element_type3A_604 = arith.extui %eq3A_603 : i1 to i32
          %cond3A_605 = arith.constant 0 : i32
          %cond3A_606 = arith.cmpi ne, %convert_element_type3A_604, %cond3A_605 : i32
          scf.if %cond3A_606 {
            %get3A_650 = arith.constant 0 : i32
            %get3A_651 = arith.index_cast %get3A_650 : i32 to index
            %get3A_652 = arith.index_cast %add3A_596 : i32 to index
            %get3A_653 = arith.constant 0 : index
            %get3A_654 = tpu.vector_load %arg7[%get3A_651, %get3A_652, %get3A_653] {strides = array<i32>} : memref<2x512x64xf32, #tpu.memory_space<vmem>>, vector<1x1x16xf32>,
            %get3A_655 = vector.shape_cast %get3A_654 : vector<1x1x16xf32> to vector<16xf32>
            %add3A_656 = arith.addf %get3A_655, %get3A_28 : vector<16xf32>
            %swap3A = arith.constant 0 : i32
            %swap3A_657 = arith.index_cast %swap3A : i32 to index
            %swap3A_658 = arith.index_cast %add3A_596 : i32 to index
            %swap3A_659 = arith.constant 0 : index
            %swap3A_660 = tpu.vector_load %arg7[%swap3A_657, %swap3A_658, %swap3A_659] {strides = array<i32>} : memref<2x512x64xf32, #tpu.memory_space<vmem>>, vector<1x1x16xf32>,
            %swap3A_661 = vector.shape_cast %swap3A_660 : vector<1x1x16xf32> to vector<16xf32>
            %swap3A_662 = vector.shape_cast %add3A_656 : vector<16xf32> to vector<1x1x16xf32>
            tpu.vector_store %arg7[%swap3A_657, %swap3A_658, %swap3A_659], %swap3A_662 {strides = array<i32>} : memref<2x512x64xf32, #tpu.memory_space<vmem>>, vector<1x1x16xf32>,
            %get3A_663 = arith.constant 0 : i32
            %get3A_664 = arith.index_cast %get3A_663 : i32 to index
            %get3A_665 = arith.index_cast %add3A_596 : i32 to index
            %get3A_666 = arith.constant 16 : index
            %get3A_667 = tpu.vector_load %arg7[%get3A_664, %get3A_665, %get3A_666] {strides = array<i32>} : memref<2x512x64xf32, #tpu.memory_space<vmem>>, vector<1x1x16xf32>,
            %get3A_668 = vector.shape_cast %get3A_667 : vector<1x1x16xf32> to vector<16xf32>
            %add3A_669 = arith.addf %get3A_668, %get3A_33 : vector<16xf32>
            %swap3A_670 = arith.constant 0 : i32
            %swap3A_671 = arith.index_cast %swap3A_670 : i32 to index
            %swap3A_672 = arith.index_cast %add3A_596 : i32 to index
            %swap3A_673 = arith.constant 16 : index
            %swap3A_674 = tpu.vector_load %arg7[%swap3A_671, %swap3A_672, %swap3A_673] {strides = array<i32>} : memref<2x512x64xf32, #tpu.memory_space<vmem>>, vector<1x1x16xf32>,
            %swap3A_675 = vector.shape_cast %swap3A_674 : vector<1x1x16xf32> to vector<16xf32>
            %swap3A_676 = vector.shape_cast %add3A_669 : vector<16xf32> to vector<1x1x16xf32>
            tpu.vector_store %arg7[%swap3A_671, %swap3A_672, %swap3A_673], %swap3A_676 {strides = array<i32>} : memref<2x512x64xf32, #tpu.memory_space<vmem>>, vector<1x1x16xf32>,
            %get3A_677 = arith.constant 0 : i32
            %get3A_678 = arith.index_cast %get3A_677 : i32 to index
            %get3A_679 = arith.index_cast %add3A_596 : i32 to index
            %get3A_680 = arith.constant 32 : index
            %get3A_681 = tpu.vector_load %arg7[%get3A_678, %get3A_679, %get3A_680] {strides = array<i32>} : memref<2x512x64xf32, #tpu.memory_space<vmem>>, vector<1x1x16xf32>,
            %get3A_682 = vector.shape_cast %get3A_681 : vector<1x1x16xf32> to vector<16xf32>
            %add3A_683 = arith.addf %get3A_682, %get3A_38 : vector<16xf32>
            %swap3A_684 = arith.constant 0 : i32
            %swap3A_685 = arith.index_cast %swap3A_684 : i32 to index
            %swap3A_686 = arith.index_cast %add3A_596 : i32 to index
            %swap3A_687 = arith.constant 32 : index
            %swap3A_688 = tpu.vector_load %arg7[%swap3A_685, %swap3A_686, %swap3A_687] {strides = array<i32>} : memref<2x512x64xf32, #tpu.memory_space<vmem>>, vector<1x1x16xf32>,
            %swap3A_689 = vector.shape_cast %swap3A_688 : vector<1x1x16xf32> to vector<16xf32>
            %swap3A_690 = vector.shape_cast %add3A_683 : vector<16xf32> to vector<1x1x16xf32>
            tpu.vector_store %arg7[%swap3A_685, %swap3A_686, %swap3A_687], %swap3A_690 {strides = array<i32>} : memref<2x512x64xf32, #tpu.memory_space<vmem>>, vector<1x1x16xf32>,
            %get3A_691 = arith.constant 0 : i32
            %get3A_692 = arith.index_cast %get3A_691 : i32 to index
            %get3A_693 = arith.index_cast %add3A_596 : i32 to index
            %get3A_694 = arith.constant 48 : index
            %get3A_695 = tpu.vector_load %arg7[%get3A_692, %get3A_693, %get3A_694] {strides = array<i32>} : memref<2x512x64xf32, #tpu.memory_space<vmem>>, vector<1x1x16xf32>,
            %get3A_696 = vector.shape_cast %get3A_695 : vector<1x1x16xf32> to vector<16xf32>
            %add3A_697 = arith.addf %get3A_696, %get3A_43 : vector<16xf32>
            %swap3A_698 = arith.constant 0 : i32
            %swap3A_699 = arith.index_cast %swap3A_698 : i32 to index
            %swap3A_700 = arith.index_cast %add3A_596 : i32 to index
            %swap3A_701 = arith.constant 48 : index
            %swap3A_702 = tpu.vector_load %arg7[%swap3A_699, %swap3A_700, %swap3A_701] {strides = array<i32>} : memref<2x512x64xf32, #tpu.memory_space<vmem>>, vector<1x1x16xf32>,
            %swap3A_703 = vector.shape_cast %swap3A_702 : vector<1x1x16xf32> to vector<16xf32>
            %swap3A_704 = vector.shape_cast %add3A_697 : vector<16xf32> to vector<1x1x16xf32>
            tpu.vector_store %arg7[%swap3A_699, %swap3A_700, %swap3A_701], %swap3A_704 {strides = array<i32>} : memref<2x512x64xf32, #tpu.memory_space<vmem>>, vector<1x1x16xf32>,
          } else {
          }
          %slice3A_607 = vector.extract_strided_slice %get3A_422 {offsets = [13], sizes = [1], strides = [1]} : vector<16xi32> to vector<1xi32>
          %squeeze3A_608 = vector.extract %slice3A_607[0] : i32 from vector<1xi32>
          %add3A_609 = arith.constant 13 : i32
          %add3A_610 = arith.addi %mul3A_424, %add3A_609 : i32
          %eq3A_611 = arith.constant 5 : i32
          %eq3A_612 = arith.cmpi eq, %squeeze3A_608, %eq3A_611 : i32
          %convert_element_type3A_613 = arith.extui %eq3A_612 : i1 to i32
          %cond3A_614 = arith.constant 0 : i32
          %cond3A_615 = arith.cmpi ne, %convert_element_type3A_613, %cond3A_614 : i32
          scf.if %cond3A_615 {
            %get3A_650 = arith.constant 0 : i32
            %get3A_651 = arith.index_cast %get3A_650 : i32 to index
            %get3A_652 = arith.index_cast %add3A_610 : i32 to index
            %get3A_653 = arith.constant 0 : index
            %get3A_654 = tpu.vector_load %arg7[%get3A_651, %get3A_652, %get3A_653] {strides = array<i32>} : memref<2x512x64xf32, #tpu.memory_space<vmem>>, vector<1x1x16xf32>,
            %get3A_655 = vector.shape_cast %get3A_654 : vector<1x1x16xf32> to vector<16xf32>
            %add3A_656 = arith.addf %get3A_655, %get3A_8 : vector<16xf32>
            %swap3A = arith.constant 0 : i32
            %swap3A_657 = arith.index_cast %swap3A : i32 to index
            %swap3A_658 = arith.index_cast %add3A_610 : i32 to index
            %swap3A_659 = arith.constant 0 : index
            %swap3A_660 = tpu.vector_load %arg7[%swap3A_657, %swap3A_658, %swap3A_659] {strides = array<i32>} : memref<2x512x64xf32, #tpu.memory_space<vmem>>, vector<1x1x16xf32>,
            %swap3A_661 = vector.shape_cast %swap3A_660 : vector<1x1x16xf32> to vector<16xf32>
            %swap3A_662 = vector.shape_cast %add3A_656 : vector<16xf32> to vector<1x1x16xf32>
            tpu.vector_store %arg7[%swap3A_657, %swap3A_658, %swap3A_659], %swap3A_662 {strides = array<i32>} : memref<2x512x64xf32, #tpu.memory_space<vmem>>, vector<1x1x16xf32>,
            %get3A_663 = arith.constant 0 : i32
            %get3A_664 = arith.index_cast %get3A_663 : i32 to index
            %get3A_665 = arith.index_cast %add3A_610 : i32 to index
            %get3A_666 = arith.constant 16 : index
            %get3A_667 = tpu.vector_load %arg7[%get3A_664, %get3A_665, %get3A_666] {strides = array<i32>} : memref<2x512x64xf32, #tpu.memory_space<vmem>>, vector<1x1x16xf32>,
            %get3A_668 = vector.shape_cast %get3A_667 : vector<1x1x16xf32> to vector<16xf32>
            %add3A_669 = arith.addf %get3A_668, %get3A_13 : vector<16xf32>
            %swap3A_670 = arith.constant 0 : i32
            %swap3A_671 = arith.index_cast %swap3A_670 : i32 to index
            %swap3A_672 = arith.index_cast %add3A_610 : i32 to index
            %swap3A_673 = arith.constant 16 : index
            %swap3A_674 = tpu.vector_load %arg7[%swap3A_671, %swap3A_672, %swap3A_673] {strides = array<i32>} : memref<2x512x64xf32, #tpu.memory_space<vmem>>, vector<1x1x16xf32>,
            %swap3A_675 = vector.shape_cast %swap3A_674 : vector<1x1x16xf32> to vector<16xf32>
            %swap3A_676 = vector.shape_cast %add3A_669 : vector<16xf32> to vector<1x1x16xf32>
            tpu.vector_store %arg7[%swap3A_671, %swap3A_672, %swap3A_673], %swap3A_676 {strides = array<i32>} : memref<2x512x64xf32, #tpu.memory_space<vmem>>, vector<1x1x16xf32>,
            %get3A_677 = arith.constant 0 : i32
            %get3A_678 = arith.index_cast %get3A_677 : i32 to index
            %get3A_679 = arith.index_cast %add3A_610 : i32 to index
            %get3A_680 = arith.constant 32 : index
            %get3A_681 = tpu.vector_load %arg7[%get3A_678, %get3A_679, %get3A_680] {strides = array<i32>} : memref<2x512x64xf32, #tpu.memory_space<vmem>>, vector<1x1x16xf32>,
            %get3A_682 = vector.shape_cast %get3A_681 : vector<1x1x16xf32> to vector<16xf32>
            %add3A_683 = arith.addf %get3A_682, %get3A_18 : vector<16xf32>
            %swap3A_684 = arith.constant 0 : i32
            %swap3A_685 = arith.index_cast %swap3A_684 : i32 to index
            %swap3A_686 = arith.index_cast %add3A_610 : i32 to index
            %swap3A_687 = arith.constant 32 : index
            %swap3A_688 = tpu.vector_load %arg7[%swap3A_685, %swap3A_686, %swap3A_687] {strides = array<i32>} : memref<2x512x64xf32, #tpu.memory_space<vmem>>, vector<1x1x16xf32>,
            %swap3A_689 = vector.shape_cast %swap3A_688 : vector<1x1x16xf32> to vector<16xf32>
            %swap3A_690 = vector.shape_cast %add3A_683 : vector<16xf32> to vector<1x1x16xf32>
            tpu.vector_store %arg7[%swap3A_685, %swap3A_686, %swap3A_687], %swap3A_690 {strides = array<i32>} : memref<2x512x64xf32, #tpu.memory_space<vmem>>, vector<1x1x16xf32>,
            %get3A_691 = arith.constant 0 : i32
            %get3A_692 = arith.index_cast %get3A_691 : i32 to index
            %get3A_693 = arith.index_cast %add3A_610 : i32 to index
            %get3A_694 = arith.constant 48 : index
            %get3A_695 = tpu.vector_load %arg7[%get3A_692, %get3A_693, %get3A_694] {strides = array<i32>} : memref<2x512x64xf32, #tpu.memory_space<vmem>>, vector<1x1x16xf32>,
            %get3A_696 = vector.shape_cast %get3A_695 : vector<1x1x16xf32> to vector<16xf32>
            %add3A_697 = arith.addf %get3A_696, %get3A_23 : vector<16xf32>
            %swap3A_698 = arith.constant 0 : i32
            %swap3A_699 = arith.index_cast %swap3A_698 : i32 to index
            %swap3A_700 = arith.index_cast %add3A_610 : i32 to index
            %swap3A_701 = arith.constant 48 : index
            %swap3A_702 = tpu.vector_load %arg7[%swap3A_699, %swap3A_700, %swap3A_701] {strides = array<i32>} : memref<2x512x64xf32, #tpu.memory_space<vmem>>, vector<1x1x16xf32>,
            %swap3A_703 = vector.shape_cast %swap3A_702 : vector<1x1x16xf32> to vector<16xf32>
            %swap3A_704 = vector.shape_cast %add3A_697 : vector<16xf32> to vector<1x1x16xf32>
            tpu.vector_store %arg7[%swap3A_699, %swap3A_700, %swap3A_701], %swap3A_704 {strides = array<i32>} : memref<2x512x64xf32, #tpu.memory_space<vmem>>, vector<1x1x16xf32>,
          } else {
          }
          %eq3A_616 = arith.constant 7 : i32
          %eq3A_617 = arith.cmpi eq, %squeeze3A_608, %eq3A_616 : i32
          %convert_element_type3A_618 = arith.extui %eq3A_617 : i1 to i32
          %cond3A_619 = arith.constant 0 : i32
          %cond3A_620 = arith.cmpi ne, %convert_element_type3A_618, %cond3A_619 : i32
          scf.if %cond3A_620 {
            %get3A_650 = arith.constant 0 : i32
            %get3A_651 = arith.index_cast %get3A_650 : i32 to index
            %get3A_652 = arith.index_cast %add3A_610 : i32 to index
            %get3A_653 = arith.constant 0 : index
            %get3A_654 = tpu.vector_load %arg7[%get3A_651, %get3A_652, %get3A_653] {strides = array<i32>} : memref<2x512x64xf32, #tpu.memory_space<vmem>>, vector<1x1x16xf32>,
            %get3A_655 = vector.shape_cast %get3A_654 : vector<1x1x16xf32> to vector<16xf32>
            %add3A_656 = arith.addf %get3A_655, %get3A_28 : vector<16xf32>
            %swap3A = arith.constant 0 : i32
            %swap3A_657 = arith.index_cast %swap3A : i32 to index
            %swap3A_658 = arith.index_cast %add3A_610 : i32 to index
            %swap3A_659 = arith.constant 0 : index
            %swap3A_660 = tpu.vector_load %arg7[%swap3A_657, %swap3A_658, %swap3A_659] {strides = array<i32>} : memref<2x512x64xf32, #tpu.memory_space<vmem>>, vector<1x1x16xf32>,
            %swap3A_661 = vector.shape_cast %swap3A_660 : vector<1x1x16xf32> to vector<16xf32>
            %swap3A_662 = vector.shape_cast %add3A_656 : vector<16xf32> to vector<1x1x16xf32>
            tpu.vector_store %arg7[%swap3A_657, %swap3A_658, %swap3A_659], %swap3A_662 {strides = array<i32>} : memref<2x512x64xf32, #tpu.memory_space<vmem>>, vector<1x1x16xf32>,
            %get3A_663 = arith.constant 0 : i32
            %get3A_664 = arith.index_cast %get3A_663 : i32 to index
            %get3A_665 = arith.index_cast %add3A_610 : i32 to index
            %get3A_666 = arith.constant 16 : index
            %get3A_667 = tpu.vector_load %arg7[%get3A_664, %get3A_665, %get3A_666] {strides = array<i32>} : memref<2x512x64xf32, #tpu.memory_space<vmem>>, vector<1x1x16xf32>,
            %get3A_668 = vector.shape_cast %get3A_667 : vector<1x1x16xf32> to vector<16xf32>
            %add3A_669 = arith.addf %get3A_668, %get3A_33 : vector<16xf32>
            %swap3A_670 = arith.constant 0 : i32
            %swap3A_671 = arith.index_cast %swap3A_670 : i32 to index
            %swap3A_672 = arith.index_cast %add3A_610 : i32 to index
            %swap3A_673 = arith.constant 16 : index
            %swap3A_674 = tpu.vector_load %arg7[%swap3A_671, %swap3A_672, %swap3A_673] {strides = array<i32>} : memref<2x512x64xf32, #tpu.memory_space<vmem>>, vector<1x1x16xf32>,
            %swap3A_675 = vector.shape_cast %swap3A_674 : vector<1x1x16xf32> to vector<16xf32>
            %swap3A_676 = vector.shape_cast %add3A_669 : vector<16xf32> to vector<1x1x16xf32>
            tpu.vector_store %arg7[%swap3A_671, %swap3A_672, %swap3A_673], %swap3A_676 {strides = array<i32>} : memref<2x512x64xf32, #tpu.memory_space<vmem>>, vector<1x1x16xf32>,
            %get3A_677 = arith.constant 0 : i32
            %get3A_678 = arith.index_cast %get3A_677 : i32 to index
            %get3A_679 = arith.index_cast %add3A_610 : i32 to index
            %get3A_680 = arith.constant 32 : index
            %get3A_681 = tpu.vector_load %arg7[%get3A_678, %get3A_679, %get3A_680] {strides = array<i32>} : memref<2x512x64xf32, #tpu.memory_space<vmem>>, vector<1x1x16xf32>,
            %get3A_682 = vector.shape_cast %get3A_681 : vector<1x1x16xf32> to vector<16xf32>
            %add3A_683 = arith.addf %get3A_682, %get3A_38 : vector<16xf32>
            %swap3A_684 = arith.constant 0 : i32
            %swap3A_685 = arith.index_cast %swap3A_684 : i32 to index
            %swap3A_686 = arith.index_cast %add3A_610 : i32 to index
            %swap3A_687 = arith.constant 32 : index
            %swap3A_688 = tpu.vector_load %arg7[%swap3A_685, %swap3A_686, %swap3A_687] {strides = array<i32>} : memref<2x512x64xf32, #tpu.memory_space<vmem>>, vector<1x1x16xf32>,
            %swap3A_689 = vector.shape_cast %swap3A_688 : vector<1x1x16xf32> to vector<16xf32>
            %swap3A_690 = vector.shape_cast %add3A_683 : vector<16xf32> to vector<1x1x16xf32>
            tpu.vector_store %arg7[%swap3A_685, %swap3A_686, %swap3A_687], %swap3A_690 {strides = array<i32>} : memref<2x512x64xf32, #tpu.memory_space<vmem>>, vector<1x1x16xf32>,
            %get3A_691 = arith.constant 0 : i32
            %get3A_692 = arith.index_cast %get3A_691 : i32 to index
            %get3A_693 = arith.index_cast %add3A_610 : i32 to index
            %get3A_694 = arith.constant 48 : index
            %get3A_695 = tpu.vector_load %arg7[%get3A_692, %get3A_693, %get3A_694] {strides = array<i32>} : memref<2x512x64xf32, #tpu.memory_space<vmem>>, vector<1x1x16xf32>,
            %get3A_696 = vector.shape_cast %get3A_695 : vector<1x1x16xf32> to vector<16xf32>
            %add3A_697 = arith.addf %get3A_696, %get3A_43 : vector<16xf32>
            %swap3A_698 = arith.constant 0 : i32
            %swap3A_699 = arith.index_cast %swap3A_698 : i32 to index
            %swap3A_700 = arith.index_cast %add3A_610 : i32 to index
            %swap3A_701 = arith.constant 48 : index
            %swap3A_702 = tpu.vector_load %arg7[%swap3A_699, %swap3A_700, %swap3A_701] {strides = array<i32>} : memref<2x512x64xf32, #tpu.memory_space<vmem>>, vector<1x1x16xf32>,
            %swap3A_703 = vector.shape_cast %swap3A_702 : vector<1x1x16xf32> to vector<16xf32>
            %swap3A_704 = vector.shape_cast %add3A_697 : vector<16xf32> to vector<1x1x16xf32>
            tpu.vector_store %arg7[%swap3A_699, %swap3A_700, %swap3A_701], %swap3A_704 {strides = array<i32>} : memref<2x512x64xf32, #tpu.memory_space<vmem>>, vector<1x1x16xf32>,
          } else {
          }
          %slice3A_621 = vector.extract_strided_slice %get3A_422 {offsets = [14], sizes = [1], strides = [1]} : vector<16xi32> to vector<1xi32>
          %squeeze3A_622 = vector.extract %slice3A_621[0] : i32 from vector<1xi32>
          %add3A_623 = arith.constant 14 : i32
          %add3A_624 = arith.addi %mul3A_424, %add3A_623 : i32
          %eq3A_625 = arith.constant 5 : i32
          %eq3A_626 = arith.cmpi eq, %squeeze3A_622, %eq3A_625 : i32
          %convert_element_type3A_627 = arith.extui %eq3A_626 : i1 to i32
          %cond3A_628 = arith.constant 0 : i32
          %cond3A_629 = arith.cmpi ne, %convert_element_type3A_627, %cond3A_628 : i32
          scf.if %cond3A_629 {
            %get3A_650 = arith.constant 0 : i32
            %get3A_651 = arith.index_cast %get3A_650 : i32 to index
            %get3A_652 = arith.index_cast %add3A_624 : i32 to index
            %get3A_653 = arith.constant 0 : index
            %get3A_654 = tpu.vector_load %arg7[%get3A_651, %get3A_652, %get3A_653] {strides = array<i32>} : memref<2x512x64xf32, #tpu.memory_space<vmem>>, vector<1x1x16xf32>,
            %get3A_655 = vector.shape_cast %get3A_654 : vector<1x1x16xf32> to vector<16xf32>
            %add3A_656 = arith.addf %get3A_655, %get3A_8 : vector<16xf32>
            %swap3A = arith.constant 0 : i32
            %swap3A_657 = arith.index_cast %swap3A : i32 to index
            %swap3A_658 = arith.index_cast %add3A_624 : i32 to index
            %swap3A_659 = arith.constant 0 : index
            %swap3A_660 = tpu.vector_load %arg7[%swap3A_657, %swap3A_658, %swap3A_659] {strides = array<i32>} : memref<2x512x64xf32, #tpu.memory_space<vmem>>, vector<1x1x16xf32>,
            %swap3A_661 = vector.shape_cast %swap3A_660 : vector<1x1x16xf32> to vector<16xf32>
            %swap3A_662 = vector.shape_cast %add3A_656 : vector<16xf32> to vector<1x1x16xf32>
            tpu.vector_store %arg7[%swap3A_657, %swap3A_658, %swap3A_659], %swap3A_662 {strides = array<i32>} : memref<2x512x64xf32, #tpu.memory_space<vmem>>, vector<1x1x16xf32>,
            %get3A_663 = arith.constant 0 : i32
            %get3A_664 = arith.index_cast %get3A_663 : i32 to index
            %get3A_665 = arith.index_cast %add3A_624 : i32 to index
            %get3A_666 = arith.constant 16 : index
            %get3A_667 = tpu.vector_load %arg7[%get3A_664, %get3A_665, %get3A_666] {strides = array<i32>} : memref<2x512x64xf32, #tpu.memory_space<vmem>>, vector<1x1x16xf32>,
            %get3A_668 = vector.shape_cast %get3A_667 : vector<1x1x16xf32> to vector<16xf32>
            %add3A_669 = arith.addf %get3A_668, %get3A_13 : vector<16xf32>
            %swap3A_670 = arith.constant 0 : i32
            %swap3A_671 = arith.index_cast %swap3A_670 : i32 to index
            %swap3A_672 = arith.index_cast %add3A_624 : i32 to index
            %swap3A_673 = arith.constant 16 : index
            %swap3A_674 = tpu.vector_load %arg7[%swap3A_671, %swap3A_672, %swap3A_673] {strides = array<i32>} : memref<2x512x64xf32, #tpu.memory_space<vmem>>, vector<1x1x16xf32>,
            %swap3A_675 = vector.shape_cast %swap3A_674 : vector<1x1x16xf32> to vector<16xf32>
            %swap3A_676 = vector.shape_cast %add3A_669 : vector<16xf32> to vector<1x1x16xf32>
            tpu.vector_store %arg7[%swap3A_671, %swap3A_672, %swap3A_673], %swap3A_676 {strides = array<i32>} : memref<2x512x64xf32, #tpu.memory_space<vmem>>, vector<1x1x16xf32>,
            %get3A_677 = arith.constant 0 : i32
            %get3A_678 = arith.index_cast %get3A_677 : i32 to index
            %get3A_679 = arith.index_cast %add3A_624 : i32 to index
            %get3A_680 = arith.constant 32 : index
            %get3A_681 = tpu.vector_load %arg7[%get3A_678, %get3A_679, %get3A_680] {strides = array<i32>} : memref<2x512x64xf32, #tpu.memory_space<vmem>>, vector<1x1x16xf32>,
            %get3A_682 = vector.shape_cast %get3A_681 : vector<1x1x16xf32> to vector<16xf32>
            %add3A_683 = arith.addf %get3A_682, %get3A_18 : vector<16xf32>
            %swap3A_684 = arith.constant 0 : i32
            %swap3A_685 = arith.index_cast %swap3A_684 : i32 to index
            %swap3A_686 = arith.index_cast %add3A_624 : i32 to index
            %swap3A_687 = arith.constant 32 : index
            %swap3A_688 = tpu.vector_load %arg7[%swap3A_685, %swap3A_686, %swap3A_687] {strides = array<i32>} : memref<2x512x64xf32, #tpu.memory_space<vmem>>, vector<1x1x16xf32>,
            %swap3A_689 = vector.shape_cast %swap3A_688 : vector<1x1x16xf32> to vector<16xf32>
            %swap3A_690 = vector.shape_cast %add3A_683 : vector<16xf32> to vector<1x1x16xf32>
            tpu.vector_store %arg7[%swap3A_685, %swap3A_686, %swap3A_687], %swap3A_690 {strides = array<i32>} : memref<2x512x64xf32, #tpu.memory_space<vmem>>, vector<1x1x16xf32>,
            %get3A_691 = arith.constant 0 : i32
            %get3A_692 = arith.index_cast %get3A_691 : i32 to index
            %get3A_693 = arith.index_cast %add3A_624 : i32 to index
            %get3A_694 = arith.constant 48 : index
            %get3A_695 = tpu.vector_load %arg7[%get3A_692, %get3A_693, %get3A_694] {strides = array<i32>} : memref<2x512x64xf32, #tpu.memory_space<vmem>>, vector<1x1x16xf32>,
            %get3A_696 = vector.shape_cast %get3A_695 : vector<1x1x16xf32> to vector<16xf32>
            %add3A_697 = arith.addf %get3A_696, %get3A_23 : vector<16xf32>
            %swap3A_698 = arith.constant 0 : i32
            %swap3A_699 = arith.index_cast %swap3A_698 : i32 to index
            %swap3A_700 = arith.index_cast %add3A_624 : i32 to index
            %swap3A_701 = arith.constant 48 : index
            %swap3A_702 = tpu.vector_load %arg7[%swap3A_699, %swap3A_700, %swap3A_701] {strides = array<i32>} : memref<2x512x64xf32, #tpu.memory_space<vmem>>, vector<1x1x16xf32>,
            %swap3A_703 = vector.shape_cast %swap3A_702 : vector<1x1x16xf32> to vector<16xf32>
            %swap3A_704 = vector.shape_cast %add3A_697 : vector<16xf32> to vector<1x1x16xf32>
            tpu.vector_store %arg7[%swap3A_699, %swap3A_700, %swap3A_701], %swap3A_704 {strides = array<i32>} : memref<2x512x64xf32, #tpu.memory_space<vmem>>, vector<1x1x16xf32>,
          } else {
          }
          %eq3A_630 = arith.constant 7 : i32
          %eq3A_631 = arith.cmpi eq, %squeeze3A_622, %eq3A_630 : i32
          %convert_element_type3A_632 = arith.extui %eq3A_631 : i1 to i32
          %cond3A_633 = arith.constant 0 : i32
          %cond3A_634 = arith.cmpi ne, %convert_element_type3A_632, %cond3A_633 : i32
          scf.if %cond3A_634 {
            %get3A_650 = arith.constant 0 : i32
            %get3A_651 = arith.index_cast %get3A_650 : i32 to index
            %get3A_652 = arith.index_cast %add3A_624 : i32 to index
            %get3A_653 = arith.constant 0 : index
            %get3A_654 = tpu.vector_load %arg7[%get3A_651, %get3A_652, %get3A_653] {strides = array<i32>} : memref<2x512x64xf32, #tpu.memory_space<vmem>>, vector<1x1x16xf32>,
            %get3A_655 = vector.shape_cast %get3A_654 : vector<1x1x16xf32> to vector<16xf32>
            %add3A_656 = arith.addf %get3A_655, %get3A_28 : vector<16xf32>
            %swap3A = arith.constant 0 : i32
            %swap3A_657 = arith.index_cast %swap3A : i32 to index
            %swap3A_658 = arith.index_cast %add3A_624 : i32 to index
            %swap3A_659 = arith.constant 0 : index
            %swap3A_660 = tpu.vector_load %arg7[%swap3A_657, %swap3A_658, %swap3A_659] {strides = array<i32>} : memref<2x512x64xf32, #tpu.memory_space<vmem>>, vector<1x1x16xf32>,
            %swap3A_661 = vector.shape_cast %swap3A_660 : vector<1x1x16xf32> to vector<16xf32>
            %swap3A_662 = vector.shape_cast %add3A_656 : vector<16xf32> to vector<1x1x16xf32>
            tpu.vector_store %arg7[%swap3A_657, %swap3A_658, %swap3A_659], %swap3A_662 {strides = array<i32>} : memref<2x512x64xf32, #tpu.memory_space<vmem>>, vector<1x1x16xf32>,
            %get3A_663 = arith.constant 0 : i32
            %get3A_664 = arith.index_cast %get3A_663 : i32 to index
            %get3A_665 = arith.index_cast %add3A_624 : i32 to index
            %get3A_666 = arith.constant 16 : index
            %get3A_667 = tpu.vector_load %arg7[%get3A_664, %get3A_665, %get3A_666] {strides = array<i32>} : memref<2x512x64xf32, #tpu.memory_space<vmem>>, vector<1x1x16xf32>,
            %get3A_668 = vector.shape_cast %get3A_667 : vector<1x1x16xf32> to vector<16xf32>
            %add3A_669 = arith.addf %get3A_668, %get3A_33 : vector<16xf32>
            %swap3A_670 = arith.constant 0 : i32
            %swap3A_671 = arith.index_cast %swap3A_670 : i32 to index
            %swap3A_672 = arith.index_cast %add3A_624 : i32 to index
            %swap3A_673 = arith.constant 16 : index
            %swap3A_674 = tpu.vector_load %arg7[%swap3A_671, %swap3A_672, %swap3A_673] {strides = array<i32>} : memref<2x512x64xf32, #tpu.memory_space<vmem>>, vector<1x1x16xf32>,
            %swap3A_675 = vector.shape_cast %swap3A_674 : vector<1x1x16xf32> to vector<16xf32>
            %swap3A_676 = vector.shape_cast %add3A_669 : vector<16xf32> to vector<1x1x16xf32>
            tpu.vector_store %arg7[%swap3A_671, %swap3A_672, %swap3A_673], %swap3A_676 {strides = array<i32>} : memref<2x512x64xf32, #tpu.memory_space<vmem>>, vector<1x1x16xf32>,
            %get3A_677 = arith.constant 0 : i32
            %get3A_678 = arith.index_cast %get3A_677 : i32 to index
            %get3A_679 = arith.index_cast %add3A_624 : i32 to index
            %get3A_680 = arith.constant 32 : index
            %get3A_681 = tpu.vector_load %arg7[%get3A_678, %get3A_679, %get3A_680] {strides = array<i32>} : memref<2x512x64xf32, #tpu.memory_space<vmem>>, vector<1x1x16xf32>,
            %get3A_682 = vector.shape_cast %get3A_681 : vector<1x1x16xf32> to vector<16xf32>
            %add3A_683 = arith.addf %get3A_682, %get3A_38 : vector<16xf32>
            %swap3A_684 = arith.constant 0 : i32
            %swap3A_685 = arith.index_cast %swap3A_684 : i32 to index
            %swap3A_686 = arith.index_cast %add3A_624 : i32 to index
            %swap3A_687 = arith.constant 32 : index
            %swap3A_688 = tpu.vector_load %arg7[%swap3A_685, %swap3A_686, %swap3A_687] {strides = array<i32>} : memref<2x512x64xf32, #tpu.memory_space<vmem>>, vector<1x1x16xf32>,
            %swap3A_689 = vector.shape_cast %swap3A_688 : vector<1x1x16xf32> to vector<16xf32>
            %swap3A_690 = vector.shape_cast %add3A_683 : vector<16xf32> to vector<1x1x16xf32>
            tpu.vector_store %arg7[%swap3A_685, %swap3A_686, %swap3A_687], %swap3A_690 {strides = array<i32>} : memref<2x512x64xf32, #tpu.memory_space<vmem>>, vector<1x1x16xf32>,
            %get3A_691 = arith.constant 0 : i32
            %get3A_692 = arith.index_cast %get3A_691 : i32 to index
            %get3A_693 = arith.index_cast %add3A_624 : i32 to index
            %get3A_694 = arith.constant 48 : index
            %get3A_695 = tpu.vector_load %arg7[%get3A_692, %get3A_693, %get3A_694] {strides = array<i32>} : memref<2x512x64xf32, #tpu.memory_space<vmem>>, vector<1x1x16xf32>,
            %get3A_696 = vector.shape_cast %get3A_695 : vector<1x1x16xf32> to vector<16xf32>
            %add3A_697 = arith.addf %get3A_696, %get3A_43 : vector<16xf32>
            %swap3A_698 = arith.constant 0 : i32
            %swap3A_699 = arith.index_cast %swap3A_698 : i32 to index
            %swap3A_700 = arith.index_cast %add3A_624 : i32 to index
            %swap3A_701 = arith.constant 48 : index
            %swap3A_702 = tpu.vector_load %arg7[%swap3A_699, %swap3A_700, %swap3A_701] {strides = array<i32>} : memref<2x512x64xf32, #tpu.memory_space<vmem>>, vector<1x1x16xf32>,
            %swap3A_703 = vector.shape_cast %swap3A_702 : vector<1x1x16xf32> to vector<16xf32>
            %swap3A_704 = vector.shape_cast %add3A_697 : vector<16xf32> to vector<1x1x16xf32>
            tpu.vector_store %arg7[%swap3A_699, %swap3A_700, %swap3A_701], %swap3A_704 {strides = array<i32>} : memref<2x512x64xf32, #tpu.memory_space<vmem>>, vector<1x1x16xf32>,
          } else {
          }
          %slice3A_635 = vector.extract_strided_slice %get3A_422 {offsets = [15], sizes = [1], strides = [1]} : vector<16xi32> to vector<1xi32>
          %squeeze3A_636 = vector.extract %slice3A_635[0] : i32 from vector<1xi32>
          %add3A_637 = arith.constant 15 : i32
          %add3A_638 = arith.addi %mul3A_424, %add3A_637 : i32
          %eq3A_639 = arith.constant 5 : i32
          %eq3A_640 = arith.cmpi eq, %squeeze3A_636, %eq3A_639 : i32
          %convert_element_type3A_641 = arith.extui %eq3A_640 : i1 to i32
          %cond3A_642 = arith.constant 0 : i32
          %cond3A_643 = arith.cmpi ne, %convert_element_type3A_641, %cond3A_642 : i32
          scf.if %cond3A_643 {
            %get3A_650 = arith.constant 0 : i32
            %get3A_651 = arith.index_cast %get3A_650 : i32 to index
            %get3A_652 = arith.index_cast %add3A_638 : i32 to index
            %get3A_653 = arith.constant 0 : index
            %get3A_654 = tpu.vector_load %arg7[%get3A_651, %get3A_652, %get3A_653] {strides = array<i32>} : memref<2x512x64xf32, #tpu.memory_space<vmem>>, vector<1x1x16xf32>,
            %get3A_655 = vector.shape_cast %get3A_654 : vector<1x1x16xf32> to vector<16xf32>
            %add3A_656 = arith.addf %get3A_655, %get3A_8 : vector<16xf32>
            %swap3A = arith.constant 0 : i32
            %swap3A_657 = arith.index_cast %swap3A : i32 to index
            %swap3A_658 = arith.index_cast %add3A_638 : i32 to index
            %swap3A_659 = arith.constant 0 : index
            %swap3A_660 = tpu.vector_load %arg7[%swap3A_657, %swap3A_658, %swap3A_659] {strides = array<i32>} : memref<2x512x64xf32, #tpu.memory_space<vmem>>, vector<1x1x16xf32>,
            %swap3A_661 = vector.shape_cast %swap3A_660 : vector<1x1x16xf32> to vector<16xf32>
            %swap3A_662 = vector.shape_cast %add3A_656 : vector<16xf32> to vector<1x1x16xf32>
            tpu.vector_store %arg7[%swap3A_657, %swap3A_658, %swap3A_659], %swap3A_662 {strides = array<i32>} : memref<2x512x64xf32, #tpu.memory_space<vmem>>, vector<1x1x16xf32>,
            %get3A_663 = arith.constant 0 : i32
            %get3A_664 = arith.index_cast %get3A_663 : i32 to index
            %get3A_665 = arith.index_cast %add3A_638 : i32 to index
            %get3A_666 = arith.constant 16 : index
            %get3A_667 = tpu.vector_load %arg7[%get3A_664, %get3A_665, %get3A_666] {strides = array<i32>} : memref<2x512x64xf32, #tpu.memory_space<vmem>>, vector<1x1x16xf32>,
            %get3A_668 = vector.shape_cast %get3A_667 : vector<1x1x16xf32> to vector<16xf32>
            %add3A_669 = arith.addf %get3A_668, %get3A_13 : vector<16xf32>
            %swap3A_670 = arith.constant 0 : i32
            %swap3A_671 = arith.index_cast %swap3A_670 : i32 to index
            %swap3A_672 = arith.index_cast %add3A_638 : i32 to index
            %swap3A_673 = arith.constant 16 : index
            %swap3A_674 = tpu.vector_load %arg7[%swap3A_671, %swap3A_672, %swap3A_673] {strides = array<i32>} : memref<2x512x64xf32, #tpu.memory_space<vmem>>, vector<1x1x16xf32>,
            %swap3A_675 = vector.shape_cast %swap3A_674 : vector<1x1x16xf32> to vector<16xf32>
            %swap3A_676 = vector.shape_cast %add3A_669 : vector<16xf32> to vector<1x1x16xf32>
            tpu.vector_store %arg7[%swap3A_671, %swap3A_672, %swap3A_673], %swap3A_676 {strides = array<i32>} : memref<2x512x64xf32, #tpu.memory_space<vmem>>, vector<1x1x16xf32>,
            %get3A_677 = arith.constant 0 : i32
            %get3A_678 = arith.index_cast %get3A_677 : i32 to index
            %get3A_679 = arith.index_cast %add3A_638 : i32 to index
            %get3A_680 = arith.constant 32 : index
            %get3A_681 = tpu.vector_load %arg7[%get3A_678, %get3A_679, %get3A_680] {strides = array<i32>} : memref<2x512x64xf32, #tpu.memory_space<vmem>>, vector<1x1x16xf32>,
            %get3A_682 = vector.shape_cast %get3A_681 : vector<1x1x16xf32> to vector<16xf32>
            %add3A_683 = arith.addf %get3A_682, %get3A_18 : vector<16xf32>
            %swap3A_684 = arith.constant 0 : i32
            %swap3A_685 = arith.index_cast %swap3A_684 : i32 to index
            %swap3A_686 = arith.index_cast %add3A_638 : i32 to index
            %swap3A_687 = arith.constant 32 : index
            %swap3A_688 = tpu.vector_load %arg7[%swap3A_685, %swap3A_686, %swap3A_687] {strides = array<i32>} : memref<2x512x64xf32, #tpu.memory_space<vmem>>, vector<1x1x16xf32>,
            %swap3A_689 = vector.shape_cast %swap3A_688 : vector<1x1x16xf32> to vector<16xf32>
            %swap3A_690 = vector.shape_cast %add3A_683 : vector<16xf32> to vector<1x1x16xf32>
            tpu.vector_store %arg7[%swap3A_685, %swap3A_686, %swap3A_687], %swap3A_690 {strides = array<i32>} : memref<2x512x64xf32, #tpu.memory_space<vmem>>, vector<1x1x16xf32>,
            %get3A_691 = arith.constant 0 : i32
            %get3A_692 = arith.index_cast %get3A_691 : i32 to index
            %get3A_693 = arith.index_cast %add3A_638 : i32 to index
            %get3A_694 = arith.constant 48 : index
            %get3A_695 = tpu.vector_load %arg7[%get3A_692, %get3A_693, %get3A_694] {strides = array<i32>} : memref<2x512x64xf32, #tpu.memory_space<vmem>>, vector<1x1x16xf32>,
            %get3A_696 = vector.shape_cast %get3A_695 : vector<1x1x16xf32> to vector<16xf32>
            %add3A_697 = arith.addf %get3A_696, %get3A_23 : vector<16xf32>
            %swap3A_698 = arith.constant 0 : i32
            %swap3A_699 = arith.index_cast %swap3A_698 : i32 to index
            %swap3A_700 = arith.index_cast %add3A_638 : i32 to index
            %swap3A_701 = arith.constant 48 : index
            %swap3A_702 = tpu.vector_load %arg7[%swap3A_699, %swap3A_700, %swap3A_701] {strides = array<i32>} : memref<2x512x64xf32, #tpu.memory_space<vmem>>, vector<1x1x16xf32>,
            %swap3A_703 = vector.shape_cast %swap3A_702 : vector<1x1x16xf32> to vector<16xf32>
            %swap3A_704 = vector.shape_cast %add3A_697 : vector<16xf32> to vector<1x1x16xf32>
            tpu.vector_store %arg7[%swap3A_699, %swap3A_700, %swap3A_701], %swap3A_704 {strides = array<i32>} : memref<2x512x64xf32, #tpu.memory_space<vmem>>, vector<1x1x16xf32>,
          } else {
          }
          %eq3A_644 = arith.constant 7 : i32
          %eq3A_645 = arith.cmpi eq, %squeeze3A_636, %eq3A_644 : i32
          %convert_element_type3A_646 = arith.extui %eq3A_645 : i1 to i32
          %cond3A_647 = arith.constant 0 : i32
          %cond3A_648 = arith.cmpi ne, %convert_element_type3A_646, %cond3A_647 : i32
          scf.if %cond3A_648 {
            %get3A_650 = arith.constant 0 : i32
            %get3A_651 = arith.index_cast %get3A_650 : i32 to index
            %get3A_652 = arith.index_cast %add3A_638 : i32 to index
            %get3A_653 = arith.constant 0 : index
            %get3A_654 = tpu.vector_load %arg7[%get3A_651, %get3A_652, %get3A_653] {strides = array<i32>} : memref<2x512x64xf32, #tpu.memory_space<vmem>>, vector<1x1x16xf32>,
            %get3A_655 = vector.shape_cast %get3A_654 : vector<1x1x16xf32> to vector<16xf32>
            %add3A_656 = arith.addf %get3A_655, %get3A_28 : vector<16xf32>
            %swap3A = arith.constant 0 : i32
            %swap3A_657 = arith.index_cast %swap3A : i32 to index
            %swap3A_658 = arith.index_cast %add3A_638 : i32 to index
            %swap3A_659 = arith.constant 0 : index
            %swap3A_660 = tpu.vector_load %arg7[%swap3A_657, %swap3A_658, %swap3A_659] {strides = array<i32>} : memref<2x512x64xf32, #tpu.memory_space<vmem>>, vector<1x1x16xf32>,
            %swap3A_661 = vector.shape_cast %swap3A_660 : vector<1x1x16xf32> to vector<16xf32>
            %swap3A_662 = vector.shape_cast %add3A_656 : vector<16xf32> to vector<1x1x16xf32>
            tpu.vector_store %arg7[%swap3A_657, %swap3A_658, %swap3A_659], %swap3A_662 {strides = array<i32>} : memref<2x512x64xf32, #tpu.memory_space<vmem>>, vector<1x1x16xf32>,
            %get3A_663 = arith.constant 0 : i32
            %get3A_664 = arith.index_cast %get3A_663 : i32 to index
            %get3A_665 = arith.index_cast %add3A_638 : i32 to index
            %get3A_666 = arith.constant 16 : index
            %get3A_667 = tpu.vector_load %arg7[%get3A_664, %get3A_665, %get3A_666] {strides = array<i32>} : memref<2x512x64xf32, #tpu.memory_space<vmem>>, vector<1x1x16xf32>,
            %get3A_668 = vector.shape_cast %get3A_667 : vector<1x1x16xf32> to vector<16xf32>
            %add3A_669 = arith.addf %get3A_668, %get3A_33 : vector<16xf32>
            %swap3A_670 = arith.constant 0 : i32
            %swap3A_671 = arith.index_cast %swap3A_670 : i32 to index
            %swap3A_672 = arith.index_cast %add3A_638 : i32 to index
            %swap3A_673 = arith.constant 16 : index
            %swap3A_674 = tpu.vector_load %arg7[%swap3A_671, %swap3A_672, %swap3A_673] {strides = array<i32>} : memref<2x512x64xf32, #tpu.memory_space<vmem>>, vector<1x1x16xf32>,
            %swap3A_675 = vector.shape_cast %swap3A_674 : vector<1x1x16xf32> to vector<16xf32>
            %swap3A_676 = vector.shape_cast %add3A_669 : vector<16xf32> to vector<1x1x16xf32>
            tpu.vector_store %arg7[%swap3A_671, %swap3A_672, %swap3A_673], %swap3A_676 {strides = array<i32>} : memref<2x512x64xf32, #tpu.memory_space<vmem>>, vector<1x1x16xf32>,
            %get3A_677 = arith.constant 0 : i32
            %get3A_678 = arith.index_cast %get3A_677 : i32 to index
            %get3A_679 = arith.index_cast %add3A_638 : i32 to index
            %get3A_680 = arith.constant 32 : index
            %get3A_681 = tpu.vector_load %arg7[%get3A_678, %get3A_679, %get3A_680] {strides = array<i32>} : memref<2x512x64xf32, #tpu.memory_space<vmem>>, vector<1x1x16xf32>,
            %get3A_682 = vector.shape_cast %get3A_681 : vector<1x1x16xf32> to vector<16xf32>
            %add3A_683 = arith.addf %get3A_682, %get3A_38 : vector<16xf32>
            %swap3A_684 = arith.constant 0 : i32
            %swap3A_685 = arith.index_cast %swap3A_684 : i32 to index
            %swap3A_686 = arith.index_cast %add3A_638 : i32 to index
            %swap3A_687 = arith.constant 32 : index
            %swap3A_688 = tpu.vector_load %arg7[%swap3A_685, %swap3A_686, %swap3A_687] {strides = array<i32>} : memref<2x512x64xf32, #tpu.memory_space<vmem>>, vector<1x1x16xf32>,
            %swap3A_689 = vector.shape_cast %swap3A_688 : vector<1x1x16xf32> to vector<16xf32>
            %swap3A_690 = vector.shape_cast %add3A_683 : vector<16xf32> to vector<1x1x16xf32>
            tpu.vector_store %arg7[%swap3A_685, %swap3A_686, %swap3A_687], %swap3A_690 {strides = array<i32>} : memref<2x512x64xf32, #tpu.memory_space<vmem>>, vector<1x1x16xf32>,
            %get3A_691 = arith.constant 0 : i32
            %get3A_692 = arith.index_cast %get3A_691 : i32 to index
            %get3A_693 = arith.index_cast %add3A_638 : i32 to index
            %get3A_694 = arith.constant 48 : index
            %get3A_695 = tpu.vector_load %arg7[%get3A_692, %get3A_693, %get3A_694] {strides = array<i32>} : memref<2x512x64xf32, #tpu.memory_space<vmem>>, vector<1x1x16xf32>,
            %get3A_696 = vector.shape_cast %get3A_695 : vector<1x1x16xf32> to vector<16xf32>
            %add3A_697 = arith.addf %get3A_696, %get3A_43 : vector<16xf32>
            %swap3A_698 = arith.constant 0 : i32
            %swap3A_699 = arith.index_cast %swap3A_698 : i32 to index
            %swap3A_700 = arith.index_cast %add3A_638 : i32 to index
            %swap3A_701 = arith.constant 48 : index
            %swap3A_702 = tpu.vector_load %arg7[%swap3A_699, %swap3A_700, %swap3A_701] {strides = array<i32>} : memref<2x512x64xf32, #tpu.memory_space<vmem>>, vector<1x1x16xf32>,
            %swap3A_703 = vector.shape_cast %swap3A_702 : vector<1x1x16xf32> to vector<16xf32>
            %swap3A_704 = vector.shape_cast %add3A_697 : vector<16xf32> to vector<1x1x16xf32>
            tpu.vector_store %arg7[%swap3A_699, %swap3A_700, %swap3A_701], %swap3A_704 {strides = array<i32>} : memref<2x512x64xf32, #tpu.memory_space<vmem>>, vector<1x1x16xf32>,
          } else {
          }
          %scan3A_649 = arith.constant 0 : i32
          scf.yield %scan3A_649 : i32
        }
        %scan3A_382 = arith.constant 32 : i32
      } else {
      }
      %mul3A_235 = arith.constant 512 : i32
      %mul3A_236 = arith.muli %add3A_114, %mul3A_235 : i32
      %add3A_237 = arith.addi %mul3A_2, %mul3A_236 : i32
      %run_scoped3A = arith.constant 0 : i32
      "tpu.region"() ({
        %run_scoped3A_376 = tpu.sem_alloc : memref<!tpu.dma_semaphore, #tpu.memory_space<semaphore_mem>>
        %dma_start3A_377 = arith.constant 0 : i32
        %dma_start3A_378 = arith.constant 0 : i32
        %dma_start3A_379 = tpu.memref_slice %arg7[%run_scoped3A, %dma_start3A_377, %dma_start3A_378] : memref<2x512x64xf32, #tpu.memory_space<vmem>> -> memref<1x512x64xf32, #tpu.memory_space<vmem>>
        %dma_start3A_380 = tpu.memref_squeeze %dma_start3A_379 : memref<1x512x64xf32, #tpu.memory_space<vmem>> -> memref<512x64xf32, #tpu.memory_space<vmem>>
        %dma_start3A_381 = arith.constant 0 : i32
        %dma_start3A_382 = tpu.memref_slice %arg5[%add3A_237, %dma_start3A_381] : memref<819200x64xf32, #tpu.memory_space<hbm>> -> memref<512x64xf32, #tpu.memory_space<hbm>>
        %dma_start3A_383 = arith.constant 0 : i32
        %dma_start3A_384 = tpu.memref_slice %arg5[%add3A_237, %dma_start3A_383] : memref<819200x64xf32, #tpu.memory_space<hbm>> -> memref<512x64xf32, #tpu.memory_space<hbm>>
        %dma_start3A_385 = arith.constant 0 : i32
        %dma_start3A_386 = arith.constant 0 : i32
        %dma_start3A_387 = tpu.memref_slice %arg7[%run_scoped3A, %dma_start3A_385, %dma_start3A_386] : memref<2x512x64xf32, #tpu.memory_space<vmem>> -> memref<1x512x64xf32, #tpu.memory_space<vmem>>
        %dma_start3A_388 = tpu.memref_squeeze %dma_start3A_387 : memref<1x512x64xf32, #tpu.memory_space<vmem>> -> memref<512x64xf32, #tpu.memory_space<vmem>>
        tpu.enqueue_dma source(%dma_start3A_388 : memref<512x64xf32, #tpu.memory_space<vmem>>) target(%dma_start3A_384 : memref<512x64xf32, #tpu.memory_space<hbm>>) target_semaphore(%run_scoped3A_376 : memref<!tpu.dma_semaphore, #tpu.memory_space<semaphore_mem>>)
        %dma_wait3A_389 = arith.constant 0 : i32
        %dma_wait3A_390 = arith.constant 0 : i32
        %dma_wait3A_391 = tpu.memref_slice %arg7[%run_scoped3A, %dma_wait3A_389, %dma_wait3A_390] : memref<2x512x64xf32, #tpu.memory_space<vmem>> -> memref<1x512x64xf32, #tpu.memory_space<vmem>>
        %dma_wait3A_392 = tpu.memref_squeeze %dma_wait3A_391 : memref<1x512x64xf32, #tpu.memory_space<vmem>> -> memref<512x64xf32, #tpu.memory_space<vmem>>
        %dma_wait3A_393 = arith.constant 0 : i32
        %dma_wait3A_394 = tpu.memref_slice %arg5[%add3A_237, %dma_wait3A_393] : memref<819200x64xf32, #tpu.memory_space<hbm>> -> memref<512x64xf32, #tpu.memory_space<hbm>>
        %dma_wait3A_395 = arith.constant 0 : i32
        %dma_wait3A_396 = tpu.memref_slice %arg5[%add3A_237, %dma_wait3A_395] : memref<819200x64xf32, #tpu.memory_space<hbm>> -> memref<512x64xf32, #tpu.memory_space<hbm>>
        %dma_wait3A_397 = arith.constant 0 : i32
        %dma_wait3A_398 = arith.constant 0 : i32
        %dma_wait3A_399 = tpu.memref_slice %arg7[%run_scoped3A, %dma_wait3A_397, %dma_wait3A_398] : memref<2x512x64xf32, #tpu.memory_space<vmem>> -> memref<1x512x64xf32, #tpu.memory_space<vmem>>
        %dma_wait3A_400 = tpu.memref_squeeze %dma_wait3A_399 : memref<1x512x64xf32, #tpu.memory_space<vmem>> -> memref<512x64xf32, #tpu.memory_space<vmem>>
        tpu.wait_dma2 semaphore(%run_scoped3A_376 : memref<!tpu.dma_semaphore, #tpu.memory_space<semaphore_mem>>) src(%dma_wait3A_400 : memref<512x64xf32, #tpu.memory_space<vmem>>) dst(%dma_wait3A_396 : memref<512x64xf32, #tpu.memory_space<hbm>>)
        tpu.yield
      }) : () -> ()
      %mul3A_238 = arith.constant 2 : i32
      %mul3A_239 = arith.muli %mul3A_238, %scan3A_109 : i32
      %add3A_240 = arith.constant 1 : i32
      %add3A_241 = arith.addi %mul3A_239, %add3A_240 : i32
      %add3A_242 = arith.constant 1 : i32
      %add3A_243 = arith.addi %add3A_241, %add3A_242 : i32
      %lt3A_244 = arith.constant 50 : i32
      %lt3A_245 = arith.cmpi slt, %add3A_243, %lt3A_244 : i32
      %convert_element_type3A_246 = arith.extui %lt3A_245 : i1 to i32
      %cond3A_247 = arith.constant 0 : i32
      %cond3A_248 = arith.cmpi ne, %convert_element_type3A_246, %cond3A_247 : i32
      scf.if %cond3A_248 {
        %add3A_376 = arith.constant 1 : i32
        %add3A_377 = arith.addi %add3A_241, %add3A_376 : i32
        %mul3A_378 = arith.constant 4 : i32
        %mul3A_379 = arith.muli %add3A_377, %mul3A_378 : i32
        %add3A_380 = arith.constant 0 : i32
        %add3A_381 = arith.addi %mul3A_379, %add3A_380 : i32
        %dma_start3A_382 = arith.constant 0 : i32
        %dma_start3A_383 = arith.constant 0 : i32
        %dma_start3A_384 = arith.constant 0 : i32
        %dma_start3A_385 = tpu.memref_slice %arg7[%dma_start3A_382, %dma_start3A_383, %dma_start3A_384] : memref<2x512x64xf32, #tpu.memory_space<vmem>> -> memref<1x512x64xf32, #tpu.memory_space<vmem>>
        %dma_start3A_386 = tpu.memref_squeeze %dma_start3A_385 : memref<1x512x64xf32, #tpu.memory_space<vmem>> -> memref<512x64xf32, #tpu.memory_space<vmem>>
        %dma_start3A_387 = arith.constant 0 : i32
        %dma_start3A_388 = arith.constant 0 : i32
        %dma_start3A_389 = tpu.memref_slice %dma_start3A_386[%dma_start3A_387, %dma_start3A_388] : memref<512x64xf32, #tpu.memory_space<vmem>> -> memref<128x64xf32, #tpu.memory_space<vmem>>
        %dma_start3A_390 = arith.constant 0 : i32
        %dma_start3A_391 = tpu.memref_slice %arg6[%add3A_381, %dma_start3A_390] : memref<200x128xi32, #tpu.memory_space<vmem>> -> memref<1x128xi32, #tpu.memory_space<vmem>>
        %dma_start3A_392 = tpu.memref_squeeze %dma_start3A_391 : memref<1x128xi32, #tpu.memory_space<vmem>> -> memref<128xi32, #tpu.memory_space<vmem>>
        %dma_start3A_393 = arith.constant 0 : i32
        %dma_start3A_394 = arith.constant 0 : i32
        %dma_start3A_395 = tpu.memref_slice %arg3[%dma_start3A_393, %dma_start3A_394] : memref<1000000x64xf32, #tpu.memory_space<hbm>> -> memref<1000000x64xf32, #tpu.memory_space<hbm>>
        tpu.enqueue_indirect_dma source(%dma_start3A_395 : memref<1000000x64xf32, #tpu.memory_space<hbm>>) target(%dma_start3A_389 : memref<128x64xf32, #tpu.memory_space<vmem>>) offsets(%dma_start3A_392 : memref<128xi32, #tpu.memory_space<vmem>>) semaphore(%arg9 : memref<!tpu.dma_semaphore, #tpu.memory_space<semaphore_mem>>)
        %add3A_396 = arith.constant 1 : i32
        %add3A_397 = arith.addi %mul3A_379, %add3A_396 : i32
        %dma_start3A_398 = arith.constant 0 : i32
        %dma_start3A_399 = arith.constant 0 : i32
        %dma_start3A_400 = arith.constant 0 : i32
        %dma_start3A_401 = tpu.memref_slice %arg7[%dma_start3A_398, %dma_start3A_399, %dma_start3A_400] : memref<2x512x64xf32, #tpu.memory_space<vmem>> -> memref<1x512x64xf32, #tpu.memory_space<vmem>>
        %dma_start3A_402 = tpu.memref_squeeze %dma_start3A_401 : memref<1x512x64xf32, #tpu.memory_space<vmem>> -> memref<512x64xf32, #tpu.memory_space<vmem>>
        %dma_start3A_403 = arith.constant 128 : i32
        %dma_start3A_404 = arith.constant 0 : i32
        %dma_start3A_405 = tpu.memref_slice %dma_start3A_402[%dma_start3A_403, %dma_start3A_404] : memref<512x64xf32, #tpu.memory_space<vmem>> -> memref<128x64xf32, #tpu.memory_space<vmem>>
        %dma_start3A_406 = arith.constant 0 : i32
        %dma_start3A_407 = tpu.memref_slice %arg6[%add3A_397, %dma_start3A_406] : memref<200x128xi32, #tpu.memory_space<vmem>> -> memref<1x128xi32, #tpu.memory_space<vmem>>
        %dma_start3A_408 = tpu.memref_squeeze %dma_start3A_407 : memref<1x128xi32, #tpu.memory_space<vmem>> -> memref<128xi32, #tpu.memory_space<vmem>>
        %dma_start3A_409 = arith.constant 0 : i32
        %dma_start3A_410 = arith.constant 0 : i32
        %dma_start3A_411 = tpu.memref_slice %arg3[%dma_start3A_409, %dma_start3A_410] : memref<1000000x64xf32, #tpu.memory_space<hbm>> -> memref<1000000x64xf32, #tpu.memory_space<hbm>>
        tpu.enqueue_indirect_dma source(%dma_start3A_411 : memref<1000000x64xf32, #tpu.memory_space<hbm>>) target(%dma_start3A_405 : memref<128x64xf32, #tpu.memory_space<vmem>>) offsets(%dma_start3A_408 : memref<128xi32, #tpu.memory_space<vmem>>) semaphore(%arg9 : memref<!tpu.dma_semaphore, #tpu.memory_space<semaphore_mem>>)
        %add3A_412 = arith.constant 2 : i32
        %add3A_413 = arith.addi %mul3A_379, %add3A_412 : i32
        %dma_start3A_414 = arith.constant 0 : i32
        %dma_start3A_415 = arith.constant 0 : i32
        %dma_start3A_416 = arith.constant 0 : i32
        %dma_start3A_417 = tpu.memref_slice %arg7[%dma_start3A_414, %dma_start3A_415, %dma_start3A_416] : memref<2x512x64xf32, #tpu.memory_space<vmem>> -> memref<1x512x64xf32, #tpu.memory_space<vmem>>
        %dma_start3A_418 = tpu.memref_squeeze %dma_start3A_417 : memref<1x512x64xf32, #tpu.memory_space<vmem>> -> memref<512x64xf32, #tpu.memory_space<vmem>>
        %dma_start3A_419 = arith.constant 256 : i32
        %dma_start3A_420 = arith.constant 0 : i32
        %dma_start3A_421 = tpu.memref_slice %dma_start3A_418[%dma_start3A_419, %dma_start3A_420] : memref<512x64xf32, #tpu.memory_space<vmem>> -> memref<128x64xf32, #tpu.memory_space<vmem>>
        %dma_start3A_422 = arith.constant 0 : i32
        %dma_start3A_423 = tpu.memref_slice %arg6[%add3A_413, %dma_start3A_422] : memref<200x128xi32, #tpu.memory_space<vmem>> -> memref<1x128xi32, #tpu.memory_space<vmem>>
        %dma_start3A_424 = tpu.memref_squeeze %dma_start3A_423 : memref<1x128xi32, #tpu.memory_space<vmem>> -> memref<128xi32, #tpu.memory_space<vmem>>
        %dma_start3A_425 = arith.constant 0 : i32
        %dma_start3A_426 = arith.constant 0 : i32
        %dma_start3A_427 = tpu.memref_slice %arg3[%dma_start3A_425, %dma_start3A_426] : memref<1000000x64xf32, #tpu.memory_space<hbm>> -> memref<1000000x64xf32, #tpu.memory_space<hbm>>
        tpu.enqueue_indirect_dma source(%dma_start3A_427 : memref<1000000x64xf32, #tpu.memory_space<hbm>>) target(%dma_start3A_421 : memref<128x64xf32, #tpu.memory_space<vmem>>) offsets(%dma_start3A_424 : memref<128xi32, #tpu.memory_space<vmem>>) semaphore(%arg9 : memref<!tpu.dma_semaphore, #tpu.memory_space<semaphore_mem>>)
        %add3A_428 = arith.constant 3 : i32
        %add3A_429 = arith.addi %mul3A_379, %add3A_428 : i32
        %dma_start3A_430 = arith.constant 0 : i32
        %dma_start3A_431 = arith.constant 0 : i32
        %dma_start3A_432 = arith.constant 0 : i32
        %dma_start3A_433 = tpu.memref_slice %arg7[%dma_start3A_430, %dma_start3A_431, %dma_start3A_432] : memref<2x512x64xf32, #tpu.memory_space<vmem>> -> memref<1x512x64xf32, #tpu.memory_space<vmem>>
        %dma_start3A_434 = tpu.memref_squeeze %dma_start3A_433 : memref<1x512x64xf32, #tpu.memory_space<vmem>> -> memref<512x64xf32, #tpu.memory_space<vmem>>
        %dma_start3A_435 = arith.constant 384 : i32
        %dma_start3A_436 = arith.constant 0 : i32
        %dma_start3A_437 = tpu.memref_slice %dma_start3A_434[%dma_start3A_435, %dma_start3A_436] : memref<512x64xf32, #tpu.memory_space<vmem>> -> memref<128x64xf32, #tpu.memory_space<vmem>>
        %dma_start3A_438 = arith.constant 0 : i32
        %dma_start3A_439 = tpu.memref_slice %arg6[%add3A_429, %dma_start3A_438] : memref<200x128xi32, #tpu.memory_space<vmem>> -> memref<1x128xi32, #tpu.memory_space<vmem>>
        %dma_start3A_440 = tpu.memref_squeeze %dma_start3A_439 : memref<1x128xi32, #tpu.memory_space<vmem>> -> memref<128xi32, #tpu.memory_space<vmem>>
        %dma_start3A_441 = arith.constant 0 : i32
        %dma_start3A_442 = arith.constant 0 : i32
        %dma_start3A_443 = tpu.memref_slice %arg3[%dma_start3A_441, %dma_start3A_442] : memref<1000000x64xf32, #tpu.memory_space<hbm>> -> memref<1000000x64xf32, #tpu.memory_space<hbm>>
        tpu.enqueue_indirect_dma source(%dma_start3A_443 : memref<1000000x64xf32, #tpu.memory_space<hbm>>) target(%dma_start3A_437 : memref<128x64xf32, #tpu.memory_space<vmem>>) offsets(%dma_start3A_440 : memref<128xi32, #tpu.memory_space<vmem>>) semaphore(%arg9 : memref<!tpu.dma_semaphore, #tpu.memory_space<semaphore_mem>>)
      } else {
      }
      %dma_wait3A_249 = arith.constant 0 : i32
      %dma_wait3A_250 = arith.constant 1 : i32
      %dma_wait3A_251 = arith.constant 0 : i32
      %dma_wait3A_252 = arith.constant 0 : i32
      %dma_wait3A_253 = tpu.memref_slice %arg7[%dma_wait3A_250, %dma_wait3A_251, %dma_wait3A_252] : memref<2x512x64xf32, #tpu.memory_space<vmem>> -> memref<1x512x64xf32, #tpu.memory_space<vmem>>
      %dma_wait3A_254 = tpu.memref_squeeze %dma_wait3A_253 : memref<1x512x64xf32, #tpu.memory_space<vmem>> -> memref<512x64xf32, #tpu.memory_space<vmem>>
      %dma_wait3A_255 = arith.constant 0 : i32
      %dma_wait3A_256 = arith.constant 0 : i32
      %dma_wait3A_257 = tpu.memref_slice %dma_wait3A_254[%dma_wait3A_255, %dma_wait3A_256] : memref<512x64xf32, #tpu.memory_space<vmem>> -> memref<128x64xf32, #tpu.memory_space<vmem>>
      %dma_wait3A_258 = arith.constant 0 : i32
      %dma_wait3A_259 = tpu.memref_slice %arg6[%dma_wait3A_249, %dma_wait3A_258] : memref<200x128xi32, #tpu.memory_space<vmem>> -> memref<1x128xi32, #tpu.memory_space<vmem>>
      %dma_wait3A_260 = tpu.memref_squeeze %dma_wait3A_259 : memref<1x128xi32, #tpu.memory_space<vmem>> -> memref<128xi32, #tpu.memory_space<vmem>>
      %dma_wait3A_261 = arith.constant 0 : i32
      %dma_wait3A_262 = arith.constant 0 : i32
      %dma_wait3A_263 = tpu.memref_slice %arg3[%dma_wait3A_261, %dma_wait3A_262] : memref<1000000x64xf32, #tpu.memory_space<hbm>> -> memref<1000000x64xf32, #tpu.memory_space<hbm>>
      tpu.wait_indirect_dma semaphore(%arg10 : memref<!tpu.dma_semaphore, #tpu.memory_space<semaphore_mem>>) src(%dma_wait3A_263 : memref<1000000x64xf32, #tpu.memory_space<hbm>>) dst(%dma_wait3A_257 : memref<128x64xf32, #tpu.memory_space<vmem>>)
      %dma_wait3A_264 = arith.constant 1 : i32
      %dma_wait3A_265 = arith.constant 1 : i32
      %dma_wait3A_266 = arith.constant 0 : i32
      %dma_wait3A_267 = arith.constant 0 : i32
      %dma_wait3A_268 = tpu.memref_slice %arg7[%dma_wait3A_265, %dma_wait3A_266, %dma_wait3A_267] : memref<2x512x64xf32, #tpu.memory_space<vmem>> -> memref<1x512x64xf32, #tpu.memory_space<vmem>>
      %dma_wait3A_269 = tpu.memref_squeeze %dma_wait3A_268 : memref<1x512x64xf32, #tpu.memory_space<vmem>> -> memref<512x64xf32, #tpu.memory_space<vmem>>
      %dma_wait3A_270 = arith.constant 128 : i32
      %dma_wait3A_271 = arith.constant 0 : i32
      %dma_wait3A_272 = tpu.memref_slice %dma_wait3A_269[%dma_wait3A_270, %dma_wait3A_271] : memref<512x64xf32, #tpu.memory_space<vmem>> -> memref<128x64xf32, #tpu.memory_space<vmem>>
      %dma_wait3A_273 = arith.constant 0 : i32
      %dma_wait3A_274 = tpu.memref_slice %arg6[%dma_wait3A_264, %dma_wait3A_273] : memref<200x128xi32, #tpu.memory_space<vmem>> -> memref<1x128xi32, #tpu.memory_space<vmem>>
      %dma_wait3A_275 = tpu.memref_squeeze %dma_wait3A_274 : memref<1x128xi32, #tpu.memory_space<vmem>> -> memref<128xi32, #tpu.memory_space<vmem>>
      %dma_wait3A_276 = arith.constant 0 : i32
      %dma_wait3A_277 = arith.constant 0 : i32
      %dma_wait3A_278 = tpu.memref_slice %arg3[%dma_wait3A_276, %dma_wait3A_277] : memref<1000000x64xf32, #tpu.memory_space<hbm>> -> memref<1000000x64xf32, #tpu.memory_space<hbm>>
      tpu.wait_indirect_dma semaphore(%arg10 : memref<!tpu.dma_semaphore, #tpu.memory_space<semaphore_mem>>) src(%dma_wait3A_278 : memref<1000000x64xf32, #tpu.memory_space<hbm>>) dst(%dma_wait3A_272 : memref<128x64xf32, #tpu.memory_space<vmem>>)
      %dma_wait3A_279 = arith.constant 2 : i32
      %dma_wait3A_280 = arith.constant 1 : i32
      %dma_wait3A_281 = arith.constant 0 : i32
      %dma_wait3A_282 = arith.constant 0 : i32
      %dma_wait3A_283 = tpu.memref_slice %arg7[%dma_wait3A_280, %dma_wait3A_281, %dma_wait3A_282] : memref<2x512x64xf32, #tpu.memory_space<vmem>> -> memref<1x512x64xf32, #tpu.memory_space<vmem>>
      %dma_wait3A_284 = tpu.memref_squeeze %dma_wait3A_283 : memref<1x512x64xf32, #tpu.memory_space<vmem>> -> memref<512x64xf32, #tpu.memory_space<vmem>>
      %dma_wait3A_285 = arith.constant 256 : i32
      %dma_wait3A_286 = arith.constant 0 : i32
      %dma_wait3A_287 = tpu.memref_slice %dma_wait3A_284[%dma_wait3A_285, %dma_wait3A_286] : memref<512x64xf32, #tpu.memory_space<vmem>> -> memref<128x64xf32, #tpu.memory_space<vmem>>
      %dma_wait3A_288 = arith.constant 0 : i32
      %dma_wait3A_289 = tpu.memref_slice %arg6[%dma_wait3A_279, %dma_wait3A_288] : memref<200x128xi32, #tpu.memory_space<vmem>> -> memref<1x128xi32, #tpu.memory_space<vmem>>
      %dma_wait3A_290 = tpu.memref_squeeze %dma_wait3A_289 : memref<1x128xi32, #tpu.memory_space<vmem>> -> memref<128xi32, #tpu.memory_space<vmem>>
      %dma_wait3A_291 = arith.constant 0 : i32
      %dma_wait3A_292 = arith.constant 0 : i32
      %dma_wait3A_293 = tpu.memref_slice %arg3[%dma_wait3A_291, %dma_wait3A_292] : memref<1000000x64xf32, #tpu.memory_space<hbm>> -> memref<1000000x64xf32, #tpu.memory_space<hbm>>
      tpu.wait_indirect_dma semaphore(%arg10 : memref<!tpu.dma_semaphore, #tpu.memory_space<semaphore_mem>>) src(%dma_wait3A_293 : memref<1000000x64xf32, #tpu.memory_space<hbm>>) dst(%dma_wait3A_287 : memref<128x64xf32, #tpu.memory_space<vmem>>)
      %dma_wait3A_294 = arith.constant 3 : i32
      %dma_wait3A_295 = arith.constant 1 : i32
      %dma_wait3A_296 = arith.constant 0 : i32
      %dma_wait3A_297 = arith.constant 0 : i32
      %dma_wait3A_298 = tpu.memref_slice %arg7[%dma_wait3A_295, %dma_wait3A_296, %dma_wait3A_297] : memref<2x512x64xf32, #tpu.memory_space<vmem>> -> memref<1x512x64xf32, #tpu.memory_space<vmem>>
      %dma_wait3A_299 = tpu.memref_squeeze %dma_wait3A_298 : memref<1x512x64xf32, #tpu.memory_space<vmem>> -> memref<512x64xf32, #tpu.memory_space<vmem>>
      %dma_wait3A_300 = arith.constant 384 : i32
      %dma_wait3A_301 = arith.constant 0 : i32
      %dma_wait3A_302 = tpu.memref_slice %dma_wait3A_299[%dma_wait3A_300, %dma_wait3A_301] : memref<512x64xf32, #tpu.memory_space<vmem>> -> memref<128x64xf32, #tpu.memory_space<vmem>>
      %dma_wait3A_303 = arith.constant 0 : i32
      %dma_wait3A_304 = tpu.memref_slice %arg6[%dma_wait3A_294, %dma_wait3A_303] : memref<200x128xi32, #tpu.memory_space<vmem>> -> memref<1x128xi32, #tpu.memory_space<vmem>>
      %dma_wait3A_305 = tpu.memref_squeeze %dma_wait3A_304 : memref<1x128xi32, #tpu.memory_space<vmem>> -> memref<128xi32, #tpu.memory_space<vmem>>
      %dma_wait3A_306 = arith.constant 0 : i32
      %dma_wait3A_307 = arith.constant 0 : i32
      %dma_wait3A_308 = tpu.memref_slice %arg3[%dma_wait3A_306, %dma_wait3A_307] : memref<1000000x64xf32, #tpu.memory_space<hbm>> -> memref<1000000x64xf32, #tpu.memory_space<hbm>>
      tpu.wait_indirect_dma semaphore(%arg10 : memref<!tpu.dma_semaphore, #tpu.memory_space<semaphore_mem>>) src(%dma_wait3A_308 : memref<1000000x64xf32, #tpu.memory_space<hbm>>) dst(%dma_wait3A_302 : memref<128x64xf32, #tpu.memory_space<vmem>>)
      %mul3A_309 = arith.constant 4 : i32
      %mul3A_310 = arith.muli %add3A_241, %mul3A_309 : i32
      %broadcast_in_dim3A_311 = arith.constant 0 : i32
      %broadcast_in_dim3A_312 = vector.broadcast %broadcast_in_dim3A_311 : i32 to vector<16xi32>
      %scan3A_313 = arith.constant 0 : i32
      %scan3A_314 = arith.constant 32 : i32
      %scan3A_315 = arith.addi %scan3A_313, %scan3A_314 : i32
      %scan3A_316 = arith.constant 1 : i32
      %scan3A_317 = scf.for %scan3A_376 = %scan3A_313 to %scan3A_315 step %scan3A_316 iter_args(%scan3A_377 = %broadcast_in_dim3A_312) -> (vector<16xi32>)  : i32 {
        %jit3A = arith.constant 8 : i32
        %div3A = arith.divsi %scan3A_376, %jit3A : i32
        %sign3A = arith.constant 0 : i32
        %sign3A_378 = arith.cmpi sgt, %scan3A_376, %sign3A : i32
        %sign3A_379 = arith.extui %sign3A_378 : i1 to i32
        %sign3A_380 = arith.constant 0 : i32
        %sign3A_381 = arith.cmpi slt, %scan3A_376, %sign3A_380 : i32
        %sign3A_382 = arith.extui %sign3A_381 : i1 to i32
        %sign3A_383 = arith.subi %sign3A_379, %sign3A_382 : i32
        %sign3A_384 = arith.constant 0 : i32
        %sign3A_385 = arith.cmpi sgt, %jit3A, %sign3A_384 : i32
        %sign3A_386 = arith.extui %sign3A_385 : i1 to i32
        %sign3A_387 = arith.constant 0 : i32
        %sign3A_388 = arith.cmpi slt, %jit3A, %sign3A_387 : i32
        %sign3A_389 = arith.extui %sign3A_388 : i1 to i32
        %sign3A_390 = arith.subi %sign3A_386, %sign3A_389 : i32
        %ne3A = arith.cmpi ne, %sign3A_383, %sign3A_390 : i32
        %rem3A = arith.remsi %scan3A_376, %jit3A : i32
        %ne3A_391 = arith.constant 0 : i32
        %ne3A_392 = arith.cmpi ne, %rem3A, %ne3A_391 : i32
        %and3A = arith.andi %ne3A, %ne3A_392 : i1
        %sub3A = arith.constant 1 : i32
        %sub3A_393 = arith.subi %div3A, %sub3A : i32
        %select_n3A = arith.select %and3A, %sub3A_393, %div3A : i32
        %add3A_394 = arith.addi %mul3A_310, %select_n3A : i32
        %jit3A_395 = arith.constant 8 : i32
        %eq3A = arith.constant 0 : i32
        %eq3A_396 = arith.cmpi eq, %jit3A_395, %eq3A : i32
        %jit3A_397 = arith.constant 1 : i32
        %select_n3A_398 = arith.select %eq3A_396, %jit3A_397, %jit3A_395 : i32
        %rem3A_399 = arith.remsi %scan3A_376, %select_n3A_398 : i32
        %ne3A_400 = arith.constant 0 : i32
        %ne3A_401 = arith.cmpi ne, %rem3A_399, %ne3A_400 : i32
        %lt3A_402 = arith.constant 0 : i32
        %lt3A_403 = arith.cmpi slt, %rem3A_399, %lt3A_402 : i32
        %lt3A_404 = arith.constant 0 : i32
        %lt3A_405 = arith.cmpi slt, %select_n3A_398, %lt3A_404 : i32
        %ne3A_406 = arith.xori %lt3A_403, %lt3A_405 : i1
        %and3A_407 = arith.andi %ne3A_406, %ne3A_401 : i1
        %add3A_408 = arith.addi %rem3A_399, %select_n3A_398 : i32
        %select_n3A_409 = arith.select %and3A_407, %add3A_408, %rem3A_399 : i32
        %mul3A_410 = arith.constant 16 : i32
        %mul3A_411 = arith.muli %select_n3A_409, %mul3A_410 : i32
        %get3A_412 = arith.index_cast %add3A_394 : i32 to index
        %get3A_413 = arith.index_cast %mul3A_411 : i32 to index
        %get3A_414 = tpu.vector_load %arg6[%get3A_412, %get3A_413] {strides = array<i32>} : memref<200x128xi32, #tpu.memory_space<vmem>>, vector<1x16xi32>,
        %get3A_415 = vector.shape_cast %get3A_414 : vector<1x16xi32> to vector<16xi32>
        %eq3A_416 = arith.constant 5 : i32
        %eq3A_417 = vector.broadcast %eq3A_416 : i32 to vector<16xi32>
        %eq3A_418 = arith.cmpi eq, %get3A_415, %eq3A_417 : vector<16xi32>
        %eq3A_419 = arith.constant 7 : i32
        %eq3A_420 = vector.broadcast %eq3A_419 : i32 to vector<16xi32>
        %eq3A_421 = arith.cmpi eq, %get3A_415, %eq3A_420 : vector<16xi32>
        %or3A_422 = arith.ori %eq3A_418, %eq3A_421 : vector<16xi1>
        %jit3A_423 = arith.constant 1 : i32
        %jit3A_424 = arith.constant 0 : i32
        %broadcast_in_dim3A_425 = vector.broadcast %jit3A_423 : i32 to vector<16xi32>
        %broadcast_in_dim3A_426 = vector.broadcast %jit3A_424 : i32 to vector<16xi32>
        %select_n3A_427 = arith.select %or3A_422, %broadcast_in_dim3A_425, %broadcast_in_dim3A_426 : vector<16xi1>, vector<16xi32>
        %or3A_428 = arith.ori %scan3A_377, %select_n3A_427 : vector<16xi32>
        scf.yield %or3A_428 : vector<16xi32>
      }
      %scan3A_318 = arith.constant 32 : i32
      %slice3A_319 = vector.extract_strided_slice %scan3A_317 {offsets = [0], sizes = [1], strides = [1]} : vector<16xi32> to vector<1xi32>
      %squeeze3A_320 = vector.extract %slice3A_319[0] : i32 from vector<1xi32>
      %slice3A_321 = vector.extract_strided_slice %scan3A_317 {offsets = [1], sizes = [1], strides = [1]} : vector<16xi32> to vector<1xi32>
      %squeeze3A_322 = vector.extract %slice3A_321[0] : i32 from vector<1xi32>
      %slice3A_323 = vector.extract_strided_slice %scan3A_317 {offsets = [2], sizes = [1], strides = [1]} : vector<16xi32> to vector<1xi32>
      %squeeze3A_324 = vector.extract %slice3A_323[0] : i32 from vector<1xi32>
      %slice3A_325 = vector.extract_strided_slice %scan3A_317 {offsets = [3], sizes = [1], strides = [1]} : vector<16xi32> to vector<1xi32>
      %squeeze3A_326 = vector.extract %slice3A_325[0] : i32 from vector<1xi32>
      %slice3A_327 = vector.extract_strided_slice %scan3A_317 {offsets = [4], sizes = [1], strides = [1]} : vector<16xi32> to vector<1xi32>
      %squeeze3A_328 = vector.extract %slice3A_327[0] : i32 from vector<1xi32>
      %slice3A_329 = vector.extract_strided_slice %scan3A_317 {offsets = [5], sizes = [1], strides = [1]} : vector<16xi32> to vector<1xi32>
      %squeeze3A_330 = vector.extract %slice3A_329[0] : i32 from vector<1xi32>
      %slice3A_331 = vector.extract_strided_slice %scan3A_317 {offsets = [6], sizes = [1], strides = [1]} : vector<16xi32> to vector<1xi32>
      %squeeze3A_332 = vector.extract %slice3A_331[0] : i32 from vector<1xi32>
      %slice3A_333 = vector.extract_strided_slice %scan3A_317 {offsets = [7], sizes = [1], strides = [1]} : vector<16xi32> to vector<1xi32>
      %squeeze3A_334 = vector.extract %slice3A_333[0] : i32 from vector<1xi32>
      %slice3A_335 = vector.extract_strided_slice %scan3A_317 {offsets = [8], sizes = [1], strides = [1]} : vector<16xi32> to vector<1xi32>
      %squeeze3A_336 = vector.extract %slice3A_335[0] : i32 from vector<1xi32>
      %slice3A_337 = vector.extract_strided_slice %scan3A_317 {offsets = [9], sizes = [1], strides = [1]} : vector<16xi32> to vector<1xi32>
      %squeeze3A_338 = vector.extract %slice3A_337[0] : i32 from vector<1xi32>
      %slice3A_339 = vector.extract_strided_slice %scan3A_317 {offsets = [10], sizes = [1], strides = [1]} : vector<16xi32> to vector<1xi32>
      %squeeze3A_340 = vector.extract %slice3A_339[0] : i32 from vector<1xi32>
      %slice3A_341 = vector.extract_strided_slice %scan3A_317 {offsets = [11], sizes = [1], strides = [1]} : vector<16xi32> to vector<1xi32>
      %squeeze3A_342 = vector.extract %slice3A_341[0] : i32 from vector<1xi32>
      %slice3A_343 = vector.extract_strided_slice %scan3A_317 {offsets = [12], sizes = [1], strides = [1]} : vector<16xi32> to vector<1xi32>
      %squeeze3A_344 = vector.extract %slice3A_343[0] : i32 from vector<1xi32>
      %slice3A_345 = vector.extract_strided_slice %scan3A_317 {offsets = [13], sizes = [1], strides = [1]} : vector<16xi32> to vector<1xi32>
      %squeeze3A_346 = vector.extract %slice3A_345[0] : i32 from vector<1xi32>
      %slice3A_347 = vector.extract_strided_slice %scan3A_317 {offsets = [14], sizes = [1], strides = [1]} : vector<16xi32> to vector<1xi32>
      %squeeze3A_348 = vector.extract %slice3A_347[0] : i32 from vector<1xi32>
      %slice3A_349 = vector.extract_strided_slice %scan3A_317 {offsets = [15], sizes = [1], strides = [1]} : vector<16xi32> to vector<1xi32>
      %squeeze3A_350 = vector.extract %slice3A_349[0] : i32 from vector<1xi32>
      %or3A_351 = arith.ori %squeeze3A_320, %squeeze3A_322 : i32
      %or3A_352 = arith.ori %or3A_351, %squeeze3A_324 : i32
      %or3A_353 = arith.ori %or3A_352, %squeeze3A_326 : i32
      %or3A_354 = arith.ori %or3A_353, %squeeze3A_328 : i32
      %or3A_355 = arith.ori %or3A_354, %squeeze3A_330 : i32
      %or3A_356 = arith.ori %or3A_355, %squeeze3A_332 : i32
      %or3A_357 = arith.ori %or3A_356, %squeeze3A_334 : i32
      %or3A_358 = arith.ori %or3A_357, %squeeze3A_336 : i32
      %or3A_359 = arith.ori %or3A_358, %squeeze3A_338 : i32
      %or3A_360 = arith.ori %or3A_359, %squeeze3A_340 : i32
      %or3A_361 = arith.ori %or3A_360, %squeeze3A_342 : i32
      %or3A_362 = arith.ori %or3A_361, %squeeze3A_344 : i32
      %or3A_363 = arith.ori %or3A_362, %squeeze3A_346 : i32
      %or3A_364 = arith.ori %or3A_363, %squeeze3A_348 : i32
      %or3A_365 = arith.ori %or3A_364, %squeeze3A_350 : i32
      %gt3A_366 = arith.constant 0 : i32
      %gt3A_367 = arith.cmpi sgt, %or3A_365, %gt3A_366 : i32
      %convert_element_type3A_368 = arith.extui %gt3A_367 : i1 to i32
      %cond3A_369 = arith.constant 0 : i32
      %cond3A_370 = arith.cmpi ne, %convert_element_type3A_368, %cond3A_369 : i32
      scf.if %cond3A_370 {
        %scan3A_376 = arith.constant 0 : i32
        %scan3A_377 = arith.constant 0 : i32
        %scan3A_378 = arith.constant 32 : i32
        %scan3A_379 = arith.addi %scan3A_377, %scan3A_378 : i32
        %scan3A_380 = arith.constant 1 : i32
        %scan3A_381 = scf.for %scan3A_383 = %scan3A_377 to %scan3A_379 step %scan3A_380 iter_args(%scan3A_384 = %scan3A_376) -> (i32)  : i32 {
          %jit3A = arith.constant 8 : i32
          %div3A = arith.divsi %scan3A_383, %jit3A : i32
          %sign3A = arith.constant 0 : i32
          %sign3A_385 = arith.cmpi sgt, %scan3A_383, %sign3A : i32
          %sign3A_386 = arith.extui %sign3A_385 : i1 to i32
          %sign3A_387 = arith.constant 0 : i32
          %sign3A_388 = arith.cmpi slt, %scan3A_383, %sign3A_387 : i32
          %sign3A_389 = arith.extui %sign3A_388 : i1 to i32
          %sign3A_390 = arith.subi %sign3A_386, %sign3A_389 : i32
          %sign3A_391 = arith.constant 0 : i32
          %sign3A_392 = arith.cmpi sgt, %jit3A, %sign3A_391 : i32
          %sign3A_393 = arith.extui %sign3A_392 : i1 to i32
          %sign3A_394 = arith.constant 0 : i32
          %sign3A_395 = arith.cmpi slt, %jit3A, %sign3A_394 : i32
          %sign3A_396 = arith.extui %sign3A_395 : i1 to i32
          %sign3A_397 = arith.subi %sign3A_393, %sign3A_396 : i32
          %ne3A = arith.cmpi ne, %sign3A_390, %sign3A_397 : i32
          %rem3A = arith.remsi %scan3A_383, %jit3A : i32
          %ne3A_398 = arith.constant 0 : i32
          %ne3A_399 = arith.cmpi ne, %rem3A, %ne3A_398 : i32
          %and3A = arith.andi %ne3A, %ne3A_399 : i1
          %sub3A = arith.constant 1 : i32
          %sub3A_400 = arith.subi %div3A, %sub3A : i32
          %select_n3A = arith.select %and3A, %sub3A_400, %div3A : i32
          %add3A_401 = arith.addi %mul3A_310, %select_n3A : i32
          %jit3A_402 = arith.constant 8 : i32
          %eq3A = arith.constant 0 : i32
          %eq3A_403 = arith.cmpi eq, %jit3A_402, %eq3A : i32
          %jit3A_404 = arith.constant 1 : i32
          %select_n3A_405 = arith.select %eq3A_403, %jit3A_404, %jit3A_402 : i32
          %rem3A_406 = arith.remsi %scan3A_383, %select_n3A_405 : i32
          %ne3A_407 = arith.constant 0 : i32
          %ne3A_408 = arith.cmpi ne, %rem3A_406, %ne3A_407 : i32
          %lt3A_409 = arith.constant 0 : i32
          %lt3A_410 = arith.cmpi slt, %rem3A_406, %lt3A_409 : i32
          %lt3A_411 = arith.constant 0 : i32
          %lt3A_412 = arith.cmpi slt, %select_n3A_405, %lt3A_411 : i32
          %ne3A_413 = arith.xori %lt3A_410, %lt3A_412 : i1
          %and3A_414 = arith.andi %ne3A_413, %ne3A_408 : i1
          %add3A_415 = arith.addi %rem3A_406, %select_n3A_405 : i32
          %select_n3A_416 = arith.select %and3A_414, %add3A_415, %rem3A_406 : i32
          %mul3A_417 = arith.constant 16 : i32
          %mul3A_418 = arith.muli %select_n3A_416, %mul3A_417 : i32
          %get3A_419 = arith.index_cast %add3A_401 : i32 to index
          %get3A_420 = arith.index_cast %mul3A_418 : i32 to index
          %get3A_421 = tpu.vector_load %arg6[%get3A_419, %get3A_420] {strides = array<i32>} : memref<200x128xi32, #tpu.memory_space<vmem>>, vector<1x16xi32>,
          %get3A_422 = vector.shape_cast %get3A_421 : vector<1x16xi32> to vector<16xi32>
          %mul3A_423 = arith.constant 16 : i32
          %mul3A_424 = arith.muli %scan3A_383, %mul3A_423 : i32
          %slice3A_425 = vector.extract_strided_slice %get3A_422 {offsets = [0], sizes = [1], strides = [1]} : vector<16xi32> to vector<1xi32>
          %squeeze3A_426 = vector.extract %slice3A_425[0] : i32 from vector<1xi32>
          %add3A_427 = arith.constant 0 : i32
          %add3A_428 = arith.addi %mul3A_424, %add3A_427 : i32
          %eq3A_429 = arith.constant 5 : i32
          %eq3A_430 = arith.cmpi eq, %squeeze3A_426, %eq3A_429 : i32
          %convert_element_type3A_431 = arith.extui %eq3A_430 : i1 to i32
          %cond3A_432 = arith.constant 0 : i32
          %cond3A_433 = arith.cmpi ne, %convert_element_type3A_431, %cond3A_432 : i32
          scf.if %cond3A_433 {
            %get3A_650 = arith.constant 1 : i32
            %get3A_651 = arith.index_cast %get3A_650 : i32 to index
            %get3A_652 = arith.index_cast %add3A_428 : i32 to index
            %get3A_653 = arith.constant 0 : index
            %get3A_654 = tpu.vector_load %arg7[%get3A_651, %get3A_652, %get3A_653] {strides = array<i32>} : memref<2x512x64xf32, #tpu.memory_space<vmem>>, vector<1x1x16xf32>,
            %get3A_655 = vector.shape_cast %get3A_654 : vector<1x1x16xf32> to vector<16xf32>
            %add3A_656 = arith.addf %get3A_655, %get3A_8 : vector<16xf32>
            %swap3A = arith.constant 1 : i32
            %swap3A_657 = arith.index_cast %swap3A : i32 to index
            %swap3A_658 = arith.index_cast %add3A_428 : i32 to index
            %swap3A_659 = arith.constant 0 : index
            %swap3A_660 = tpu.vector_load %arg7[%swap3A_657, %swap3A_658, %swap3A_659] {strides = array<i32>} : memref<2x512x64xf32, #tpu.memory_space<vmem>>, vector<1x1x16xf32>,
            %swap3A_661 = vector.shape_cast %swap3A_660 : vector<1x1x16xf32> to vector<16xf32>
            %swap3A_662 = vector.shape_cast %add3A_656 : vector<16xf32> to vector<1x1x16xf32>
            tpu.vector_store %arg7[%swap3A_657, %swap3A_658, %swap3A_659], %swap3A_662 {strides = array<i32>} : memref<2x512x64xf32, #tpu.memory_space<vmem>>, vector<1x1x16xf32>,
            %get3A_663 = arith.constant 1 : i32
            %get3A_664 = arith.index_cast %get3A_663 : i32 to index
            %get3A_665 = arith.index_cast %add3A_428 : i32 to index
            %get3A_666 = arith.constant 16 : index
            %get3A_667 = tpu.vector_load %arg7[%get3A_664, %get3A_665, %get3A_666] {strides = array<i32>} : memref<2x512x64xf32, #tpu.memory_space<vmem>>, vector<1x1x16xf32>,
            %get3A_668 = vector.shape_cast %get3A_667 : vector<1x1x16xf32> to vector<16xf32>
            %add3A_669 = arith.addf %get3A_668, %get3A_13 : vector<16xf32>
            %swap3A_670 = arith.constant 1 : i32
            %swap3A_671 = arith.index_cast %swap3A_670 : i32 to index
            %swap3A_672 = arith.index_cast %add3A_428 : i32 to index
            %swap3A_673 = arith.constant 16 : index
            %swap3A_674 = tpu.vector_load %arg7[%swap3A_671, %swap3A_672, %swap3A_673] {strides = array<i32>} : memref<2x512x64xf32, #tpu.memory_space<vmem>>, vector<1x1x16xf32>,
            %swap3A_675 = vector.shape_cast %swap3A_674 : vector<1x1x16xf32> to vector<16xf32>
            %swap3A_676 = vector.shape_cast %add3A_669 : vector<16xf32> to vector<1x1x16xf32>
            tpu.vector_store %arg7[%swap3A_671, %swap3A_672, %swap3A_673], %swap3A_676 {strides = array<i32>} : memref<2x512x64xf32, #tpu.memory_space<vmem>>, vector<1x1x16xf32>,
            %get3A_677 = arith.constant 1 : i32
            %get3A_678 = arith.index_cast %get3A_677 : i32 to index
            %get3A_679 = arith.index_cast %add3A_428 : i32 to index
            %get3A_680 = arith.constant 32 : index
            %get3A_681 = tpu.vector_load %arg7[%get3A_678, %get3A_679, %get3A_680] {strides = array<i32>} : memref<2x512x64xf32, #tpu.memory_space<vmem>>, vector<1x1x16xf32>,
            %get3A_682 = vector.shape_cast %get3A_681 : vector<1x1x16xf32> to vector<16xf32>
            %add3A_683 = arith.addf %get3A_682, %get3A_18 : vector<16xf32>
            %swap3A_684 = arith.constant 1 : i32
            %swap3A_685 = arith.index_cast %swap3A_684 : i32 to index
            %swap3A_686 = arith.index_cast %add3A_428 : i32 to index
            %swap3A_687 = arith.constant 32 : index
            %swap3A_688 = tpu.vector_load %arg7[%swap3A_685, %swap3A_686, %swap3A_687] {strides = array<i32>} : memref<2x512x64xf32, #tpu.memory_space<vmem>>, vector<1x1x16xf32>,
            %swap3A_689 = vector.shape_cast %swap3A_688 : vector<1x1x16xf32> to vector<16xf32>
            %swap3A_690 = vector.shape_cast %add3A_683 : vector<16xf32> to vector<1x1x16xf32>
            tpu.vector_store %arg7[%swap3A_685, %swap3A_686, %swap3A_687], %swap3A_690 {strides = array<i32>} : memref<2x512x64xf32, #tpu.memory_space<vmem>>, vector<1x1x16xf32>,
            %get3A_691 = arith.constant 1 : i32
            %get3A_692 = arith.index_cast %get3A_691 : i32 to index
            %get3A_693 = arith.index_cast %add3A_428 : i32 to index
            %get3A_694 = arith.constant 48 : index
            %get3A_695 = tpu.vector_load %arg7[%get3A_692, %get3A_693, %get3A_694] {strides = array<i32>} : memref<2x512x64xf32, #tpu.memory_space<vmem>>, vector<1x1x16xf32>,
            %get3A_696 = vector.shape_cast %get3A_695 : vector<1x1x16xf32> to vector<16xf32>
            %add3A_697 = arith.addf %get3A_696, %get3A_23 : vector<16xf32>
            %swap3A_698 = arith.constant 1 : i32
            %swap3A_699 = arith.index_cast %swap3A_698 : i32 to index
            %swap3A_700 = arith.index_cast %add3A_428 : i32 to index
            %swap3A_701 = arith.constant 48 : index
            %swap3A_702 = tpu.vector_load %arg7[%swap3A_699, %swap3A_700, %swap3A_701] {strides = array<i32>} : memref<2x512x64xf32, #tpu.memory_space<vmem>>, vector<1x1x16xf32>,
            %swap3A_703 = vector.shape_cast %swap3A_702 : vector<1x1x16xf32> to vector<16xf32>
            %swap3A_704 = vector.shape_cast %add3A_697 : vector<16xf32> to vector<1x1x16xf32>
            tpu.vector_store %arg7[%swap3A_699, %swap3A_700, %swap3A_701], %swap3A_704 {strides = array<i32>} : memref<2x512x64xf32, #tpu.memory_space<vmem>>, vector<1x1x16xf32>,
          } else {
          }
          %eq3A_434 = arith.constant 7 : i32
          %eq3A_435 = arith.cmpi eq, %squeeze3A_426, %eq3A_434 : i32
          %convert_element_type3A_436 = arith.extui %eq3A_435 : i1 to i32
          %cond3A_437 = arith.constant 0 : i32
          %cond3A_438 = arith.cmpi ne, %convert_element_type3A_436, %cond3A_437 : i32
          scf.if %cond3A_438 {
            %get3A_650 = arith.constant 1 : i32
            %get3A_651 = arith.index_cast %get3A_650 : i32 to index
            %get3A_652 = arith.index_cast %add3A_428 : i32 to index
            %get3A_653 = arith.constant 0 : index
            %get3A_654 = tpu.vector_load %arg7[%get3A_651, %get3A_652, %get3A_653] {strides = array<i32>} : memref<2x512x64xf32, #tpu.memory_space<vmem>>, vector<1x1x16xf32>,
            %get3A_655 = vector.shape_cast %get3A_654 : vector<1x1x16xf32> to vector<16xf32>
            %add3A_656 = arith.addf %get3A_655, %get3A_28 : vector<16xf32>
            %swap3A = arith.constant 1 : i32
            %swap3A_657 = arith.index_cast %swap3A : i32 to index
            %swap3A_658 = arith.index_cast %add3A_428 : i32 to index
            %swap3A_659 = arith.constant 0 : index
            %swap3A_660 = tpu.vector_load %arg7[%swap3A_657, %swap3A_658, %swap3A_659] {strides = array<i32>} : memref<2x512x64xf32, #tpu.memory_space<vmem>>, vector<1x1x16xf32>,
            %swap3A_661 = vector.shape_cast %swap3A_660 : vector<1x1x16xf32> to vector<16xf32>
            %swap3A_662 = vector.shape_cast %add3A_656 : vector<16xf32> to vector<1x1x16xf32>
            tpu.vector_store %arg7[%swap3A_657, %swap3A_658, %swap3A_659], %swap3A_662 {strides = array<i32>} : memref<2x512x64xf32, #tpu.memory_space<vmem>>, vector<1x1x16xf32>,
            %get3A_663 = arith.constant 1 : i32
            %get3A_664 = arith.index_cast %get3A_663 : i32 to index
            %get3A_665 = arith.index_cast %add3A_428 : i32 to index
            %get3A_666 = arith.constant 16 : index
            %get3A_667 = tpu.vector_load %arg7[%get3A_664, %get3A_665, %get3A_666] {strides = array<i32>} : memref<2x512x64xf32, #tpu.memory_space<vmem>>, vector<1x1x16xf32>,
            %get3A_668 = vector.shape_cast %get3A_667 : vector<1x1x16xf32> to vector<16xf32>
            %add3A_669 = arith.addf %get3A_668, %get3A_33 : vector<16xf32>
            %swap3A_670 = arith.constant 1 : i32
            %swap3A_671 = arith.index_cast %swap3A_670 : i32 to index
            %swap3A_672 = arith.index_cast %add3A_428 : i32 to index
            %swap3A_673 = arith.constant 16 : index
            %swap3A_674 = tpu.vector_load %arg7[%swap3A_671, %swap3A_672, %swap3A_673] {strides = array<i32>} : memref<2x512x64xf32, #tpu.memory_space<vmem>>, vector<1x1x16xf32>,
            %swap3A_675 = vector.shape_cast %swap3A_674 : vector<1x1x16xf32> to vector<16xf32>
            %swap3A_676 = vector.shape_cast %add3A_669 : vector<16xf32> to vector<1x1x16xf32>
            tpu.vector_store %arg7[%swap3A_671, %swap3A_672, %swap3A_673], %swap3A_676 {strides = array<i32>} : memref<2x512x64xf32, #tpu.memory_space<vmem>>, vector<1x1x16xf32>,
            %get3A_677 = arith.constant 1 : i32
            %get3A_678 = arith.index_cast %get3A_677 : i32 to index
            %get3A_679 = arith.index_cast %add3A_428 : i32 to index
            %get3A_680 = arith.constant 32 : index
            %get3A_681 = tpu.vector_load %arg7[%get3A_678, %get3A_679, %get3A_680] {strides = array<i32>} : memref<2x512x64xf32, #tpu.memory_space<vmem>>, vector<1x1x16xf32>,
            %get3A_682 = vector.shape_cast %get3A_681 : vector<1x1x16xf32> to vector<16xf32>
            %add3A_683 = arith.addf %get3A_682, %get3A_38 : vector<16xf32>
            %swap3A_684 = arith.constant 1 : i32
            %swap3A_685 = arith.index_cast %swap3A_684 : i32 to index
            %swap3A_686 = arith.index_cast %add3A_428 : i32 to index
            %swap3A_687 = arith.constant 32 : index
            %swap3A_688 = tpu.vector_load %arg7[%swap3A_685, %swap3A_686, %swap3A_687] {strides = array<i32>} : memref<2x512x64xf32, #tpu.memory_space<vmem>>, vector<1x1x16xf32>,
            %swap3A_689 = vector.shape_cast %swap3A_688 : vector<1x1x16xf32> to vector<16xf32>
            %swap3A_690 = vector.shape_cast %add3A_683 : vector<16xf32> to vector<1x1x16xf32>
            tpu.vector_store %arg7[%swap3A_685, %swap3A_686, %swap3A_687], %swap3A_690 {strides = array<i32>} : memref<2x512x64xf32, #tpu.memory_space<vmem>>, vector<1x1x16xf32>,
            %get3A_691 = arith.constant 1 : i32
            %get3A_692 = arith.index_cast %get3A_691 : i32 to index
            %get3A_693 = arith.index_cast %add3A_428 : i32 to index
            %get3A_694 = arith.constant 48 : index
            %get3A_695 = tpu.vector_load %arg7[%get3A_692, %get3A_693, %get3A_694] {strides = array<i32>} : memref<2x512x64xf32, #tpu.memory_space<vmem>>, vector<1x1x16xf32>,
            %get3A_696 = vector.shape_cast %get3A_695 : vector<1x1x16xf32> to vector<16xf32>
            %add3A_697 = arith.addf %get3A_696, %get3A_43 : vector<16xf32>
            %swap3A_698 = arith.constant 1 : i32
            %swap3A_699 = arith.index_cast %swap3A_698 : i32 to index
            %swap3A_700 = arith.index_cast %add3A_428 : i32 to index
            %swap3A_701 = arith.constant 48 : index
            %swap3A_702 = tpu.vector_load %arg7[%swap3A_699, %swap3A_700, %swap3A_701] {strides = array<i32>} : memref<2x512x64xf32, #tpu.memory_space<vmem>>, vector<1x1x16xf32>,
            %swap3A_703 = vector.shape_cast %swap3A_702 : vector<1x1x16xf32> to vector<16xf32>
            %swap3A_704 = vector.shape_cast %add3A_697 : vector<16xf32> to vector<1x1x16xf32>
            tpu.vector_store %arg7[%swap3A_699, %swap3A_700, %swap3A_701], %swap3A_704 {strides = array<i32>} : memref<2x512x64xf32, #tpu.memory_space<vmem>>, vector<1x1x16xf32>,
          } else {
          }
          %slice3A_439 = vector.extract_strided_slice %get3A_422 {offsets = [1], sizes = [1], strides = [1]} : vector<16xi32> to vector<1xi32>
          %squeeze3A_440 = vector.extract %slice3A_439[0] : i32 from vector<1xi32>
          %add3A_441 = arith.constant 1 : i32
          %add3A_442 = arith.addi %mul3A_424, %add3A_441 : i32
          %eq3A_443 = arith.constant 5 : i32
          %eq3A_444 = arith.cmpi eq, %squeeze3A_440, %eq3A_443 : i32
          %convert_element_type3A_445 = arith.extui %eq3A_444 : i1 to i32
          %cond3A_446 = arith.constant 0 : i32
          %cond3A_447 = arith.cmpi ne, %convert_element_type3A_445, %cond3A_446 : i32
          scf.if %cond3A_447 {
            %get3A_650 = arith.constant 1 : i32
            %get3A_651 = arith.index_cast %get3A_650 : i32 to index
            %get3A_652 = arith.index_cast %add3A_442 : i32 to index
            %get3A_653 = arith.constant 0 : index
            %get3A_654 = tpu.vector_load %arg7[%get3A_651, %get3A_652, %get3A_653] {strides = array<i32>} : memref<2x512x64xf32, #tpu.memory_space<vmem>>, vector<1x1x16xf32>,
            %get3A_655 = vector.shape_cast %get3A_654 : vector<1x1x16xf32> to vector<16xf32>
            %add3A_656 = arith.addf %get3A_655, %get3A_8 : vector<16xf32>
            %swap3A = arith.constant 1 : i32
            %swap3A_657 = arith.index_cast %swap3A : i32 to index
            %swap3A_658 = arith.index_cast %add3A_442 : i32 to index
            %swap3A_659 = arith.constant 0 : index
            %swap3A_660 = tpu.vector_load %arg7[%swap3A_657, %swap3A_658, %swap3A_659] {strides = array<i32>} : memref<2x512x64xf32, #tpu.memory_space<vmem>>, vector<1x1x16xf32>,
            %swap3A_661 = vector.shape_cast %swap3A_660 : vector<1x1x16xf32> to vector<16xf32>
            %swap3A_662 = vector.shape_cast %add3A_656 : vector<16xf32> to vector<1x1x16xf32>
            tpu.vector_store %arg7[%swap3A_657, %swap3A_658, %swap3A_659], %swap3A_662 {strides = array<i32>} : memref<2x512x64xf32, #tpu.memory_space<vmem>>, vector<1x1x16xf32>,
            %get3A_663 = arith.constant 1 : i32
            %get3A_664 = arith.index_cast %get3A_663 : i32 to index
            %get3A_665 = arith.index_cast %add3A_442 : i32 to index
            %get3A_666 = arith.constant 16 : index
            %get3A_667 = tpu.vector_load %arg7[%get3A_664, %get3A_665, %get3A_666] {strides = array<i32>} : memref<2x512x64xf32, #tpu.memory_space<vmem>>, vector<1x1x16xf32>,
            %get3A_668 = vector.shape_cast %get3A_667 : vector<1x1x16xf32> to vector<16xf32>
            %add3A_669 = arith.addf %get3A_668, %get3A_13 : vector<16xf32>
            %swap3A_670 = arith.constant 1 : i32
            %swap3A_671 = arith.index_cast %swap3A_670 : i32 to index
            %swap3A_672 = arith.index_cast %add3A_442 : i32 to index
            %swap3A_673 = arith.constant 16 : index
            %swap3A_674 = tpu.vector_load %arg7[%swap3A_671, %swap3A_672, %swap3A_673] {strides = array<i32>} : memref<2x512x64xf32, #tpu.memory_space<vmem>>, vector<1x1x16xf32>,
            %swap3A_675 = vector.shape_cast %swap3A_674 : vector<1x1x16xf32> to vector<16xf32>
            %swap3A_676 = vector.shape_cast %add3A_669 : vector<16xf32> to vector<1x1x16xf32>
            tpu.vector_store %arg7[%swap3A_671, %swap3A_672, %swap3A_673], %swap3A_676 {strides = array<i32>} : memref<2x512x64xf32, #tpu.memory_space<vmem>>, vector<1x1x16xf32>,
            %get3A_677 = arith.constant 1 : i32
            %get3A_678 = arith.index_cast %get3A_677 : i32 to index
            %get3A_679 = arith.index_cast %add3A_442 : i32 to index
            %get3A_680 = arith.constant 32 : index
            %get3A_681 = tpu.vector_load %arg7[%get3A_678, %get3A_679, %get3A_680] {strides = array<i32>} : memref<2x512x64xf32, #tpu.memory_space<vmem>>, vector<1x1x16xf32>,
            %get3A_682 = vector.shape_cast %get3A_681 : vector<1x1x16xf32> to vector<16xf32>
            %add3A_683 = arith.addf %get3A_682, %get3A_18 : vector<16xf32>
            %swap3A_684 = arith.constant 1 : i32
            %swap3A_685 = arith.index_cast %swap3A_684 : i32 to index
            %swap3A_686 = arith.index_cast %add3A_442 : i32 to index
            %swap3A_687 = arith.constant 32 : index
            %swap3A_688 = tpu.vector_load %arg7[%swap3A_685, %swap3A_686, %swap3A_687] {strides = array<i32>} : memref<2x512x64xf32, #tpu.memory_space<vmem>>, vector<1x1x16xf32>,
            %swap3A_689 = vector.shape_cast %swap3A_688 : vector<1x1x16xf32> to vector<16xf32>
            %swap3A_690 = vector.shape_cast %add3A_683 : vector<16xf32> to vector<1x1x16xf32>
            tpu.vector_store %arg7[%swap3A_685, %swap3A_686, %swap3A_687], %swap3A_690 {strides = array<i32>} : memref<2x512x64xf32, #tpu.memory_space<vmem>>, vector<1x1x16xf32>,
            %get3A_691 = arith.constant 1 : i32
            %get3A_692 = arith.index_cast %get3A_691 : i32 to index
            %get3A_693 = arith.index_cast %add3A_442 : i32 to index
            %get3A_694 = arith.constant 48 : index
            %get3A_695 = tpu.vector_load %arg7[%get3A_692, %get3A_693, %get3A_694] {strides = array<i32>} : memref<2x512x64xf32, #tpu.memory_space<vmem>>, vector<1x1x16xf32>,
            %get3A_696 = vector.shape_cast %get3A_695 : vector<1x1x16xf32> to vector<16xf32>
            %add3A_697 = arith.addf %get3A_696, %get3A_23 : vector<16xf32>
            %swap3A_698 = arith.constant 1 : i32
            %swap3A_699 = arith.index_cast %swap3A_698 : i32 to index
            %swap3A_700 = arith.index_cast %add3A_442 : i32 to index
            %swap3A_701 = arith.constant 48 : index
            %swap3A_702 = tpu.vector_load %arg7[%swap3A_699, %swap3A_700, %swap3A_701] {strides = array<i32>} : memref<2x512x64xf32, #tpu.memory_space<vmem>>, vector<1x1x16xf32>,
            %swap3A_703 = vector.shape_cast %swap3A_702 : vector<1x1x16xf32> to vector<16xf32>
            %swap3A_704 = vector.shape_cast %add3A_697 : vector<16xf32> to vector<1x1x16xf32>
            tpu.vector_store %arg7[%swap3A_699, %swap3A_700, %swap3A_701], %swap3A_704 {strides = array<i32>} : memref<2x512x64xf32, #tpu.memory_space<vmem>>, vector<1x1x16xf32>,
          } else {
          }
          %eq3A_448 = arith.constant 7 : i32
          %eq3A_449 = arith.cmpi eq, %squeeze3A_440, %eq3A_448 : i32
          %convert_element_type3A_450 = arith.extui %eq3A_449 : i1 to i32
          %cond3A_451 = arith.constant 0 : i32
          %cond3A_452 = arith.cmpi ne, %convert_element_type3A_450, %cond3A_451 : i32
          scf.if %cond3A_452 {
            %get3A_650 = arith.constant 1 : i32
            %get3A_651 = arith.index_cast %get3A_650 : i32 to index
            %get3A_652 = arith.index_cast %add3A_442 : i32 to index
            %get3A_653 = arith.constant 0 : index
            %get3A_654 = tpu.vector_load %arg7[%get3A_651, %get3A_652, %get3A_653] {strides = array<i32>} : memref<2x512x64xf32, #tpu.memory_space<vmem>>, vector<1x1x16xf32>,
            %get3A_655 = vector.shape_cast %get3A_654 : vector<1x1x16xf32> to vector<16xf32>
            %add3A_656 = arith.addf %get3A_655, %get3A_28 : vector<16xf32>
            %swap3A = arith.constant 1 : i32
            %swap3A_657 = arith.index_cast %swap3A : i32 to index
            %swap3A_658 = arith.index_cast %add3A_442 : i32 to index
            %swap3A_659 = arith.constant 0 : index
            %swap3A_660 = tpu.vector_load %arg7[%swap3A_657, %swap3A_658, %swap3A_659] {strides = array<i32>} : memref<2x512x64xf32, #tpu.memory_space<vmem>>, vector<1x1x16xf32>,
            %swap3A_661 = vector.shape_cast %swap3A_660 : vector<1x1x16xf32> to vector<16xf32>
            %swap3A_662 = vector.shape_cast %add3A_656 : vector<16xf32> to vector<1x1x16xf32>
            tpu.vector_store %arg7[%swap3A_657, %swap3A_658, %swap3A_659], %swap3A_662 {strides = array<i32>} : memref<2x512x64xf32, #tpu.memory_space<vmem>>, vector<1x1x16xf32>,
            %get3A_663 = arith.constant 1 : i32
            %get3A_664 = arith.index_cast %get3A_663 : i32 to index
            %get3A_665 = arith.index_cast %add3A_442 : i32 to index
            %get3A_666 = arith.constant 16 : index
            %get3A_667 = tpu.vector_load %arg7[%get3A_664, %get3A_665, %get3A_666] {strides = array<i32>} : memref<2x512x64xf32, #tpu.memory_space<vmem>>, vector<1x1x16xf32>,
            %get3A_668 = vector.shape_cast %get3A_667 : vector<1x1x16xf32> to vector<16xf32>
            %add3A_669 = arith.addf %get3A_668, %get3A_33 : vector<16xf32>
            %swap3A_670 = arith.constant 1 : i32
            %swap3A_671 = arith.index_cast %swap3A_670 : i32 to index
            %swap3A_672 = arith.index_cast %add3A_442 : i32 to index
            %swap3A_673 = arith.constant 16 : index
            %swap3A_674 = tpu.vector_load %arg7[%swap3A_671, %swap3A_672, %swap3A_673] {strides = array<i32>} : memref<2x512x64xf32, #tpu.memory_space<vmem>>, vector<1x1x16xf32>,
            %swap3A_675 = vector.shape_cast %swap3A_674 : vector<1x1x16xf32> to vector<16xf32>
            %swap3A_676 = vector.shape_cast %add3A_669 : vector<16xf32> to vector<1x1x16xf32>
            tpu.vector_store %arg7[%swap3A_671, %swap3A_672, %swap3A_673], %swap3A_676 {strides = array<i32>} : memref<2x512x64xf32, #tpu.memory_space<vmem>>, vector<1x1x16xf32>,
            %get3A_677 = arith.constant 1 : i32
            %get3A_678 = arith.index_cast %get3A_677 : i32 to index
            %get3A_679 = arith.index_cast %add3A_442 : i32 to index
            %get3A_680 = arith.constant 32 : index
            %get3A_681 = tpu.vector_load %arg7[%get3A_678, %get3A_679, %get3A_680] {strides = array<i32>} : memref<2x512x64xf32, #tpu.memory_space<vmem>>, vector<1x1x16xf32>,
            %get3A_682 = vector.shape_cast %get3A_681 : vector<1x1x16xf32> to vector<16xf32>
            %add3A_683 = arith.addf %get3A_682, %get3A_38 : vector<16xf32>
            %swap3A_684 = arith.constant 1 : i32
            %swap3A_685 = arith.index_cast %swap3A_684 : i32 to index
            %swap3A_686 = arith.index_cast %add3A_442 : i32 to index
            %swap3A_687 = arith.constant 32 : index
            %swap3A_688 = tpu.vector_load %arg7[%swap3A_685, %swap3A_686, %swap3A_687] {strides = array<i32>} : memref<2x512x64xf32, #tpu.memory_space<vmem>>, vector<1x1x16xf32>,
            %swap3A_689 = vector.shape_cast %swap3A_688 : vector<1x1x16xf32> to vector<16xf32>
            %swap3A_690 = vector.shape_cast %add3A_683 : vector<16xf32> to vector<1x1x16xf32>
            tpu.vector_store %arg7[%swap3A_685, %swap3A_686, %swap3A_687], %swap3A_690 {strides = array<i32>} : memref<2x512x64xf32, #tpu.memory_space<vmem>>, vector<1x1x16xf32>,
            %get3A_691 = arith.constant 1 : i32
            %get3A_692 = arith.index_cast %get3A_691 : i32 to index
            %get3A_693 = arith.index_cast %add3A_442 : i32 to index
            %get3A_694 = arith.constant 48 : index
            %get3A_695 = tpu.vector_load %arg7[%get3A_692, %get3A_693, %get3A_694] {strides = array<i32>} : memref<2x512x64xf32, #tpu.memory_space<vmem>>, vector<1x1x16xf32>,
            %get3A_696 = vector.shape_cast %get3A_695 : vector<1x1x16xf32> to vector<16xf32>
            %add3A_697 = arith.addf %get3A_696, %get3A_43 : vector<16xf32>
            %swap3A_698 = arith.constant 1 : i32
            %swap3A_699 = arith.index_cast %swap3A_698 : i32 to index
            %swap3A_700 = arith.index_cast %add3A_442 : i32 to index
            %swap3A_701 = arith.constant 48 : index
            %swap3A_702 = tpu.vector_load %arg7[%swap3A_699, %swap3A_700, %swap3A_701] {strides = array<i32>} : memref<2x512x64xf32, #tpu.memory_space<vmem>>, vector<1x1x16xf32>,
            %swap3A_703 = vector.shape_cast %swap3A_702 : vector<1x1x16xf32> to vector<16xf32>
            %swap3A_704 = vector.shape_cast %add3A_697 : vector<16xf32> to vector<1x1x16xf32>
            tpu.vector_store %arg7[%swap3A_699, %swap3A_700, %swap3A_701], %swap3A_704 {strides = array<i32>} : memref<2x512x64xf32, #tpu.memory_space<vmem>>, vector<1x1x16xf32>,
          } else {
          }
          %slice3A_453 = vector.extract_strided_slice %get3A_422 {offsets = [2], sizes = [1], strides = [1]} : vector<16xi32> to vector<1xi32>
          %squeeze3A_454 = vector.extract %slice3A_453[0] : i32 from vector<1xi32>
          %add3A_455 = arith.constant 2 : i32
          %add3A_456 = arith.addi %mul3A_424, %add3A_455 : i32
          %eq3A_457 = arith.constant 5 : i32
          %eq3A_458 = arith.cmpi eq, %squeeze3A_454, %eq3A_457 : i32
          %convert_element_type3A_459 = arith.extui %eq3A_458 : i1 to i32
          %cond3A_460 = arith.constant 0 : i32
          %cond3A_461 = arith.cmpi ne, %convert_element_type3A_459, %cond3A_460 : i32
          scf.if %cond3A_461 {
            %get3A_650 = arith.constant 1 : i32
            %get3A_651 = arith.index_cast %get3A_650 : i32 to index
            %get3A_652 = arith.index_cast %add3A_456 : i32 to index
            %get3A_653 = arith.constant 0 : index
            %get3A_654 = tpu.vector_load %arg7[%get3A_651, %get3A_652, %get3A_653] {strides = array<i32>} : memref<2x512x64xf32, #tpu.memory_space<vmem>>, vector<1x1x16xf32>,
            %get3A_655 = vector.shape_cast %get3A_654 : vector<1x1x16xf32> to vector<16xf32>
            %add3A_656 = arith.addf %get3A_655, %get3A_8 : vector<16xf32>
            %swap3A = arith.constant 1 : i32
            %swap3A_657 = arith.index_cast %swap3A : i32 to index
            %swap3A_658 = arith.index_cast %add3A_456 : i32 to index
            %swap3A_659 = arith.constant 0 : index
            %swap3A_660 = tpu.vector_load %arg7[%swap3A_657, %swap3A_658, %swap3A_659] {strides = array<i32>} : memref<2x512x64xf32, #tpu.memory_space<vmem>>, vector<1x1x16xf32>,
            %swap3A_661 = vector.shape_cast %swap3A_660 : vector<1x1x16xf32> to vector<16xf32>
            %swap3A_662 = vector.shape_cast %add3A_656 : vector<16xf32> to vector<1x1x16xf32>
            tpu.vector_store %arg7[%swap3A_657, %swap3A_658, %swap3A_659], %swap3A_662 {strides = array<i32>} : memref<2x512x64xf32, #tpu.memory_space<vmem>>, vector<1x1x16xf32>,
            %get3A_663 = arith.constant 1 : i32
            %get3A_664 = arith.index_cast %get3A_663 : i32 to index
            %get3A_665 = arith.index_cast %add3A_456 : i32 to index
            %get3A_666 = arith.constant 16 : index
            %get3A_667 = tpu.vector_load %arg7[%get3A_664, %get3A_665, %get3A_666] {strides = array<i32>} : memref<2x512x64xf32, #tpu.memory_space<vmem>>, vector<1x1x16xf32>,
            %get3A_668 = vector.shape_cast %get3A_667 : vector<1x1x16xf32> to vector<16xf32>
            %add3A_669 = arith.addf %get3A_668, %get3A_13 : vector<16xf32>
            %swap3A_670 = arith.constant 1 : i32
            %swap3A_671 = arith.index_cast %swap3A_670 : i32 to index
            %swap3A_672 = arith.index_cast %add3A_456 : i32 to index
            %swap3A_673 = arith.constant 16 : index
            %swap3A_674 = tpu.vector_load %arg7[%swap3A_671, %swap3A_672, %swap3A_673] {strides = array<i32>} : memref<2x512x64xf32, #tpu.memory_space<vmem>>, vector<1x1x16xf32>,
            %swap3A_675 = vector.shape_cast %swap3A_674 : vector<1x1x16xf32> to vector<16xf32>
            %swap3A_676 = vector.shape_cast %add3A_669 : vector<16xf32> to vector<1x1x16xf32>
            tpu.vector_store %arg7[%swap3A_671, %swap3A_672, %swap3A_673], %swap3A_676 {strides = array<i32>} : memref<2x512x64xf32, #tpu.memory_space<vmem>>, vector<1x1x16xf32>,
            %get3A_677 = arith.constant 1 : i32
            %get3A_678 = arith.index_cast %get3A_677 : i32 to index
            %get3A_679 = arith.index_cast %add3A_456 : i32 to index
            %get3A_680 = arith.constant 32 : index
            %get3A_681 = tpu.vector_load %arg7[%get3A_678, %get3A_679, %get3A_680] {strides = array<i32>} : memref<2x512x64xf32, #tpu.memory_space<vmem>>, vector<1x1x16xf32>,
            %get3A_682 = vector.shape_cast %get3A_681 : vector<1x1x16xf32> to vector<16xf32>
            %add3A_683 = arith.addf %get3A_682, %get3A_18 : vector<16xf32>
            %swap3A_684 = arith.constant 1 : i32
            %swap3A_685 = arith.index_cast %swap3A_684 : i32 to index
            %swap3A_686 = arith.index_cast %add3A_456 : i32 to index
            %swap3A_687 = arith.constant 32 : index
            %swap3A_688 = tpu.vector_load %arg7[%swap3A_685, %swap3A_686, %swap3A_687] {strides = array<i32>} : memref<2x512x64xf32, #tpu.memory_space<vmem>>, vector<1x1x16xf32>,
            %swap3A_689 = vector.shape_cast %swap3A_688 : vector<1x1x16xf32> to vector<16xf32>
            %swap3A_690 = vector.shape_cast %add3A_683 : vector<16xf32> to vector<1x1x16xf32>
            tpu.vector_store %arg7[%swap3A_685, %swap3A_686, %swap3A_687], %swap3A_690 {strides = array<i32>} : memref<2x512x64xf32, #tpu.memory_space<vmem>>, vector<1x1x16xf32>,
            %get3A_691 = arith.constant 1 : i32
            %get3A_692 = arith.index_cast %get3A_691 : i32 to index
            %get3A_693 = arith.index_cast %add3A_456 : i32 to index
            %get3A_694 = arith.constant 48 : index
            %get3A_695 = tpu.vector_load %arg7[%get3A_692, %get3A_693, %get3A_694] {strides = array<i32>} : memref<2x512x64xf32, #tpu.memory_space<vmem>>, vector<1x1x16xf32>,
            %get3A_696 = vector.shape_cast %get3A_695 : vector<1x1x16xf32> to vector<16xf32>
            %add3A_697 = arith.addf %get3A_696, %get3A_23 : vector<16xf32>
            %swap3A_698 = arith.constant 1 : i32
            %swap3A_699 = arith.index_cast %swap3A_698 : i32 to index
            %swap3A_700 = arith.index_cast %add3A_456 : i32 to index
            %swap3A_701 = arith.constant 48 : index
            %swap3A_702 = tpu.vector_load %arg7[%swap3A_699, %swap3A_700, %swap3A_701] {strides = array<i32>} : memref<2x512x64xf32, #tpu.memory_space<vmem>>, vector<1x1x16xf32>,
            %swap3A_703 = vector.shape_cast %swap3A_702 : vector<1x1x16xf32> to vector<16xf32>
            %swap3A_704 = vector.shape_cast %add3A_697 : vector<16xf32> to vector<1x1x16xf32>
            tpu.vector_store %arg7[%swap3A_699, %swap3A_700, %swap3A_701], %swap3A_704 {strides = array<i32>} : memref<2x512x64xf32, #tpu.memory_space<vmem>>, vector<1x1x16xf32>,
          } else {
          }
          %eq3A_462 = arith.constant 7 : i32
          %eq3A_463 = arith.cmpi eq, %squeeze3A_454, %eq3A_462 : i32
          %convert_element_type3A_464 = arith.extui %eq3A_463 : i1 to i32
          %cond3A_465 = arith.constant 0 : i32
          %cond3A_466 = arith.cmpi ne, %convert_element_type3A_464, %cond3A_465 : i32
          scf.if %cond3A_466 {
            %get3A_650 = arith.constant 1 : i32
            %get3A_651 = arith.index_cast %get3A_650 : i32 to index
            %get3A_652 = arith.index_cast %add3A_456 : i32 to index
            %get3A_653 = arith.constant 0 : index
            %get3A_654 = tpu.vector_load %arg7[%get3A_651, %get3A_652, %get3A_653] {strides = array<i32>} : memref<2x512x64xf32, #tpu.memory_space<vmem>>, vector<1x1x16xf32>,
            %get3A_655 = vector.shape_cast %get3A_654 : vector<1x1x16xf32> to vector<16xf32>
            %add3A_656 = arith.addf %get3A_655, %get3A_28 : vector<16xf32>
            %swap3A = arith.constant 1 : i32
            %swap3A_657 = arith.index_cast %swap3A : i32 to index
            %swap3A_658 = arith.index_cast %add3A_456 : i32 to index
            %swap3A_659 = arith.constant 0 : index
            %swap3A_660 = tpu.vector_load %arg7[%swap3A_657, %swap3A_658, %swap3A_659] {strides = array<i32>} : memref<2x512x64xf32, #tpu.memory_space<vmem>>, vector<1x1x16xf32>,
            %swap3A_661 = vector.shape_cast %swap3A_660 : vector<1x1x16xf32> to vector<16xf32>
            %swap3A_662 = vector.shape_cast %add3A_656 : vector<16xf32> to vector<1x1x16xf32>
            tpu.vector_store %arg7[%swap3A_657, %swap3A_658, %swap3A_659], %swap3A_662 {strides = array<i32>} : memref<2x512x64xf32, #tpu.memory_space<vmem>>, vector<1x1x16xf32>,
            %get3A_663 = arith.constant 1 : i32
            %get3A_664 = arith.index_cast %get3A_663 : i32 to index
            %get3A_665 = arith.index_cast %add3A_456 : i32 to index
            %get3A_666 = arith.constant 16 : index
            %get3A_667 = tpu.vector_load %arg7[%get3A_664, %get3A_665, %get3A_666] {strides = array<i32>} : memref<2x512x64xf32, #tpu.memory_space<vmem>>, vector<1x1x16xf32>,
            %get3A_668 = vector.shape_cast %get3A_667 : vector<1x1x16xf32> to vector<16xf32>
            %add3A_669 = arith.addf %get3A_668, %get3A_33 : vector<16xf32>
            %swap3A_670 = arith.constant 1 : i32
            %swap3A_671 = arith.index_cast %swap3A_670 : i32 to index
            %swap3A_672 = arith.index_cast %add3A_456 : i32 to index
            %swap3A_673 = arith.constant 16 : index
            %swap3A_674 = tpu.vector_load %arg7[%swap3A_671, %swap3A_672, %swap3A_673] {strides = array<i32>} : memref<2x512x64xf32, #tpu.memory_space<vmem>>, vector<1x1x16xf32>,
            %swap3A_675 = vector.shape_cast %swap3A_674 : vector<1x1x16xf32> to vector<16xf32>
            %swap3A_676 = vector.shape_cast %add3A_669 : vector<16xf32> to vector<1x1x16xf32>
            tpu.vector_store %arg7[%swap3A_671, %swap3A_672, %swap3A_673], %swap3A_676 {strides = array<i32>} : memref<2x512x64xf32, #tpu.memory_space<vmem>>, vector<1x1x16xf32>,
            %get3A_677 = arith.constant 1 : i32
            %get3A_678 = arith.index_cast %get3A_677 : i32 to index
            %get3A_679 = arith.index_cast %add3A_456 : i32 to index
            %get3A_680 = arith.constant 32 : index
            %get3A_681 = tpu.vector_load %arg7[%get3A_678, %get3A_679, %get3A_680] {strides = array<i32>} : memref<2x512x64xf32, #tpu.memory_space<vmem>>, vector<1x1x16xf32>,
            %get3A_682 = vector.shape_cast %get3A_681 : vector<1x1x16xf32> to vector<16xf32>
            %add3A_683 = arith.addf %get3A_682, %get3A_38 : vector<16xf32>
            %swap3A_684 = arith.constant 1 : i32
            %swap3A_685 = arith.index_cast %swap3A_684 : i32 to index
            %swap3A_686 = arith.index_cast %add3A_456 : i32 to index
            %swap3A_687 = arith.constant 32 : index
            %swap3A_688 = tpu.vector_load %arg7[%swap3A_685, %swap3A_686, %swap3A_687] {strides = array<i32>} : memref<2x512x64xf32, #tpu.memory_space<vmem>>, vector<1x1x16xf32>,
            %swap3A_689 = vector.shape_cast %swap3A_688 : vector<1x1x16xf32> to vector<16xf32>
            %swap3A_690 = vector.shape_cast %add3A_683 : vector<16xf32> to vector<1x1x16xf32>
            tpu.vector_store %arg7[%swap3A_685, %swap3A_686, %swap3A_687], %swap3A_690 {strides = array<i32>} : memref<2x512x64xf32, #tpu.memory_space<vmem>>, vector<1x1x16xf32>,
            %get3A_691 = arith.constant 1 : i32
            %get3A_692 = arith.index_cast %get3A_691 : i32 to index
            %get3A_693 = arith.index_cast %add3A_456 : i32 to index
            %get3A_694 = arith.constant 48 : index
            %get3A_695 = tpu.vector_load %arg7[%get3A_692, %get3A_693, %get3A_694] {strides = array<i32>} : memref<2x512x64xf32, #tpu.memory_space<vmem>>, vector<1x1x16xf32>,
            %get3A_696 = vector.shape_cast %get3A_695 : vector<1x1x16xf32> to vector<16xf32>
            %add3A_697 = arith.addf %get3A_696, %get3A_43 : vector<16xf32>
            %swap3A_698 = arith.constant 1 : i32
            %swap3A_699 = arith.index_cast %swap3A_698 : i32 to index
            %swap3A_700 = arith.index_cast %add3A_456 : i32 to index
            %swap3A_701 = arith.constant 48 : index
            %swap3A_702 = tpu.vector_load %arg7[%swap3A_699, %swap3A_700, %swap3A_701] {strides = array<i32>} : memref<2x512x64xf32, #tpu.memory_space<vmem>>, vector<1x1x16xf32>,
            %swap3A_703 = vector.shape_cast %swap3A_702 : vector<1x1x16xf32> to vector<16xf32>
            %swap3A_704 = vector.shape_cast %add3A_697 : vector<16xf32> to vector<1x1x16xf32>
            tpu.vector_store %arg7[%swap3A_699, %swap3A_700, %swap3A_701], %swap3A_704 {strides = array<i32>} : memref<2x512x64xf32, #tpu.memory_space<vmem>>, vector<1x1x16xf32>,
          } else {
          }
          %slice3A_467 = vector.extract_strided_slice %get3A_422 {offsets = [3], sizes = [1], strides = [1]} : vector<16xi32> to vector<1xi32>
          %squeeze3A_468 = vector.extract %slice3A_467[0] : i32 from vector<1xi32>
          %add3A_469 = arith.constant 3 : i32
          %add3A_470 = arith.addi %mul3A_424, %add3A_469 : i32
          %eq3A_471 = arith.constant 5 : i32
          %eq3A_472 = arith.cmpi eq, %squeeze3A_468, %eq3A_471 : i32
          %convert_element_type3A_473 = arith.extui %eq3A_472 : i1 to i32
          %cond3A_474 = arith.constant 0 : i32
          %cond3A_475 = arith.cmpi ne, %convert_element_type3A_473, %cond3A_474 : i32
          scf.if %cond3A_475 {
            %get3A_650 = arith.constant 1 : i32
            %get3A_651 = arith.index_cast %get3A_650 : i32 to index
            %get3A_652 = arith.index_cast %add3A_470 : i32 to index
            %get3A_653 = arith.constant 0 : index
            %get3A_654 = tpu.vector_load %arg7[%get3A_651, %get3A_652, %get3A_653] {strides = array<i32>} : memref<2x512x64xf32, #tpu.memory_space<vmem>>, vector<1x1x16xf32>,
            %get3A_655 = vector.shape_cast %get3A_654 : vector<1x1x16xf32> to vector<16xf32>
            %add3A_656 = arith.addf %get3A_655, %get3A_8 : vector<16xf32>
            %swap3A = arith.constant 1 : i32
            %swap3A_657 = arith.index_cast %swap3A : i32 to index
            %swap3A_658 = arith.index_cast %add3A_470 : i32 to index
            %swap3A_659 = arith.constant 0 : index
            %swap3A_660 = tpu.vector_load %arg7[%swap3A_657, %swap3A_658, %swap3A_659] {strides = array<i32>} : memref<2x512x64xf32, #tpu.memory_space<vmem>>, vector<1x1x16xf32>,
            %swap3A_661 = vector.shape_cast %swap3A_660 : vector<1x1x16xf32> to vector<16xf32>
            %swap3A_662 = vector.shape_cast %add3A_656 : vector<16xf32> to vector<1x1x16xf32>
            tpu.vector_store %arg7[%swap3A_657, %swap3A_658, %swap3A_659], %swap3A_662 {strides = array<i32>} : memref<2x512x64xf32, #tpu.memory_space<vmem>>, vector<1x1x16xf32>,
            %get3A_663 = arith.constant 1 : i32
            %get3A_664 = arith.index_cast %get3A_663 : i32 to index
            %get3A_665 = arith.index_cast %add3A_470 : i32 to index
            %get3A_666 = arith.constant 16 : index
            %get3A_667 = tpu.vector_load %arg7[%get3A_664, %get3A_665, %get3A_666] {strides = array<i32>} : memref<2x512x64xf32, #tpu.memory_space<vmem>>, vector<1x1x16xf32>,
            %get3A_668 = vector.shape_cast %get3A_667 : vector<1x1x16xf32> to vector<16xf32>
            %add3A_669 = arith.addf %get3A_668, %get3A_13 : vector<16xf32>
            %swap3A_670 = arith.constant 1 : i32
            %swap3A_671 = arith.index_cast %swap3A_670 : i32 to index
            %swap3A_672 = arith.index_cast %add3A_470 : i32 to index
            %swap3A_673 = arith.constant 16 : index
            %swap3A_674 = tpu.vector_load %arg7[%swap3A_671, %swap3A_672, %swap3A_673] {strides = array<i32>} : memref<2x512x64xf32, #tpu.memory_space<vmem>>, vector<1x1x16xf32>,
            %swap3A_675 = vector.shape_cast %swap3A_674 : vector<1x1x16xf32> to vector<16xf32>
            %swap3A_676 = vector.shape_cast %add3A_669 : vector<16xf32> to vector<1x1x16xf32>
            tpu.vector_store %arg7[%swap3A_671, %swap3A_672, %swap3A_673], %swap3A_676 {strides = array<i32>} : memref<2x512x64xf32, #tpu.memory_space<vmem>>, vector<1x1x16xf32>,
            %get3A_677 = arith.constant 1 : i32
            %get3A_678 = arith.index_cast %get3A_677 : i32 to index
            %get3A_679 = arith.index_cast %add3A_470 : i32 to index
            %get3A_680 = arith.constant 32 : index
            %get3A_681 = tpu.vector_load %arg7[%get3A_678, %get3A_679, %get3A_680] {strides = array<i32>} : memref<2x512x64xf32, #tpu.memory_space<vmem>>, vector<1x1x16xf32>,
            %get3A_682 = vector.shape_cast %get3A_681 : vector<1x1x16xf32> to vector<16xf32>
            %add3A_683 = arith.addf %get3A_682, %get3A_18 : vector<16xf32>
            %swap3A_684 = arith.constant 1 : i32
            %swap3A_685 = arith.index_cast %swap3A_684 : i32 to index
            %swap3A_686 = arith.index_cast %add3A_470 : i32 to index
            %swap3A_687 = arith.constant 32 : index
            %swap3A_688 = tpu.vector_load %arg7[%swap3A_685, %swap3A_686, %swap3A_687] {strides = array<i32>} : memref<2x512x64xf32, #tpu.memory_space<vmem>>, vector<1x1x16xf32>,
            %swap3A_689 = vector.shape_cast %swap3A_688 : vector<1x1x16xf32> to vector<16xf32>
            %swap3A_690 = vector.shape_cast %add3A_683 : vector<16xf32> to vector<1x1x16xf32>
            tpu.vector_store %arg7[%swap3A_685, %swap3A_686, %swap3A_687], %swap3A_690 {strides = array<i32>} : memref<2x512x64xf32, #tpu.memory_space<vmem>>, vector<1x1x16xf32>,
            %get3A_691 = arith.constant 1 : i32
            %get3A_692 = arith.index_cast %get3A_691 : i32 to index
            %get3A_693 = arith.index_cast %add3A_470 : i32 to index
            %get3A_694 = arith.constant 48 : index
            %get3A_695 = tpu.vector_load %arg7[%get3A_692, %get3A_693, %get3A_694] {strides = array<i32>} : memref<2x512x64xf32, #tpu.memory_space<vmem>>, vector<1x1x16xf32>,
            %get3A_696 = vector.shape_cast %get3A_695 : vector<1x1x16xf32> to vector<16xf32>
            %add3A_697 = arith.addf %get3A_696, %get3A_23 : vector<16xf32>
            %swap3A_698 = arith.constant 1 : i32
            %swap3A_699 = arith.index_cast %swap3A_698 : i32 to index
            %swap3A_700 = arith.index_cast %add3A_470 : i32 to index
            %swap3A_701 = arith.constant 48 : index
            %swap3A_702 = tpu.vector_load %arg7[%swap3A_699, %swap3A_700, %swap3A_701] {strides = array<i32>} : memref<2x512x64xf32, #tpu.memory_space<vmem>>, vector<1x1x16xf32>,
            %swap3A_703 = vector.shape_cast %swap3A_702 : vector<1x1x16xf32> to vector<16xf32>
            %swap3A_704 = vector.shape_cast %add3A_697 : vector<16xf32> to vector<1x1x16xf32>
            tpu.vector_store %arg7[%swap3A_699, %swap3A_700, %swap3A_701], %swap3A_704 {strides = array<i32>} : memref<2x512x64xf32, #tpu.memory_space<vmem>>, vector<1x1x16xf32>,
          } else {
          }
          %eq3A_476 = arith.constant 7 : i32
          %eq3A_477 = arith.cmpi eq, %squeeze3A_468, %eq3A_476 : i32
          %convert_element_type3A_478 = arith.extui %eq3A_477 : i1 to i32
          %cond3A_479 = arith.constant 0 : i32
          %cond3A_480 = arith.cmpi ne, %convert_element_type3A_478, %cond3A_479 : i32
          scf.if %cond3A_480 {
            %get3A_650 = arith.constant 1 : i32
            %get3A_651 = arith.index_cast %get3A_650 : i32 to index
            %get3A_652 = arith.index_cast %add3A_470 : i32 to index
            %get3A_653 = arith.constant 0 : index
            %get3A_654 = tpu.vector_load %arg7[%get3A_651, %get3A_652, %get3A_653] {strides = array<i32>} : memref<2x512x64xf32, #tpu.memory_space<vmem>>, vector<1x1x16xf32>,
            %get3A_655 = vector.shape_cast %get3A_654 : vector<1x1x16xf32> to vector<16xf32>
            %add3A_656 = arith.addf %get3A_655, %get3A_28 : vector<16xf32>
            %swap3A = arith.constant 1 : i32
            %swap3A_657 = arith.index_cast %swap3A : i32 to index
            %swap3A_658 = arith.index_cast %add3A_470 : i32 to index
            %swap3A_659 = arith.constant 0 : index
            %swap3A_660 = tpu.vector_load %arg7[%swap3A_657, %swap3A_658, %swap3A_659] {strides = array<i32>} : memref<2x512x64xf32, #tpu.memory_space<vmem>>, vector<1x1x16xf32>,
            %swap3A_661 = vector.shape_cast %swap3A_660 : vector<1x1x16xf32> to vector<16xf32>
            %swap3A_662 = vector.shape_cast %add3A_656 : vector<16xf32> to vector<1x1x16xf32>
            tpu.vector_store %arg7[%swap3A_657, %swap3A_658, %swap3A_659], %swap3A_662 {strides = array<i32>} : memref<2x512x64xf32, #tpu.memory_space<vmem>>, vector<1x1x16xf32>,
            %get3A_663 = arith.constant 1 : i32
            %get3A_664 = arith.index_cast %get3A_663 : i32 to index
            %get3A_665 = arith.index_cast %add3A_470 : i32 to index
            %get3A_666 = arith.constant 16 : index
            %get3A_667 = tpu.vector_load %arg7[%get3A_664, %get3A_665, %get3A_666] {strides = array<i32>} : memref<2x512x64xf32, #tpu.memory_space<vmem>>, vector<1x1x16xf32>,
            %get3A_668 = vector.shape_cast %get3A_667 : vector<1x1x16xf32> to vector<16xf32>
            %add3A_669 = arith.addf %get3A_668, %get3A_33 : vector<16xf32>
            %swap3A_670 = arith.constant 1 : i32
            %swap3A_671 = arith.index_cast %swap3A_670 : i32 to index
            %swap3A_672 = arith.index_cast %add3A_470 : i32 to index
            %swap3A_673 = arith.constant 16 : index
            %swap3A_674 = tpu.vector_load %arg7[%swap3A_671, %swap3A_672, %swap3A_673] {strides = array<i32>} : memref<2x512x64xf32, #tpu.memory_space<vmem>>, vector<1x1x16xf32>,
            %swap3A_675 = vector.shape_cast %swap3A_674 : vector<1x1x16xf32> to vector<16xf32>
            %swap3A_676 = vector.shape_cast %add3A_669 : vector<16xf32> to vector<1x1x16xf32>
            tpu.vector_store %arg7[%swap3A_671, %swap3A_672, %swap3A_673], %swap3A_676 {strides = array<i32>} : memref<2x512x64xf32, #tpu.memory_space<vmem>>, vector<1x1x16xf32>,
            %get3A_677 = arith.constant 1 : i32
            %get3A_678 = arith.index_cast %get3A_677 : i32 to index
            %get3A_679 = arith.index_cast %add3A_470 : i32 to index
            %get3A_680 = arith.constant 32 : index
            %get3A_681 = tpu.vector_load %arg7[%get3A_678, %get3A_679, %get3A_680] {strides = array<i32>} : memref<2x512x64xf32, #tpu.memory_space<vmem>>, vector<1x1x16xf32>,
            %get3A_682 = vector.shape_cast %get3A_681 : vector<1x1x16xf32> to vector<16xf32>
            %add3A_683 = arith.addf %get3A_682, %get3A_38 : vector<16xf32>
            %swap3A_684 = arith.constant 1 : i32
            %swap3A_685 = arith.index_cast %swap3A_684 : i32 to index
            %swap3A_686 = arith.index_cast %add3A_470 : i32 to index
            %swap3A_687 = arith.constant 32 : index
            %swap3A_688 = tpu.vector_load %arg7[%swap3A_685, %swap3A_686, %swap3A_687] {strides = array<i32>} : memref<2x512x64xf32, #tpu.memory_space<vmem>>, vector<1x1x16xf32>,
            %swap3A_689 = vector.shape_cast %swap3A_688 : vector<1x1x16xf32> to vector<16xf32>
            %swap3A_690 = vector.shape_cast %add3A_683 : vector<16xf32> to vector<1x1x16xf32>
            tpu.vector_store %arg7[%swap3A_685, %swap3A_686, %swap3A_687], %swap3A_690 {strides = array<i32>} : memref<2x512x64xf32, #tpu.memory_space<vmem>>, vector<1x1x16xf32>,
            %get3A_691 = arith.constant 1 : i32
            %get3A_692 = arith.index_cast %get3A_691 : i32 to index
            %get3A_693 = arith.index_cast %add3A_470 : i32 to index
            %get3A_694 = arith.constant 48 : index
            %get3A_695 = tpu.vector_load %arg7[%get3A_692, %get3A_693, %get3A_694] {strides = array<i32>} : memref<2x512x64xf32, #tpu.memory_space<vmem>>, vector<1x1x16xf32>,
            %get3A_696 = vector.shape_cast %get3A_695 : vector<1x1x16xf32> to vector<16xf32>
            %add3A_697 = arith.addf %get3A_696, %get3A_43 : vector<16xf32>
            %swap3A_698 = arith.constant 1 : i32
            %swap3A_699 = arith.index_cast %swap3A_698 : i32 to index
            %swap3A_700 = arith.index_cast %add3A_470 : i32 to index
            %swap3A_701 = arith.constant 48 : index
            %swap3A_702 = tpu.vector_load %arg7[%swap3A_699, %swap3A_700, %swap3A_701] {strides = array<i32>} : memref<2x512x64xf32, #tpu.memory_space<vmem>>, vector<1x1x16xf32>,
            %swap3A_703 = vector.shape_cast %swap3A_702 : vector<1x1x16xf32> to vector<16xf32>
            %swap3A_704 = vector.shape_cast %add3A_697 : vector<16xf32> to vector<1x1x16xf32>
            tpu.vector_store %arg7[%swap3A_699, %swap3A_700, %swap3A_701], %swap3A_704 {strides = array<i32>} : memref<2x512x64xf32, #tpu.memory_space<vmem>>, vector<1x1x16xf32>,
          } else {
          }
          %slice3A_481 = vector.extract_strided_slice %get3A_422 {offsets = [4], sizes = [1], strides = [1]} : vector<16xi32> to vector<1xi32>
          %squeeze3A_482 = vector.extract %slice3A_481[0] : i32 from vector<1xi32>
          %add3A_483 = arith.constant 4 : i32
          %add3A_484 = arith.addi %mul3A_424, %add3A_483 : i32
          %eq3A_485 = arith.constant 5 : i32
          %eq3A_486 = arith.cmpi eq, %squeeze3A_482, %eq3A_485 : i32
          %convert_element_type3A_487 = arith.extui %eq3A_486 : i1 to i32
          %cond3A_488 = arith.constant 0 : i32
          %cond3A_489 = arith.cmpi ne, %convert_element_type3A_487, %cond3A_488 : i32
          scf.if %cond3A_489 {
            %get3A_650 = arith.constant 1 : i32
            %get3A_651 = arith.index_cast %get3A_650 : i32 to index
            %get3A_652 = arith.index_cast %add3A_484 : i32 to index
            %get3A_653 = arith.constant 0 : index
            %get3A_654 = tpu.vector_load %arg7[%get3A_651, %get3A_652, %get3A_653] {strides = array<i32>} : memref<2x512x64xf32, #tpu.memory_space<vmem>>, vector<1x1x16xf32>,
            %get3A_655 = vector.shape_cast %get3A_654 : vector<1x1x16xf32> to vector<16xf32>
            %add3A_656 = arith.addf %get3A_655, %get3A_8 : vector<16xf32>
            %swap3A = arith.constant 1 : i32
            %swap3A_657 = arith.index_cast %swap3A : i32 to index
            %swap3A_658 = arith.index_cast %add3A_484 : i32 to index
            %swap3A_659 = arith.constant 0 : index
            %swap3A_660 = tpu.vector_load %arg7[%swap3A_657, %swap3A_658, %swap3A_659] {strides = array<i32>} : memref<2x512x64xf32, #tpu.memory_space<vmem>>, vector<1x1x16xf32>,
            %swap3A_661 = vector.shape_cast %swap3A_660 : vector<1x1x16xf32> to vector<16xf32>
            %swap3A_662 = vector.shape_cast %add3A_656 : vector<16xf32> to vector<1x1x16xf32>
            tpu.vector_store %arg7[%swap3A_657, %swap3A_658, %swap3A_659], %swap3A_662 {strides = array<i32>} : memref<2x512x64xf32, #tpu.memory_space<vmem>>, vector<1x1x16xf32>,
            %get3A_663 = arith.constant 1 : i32
            %get3A_664 = arith.index_cast %get3A_663 : i32 to index
            %get3A_665 = arith.index_cast %add3A_484 : i32 to index
            %get3A_666 = arith.constant 16 : index
            %get3A_667 = tpu.vector_load %arg7[%get3A_664, %get3A_665, %get3A_666] {strides = array<i32>} : memref<2x512x64xf32, #tpu.memory_space<vmem>>, vector<1x1x16xf32>,
            %get3A_668 = vector.shape_cast %get3A_667 : vector<1x1x16xf32> to vector<16xf32>
            %add3A_669 = arith.addf %get3A_668, %get3A_13 : vector<16xf32>
            %swap3A_670 = arith.constant 1 : i32
            %swap3A_671 = arith.index_cast %swap3A_670 : i32 to index
            %swap3A_672 = arith.index_cast %add3A_484 : i32 to index
            %swap3A_673 = arith.constant 16 : index
            %swap3A_674 = tpu.vector_load %arg7[%swap3A_671, %swap3A_672, %swap3A_673] {strides = array<i32>} : memref<2x512x64xf32, #tpu.memory_space<vmem>>, vector<1x1x16xf32>,
            %swap3A_675 = vector.shape_cast %swap3A_674 : vector<1x1x16xf32> to vector<16xf32>
            %swap3A_676 = vector.shape_cast %add3A_669 : vector<16xf32> to vector<1x1x16xf32>
            tpu.vector_store %arg7[%swap3A_671, %swap3A_672, %swap3A_673], %swap3A_676 {strides = array<i32>} : memref<2x512x64xf32, #tpu.memory_space<vmem>>, vector<1x1x16xf32>,
            %get3A_677 = arith.constant 1 : i32
            %get3A_678 = arith.index_cast %get3A_677 : i32 to index
            %get3A_679 = arith.index_cast %add3A_484 : i32 to index
            %get3A_680 = arith.constant 32 : index
            %get3A_681 = tpu.vector_load %arg7[%get3A_678, %get3A_679, %get3A_680] {strides = array<i32>} : memref<2x512x64xf32, #tpu.memory_space<vmem>>, vector<1x1x16xf32>,
            %get3A_682 = vector.shape_cast %get3A_681 : vector<1x1x16xf32> to vector<16xf32>
            %add3A_683 = arith.addf %get3A_682, %get3A_18 : vector<16xf32>
            %swap3A_684 = arith.constant 1 : i32
            %swap3A_685 = arith.index_cast %swap3A_684 : i32 to index
            %swap3A_686 = arith.index_cast %add3A_484 : i32 to index
            %swap3A_687 = arith.constant 32 : index
            %swap3A_688 = tpu.vector_load %arg7[%swap3A_685, %swap3A_686, %swap3A_687] {strides = array<i32>} : memref<2x512x64xf32, #tpu.memory_space<vmem>>, vector<1x1x16xf32>,
            %swap3A_689 = vector.shape_cast %swap3A_688 : vector<1x1x16xf32> to vector<16xf32>
            %swap3A_690 = vector.shape_cast %add3A_683 : vector<16xf32> to vector<1x1x16xf32>
            tpu.vector_store %arg7[%swap3A_685, %swap3A_686, %swap3A_687], %swap3A_690 {strides = array<i32>} : memref<2x512x64xf32, #tpu.memory_space<vmem>>, vector<1x1x16xf32>,
            %get3A_691 = arith.constant 1 : i32
            %get3A_692 = arith.index_cast %get3A_691 : i32 to index
            %get3A_693 = arith.index_cast %add3A_484 : i32 to index
            %get3A_694 = arith.constant 48 : index
            %get3A_695 = tpu.vector_load %arg7[%get3A_692, %get3A_693, %get3A_694] {strides = array<i32>} : memref<2x512x64xf32, #tpu.memory_space<vmem>>, vector<1x1x16xf32>,
            %get3A_696 = vector.shape_cast %get3A_695 : vector<1x1x16xf32> to vector<16xf32>
            %add3A_697 = arith.addf %get3A_696, %get3A_23 : vector<16xf32>
            %swap3A_698 = arith.constant 1 : i32
            %swap3A_699 = arith.index_cast %swap3A_698 : i32 to index
            %swap3A_700 = arith.index_cast %add3A_484 : i32 to index
            %swap3A_701 = arith.constant 48 : index
            %swap3A_702 = tpu.vector_load %arg7[%swap3A_699, %swap3A_700, %swap3A_701] {strides = array<i32>} : memref<2x512x64xf32, #tpu.memory_space<vmem>>, vector<1x1x16xf32>,
            %swap3A_703 = vector.shape_cast %swap3A_702 : vector<1x1x16xf32> to vector<16xf32>
            %swap3A_704 = vector.shape_cast %add3A_697 : vector<16xf32> to vector<1x1x16xf32>
            tpu.vector_store %arg7[%swap3A_699, %swap3A_700, %swap3A_701], %swap3A_704 {strides = array<i32>} : memref<2x512x64xf32, #tpu.memory_space<vmem>>, vector<1x1x16xf32>,
          } else {
          }
          %eq3A_490 = arith.constant 7 : i32
          %eq3A_491 = arith.cmpi eq, %squeeze3A_482, %eq3A_490 : i32
          %convert_element_type3A_492 = arith.extui %eq3A_491 : i1 to i32
          %cond3A_493 = arith.constant 0 : i32
          %cond3A_494 = arith.cmpi ne, %convert_element_type3A_492, %cond3A_493 : i32
          scf.if %cond3A_494 {
            %get3A_650 = arith.constant 1 : i32
            %get3A_651 = arith.index_cast %get3A_650 : i32 to index
            %get3A_652 = arith.index_cast %add3A_484 : i32 to index
            %get3A_653 = arith.constant 0 : index
            %get3A_654 = tpu.vector_load %arg7[%get3A_651, %get3A_652, %get3A_653] {strides = array<i32>} : memref<2x512x64xf32, #tpu.memory_space<vmem>>, vector<1x1x16xf32>,
            %get3A_655 = vector.shape_cast %get3A_654 : vector<1x1x16xf32> to vector<16xf32>
            %add3A_656 = arith.addf %get3A_655, %get3A_28 : vector<16xf32>
            %swap3A = arith.constant 1 : i32
            %swap3A_657 = arith.index_cast %swap3A : i32 to index
            %swap3A_658 = arith.index_cast %add3A_484 : i32 to index
            %swap3A_659 = arith.constant 0 : index
            %swap3A_660 = tpu.vector_load %arg7[%swap3A_657, %swap3A_658, %swap3A_659] {strides = array<i32>} : memref<2x512x64xf32, #tpu.memory_space<vmem>>, vector<1x1x16xf32>,
            %swap3A_661 = vector.shape_cast %swap3A_660 : vector<1x1x16xf32> to vector<16xf32>
            %swap3A_662 = vector.shape_cast %add3A_656 : vector<16xf32> to vector<1x1x16xf32>
            tpu.vector_store %arg7[%swap3A_657, %swap3A_658, %swap3A_659], %swap3A_662 {strides = array<i32>} : memref<2x512x64xf32, #tpu.memory_space<vmem>>, vector<1x1x16xf32>,
            %get3A_663 = arith.constant 1 : i32
            %get3A_664 = arith.index_cast %get3A_663 : i32 to index
            %get3A_665 = arith.index_cast %add3A_484 : i32 to index
            %get3A_666 = arith.constant 16 : index
            %get3A_667 = tpu.vector_load %arg7[%get3A_664, %get3A_665, %get3A_666] {strides = array<i32>} : memref<2x512x64xf32, #tpu.memory_space<vmem>>, vector<1x1x16xf32>,
            %get3A_668 = vector.shape_cast %get3A_667 : vector<1x1x16xf32> to vector<16xf32>
            %add3A_669 = arith.addf %get3A_668, %get3A_33 : vector<16xf32>
            %swap3A_670 = arith.constant 1 : i32
            %swap3A_671 = arith.index_cast %swap3A_670 : i32 to index
            %swap3A_672 = arith.index_cast %add3A_484 : i32 to index
            %swap3A_673 = arith.constant 16 : index
            %swap3A_674 = tpu.vector_load %arg7[%swap3A_671, %swap3A_672, %swap3A_673] {strides = array<i32>} : memref<2x512x64xf32, #tpu.memory_space<vmem>>, vector<1x1x16xf32>,
            %swap3A_675 = vector.shape_cast %swap3A_674 : vector<1x1x16xf32> to vector<16xf32>
            %swap3A_676 = vector.shape_cast %add3A_669 : vector<16xf32> to vector<1x1x16xf32>
            tpu.vector_store %arg7[%swap3A_671, %swap3A_672, %swap3A_673], %swap3A_676 {strides = array<i32>} : memref<2x512x64xf32, #tpu.memory_space<vmem>>, vector<1x1x16xf32>,
            %get3A_677 = arith.constant 1 : i32
            %get3A_678 = arith.index_cast %get3A_677 : i32 to index
            %get3A_679 = arith.index_cast %add3A_484 : i32 to index
            %get3A_680 = arith.constant 32 : index
            %get3A_681 = tpu.vector_load %arg7[%get3A_678, %get3A_679, %get3A_680] {strides = array<i32>} : memref<2x512x64xf32, #tpu.memory_space<vmem>>, vector<1x1x16xf32>,
            %get3A_682 = vector.shape_cast %get3A_681 : vector<1x1x16xf32> to vector<16xf32>
            %add3A_683 = arith.addf %get3A_682, %get3A_38 : vector<16xf32>
            %swap3A_684 = arith.constant 1 : i32
            %swap3A_685 = arith.index_cast %swap3A_684 : i32 to index
            %swap3A_686 = arith.index_cast %add3A_484 : i32 to index
            %swap3A_687 = arith.constant 32 : index
            %swap3A_688 = tpu.vector_load %arg7[%swap3A_685, %swap3A_686, %swap3A_687] {strides = array<i32>} : memref<2x512x64xf32, #tpu.memory_space<vmem>>, vector<1x1x16xf32>,
            %swap3A_689 = vector.shape_cast %swap3A_688 : vector<1x1x16xf32> to vector<16xf32>
            %swap3A_690 = vector.shape_cast %add3A_683 : vector<16xf32> to vector<1x1x16xf32>
            tpu.vector_store %arg7[%swap3A_685, %swap3A_686, %swap3A_687], %swap3A_690 {strides = array<i32>} : memref<2x512x64xf32, #tpu.memory_space<vmem>>, vector<1x1x16xf32>,
            %get3A_691 = arith.constant 1 : i32
            %get3A_692 = arith.index_cast %get3A_691 : i32 to index
            %get3A_693 = arith.index_cast %add3A_484 : i32 to index
            %get3A_694 = arith.constant 48 : index
            %get3A_695 = tpu.vector_load %arg7[%get3A_692, %get3A_693, %get3A_694] {strides = array<i32>} : memref<2x512x64xf32, #tpu.memory_space<vmem>>, vector<1x1x16xf32>,
            %get3A_696 = vector.shape_cast %get3A_695 : vector<1x1x16xf32> to vector<16xf32>
            %add3A_697 = arith.addf %get3A_696, %get3A_43 : vector<16xf32>
            %swap3A_698 = arith.constant 1 : i32
            %swap3A_699 = arith.index_cast %swap3A_698 : i32 to index
            %swap3A_700 = arith.index_cast %add3A_484 : i32 to index
            %swap3A_701 = arith.constant 48 : index
            %swap3A_702 = tpu.vector_load %arg7[%swap3A_699, %swap3A_700, %swap3A_701] {strides = array<i32>} : memref<2x512x64xf32, #tpu.memory_space<vmem>>, vector<1x1x16xf32>,
            %swap3A_703 = vector.shape_cast %swap3A_702 : vector<1x1x16xf32> to vector<16xf32>
            %swap3A_704 = vector.shape_cast %add3A_697 : vector<16xf32> to vector<1x1x16xf32>
            tpu.vector_store %arg7[%swap3A_699, %swap3A_700, %swap3A_701], %swap3A_704 {strides = array<i32>} : memref<2x512x64xf32, #tpu.memory_space<vmem>>, vector<1x1x16xf32>,
          } else {
          }
          %slice3A_495 = vector.extract_strided_slice %get3A_422 {offsets = [5], sizes = [1], strides = [1]} : vector<16xi32> to vector<1xi32>
          %squeeze3A_496 = vector.extract %slice3A_495[0] : i32 from vector<1xi32>
          %add3A_497 = arith.constant 5 : i32
          %add3A_498 = arith.addi %mul3A_424, %add3A_497 : i32
          %eq3A_499 = arith.constant 5 : i32
          %eq3A_500 = arith.cmpi eq, %squeeze3A_496, %eq3A_499 : i32
          %convert_element_type3A_501 = arith.extui %eq3A_500 : i1 to i32
          %cond3A_502 = arith.constant 0 : i32
          %cond3A_503 = arith.cmpi ne, %convert_element_type3A_501, %cond3A_502 : i32
          scf.if %cond3A_503 {
            %get3A_650 = arith.constant 1 : i32
            %get3A_651 = arith.index_cast %get3A_650 : i32 to index
            %get3A_652 = arith.index_cast %add3A_498 : i32 to index
            %get3A_653 = arith.constant 0 : index
            %get3A_654 = tpu.vector_load %arg7[%get3A_651, %get3A_652, %get3A_653] {strides = array<i32>} : memref<2x512x64xf32, #tpu.memory_space<vmem>>, vector<1x1x16xf32>,
            %get3A_655 = vector.shape_cast %get3A_654 : vector<1x1x16xf32> to vector<16xf32>
            %add3A_656 = arith.addf %get3A_655, %get3A_8 : vector<16xf32>
            %swap3A = arith.constant 1 : i32
            %swap3A_657 = arith.index_cast %swap3A : i32 to index
            %swap3A_658 = arith.index_cast %add3A_498 : i32 to index
            %swap3A_659 = arith.constant 0 : index
            %swap3A_660 = tpu.vector_load %arg7[%swap3A_657, %swap3A_658, %swap3A_659] {strides = array<i32>} : memref<2x512x64xf32, #tpu.memory_space<vmem>>, vector<1x1x16xf32>,
            %swap3A_661 = vector.shape_cast %swap3A_660 : vector<1x1x16xf32> to vector<16xf32>
            %swap3A_662 = vector.shape_cast %add3A_656 : vector<16xf32> to vector<1x1x16xf32>
            tpu.vector_store %arg7[%swap3A_657, %swap3A_658, %swap3A_659], %swap3A_662 {strides = array<i32>} : memref<2x512x64xf32, #tpu.memory_space<vmem>>, vector<1x1x16xf32>,
            %get3A_663 = arith.constant 1 : i32
            %get3A_664 = arith.index_cast %get3A_663 : i32 to index
            %get3A_665 = arith.index_cast %add3A_498 : i32 to index
            %get3A_666 = arith.constant 16 : index
            %get3A_667 = tpu.vector_load %arg7[%get3A_664, %get3A_665, %get3A_666] {strides = array<i32>} : memref<2x512x64xf32, #tpu.memory_space<vmem>>, vector<1x1x16xf32>,
            %get3A_668 = vector.shape_cast %get3A_667 : vector<1x1x16xf32> to vector<16xf32>
            %add3A_669 = arith.addf %get3A_668, %get3A_13 : vector<16xf32>
            %swap3A_670 = arith.constant 1 : i32
            %swap3A_671 = arith.index_cast %swap3A_670 : i32 to index
            %swap3A_672 = arith.index_cast %add3A_498 : i32 to index
            %swap3A_673 = arith.constant 16 : index
            %swap3A_674 = tpu.vector_load %arg7[%swap3A_671, %swap3A_672, %swap3A_673] {strides = array<i32>} : memref<2x512x64xf32, #tpu.memory_space<vmem>>, vector<1x1x16xf32>,
            %swap3A_675 = vector.shape_cast %swap3A_674 : vector<1x1x16xf32> to vector<16xf32>
            %swap3A_676 = vector.shape_cast %add3A_669 : vector<16xf32> to vector<1x1x16xf32>
            tpu.vector_store %arg7[%swap3A_671, %swap3A_672, %swap3A_673], %swap3A_676 {strides = array<i32>} : memref<2x512x64xf32, #tpu.memory_space<vmem>>, vector<1x1x16xf32>,
            %get3A_677 = arith.constant 1 : i32
            %get3A_678 = arith.index_cast %get3A_677 : i32 to index
            %get3A_679 = arith.index_cast %add3A_498 : i32 to index
            %get3A_680 = arith.constant 32 : index
            %get3A_681 = tpu.vector_load %arg7[%get3A_678, %get3A_679, %get3A_680] {strides = array<i32>} : memref<2x512x64xf32, #tpu.memory_space<vmem>>, vector<1x1x16xf32>,
            %get3A_682 = vector.shape_cast %get3A_681 : vector<1x1x16xf32> to vector<16xf32>
            %add3A_683 = arith.addf %get3A_682, %get3A_18 : vector<16xf32>
            %swap3A_684 = arith.constant 1 : i32
            %swap3A_685 = arith.index_cast %swap3A_684 : i32 to index
            %swap3A_686 = arith.index_cast %add3A_498 : i32 to index
            %swap3A_687 = arith.constant 32 : index
            %swap3A_688 = tpu.vector_load %arg7[%swap3A_685, %swap3A_686, %swap3A_687] {strides = array<i32>} : memref<2x512x64xf32, #tpu.memory_space<vmem>>, vector<1x1x16xf32>,
            %swap3A_689 = vector.shape_cast %swap3A_688 : vector<1x1x16xf32> to vector<16xf32>
            %swap3A_690 = vector.shape_cast %add3A_683 : vector<16xf32> to vector<1x1x16xf32>
            tpu.vector_store %arg7[%swap3A_685, %swap3A_686, %swap3A_687], %swap3A_690 {strides = array<i32>} : memref<2x512x64xf32, #tpu.memory_space<vmem>>, vector<1x1x16xf32>,
            %get3A_691 = arith.constant 1 : i32
            %get3A_692 = arith.index_cast %get3A_691 : i32 to index
            %get3A_693 = arith.index_cast %add3A_498 : i32 to index
            %get3A_694 = arith.constant 48 : index
            %get3A_695 = tpu.vector_load %arg7[%get3A_692, %get3A_693, %get3A_694] {strides = array<i32>} : memref<2x512x64xf32, #tpu.memory_space<vmem>>, vector<1x1x16xf32>,
            %get3A_696 = vector.shape_cast %get3A_695 : vector<1x1x16xf32> to vector<16xf32>
            %add3A_697 = arith.addf %get3A_696, %get3A_23 : vector<16xf32>
            %swap3A_698 = arith.constant 1 : i32
            %swap3A_699 = arith.index_cast %swap3A_698 : i32 to index
            %swap3A_700 = arith.index_cast %add3A_498 : i32 to index
            %swap3A_701 = arith.constant 48 : index
            %swap3A_702 = tpu.vector_load %arg7[%swap3A_699, %swap3A_700, %swap3A_701] {strides = array<i32>} : memref<2x512x64xf32, #tpu.memory_space<vmem>>, vector<1x1x16xf32>,
            %swap3A_703 = vector.shape_cast %swap3A_702 : vector<1x1x16xf32> to vector<16xf32>
            %swap3A_704 = vector.shape_cast %add3A_697 : vector<16xf32> to vector<1x1x16xf32>
            tpu.vector_store %arg7[%swap3A_699, %swap3A_700, %swap3A_701], %swap3A_704 {strides = array<i32>} : memref<2x512x64xf32, #tpu.memory_space<vmem>>, vector<1x1x16xf32>,
          } else {
          }
          %eq3A_504 = arith.constant 7 : i32
          %eq3A_505 = arith.cmpi eq, %squeeze3A_496, %eq3A_504 : i32
          %convert_element_type3A_506 = arith.extui %eq3A_505 : i1 to i32
          %cond3A_507 = arith.constant 0 : i32
          %cond3A_508 = arith.cmpi ne, %convert_element_type3A_506, %cond3A_507 : i32
          scf.if %cond3A_508 {
            %get3A_650 = arith.constant 1 : i32
            %get3A_651 = arith.index_cast %get3A_650 : i32 to index
            %get3A_652 = arith.index_cast %add3A_498 : i32 to index
            %get3A_653 = arith.constant 0 : index
            %get3A_654 = tpu.vector_load %arg7[%get3A_651, %get3A_652, %get3A_653] {strides = array<i32>} : memref<2x512x64xf32, #tpu.memory_space<vmem>>, vector<1x1x16xf32>,
            %get3A_655 = vector.shape_cast %get3A_654 : vector<1x1x16xf32> to vector<16xf32>
            %add3A_656 = arith.addf %get3A_655, %get3A_28 : vector<16xf32>
            %swap3A = arith.constant 1 : i32
            %swap3A_657 = arith.index_cast %swap3A : i32 to index
            %swap3A_658 = arith.index_cast %add3A_498 : i32 to index
            %swap3A_659 = arith.constant 0 : index
            %swap3A_660 = tpu.vector_load %arg7[%swap3A_657, %swap3A_658, %swap3A_659] {strides = array<i32>} : memref<2x512x64xf32, #tpu.memory_space<vmem>>, vector<1x1x16xf32>,
            %swap3A_661 = vector.shape_cast %swap3A_660 : vector<1x1x16xf32> to vector<16xf32>
            %swap3A_662 = vector.shape_cast %add3A_656 : vector<16xf32> to vector<1x1x16xf32>
            tpu.vector_store %arg7[%swap3A_657, %swap3A_658, %swap3A_659], %swap3A_662 {strides = array<i32>} : memref<2x512x64xf32, #tpu.memory_space<vmem>>, vector<1x1x16xf32>,
            %get3A_663 = arith.constant 1 : i32
            %get3A_664 = arith.index_cast %get3A_663 : i32 to index
            %get3A_665 = arith.index_cast %add3A_498 : i32 to index
            %get3A_666 = arith.constant 16 : index
            %get3A_667 = tpu.vector_load %arg7[%get3A_664, %get3A_665, %get3A_666] {strides = array<i32>} : memref<2x512x64xf32, #tpu.memory_space<vmem>>, vector<1x1x16xf32>,
            %get3A_668 = vector.shape_cast %get3A_667 : vector<1x1x16xf32> to vector<16xf32>
            %add3A_669 = arith.addf %get3A_668, %get3A_33 : vector<16xf32>
            %swap3A_670 = arith.constant 1 : i32
            %swap3A_671 = arith.index_cast %swap3A_670 : i32 to index
            %swap3A_672 = arith.index_cast %add3A_498 : i32 to index
            %swap3A_673 = arith.constant 16 : index
            %swap3A_674 = tpu.vector_load %arg7[%swap3A_671, %swap3A_672, %swap3A_673] {strides = array<i32>} : memref<2x512x64xf32, #tpu.memory_space<vmem>>, vector<1x1x16xf32>,
            %swap3A_675 = vector.shape_cast %swap3A_674 : vector<1x1x16xf32> to vector<16xf32>
            %swap3A_676 = vector.shape_cast %add3A_669 : vector<16xf32> to vector<1x1x16xf32>
            tpu.vector_store %arg7[%swap3A_671, %swap3A_672, %swap3A_673], %swap3A_676 {strides = array<i32>} : memref<2x512x64xf32, #tpu.memory_space<vmem>>, vector<1x1x16xf32>,
            %get3A_677 = arith.constant 1 : i32
            %get3A_678 = arith.index_cast %get3A_677 : i32 to index
            %get3A_679 = arith.index_cast %add3A_498 : i32 to index
            %get3A_680 = arith.constant 32 : index
            %get3A_681 = tpu.vector_load %arg7[%get3A_678, %get3A_679, %get3A_680] {strides = array<i32>} : memref<2x512x64xf32, #tpu.memory_space<vmem>>, vector<1x1x16xf32>,
            %get3A_682 = vector.shape_cast %get3A_681 : vector<1x1x16xf32> to vector<16xf32>
            %add3A_683 = arith.addf %get3A_682, %get3A_38 : vector<16xf32>
            %swap3A_684 = arith.constant 1 : i32
            %swap3A_685 = arith.index_cast %swap3A_684 : i32 to index
            %swap3A_686 = arith.index_cast %add3A_498 : i32 to index
            %swap3A_687 = arith.constant 32 : index
            %swap3A_688 = tpu.vector_load %arg7[%swap3A_685, %swap3A_686, %swap3A_687] {strides = array<i32>} : memref<2x512x64xf32, #tpu.memory_space<vmem>>, vector<1x1x16xf32>,
            %swap3A_689 = vector.shape_cast %swap3A_688 : vector<1x1x16xf32> to vector<16xf32>
            %swap3A_690 = vector.shape_cast %add3A_683 : vector<16xf32> to vector<1x1x16xf32>
            tpu.vector_store %arg7[%swap3A_685, %swap3A_686, %swap3A_687], %swap3A_690 {strides = array<i32>} : memref<2x512x64xf32, #tpu.memory_space<vmem>>, vector<1x1x16xf32>,
            %get3A_691 = arith.constant 1 : i32
            %get3A_692 = arith.index_cast %get3A_691 : i32 to index
            %get3A_693 = arith.index_cast %add3A_498 : i32 to index
            %get3A_694 = arith.constant 48 : index
            %get3A_695 = tpu.vector_load %arg7[%get3A_692, %get3A_693, %get3A_694] {strides = array<i32>} : memref<2x512x64xf32, #tpu.memory_space<vmem>>, vector<1x1x16xf32>,
            %get3A_696 = vector.shape_cast %get3A_695 : vector<1x1x16xf32> to vector<16xf32>
            %add3A_697 = arith.addf %get3A_696, %get3A_43 : vector<16xf32>
            %swap3A_698 = arith.constant 1 : i32
            %swap3A_699 = arith.index_cast %swap3A_698 : i32 to index
            %swap3A_700 = arith.index_cast %add3A_498 : i32 to index
            %swap3A_701 = arith.constant 48 : index
            %swap3A_702 = tpu.vector_load %arg7[%swap3A_699, %swap3A_700, %swap3A_701] {strides = array<i32>} : memref<2x512x64xf32, #tpu.memory_space<vmem>>, vector<1x1x16xf32>,
            %swap3A_703 = vector.shape_cast %swap3A_702 : vector<1x1x16xf32> to vector<16xf32>
            %swap3A_704 = vector.shape_cast %add3A_697 : vector<16xf32> to vector<1x1x16xf32>
            tpu.vector_store %arg7[%swap3A_699, %swap3A_700, %swap3A_701], %swap3A_704 {strides = array<i32>} : memref<2x512x64xf32, #tpu.memory_space<vmem>>, vector<1x1x16xf32>,
          } else {
          }
          %slice3A_509 = vector.extract_strided_slice %get3A_422 {offsets = [6], sizes = [1], strides = [1]} : vector<16xi32> to vector<1xi32>
          %squeeze3A_510 = vector.extract %slice3A_509[0] : i32 from vector<1xi32>
          %add3A_511 = arith.constant 6 : i32
          %add3A_512 = arith.addi %mul3A_424, %add3A_511 : i32
          %eq3A_513 = arith.constant 5 : i32
          %eq3A_514 = arith.cmpi eq, %squeeze3A_510, %eq3A_513 : i32
          %convert_element_type3A_515 = arith.extui %eq3A_514 : i1 to i32
          %cond3A_516 = arith.constant 0 : i32
          %cond3A_517 = arith.cmpi ne, %convert_element_type3A_515, %cond3A_516 : i32
          scf.if %cond3A_517 {
            %get3A_650 = arith.constant 1 : i32
            %get3A_651 = arith.index_cast %get3A_650 : i32 to index
            %get3A_652 = arith.index_cast %add3A_512 : i32 to index
            %get3A_653 = arith.constant 0 : index
            %get3A_654 = tpu.vector_load %arg7[%get3A_651, %get3A_652, %get3A_653] {strides = array<i32>} : memref<2x512x64xf32, #tpu.memory_space<vmem>>, vector<1x1x16xf32>,
            %get3A_655 = vector.shape_cast %get3A_654 : vector<1x1x16xf32> to vector<16xf32>
            %add3A_656 = arith.addf %get3A_655, %get3A_8 : vector<16xf32>
            %swap3A = arith.constant 1 : i32
            %swap3A_657 = arith.index_cast %swap3A : i32 to index
            %swap3A_658 = arith.index_cast %add3A_512 : i32 to index
            %swap3A_659 = arith.constant 0 : index
            %swap3A_660 = tpu.vector_load %arg7[%swap3A_657, %swap3A_658, %swap3A_659] {strides = array<i32>} : memref<2x512x64xf32, #tpu.memory_space<vmem>>, vector<1x1x16xf32>,
            %swap3A_661 = vector.shape_cast %swap3A_660 : vector<1x1x16xf32> to vector<16xf32>
            %swap3A_662 = vector.shape_cast %add3A_656 : vector<16xf32> to vector<1x1x16xf32>
            tpu.vector_store %arg7[%swap3A_657, %swap3A_658, %swap3A_659], %swap3A_662 {strides = array<i32>} : memref<2x512x64xf32, #tpu.memory_space<vmem>>, vector<1x1x16xf32>,
            %get3A_663 = arith.constant 1 : i32
            %get3A_664 = arith.index_cast %get3A_663 : i32 to index
            %get3A_665 = arith.index_cast %add3A_512 : i32 to index
            %get3A_666 = arith.constant 16 : index
            %get3A_667 = tpu.vector_load %arg7[%get3A_664, %get3A_665, %get3A_666] {strides = array<i32>} : memref<2x512x64xf32, #tpu.memory_space<vmem>>, vector<1x1x16xf32>,
            %get3A_668 = vector.shape_cast %get3A_667 : vector<1x1x16xf32> to vector<16xf32>
            %add3A_669 = arith.addf %get3A_668, %get3A_13 : vector<16xf32>
            %swap3A_670 = arith.constant 1 : i32
            %swap3A_671 = arith.index_cast %swap3A_670 : i32 to index
            %swap3A_672 = arith.index_cast %add3A_512 : i32 to index
            %swap3A_673 = arith.constant 16 : index
            %swap3A_674 = tpu.vector_load %arg7[%swap3A_671, %swap3A_672, %swap3A_673] {strides = array<i32>} : memref<2x512x64xf32, #tpu.memory_space<vmem>>, vector<1x1x16xf32>,
            %swap3A_675 = vector.shape_cast %swap3A_674 : vector<1x1x16xf32> to vector<16xf32>
            %swap3A_676 = vector.shape_cast %add3A_669 : vector<16xf32> to vector<1x1x16xf32>
            tpu.vector_store %arg7[%swap3A_671, %swap3A_672, %swap3A_673], %swap3A_676 {strides = array<i32>} : memref<2x512x64xf32, #tpu.memory_space<vmem>>, vector<1x1x16xf32>,
            %get3A_677 = arith.constant 1 : i32
            %get3A_678 = arith.index_cast %get3A_677 : i32 to index
            %get3A_679 = arith.index_cast %add3A_512 : i32 to index
            %get3A_680 = arith.constant 32 : index
            %get3A_681 = tpu.vector_load %arg7[%get3A_678, %get3A_679, %get3A_680] {strides = array<i32>} : memref<2x512x64xf32, #tpu.memory_space<vmem>>, vector<1x1x16xf32>,
            %get3A_682 = vector.shape_cast %get3A_681 : vector<1x1x16xf32> to vector<16xf32>
            %add3A_683 = arith.addf %get3A_682, %get3A_18 : vector<16xf32>
            %swap3A_684 = arith.constant 1 : i32
            %swap3A_685 = arith.index_cast %swap3A_684 : i32 to index
            %swap3A_686 = arith.index_cast %add3A_512 : i32 to index
            %swap3A_687 = arith.constant 32 : index
            %swap3A_688 = tpu.vector_load %arg7[%swap3A_685, %swap3A_686, %swap3A_687] {strides = array<i32>} : memref<2x512x64xf32, #tpu.memory_space<vmem>>, vector<1x1x16xf32>,
            %swap3A_689 = vector.shape_cast %swap3A_688 : vector<1x1x16xf32> to vector<16xf32>
            %swap3A_690 = vector.shape_cast %add3A_683 : vector<16xf32> to vector<1x1x16xf32>
            tpu.vector_store %arg7[%swap3A_685, %swap3A_686, %swap3A_687], %swap3A_690 {strides = array<i32>} : memref<2x512x64xf32, #tpu.memory_space<vmem>>, vector<1x1x16xf32>,
            %get3A_691 = arith.constant 1 : i32
            %get3A_692 = arith.index_cast %get3A_691 : i32 to index
            %get3A_693 = arith.index_cast %add3A_512 : i32 to index
            %get3A_694 = arith.constant 48 : index
            %get3A_695 = tpu.vector_load %arg7[%get3A_692, %get3A_693, %get3A_694] {strides = array<i32>} : memref<2x512x64xf32, #tpu.memory_space<vmem>>, vector<1x1x16xf32>,
            %get3A_696 = vector.shape_cast %get3A_695 : vector<1x1x16xf32> to vector<16xf32>
            %add3A_697 = arith.addf %get3A_696, %get3A_23 : vector<16xf32>
            %swap3A_698 = arith.constant 1 : i32
            %swap3A_699 = arith.index_cast %swap3A_698 : i32 to index
            %swap3A_700 = arith.index_cast %add3A_512 : i32 to index
            %swap3A_701 = arith.constant 48 : index
            %swap3A_702 = tpu.vector_load %arg7[%swap3A_699, %swap3A_700, %swap3A_701] {strides = array<i32>} : memref<2x512x64xf32, #tpu.memory_space<vmem>>, vector<1x1x16xf32>,
            %swap3A_703 = vector.shape_cast %swap3A_702 : vector<1x1x16xf32> to vector<16xf32>
            %swap3A_704 = vector.shape_cast %add3A_697 : vector<16xf32> to vector<1x1x16xf32>
            tpu.vector_store %arg7[%swap3A_699, %swap3A_700, %swap3A_701], %swap3A_704 {strides = array<i32>} : memref<2x512x64xf32, #tpu.memory_space<vmem>>, vector<1x1x16xf32>,
          } else {
          }
          %eq3A_518 = arith.constant 7 : i32
          %eq3A_519 = arith.cmpi eq, %squeeze3A_510, %eq3A_518 : i32
          %convert_element_type3A_520 = arith.extui %eq3A_519 : i1 to i32
          %cond3A_521 = arith.constant 0 : i32
          %cond3A_522 = arith.cmpi ne, %convert_element_type3A_520, %cond3A_521 : i32
          scf.if %cond3A_522 {
            %get3A_650 = arith.constant 1 : i32
            %get3A_651 = arith.index_cast %get3A_650 : i32 to index
            %get3A_652 = arith.index_cast %add3A_512 : i32 to index
            %get3A_653 = arith.constant 0 : index
            %get3A_654 = tpu.vector_load %arg7[%get3A_651, %get3A_652, %get3A_653] {strides = array<i32>} : memref<2x512x64xf32, #tpu.memory_space<vmem>>, vector<1x1x16xf32>,
            %get3A_655 = vector.shape_cast %get3A_654 : vector<1x1x16xf32> to vector<16xf32>
            %add3A_656 = arith.addf %get3A_655, %get3A_28 : vector<16xf32>
            %swap3A = arith.constant 1 : i32
            %swap3A_657 = arith.index_cast %swap3A : i32 to index
            %swap3A_658 = arith.index_cast %add3A_512 : i32 to index
            %swap3A_659 = arith.constant 0 : index
            %swap3A_660 = tpu.vector_load %arg7[%swap3A_657, %swap3A_658, %swap3A_659] {strides = array<i32>} : memref<2x512x64xf32, #tpu.memory_space<vmem>>, vector<1x1x16xf32>,
            %swap3A_661 = vector.shape_cast %swap3A_660 : vector<1x1x16xf32> to vector<16xf32>
            %swap3A_662 = vector.shape_cast %add3A_656 : vector<16xf32> to vector<1x1x16xf32>
            tpu.vector_store %arg7[%swap3A_657, %swap3A_658, %swap3A_659], %swap3A_662 {strides = array<i32>} : memref<2x512x64xf32, #tpu.memory_space<vmem>>, vector<1x1x16xf32>,
            %get3A_663 = arith.constant 1 : i32
            %get3A_664 = arith.index_cast %get3A_663 : i32 to index
            %get3A_665 = arith.index_cast %add3A_512 : i32 to index
            %get3A_666 = arith.constant 16 : index
            %get3A_667 = tpu.vector_load %arg7[%get3A_664, %get3A_665, %get3A_666] {strides = array<i32>} : memref<2x512x64xf32, #tpu.memory_space<vmem>>, vector<1x1x16xf32>,
            %get3A_668 = vector.shape_cast %get3A_667 : vector<1x1x16xf32> to vector<16xf32>
            %add3A_669 = arith.addf %get3A_668, %get3A_33 : vector<16xf32>
            %swap3A_670 = arith.constant 1 : i32
            %swap3A_671 = arith.index_cast %swap3A_670 : i32 to index
            %swap3A_672 = arith.index_cast %add3A_512 : i32 to index
            %swap3A_673 = arith.constant 16 : index
            %swap3A_674 = tpu.vector_load %arg7[%swap3A_671, %swap3A_672, %swap3A_673] {strides = array<i32>} : memref<2x512x64xf32, #tpu.memory_space<vmem>>, vector<1x1x16xf32>,
            %swap3A_675 = vector.shape_cast %swap3A_674 : vector<1x1x16xf32> to vector<16xf32>
            %swap3A_676 = vector.shape_cast %add3A_669 : vector<16xf32> to vector<1x1x16xf32>
            tpu.vector_store %arg7[%swap3A_671, %swap3A_672, %swap3A_673], %swap3A_676 {strides = array<i32>} : memref<2x512x64xf32, #tpu.memory_space<vmem>>, vector<1x1x16xf32>,
            %get3A_677 = arith.constant 1 : i32
            %get3A_678 = arith.index_cast %get3A_677 : i32 to index
            %get3A_679 = arith.index_cast %add3A_512 : i32 to index
            %get3A_680 = arith.constant 32 : index
            %get3A_681 = tpu.vector_load %arg7[%get3A_678, %get3A_679, %get3A_680] {strides = array<i32>} : memref<2x512x64xf32, #tpu.memory_space<vmem>>, vector<1x1x16xf32>,
            %get3A_682 = vector.shape_cast %get3A_681 : vector<1x1x16xf32> to vector<16xf32>
            %add3A_683 = arith.addf %get3A_682, %get3A_38 : vector<16xf32>
            %swap3A_684 = arith.constant 1 : i32
            %swap3A_685 = arith.index_cast %swap3A_684 : i32 to index
            %swap3A_686 = arith.index_cast %add3A_512 : i32 to index
            %swap3A_687 = arith.constant 32 : index
            %swap3A_688 = tpu.vector_load %arg7[%swap3A_685, %swap3A_686, %swap3A_687] {strides = array<i32>} : memref<2x512x64xf32, #tpu.memory_space<vmem>>, vector<1x1x16xf32>,
            %swap3A_689 = vector.shape_cast %swap3A_688 : vector<1x1x16xf32> to vector<16xf32>
            %swap3A_690 = vector.shape_cast %add3A_683 : vector<16xf32> to vector<1x1x16xf32>
            tpu.vector_store %arg7[%swap3A_685, %swap3A_686, %swap3A_687], %swap3A_690 {strides = array<i32>} : memref<2x512x64xf32, #tpu.memory_space<vmem>>, vector<1x1x16xf32>,
            %get3A_691 = arith.constant 1 : i32
            %get3A_692 = arith.index_cast %get3A_691 : i32 to index
            %get3A_693 = arith.index_cast %add3A_512 : i32 to index
            %get3A_694 = arith.constant 48 : index
            %get3A_695 = tpu.vector_load %arg7[%get3A_692, %get3A_693, %get3A_694] {strides = array<i32>} : memref<2x512x64xf32, #tpu.memory_space<vmem>>, vector<1x1x16xf32>,
            %get3A_696 = vector.shape_cast %get3A_695 : vector<1x1x16xf32> to vector<16xf32>
            %add3A_697 = arith.addf %get3A_696, %get3A_43 : vector<16xf32>
            %swap3A_698 = arith.constant 1 : i32
            %swap3A_699 = arith.index_cast %swap3A_698 : i32 to index
            %swap3A_700 = arith.index_cast %add3A_512 : i32 to index
            %swap3A_701 = arith.constant 48 : index
            %swap3A_702 = tpu.vector_load %arg7[%swap3A_699, %swap3A_700, %swap3A_701] {strides = array<i32>} : memref<2x512x64xf32, #tpu.memory_space<vmem>>, vector<1x1x16xf32>,
            %swap3A_703 = vector.shape_cast %swap3A_702 : vector<1x1x16xf32> to vector<16xf32>
            %swap3A_704 = vector.shape_cast %add3A_697 : vector<16xf32> to vector<1x1x16xf32>
            tpu.vector_store %arg7[%swap3A_699, %swap3A_700, %swap3A_701], %swap3A_704 {strides = array<i32>} : memref<2x512x64xf32, #tpu.memory_space<vmem>>, vector<1x1x16xf32>,
          } else {
          }
          %slice3A_523 = vector.extract_strided_slice %get3A_422 {offsets = [7], sizes = [1], strides = [1]} : vector<16xi32> to vector<1xi32>
          %squeeze3A_524 = vector.extract %slice3A_523[0] : i32 from vector<1xi32>
          %add3A_525 = arith.constant 7 : i32
          %add3A_526 = arith.addi %mul3A_424, %add3A_525 : i32
          %eq3A_527 = arith.constant 5 : i32
          %eq3A_528 = arith.cmpi eq, %squeeze3A_524, %eq3A_527 : i32
          %convert_element_type3A_529 = arith.extui %eq3A_528 : i1 to i32
          %cond3A_530 = arith.constant 0 : i32
          %cond3A_531 = arith.cmpi ne, %convert_element_type3A_529, %cond3A_530 : i32
          scf.if %cond3A_531 {
            %get3A_650 = arith.constant 1 : i32
            %get3A_651 = arith.index_cast %get3A_650 : i32 to index
            %get3A_652 = arith.index_cast %add3A_526 : i32 to index
            %get3A_653 = arith.constant 0 : index
            %get3A_654 = tpu.vector_load %arg7[%get3A_651, %get3A_652, %get3A_653] {strides = array<i32>} : memref<2x512x64xf32, #tpu.memory_space<vmem>>, vector<1x1x16xf32>,
            %get3A_655 = vector.shape_cast %get3A_654 : vector<1x1x16xf32> to vector<16xf32>
            %add3A_656 = arith.addf %get3A_655, %get3A_8 : vector<16xf32>
            %swap3A = arith.constant 1 : i32
            %swap3A_657 = arith.index_cast %swap3A : i32 to index
            %swap3A_658 = arith.index_cast %add3A_526 : i32 to index
            %swap3A_659 = arith.constant 0 : index
            %swap3A_660 = tpu.vector_load %arg7[%swap3A_657, %swap3A_658, %swap3A_659] {strides = array<i32>} : memref<2x512x64xf32, #tpu.memory_space<vmem>>, vector<1x1x16xf32>,
            %swap3A_661 = vector.shape_cast %swap3A_660 : vector<1x1x16xf32> to vector<16xf32>
            %swap3A_662 = vector.shape_cast %add3A_656 : vector<16xf32> to vector<1x1x16xf32>
            tpu.vector_store %arg7[%swap3A_657, %swap3A_658, %swap3A_659], %swap3A_662 {strides = array<i32>} : memref<2x512x64xf32, #tpu.memory_space<vmem>>, vector<1x1x16xf32>,
            %get3A_663 = arith.constant 1 : i32
            %get3A_664 = arith.index_cast %get3A_663 : i32 to index
            %get3A_665 = arith.index_cast %add3A_526 : i32 to index
            %get3A_666 = arith.constant 16 : index
            %get3A_667 = tpu.vector_load %arg7[%get3A_664, %get3A_665, %get3A_666] {strides = array<i32>} : memref<2x512x64xf32, #tpu.memory_space<vmem>>, vector<1x1x16xf32>,
            %get3A_668 = vector.shape_cast %get3A_667 : vector<1x1x16xf32> to vector<16xf32>
            %add3A_669 = arith.addf %get3A_668, %get3A_13 : vector<16xf32>
            %swap3A_670 = arith.constant 1 : i32
            %swap3A_671 = arith.index_cast %swap3A_670 : i32 to index
            %swap3A_672 = arith.index_cast %add3A_526 : i32 to index
            %swap3A_673 = arith.constant 16 : index
            %swap3A_674 = tpu.vector_load %arg7[%swap3A_671, %swap3A_672, %swap3A_673] {strides = array<i32>} : memref<2x512x64xf32, #tpu.memory_space<vmem>>, vector<1x1x16xf32>,
            %swap3A_675 = vector.shape_cast %swap3A_674 : vector<1x1x16xf32> to vector<16xf32>
            %swap3A_676 = vector.shape_cast %add3A_669 : vector<16xf32> to vector<1x1x16xf32>
            tpu.vector_store %arg7[%swap3A_671, %swap3A_672, %swap3A_673], %swap3A_676 {strides = array<i32>} : memref<2x512x64xf32, #tpu.memory_space<vmem>>, vector<1x1x16xf32>,
            %get3A_677 = arith.constant 1 : i32
            %get3A_678 = arith.index_cast %get3A_677 : i32 to index
            %get3A_679 = arith.index_cast %add3A_526 : i32 to index
            %get3A_680 = arith.constant 32 : index
            %get3A_681 = tpu.vector_load %arg7[%get3A_678, %get3A_679, %get3A_680] {strides = array<i32>} : memref<2x512x64xf32, #tpu.memory_space<vmem>>, vector<1x1x16xf32>,
            %get3A_682 = vector.shape_cast %get3A_681 : vector<1x1x16xf32> to vector<16xf32>
            %add3A_683 = arith.addf %get3A_682, %get3A_18 : vector<16xf32>
            %swap3A_684 = arith.constant 1 : i32
            %swap3A_685 = arith.index_cast %swap3A_684 : i32 to index
            %swap3A_686 = arith.index_cast %add3A_526 : i32 to index
            %swap3A_687 = arith.constant 32 : index
            %swap3A_688 = tpu.vector_load %arg7[%swap3A_685, %swap3A_686, %swap3A_687] {strides = array<i32>} : memref<2x512x64xf32, #tpu.memory_space<vmem>>, vector<1x1x16xf32>,
            %swap3A_689 = vector.shape_cast %swap3A_688 : vector<1x1x16xf32> to vector<16xf32>
            %swap3A_690 = vector.shape_cast %add3A_683 : vector<16xf32> to vector<1x1x16xf32>
            tpu.vector_store %arg7[%swap3A_685, %swap3A_686, %swap3A_687], %swap3A_690 {strides = array<i32>} : memref<2x512x64xf32, #tpu.memory_space<vmem>>, vector<1x1x16xf32>,
            %get3A_691 = arith.constant 1 : i32
            %get3A_692 = arith.index_cast %get3A_691 : i32 to index
            %get3A_693 = arith.index_cast %add3A_526 : i32 to index
            %get3A_694 = arith.constant 48 : index
            %get3A_695 = tpu.vector_load %arg7[%get3A_692, %get3A_693, %get3A_694] {strides = array<i32>} : memref<2x512x64xf32, #tpu.memory_space<vmem>>, vector<1x1x16xf32>,
            %get3A_696 = vector.shape_cast %get3A_695 : vector<1x1x16xf32> to vector<16xf32>
            %add3A_697 = arith.addf %get3A_696, %get3A_23 : vector<16xf32>
            %swap3A_698 = arith.constant 1 : i32
            %swap3A_699 = arith.index_cast %swap3A_698 : i32 to index
            %swap3A_700 = arith.index_cast %add3A_526 : i32 to index
            %swap3A_701 = arith.constant 48 : index
            %swap3A_702 = tpu.vector_load %arg7[%swap3A_699, %swap3A_700, %swap3A_701] {strides = array<i32>} : memref<2x512x64xf32, #tpu.memory_space<vmem>>, vector<1x1x16xf32>,
            %swap3A_703 = vector.shape_cast %swap3A_702 : vector<1x1x16xf32> to vector<16xf32>
            %swap3A_704 = vector.shape_cast %add3A_697 : vector<16xf32> to vector<1x1x16xf32>
            tpu.vector_store %arg7[%swap3A_699, %swap3A_700, %swap3A_701], %swap3A_704 {strides = array<i32>} : memref<2x512x64xf32, #tpu.memory_space<vmem>>, vector<1x1x16xf32>,
          } else {
          }
          %eq3A_532 = arith.constant 7 : i32
          %eq3A_533 = arith.cmpi eq, %squeeze3A_524, %eq3A_532 : i32
          %convert_element_type3A_534 = arith.extui %eq3A_533 : i1 to i32
          %cond3A_535 = arith.constant 0 : i32
          %cond3A_536 = arith.cmpi ne, %convert_element_type3A_534, %cond3A_535 : i32
          scf.if %cond3A_536 {
            %get3A_650 = arith.constant 1 : i32
            %get3A_651 = arith.index_cast %get3A_650 : i32 to index
            %get3A_652 = arith.index_cast %add3A_526 : i32 to index
            %get3A_653 = arith.constant 0 : index
            %get3A_654 = tpu.vector_load %arg7[%get3A_651, %get3A_652, %get3A_653] {strides = array<i32>} : memref<2x512x64xf32, #tpu.memory_space<vmem>>, vector<1x1x16xf32>,
            %get3A_655 = vector.shape_cast %get3A_654 : vector<1x1x16xf32> to vector<16xf32>
            %add3A_656 = arith.addf %get3A_655, %get3A_28 : vector<16xf32>
            %swap3A = arith.constant 1 : i32
            %swap3A_657 = arith.index_cast %swap3A : i32 to index
            %swap3A_658 = arith.index_cast %add3A_526 : i32 to index
            %swap3A_659 = arith.constant 0 : index
            %swap3A_660 = tpu.vector_load %arg7[%swap3A_657, %swap3A_658, %swap3A_659] {strides = array<i32>} : memref<2x512x64xf32, #tpu.memory_space<vmem>>, vector<1x1x16xf32>,
            %swap3A_661 = vector.shape_cast %swap3A_660 : vector<1x1x16xf32> to vector<16xf32>
            %swap3A_662 = vector.shape_cast %add3A_656 : vector<16xf32> to vector<1x1x16xf32>
            tpu.vector_store %arg7[%swap3A_657, %swap3A_658, %swap3A_659], %swap3A_662 {strides = array<i32>} : memref<2x512x64xf32, #tpu.memory_space<vmem>>, vector<1x1x16xf32>,
            %get3A_663 = arith.constant 1 : i32
            %get3A_664 = arith.index_cast %get3A_663 : i32 to index
            %get3A_665 = arith.index_cast %add3A_526 : i32 to index
            %get3A_666 = arith.constant 16 : index
            %get3A_667 = tpu.vector_load %arg7[%get3A_664, %get3A_665, %get3A_666] {strides = array<i32>} : memref<2x512x64xf32, #tpu.memory_space<vmem>>, vector<1x1x16xf32>,
            %get3A_668 = vector.shape_cast %get3A_667 : vector<1x1x16xf32> to vector<16xf32>
            %add3A_669 = arith.addf %get3A_668, %get3A_33 : vector<16xf32>
            %swap3A_670 = arith.constant 1 : i32
            %swap3A_671 = arith.index_cast %swap3A_670 : i32 to index
            %swap3A_672 = arith.index_cast %add3A_526 : i32 to index
            %swap3A_673 = arith.constant 16 : index
            %swap3A_674 = tpu.vector_load %arg7[%swap3A_671, %swap3A_672, %swap3A_673] {strides = array<i32>} : memref<2x512x64xf32, #tpu.memory_space<vmem>>, vector<1x1x16xf32>,
            %swap3A_675 = vector.shape_cast %swap3A_674 : vector<1x1x16xf32> to vector<16xf32>
            %swap3A_676 = vector.shape_cast %add3A_669 : vector<16xf32> to vector<1x1x16xf32>
            tpu.vector_store %arg7[%swap3A_671, %swap3A_672, %swap3A_673], %swap3A_676 {strides = array<i32>} : memref<2x512x64xf32, #tpu.memory_space<vmem>>, vector<1x1x16xf32>,
            %get3A_677 = arith.constant 1 : i32
            %get3A_678 = arith.index_cast %get3A_677 : i32 to index
            %get3A_679 = arith.index_cast %add3A_526 : i32 to index
            %get3A_680 = arith.constant 32 : index
            %get3A_681 = tpu.vector_load %arg7[%get3A_678, %get3A_679, %get3A_680] {strides = array<i32>} : memref<2x512x64xf32, #tpu.memory_space<vmem>>, vector<1x1x16xf32>,
            %get3A_682 = vector.shape_cast %get3A_681 : vector<1x1x16xf32> to vector<16xf32>
            %add3A_683 = arith.addf %get3A_682, %get3A_38 : vector<16xf32>
            %swap3A_684 = arith.constant 1 : i32
            %swap3A_685 = arith.index_cast %swap3A_684 : i32 to index
            %swap3A_686 = arith.index_cast %add3A_526 : i32 to index
            %swap3A_687 = arith.constant 32 : index
            %swap3A_688 = tpu.vector_load %arg7[%swap3A_685, %swap3A_686, %swap3A_687] {strides = array<i32>} : memref<2x512x64xf32, #tpu.memory_space<vmem>>, vector<1x1x16xf32>,
            %swap3A_689 = vector.shape_cast %swap3A_688 : vector<1x1x16xf32> to vector<16xf32>
            %swap3A_690 = vector.shape_cast %add3A_683 : vector<16xf32> to vector<1x1x16xf32>
            tpu.vector_store %arg7[%swap3A_685, %swap3A_686, %swap3A_687], %swap3A_690 {strides = array<i32>} : memref<2x512x64xf32, #tpu.memory_space<vmem>>, vector<1x1x16xf32>,
            %get3A_691 = arith.constant 1 : i32
            %get3A_692 = arith.index_cast %get3A_691 : i32 to index
            %get3A_693 = arith.index_cast %add3A_526 : i32 to index
            %get3A_694 = arith.constant 48 : index
            %get3A_695 = tpu.vector_load %arg7[%get3A_692, %get3A_693, %get3A_694] {strides = array<i32>} : memref<2x512x64xf32, #tpu.memory_space<vmem>>, vector<1x1x16xf32>,
            %get3A_696 = vector.shape_cast %get3A_695 : vector<1x1x16xf32> to vector<16xf32>
            %add3A_697 = arith.addf %get3A_696, %get3A_43 : vector<16xf32>
            %swap3A_698 = arith.constant 1 : i32
            %swap3A_699 = arith.index_cast %swap3A_698 : i32 to index
            %swap3A_700 = arith.index_cast %add3A_526 : i32 to index
            %swap3A_701 = arith.constant 48 : index
            %swap3A_702 = tpu.vector_load %arg7[%swap3A_699, %swap3A_700, %swap3A_701] {strides = array<i32>} : memref<2x512x64xf32, #tpu.memory_space<vmem>>, vector<1x1x16xf32>,
            %swap3A_703 = vector.shape_cast %swap3A_702 : vector<1x1x16xf32> to vector<16xf32>
            %swap3A_704 = vector.shape_cast %add3A_697 : vector<16xf32> to vector<1x1x16xf32>
            tpu.vector_store %arg7[%swap3A_699, %swap3A_700, %swap3A_701], %swap3A_704 {strides = array<i32>} : memref<2x512x64xf32, #tpu.memory_space<vmem>>, vector<1x1x16xf32>,
          } else {
          }
          %slice3A_537 = vector.extract_strided_slice %get3A_422 {offsets = [8], sizes = [1], strides = [1]} : vector<16xi32> to vector<1xi32>
          %squeeze3A_538 = vector.extract %slice3A_537[0] : i32 from vector<1xi32>
          %add3A_539 = arith.constant 8 : i32
          %add3A_540 = arith.addi %mul3A_424, %add3A_539 : i32
          %eq3A_541 = arith.constant 5 : i32
          %eq3A_542 = arith.cmpi eq, %squeeze3A_538, %eq3A_541 : i32
          %convert_element_type3A_543 = arith.extui %eq3A_542 : i1 to i32
          %cond3A_544 = arith.constant 0 : i32
          %cond3A_545 = arith.cmpi ne, %convert_element_type3A_543, %cond3A_544 : i32
          scf.if %cond3A_545 {
            %get3A_650 = arith.constant 1 : i32
            %get3A_651 = arith.index_cast %get3A_650 : i32 to index
            %get3A_652 = arith.index_cast %add3A_540 : i32 to index
            %get3A_653 = arith.constant 0 : index
            %get3A_654 = tpu.vector_load %arg7[%get3A_651, %get3A_652, %get3A_653] {strides = array<i32>} : memref<2x512x64xf32, #tpu.memory_space<vmem>>, vector<1x1x16xf32>,
            %get3A_655 = vector.shape_cast %get3A_654 : vector<1x1x16xf32> to vector<16xf32>
            %add3A_656 = arith.addf %get3A_655, %get3A_8 : vector<16xf32>
            %swap3A = arith.constant 1 : i32
            %swap3A_657 = arith.index_cast %swap3A : i32 to index
            %swap3A_658 = arith.index_cast %add3A_540 : i32 to index
            %swap3A_659 = arith.constant 0 : index
            %swap3A_660 = tpu.vector_load %arg7[%swap3A_657, %swap3A_658, %swap3A_659] {strides = array<i32>} : memref<2x512x64xf32, #tpu.memory_space<vmem>>, vector<1x1x16xf32>,
            %swap3A_661 = vector.shape_cast %swap3A_660 : vector<1x1x16xf32> to vector<16xf32>
            %swap3A_662 = vector.shape_cast %add3A_656 : vector<16xf32> to vector<1x1x16xf32>
            tpu.vector_store %arg7[%swap3A_657, %swap3A_658, %swap3A_659], %swap3A_662 {strides = array<i32>} : memref<2x512x64xf32, #tpu.memory_space<vmem>>, vector<1x1x16xf32>,
            %get3A_663 = arith.constant 1 : i32
            %get3A_664 = arith.index_cast %get3A_663 : i32 to index
            %get3A_665 = arith.index_cast %add3A_540 : i32 to index
            %get3A_666 = arith.constant 16 : index
            %get3A_667 = tpu.vector_load %arg7[%get3A_664, %get3A_665, %get3A_666] {strides = array<i32>} : memref<2x512x64xf32, #tpu.memory_space<vmem>>, vector<1x1x16xf32>,
            %get3A_668 = vector.shape_cast %get3A_667 : vector<1x1x16xf32> to vector<16xf32>
            %add3A_669 = arith.addf %get3A_668, %get3A_13 : vector<16xf32>
            %swap3A_670 = arith.constant 1 : i32
            %swap3A_671 = arith.index_cast %swap3A_670 : i32 to index
            %swap3A_672 = arith.index_cast %add3A_540 : i32 to index
            %swap3A_673 = arith.constant 16 : index
            %swap3A_674 = tpu.vector_load %arg7[%swap3A_671, %swap3A_672, %swap3A_673] {strides = array<i32>} : memref<2x512x64xf32, #tpu.memory_space<vmem>>, vector<1x1x16xf32>,
            %swap3A_675 = vector.shape_cast %swap3A_674 : vector<1x1x16xf32> to vector<16xf32>
            %swap3A_676 = vector.shape_cast %add3A_669 : vector<16xf32> to vector<1x1x16xf32>
            tpu.vector_store %arg7[%swap3A_671, %swap3A_672, %swap3A_673], %swap3A_676 {strides = array<i32>} : memref<2x512x64xf32, #tpu.memory_space<vmem>>, vector<1x1x16xf32>,
            %get3A_677 = arith.constant 1 : i32
            %get3A_678 = arith.index_cast %get3A_677 : i32 to index
            %get3A_679 = arith.index_cast %add3A_540 : i32 to index
            %get3A_680 = arith.constant 32 : index
            %get3A_681 = tpu.vector_load %arg7[%get3A_678, %get3A_679, %get3A_680] {strides = array<i32>} : memref<2x512x64xf32, #tpu.memory_space<vmem>>, vector<1x1x16xf32>,
            %get3A_682 = vector.shape_cast %get3A_681 : vector<1x1x16xf32> to vector<16xf32>
            %add3A_683 = arith.addf %get3A_682, %get3A_18 : vector<16xf32>
            %swap3A_684 = arith.constant 1 : i32
            %swap3A_685 = arith.index_cast %swap3A_684 : i32 to index
            %swap3A_686 = arith.index_cast %add3A_540 : i32 to index
            %swap3A_687 = arith.constant 32 : index
            %swap3A_688 = tpu.vector_load %arg7[%swap3A_685, %swap3A_686, %swap3A_687] {strides = array<i32>} : memref<2x512x64xf32, #tpu.memory_space<vmem>>, vector<1x1x16xf32>,
            %swap3A_689 = vector.shape_cast %swap3A_688 : vector<1x1x16xf32> to vector<16xf32>
            %swap3A_690 = vector.shape_cast %add3A_683 : vector<16xf32> to vector<1x1x16xf32>
            tpu.vector_store %arg7[%swap3A_685, %swap3A_686, %swap3A_687], %swap3A_690 {strides = array<i32>} : memref<2x512x64xf32, #tpu.memory_space<vmem>>, vector<1x1x16xf32>,
            %get3A_691 = arith.constant 1 : i32
            %get3A_692 = arith.index_cast %get3A_691 : i32 to index
            %get3A_693 = arith.index_cast %add3A_540 : i32 to index
            %get3A_694 = arith.constant 48 : index
            %get3A_695 = tpu.vector_load %arg7[%get3A_692, %get3A_693, %get3A_694] {strides = array<i32>} : memref<2x512x64xf32, #tpu.memory_space<vmem>>, vector<1x1x16xf32>,
            %get3A_696 = vector.shape_cast %get3A_695 : vector<1x1x16xf32> to vector<16xf32>
            %add3A_697 = arith.addf %get3A_696, %get3A_23 : vector<16xf32>
            %swap3A_698 = arith.constant 1 : i32
            %swap3A_699 = arith.index_cast %swap3A_698 : i32 to index
            %swap3A_700 = arith.index_cast %add3A_540 : i32 to index
            %swap3A_701 = arith.constant 48 : index
            %swap3A_702 = tpu.vector_load %arg7[%swap3A_699, %swap3A_700, %swap3A_701] {strides = array<i32>} : memref<2x512x64xf32, #tpu.memory_space<vmem>>, vector<1x1x16xf32>,
            %swap3A_703 = vector.shape_cast %swap3A_702 : vector<1x1x16xf32> to vector<16xf32>
            %swap3A_704 = vector.shape_cast %add3A_697 : vector<16xf32> to vector<1x1x16xf32>
            tpu.vector_store %arg7[%swap3A_699, %swap3A_700, %swap3A_701], %swap3A_704 {strides = array<i32>} : memref<2x512x64xf32, #tpu.memory_space<vmem>>, vector<1x1x16xf32>,
          } else {
          }
          %eq3A_546 = arith.constant 7 : i32
          %eq3A_547 = arith.cmpi eq, %squeeze3A_538, %eq3A_546 : i32
          %convert_element_type3A_548 = arith.extui %eq3A_547 : i1 to i32
          %cond3A_549 = arith.constant 0 : i32
          %cond3A_550 = arith.cmpi ne, %convert_element_type3A_548, %cond3A_549 : i32
          scf.if %cond3A_550 {
            %get3A_650 = arith.constant 1 : i32
            %get3A_651 = arith.index_cast %get3A_650 : i32 to index
            %get3A_652 = arith.index_cast %add3A_540 : i32 to index
            %get3A_653 = arith.constant 0 : index
            %get3A_654 = tpu.vector_load %arg7[%get3A_651, %get3A_652, %get3A_653] {strides = array<i32>} : memref<2x512x64xf32, #tpu.memory_space<vmem>>, vector<1x1x16xf32>,
            %get3A_655 = vector.shape_cast %get3A_654 : vector<1x1x16xf32> to vector<16xf32>
            %add3A_656 = arith.addf %get3A_655, %get3A_28 : vector<16xf32>
            %swap3A = arith.constant 1 : i32
            %swap3A_657 = arith.index_cast %swap3A : i32 to index
            %swap3A_658 = arith.index_cast %add3A_540 : i32 to index
            %swap3A_659 = arith.constant 0 : index
            %swap3A_660 = tpu.vector_load %arg7[%swap3A_657, %swap3A_658, %swap3A_659] {strides = array<i32>} : memref<2x512x64xf32, #tpu.memory_space<vmem>>, vector<1x1x16xf32>,
            %swap3A_661 = vector.shape_cast %swap3A_660 : vector<1x1x16xf32> to vector<16xf32>
            %swap3A_662 = vector.shape_cast %add3A_656 : vector<16xf32> to vector<1x1x16xf32>
            tpu.vector_store %arg7[%swap3A_657, %swap3A_658, %swap3A_659], %swap3A_662 {strides = array<i32>} : memref<2x512x64xf32, #tpu.memory_space<vmem>>, vector<1x1x16xf32>,
            %get3A_663 = arith.constant 1 : i32
            %get3A_664 = arith.index_cast %get3A_663 : i32 to index
            %get3A_665 = arith.index_cast %add3A_540 : i32 to index
            %get3A_666 = arith.constant 16 : index
            %get3A_667 = tpu.vector_load %arg7[%get3A_664, %get3A_665, %get3A_666] {strides = array<i32>} : memref<2x512x64xf32, #tpu.memory_space<vmem>>, vector<1x1x16xf32>,
            %get3A_668 = vector.shape_cast %get3A_667 : vector<1x1x16xf32> to vector<16xf32>
            %add3A_669 = arith.addf %get3A_668, %get3A_33 : vector<16xf32>
            %swap3A_670 = arith.constant 1 : i32
            %swap3A_671 = arith.index_cast %swap3A_670 : i32 to index
            %swap3A_672 = arith.index_cast %add3A_540 : i32 to index
            %swap3A_673 = arith.constant 16 : index
            %swap3A_674 = tpu.vector_load %arg7[%swap3A_671, %swap3A_672, %swap3A_673] {strides = array<i32>} : memref<2x512x64xf32, #tpu.memory_space<vmem>>, vector<1x1x16xf32>,
            %swap3A_675 = vector.shape_cast %swap3A_674 : vector<1x1x16xf32> to vector<16xf32>
            %swap3A_676 = vector.shape_cast %add3A_669 : vector<16xf32> to vector<1x1x16xf32>
            tpu.vector_store %arg7[%swap3A_671, %swap3A_672, %swap3A_673], %swap3A_676 {strides = array<i32>} : memref<2x512x64xf32, #tpu.memory_space<vmem>>, vector<1x1x16xf32>,
            %get3A_677 = arith.constant 1 : i32
            %get3A_678 = arith.index_cast %get3A_677 : i32 to index
            %get3A_679 = arith.index_cast %add3A_540 : i32 to index
            %get3A_680 = arith.constant 32 : index
            %get3A_681 = tpu.vector_load %arg7[%get3A_678, %get3A_679, %get3A_680] {strides = array<i32>} : memref<2x512x64xf32, #tpu.memory_space<vmem>>, vector<1x1x16xf32>,
            %get3A_682 = vector.shape_cast %get3A_681 : vector<1x1x16xf32> to vector<16xf32>
            %add3A_683 = arith.addf %get3A_682, %get3A_38 : vector<16xf32>
            %swap3A_684 = arith.constant 1 : i32
            %swap3A_685 = arith.index_cast %swap3A_684 : i32 to index
            %swap3A_686 = arith.index_cast %add3A_540 : i32 to index
            %swap3A_687 = arith.constant 32 : index
            %swap3A_688 = tpu.vector_load %arg7[%swap3A_685, %swap3A_686, %swap3A_687] {strides = array<i32>} : memref<2x512x64xf32, #tpu.memory_space<vmem>>, vector<1x1x16xf32>,
            %swap3A_689 = vector.shape_cast %swap3A_688 : vector<1x1x16xf32> to vector<16xf32>
            %swap3A_690 = vector.shape_cast %add3A_683 : vector<16xf32> to vector<1x1x16xf32>
            tpu.vector_store %arg7[%swap3A_685, %swap3A_686, %swap3A_687], %swap3A_690 {strides = array<i32>} : memref<2x512x64xf32, #tpu.memory_space<vmem>>, vector<1x1x16xf32>,
            %get3A_691 = arith.constant 1 : i32
            %get3A_692 = arith.index_cast %get3A_691 : i32 to index
            %get3A_693 = arith.index_cast %add3A_540 : i32 to index
            %get3A_694 = arith.constant 48 : index
            %get3A_695 = tpu.vector_load %arg7[%get3A_692, %get3A_693, %get3A_694] {strides = array<i32>} : memref<2x512x64xf32, #tpu.memory_space<vmem>>, vector<1x1x16xf32>,
            %get3A_696 = vector.shape_cast %get3A_695 : vector<1x1x16xf32> to vector<16xf32>
            %add3A_697 = arith.addf %get3A_696, %get3A_43 : vector<16xf32>
            %swap3A_698 = arith.constant 1 : i32
            %swap3A_699 = arith.index_cast %swap3A_698 : i32 to index
            %swap3A_700 = arith.index_cast %add3A_540 : i32 to index
            %swap3A_701 = arith.constant 48 : index
            %swap3A_702 = tpu.vector_load %arg7[%swap3A_699, %swap3A_700, %swap3A_701] {strides = array<i32>} : memref<2x512x64xf32, #tpu.memory_space<vmem>>, vector<1x1x16xf32>,
            %swap3A_703 = vector.shape_cast %swap3A_702 : vector<1x1x16xf32> to vector<16xf32>
            %swap3A_704 = vector.shape_cast %add3A_697 : vector<16xf32> to vector<1x1x16xf32>
            tpu.vector_store %arg7[%swap3A_699, %swap3A_700, %swap3A_701], %swap3A_704 {strides = array<i32>} : memref<2x512x64xf32, #tpu.memory_space<vmem>>, vector<1x1x16xf32>,
          } else {
          }
          %slice3A_551 = vector.extract_strided_slice %get3A_422 {offsets = [9], sizes = [1], strides = [1]} : vector<16xi32> to vector<1xi32>
          %squeeze3A_552 = vector.extract %slice3A_551[0] : i32 from vector<1xi32>
          %add3A_553 = arith.constant 9 : i32
          %add3A_554 = arith.addi %mul3A_424, %add3A_553 : i32
          %eq3A_555 = arith.constant 5 : i32
          %eq3A_556 = arith.cmpi eq, %squeeze3A_552, %eq3A_555 : i32
          %convert_element_type3A_557 = arith.extui %eq3A_556 : i1 to i32
          %cond3A_558 = arith.constant 0 : i32
          %cond3A_559 = arith.cmpi ne, %convert_element_type3A_557, %cond3A_558 : i32
          scf.if %cond3A_559 {
            %get3A_650 = arith.constant 1 : i32
            %get3A_651 = arith.index_cast %get3A_650 : i32 to index
            %get3A_652 = arith.index_cast %add3A_554 : i32 to index
            %get3A_653 = arith.constant 0 : index
            %get3A_654 = tpu.vector_load %arg7[%get3A_651, %get3A_652, %get3A_653] {strides = array<i32>} : memref<2x512x64xf32, #tpu.memory_space<vmem>>, vector<1x1x16xf32>,
            %get3A_655 = vector.shape_cast %get3A_654 : vector<1x1x16xf32> to vector<16xf32>
            %add3A_656 = arith.addf %get3A_655, %get3A_8 : vector<16xf32>
            %swap3A = arith.constant 1 : i32
            %swap3A_657 = arith.index_cast %swap3A : i32 to index
            %swap3A_658 = arith.index_cast %add3A_554 : i32 to index
            %swap3A_659 = arith.constant 0 : index
            %swap3A_660 = tpu.vector_load %arg7[%swap3A_657, %swap3A_658, %swap3A_659] {strides = array<i32>} : memref<2x512x64xf32, #tpu.memory_space<vmem>>, vector<1x1x16xf32>,
            %swap3A_661 = vector.shape_cast %swap3A_660 : vector<1x1x16xf32> to vector<16xf32>
            %swap3A_662 = vector.shape_cast %add3A_656 : vector<16xf32> to vector<1x1x16xf32>
            tpu.vector_store %arg7[%swap3A_657, %swap3A_658, %swap3A_659], %swap3A_662 {strides = array<i32>} : memref<2x512x64xf32, #tpu.memory_space<vmem>>, vector<1x1x16xf32>,
            %get3A_663 = arith.constant 1 : i32
            %get3A_664 = arith.index_cast %get3A_663 : i32 to index
            %get3A_665 = arith.index_cast %add3A_554 : i32 to index
            %get3A_666 = arith.constant 16 : index
            %get3A_667 = tpu.vector_load %arg7[%get3A_664, %get3A_665, %get3A_666] {strides = array<i32>} : memref<2x512x64xf32, #tpu.memory_space<vmem>>, vector<1x1x16xf32>,
            %get3A_668 = vector.shape_cast %get3A_667 : vector<1x1x16xf32> to vector<16xf32>
            %add3A_669 = arith.addf %get3A_668, %get3A_13 : vector<16xf32>
            %swap3A_670 = arith.constant 1 : i32
            %swap3A_671 = arith.index_cast %swap3A_670 : i32 to index
            %swap3A_672 = arith.index_cast %add3A_554 : i32 to index
            %swap3A_673 = arith.constant 16 : index
            %swap3A_674 = tpu.vector_load %arg7[%swap3A_671, %swap3A_672, %swap3A_673] {strides = array<i32>} : memref<2x512x64xf32, #tpu.memory_space<vmem>>, vector<1x1x16xf32>,
            %swap3A_675 = vector.shape_cast %swap3A_674 : vector<1x1x16xf32> to vector<16xf32>
            %swap3A_676 = vector.shape_cast %add3A_669 : vector<16xf32> to vector<1x1x16xf32>
            tpu.vector_store %arg7[%swap3A_671, %swap3A_672, %swap3A_673], %swap3A_676 {strides = array<i32>} : memref<2x512x64xf32, #tpu.memory_space<vmem>>, vector<1x1x16xf32>,
            %get3A_677 = arith.constant 1 : i32
            %get3A_678 = arith.index_cast %get3A_677 : i32 to index
            %get3A_679 = arith.index_cast %add3A_554 : i32 to index
            %get3A_680 = arith.constant 32 : index
            %get3A_681 = tpu.vector_load %arg7[%get3A_678, %get3A_679, %get3A_680] {strides = array<i32>} : memref<2x512x64xf32, #tpu.memory_space<vmem>>, vector<1x1x16xf32>,
            %get3A_682 = vector.shape_cast %get3A_681 : vector<1x1x16xf32> to vector<16xf32>
            %add3A_683 = arith.addf %get3A_682, %get3A_18 : vector<16xf32>
            %swap3A_684 = arith.constant 1 : i32
            %swap3A_685 = arith.index_cast %swap3A_684 : i32 to index
            %swap3A_686 = arith.index_cast %add3A_554 : i32 to index
            %swap3A_687 = arith.constant 32 : index
            %swap3A_688 = tpu.vector_load %arg7[%swap3A_685, %swap3A_686, %swap3A_687] {strides = array<i32>} : memref<2x512x64xf32, #tpu.memory_space<vmem>>, vector<1x1x16xf32>,
            %swap3A_689 = vector.shape_cast %swap3A_688 : vector<1x1x16xf32> to vector<16xf32>
            %swap3A_690 = vector.shape_cast %add3A_683 : vector<16xf32> to vector<1x1x16xf32>
            tpu.vector_store %arg7[%swap3A_685, %swap3A_686, %swap3A_687], %swap3A_690 {strides = array<i32>} : memref<2x512x64xf32, #tpu.memory_space<vmem>>, vector<1x1x16xf32>,
            %get3A_691 = arith.constant 1 : i32
            %get3A_692 = arith.index_cast %get3A_691 : i32 to index
            %get3A_693 = arith.index_cast %add3A_554 : i32 to index
            %get3A_694 = arith.constant 48 : index
            %get3A_695 = tpu.vector_load %arg7[%get3A_692, %get3A_693, %get3A_694] {strides = array<i32>} : memref<2x512x64xf32, #tpu.memory_space<vmem>>, vector<1x1x16xf32>,
            %get3A_696 = vector.shape_cast %get3A_695 : vector<1x1x16xf32> to vector<16xf32>
            %add3A_697 = arith.addf %get3A_696, %get3A_23 : vector<16xf32>
            %swap3A_698 = arith.constant 1 : i32
            %swap3A_699 = arith.index_cast %swap3A_698 : i32 to index
            %swap3A_700 = arith.index_cast %add3A_554 : i32 to index
            %swap3A_701 = arith.constant 48 : index
            %swap3A_702 = tpu.vector_load %arg7[%swap3A_699, %swap3A_700, %swap3A_701] {strides = array<i32>} : memref<2x512x64xf32, #tpu.memory_space<vmem>>, vector<1x1x16xf32>,
            %swap3A_703 = vector.shape_cast %swap3A_702 : vector<1x1x16xf32> to vector<16xf32>
            %swap3A_704 = vector.shape_cast %add3A_697 : vector<16xf32> to vector<1x1x16xf32>
            tpu.vector_store %arg7[%swap3A_699, %swap3A_700, %swap3A_701], %swap3A_704 {strides = array<i32>} : memref<2x512x64xf32, #tpu.memory_space<vmem>>, vector<1x1x16xf32>,
          } else {
          }
          %eq3A_560 = arith.constant 7 : i32
          %eq3A_561 = arith.cmpi eq, %squeeze3A_552, %eq3A_560 : i32
          %convert_element_type3A_562 = arith.extui %eq3A_561 : i1 to i32
          %cond3A_563 = arith.constant 0 : i32
          %cond3A_564 = arith.cmpi ne, %convert_element_type3A_562, %cond3A_563 : i32
          scf.if %cond3A_564 {
            %get3A_650 = arith.constant 1 : i32
            %get3A_651 = arith.index_cast %get3A_650 : i32 to index
            %get3A_652 = arith.index_cast %add3A_554 : i32 to index
            %get3A_653 = arith.constant 0 : index
            %get3A_654 = tpu.vector_load %arg7[%get3A_651, %get3A_652, %get3A_653] {strides = array<i32>} : memref<2x512x64xf32, #tpu.memory_space<vmem>>, vector<1x1x16xf32>,
            %get3A_655 = vector.shape_cast %get3A_654 : vector<1x1x16xf32> to vector<16xf32>
            %add3A_656 = arith.addf %get3A_655, %get3A_28 : vector<16xf32>
            %swap3A = arith.constant 1 : i32
            %swap3A_657 = arith.index_cast %swap3A : i32 to index
            %swap3A_658 = arith.index_cast %add3A_554 : i32 to index
            %swap3A_659 = arith.constant 0 : index
            %swap3A_660 = tpu.vector_load %arg7[%swap3A_657, %swap3A_658, %swap3A_659] {strides = array<i32>} : memref<2x512x64xf32, #tpu.memory_space<vmem>>, vector<1x1x16xf32>,
            %swap3A_661 = vector.shape_cast %swap3A_660 : vector<1x1x16xf32> to vector<16xf32>
            %swap3A_662 = vector.shape_cast %add3A_656 : vector<16xf32> to vector<1x1x16xf32>
            tpu.vector_store %arg7[%swap3A_657, %swap3A_658, %swap3A_659], %swap3A_662 {strides = array<i32>} : memref<2x512x64xf32, #tpu.memory_space<vmem>>, vector<1x1x16xf32>,
            %get3A_663 = arith.constant 1 : i32
            %get3A_664 = arith.index_cast %get3A_663 : i32 to index
            %get3A_665 = arith.index_cast %add3A_554 : i32 to index
            %get3A_666 = arith.constant 16 : index
            %get3A_667 = tpu.vector_load %arg7[%get3A_664, %get3A_665, %get3A_666] {strides = array<i32>} : memref<2x512x64xf32, #tpu.memory_space<vmem>>, vector<1x1x16xf32>,
            %get3A_668 = vector.shape_cast %get3A_667 : vector<1x1x16xf32> to vector<16xf32>
            %add3A_669 = arith.addf %get3A_668, %get3A_33 : vector<16xf32>
            %swap3A_670 = arith.constant 1 : i32
            %swap3A_671 = arith.index_cast %swap3A_670 : i32 to index
            %swap3A_672 = arith.index_cast %add3A_554 : i32 to index
            %swap3A_673 = arith.constant 16 : index
            %swap3A_674 = tpu.vector_load %arg7[%swap3A_671, %swap3A_672, %swap3A_673] {strides = array<i32>} : memref<2x512x64xf32, #tpu.memory_space<vmem>>, vector<1x1x16xf32>,
            %swap3A_675 = vector.shape_cast %swap3A_674 : vector<1x1x16xf32> to vector<16xf32>
            %swap3A_676 = vector.shape_cast %add3A_669 : vector<16xf32> to vector<1x1x16xf32>
            tpu.vector_store %arg7[%swap3A_671, %swap3A_672, %swap3A_673], %swap3A_676 {strides = array<i32>} : memref<2x512x64xf32, #tpu.memory_space<vmem>>, vector<1x1x16xf32>,
            %get3A_677 = arith.constant 1 : i32
            %get3A_678 = arith.index_cast %get3A_677 : i32 to index
            %get3A_679 = arith.index_cast %add3A_554 : i32 to index
            %get3A_680 = arith.constant 32 : index
            %get3A_681 = tpu.vector_load %arg7[%get3A_678, %get3A_679, %get3A_680] {strides = array<i32>} : memref<2x512x64xf32, #tpu.memory_space<vmem>>, vector<1x1x16xf32>,
            %get3A_682 = vector.shape_cast %get3A_681 : vector<1x1x16xf32> to vector<16xf32>
            %add3A_683 = arith.addf %get3A_682, %get3A_38 : vector<16xf32>
            %swap3A_684 = arith.constant 1 : i32
            %swap3A_685 = arith.index_cast %swap3A_684 : i32 to index
            %swap3A_686 = arith.index_cast %add3A_554 : i32 to index
            %swap3A_687 = arith.constant 32 : index
            %swap3A_688 = tpu.vector_load %arg7[%swap3A_685, %swap3A_686, %swap3A_687] {strides = array<i32>} : memref<2x512x64xf32, #tpu.memory_space<vmem>>, vector<1x1x16xf32>,
            %swap3A_689 = vector.shape_cast %swap3A_688 : vector<1x1x16xf32> to vector<16xf32>
            %swap3A_690 = vector.shape_cast %add3A_683 : vector<16xf32> to vector<1x1x16xf32>
            tpu.vector_store %arg7[%swap3A_685, %swap3A_686, %swap3A_687], %swap3A_690 {strides = array<i32>} : memref<2x512x64xf32, #tpu.memory_space<vmem>>, vector<1x1x16xf32>,
            %get3A_691 = arith.constant 1 : i32
            %get3A_692 = arith.index_cast %get3A_691 : i32 to index
            %get3A_693 = arith.index_cast %add3A_554 : i32 to index
            %get3A_694 = arith.constant 48 : index
            %get3A_695 = tpu.vector_load %arg7[%get3A_692, %get3A_693, %get3A_694] {strides = array<i32>} : memref<2x512x64xf32, #tpu.memory_space<vmem>>, vector<1x1x16xf32>,
            %get3A_696 = vector.shape_cast %get3A_695 : vector<1x1x16xf32> to vector<16xf32>
            %add3A_697 = arith.addf %get3A_696, %get3A_43 : vector<16xf32>
            %swap3A_698 = arith.constant 1 : i32
            %swap3A_699 = arith.index_cast %swap3A_698 : i32 to index
            %swap3A_700 = arith.index_cast %add3A_554 : i32 to index
            %swap3A_701 = arith.constant 48 : index
            %swap3A_702 = tpu.vector_load %arg7[%swap3A_699, %swap3A_700, %swap3A_701] {strides = array<i32>} : memref<2x512x64xf32, #tpu.memory_space<vmem>>, vector<1x1x16xf32>,
            %swap3A_703 = vector.shape_cast %swap3A_702 : vector<1x1x16xf32> to vector<16xf32>
            %swap3A_704 = vector.shape_cast %add3A_697 : vector<16xf32> to vector<1x1x16xf32>
            tpu.vector_store %arg7[%swap3A_699, %swap3A_700, %swap3A_701], %swap3A_704 {strides = array<i32>} : memref<2x512x64xf32, #tpu.memory_space<vmem>>, vector<1x1x16xf32>,
          } else {
          }
          %slice3A_565 = vector.extract_strided_slice %get3A_422 {offsets = [10], sizes = [1], strides = [1]} : vector<16xi32> to vector<1xi32>
          %squeeze3A_566 = vector.extract %slice3A_565[0] : i32 from vector<1xi32>
          %add3A_567 = arith.constant 10 : i32
          %add3A_568 = arith.addi %mul3A_424, %add3A_567 : i32
          %eq3A_569 = arith.constant 5 : i32
          %eq3A_570 = arith.cmpi eq, %squeeze3A_566, %eq3A_569 : i32
          %convert_element_type3A_571 = arith.extui %eq3A_570 : i1 to i32
          %cond3A_572 = arith.constant 0 : i32
          %cond3A_573 = arith.cmpi ne, %convert_element_type3A_571, %cond3A_572 : i32
          scf.if %cond3A_573 {
            %get3A_650 = arith.constant 1 : i32
            %get3A_651 = arith.index_cast %get3A_650 : i32 to index
            %get3A_652 = arith.index_cast %add3A_568 : i32 to index
            %get3A_653 = arith.constant 0 : index
            %get3A_654 = tpu.vector_load %arg7[%get3A_651, %get3A_652, %get3A_653] {strides = array<i32>} : memref<2x512x64xf32, #tpu.memory_space<vmem>>, vector<1x1x16xf32>,
            %get3A_655 = vector.shape_cast %get3A_654 : vector<1x1x16xf32> to vector<16xf32>
            %add3A_656 = arith.addf %get3A_655, %get3A_8 : vector<16xf32>
            %swap3A = arith.constant 1 : i32
            %swap3A_657 = arith.index_cast %swap3A : i32 to index
            %swap3A_658 = arith.index_cast %add3A_568 : i32 to index
            %swap3A_659 = arith.constant 0 : index
            %swap3A_660 = tpu.vector_load %arg7[%swap3A_657, %swap3A_658, %swap3A_659] {strides = array<i32>} : memref<2x512x64xf32, #tpu.memory_space<vmem>>, vector<1x1x16xf32>,
            %swap3A_661 = vector.shape_cast %swap3A_660 : vector<1x1x16xf32> to vector<16xf32>
            %swap3A_662 = vector.shape_cast %add3A_656 : vector<16xf32> to vector<1x1x16xf32>
            tpu.vector_store %arg7[%swap3A_657, %swap3A_658, %swap3A_659], %swap3A_662 {strides = array<i32>} : memref<2x512x64xf32, #tpu.memory_space<vmem>>, vector<1x1x16xf32>,
            %get3A_663 = arith.constant 1 : i32
            %get3A_664 = arith.index_cast %get3A_663 : i32 to index
            %get3A_665 = arith.index_cast %add3A_568 : i32 to index
            %get3A_666 = arith.constant 16 : index
            %get3A_667 = tpu.vector_load %arg7[%get3A_664, %get3A_665, %get3A_666] {strides = array<i32>} : memref<2x512x64xf32, #tpu.memory_space<vmem>>, vector<1x1x16xf32>,
            %get3A_668 = vector.shape_cast %get3A_667 : vector<1x1x16xf32> to vector<16xf32>
            %add3A_669 = arith.addf %get3A_668, %get3A_13 : vector<16xf32>
            %swap3A_670 = arith.constant 1 : i32
            %swap3A_671 = arith.index_cast %swap3A_670 : i32 to index
            %swap3A_672 = arith.index_cast %add3A_568 : i32 to index
            %swap3A_673 = arith.constant 16 : index
            %swap3A_674 = tpu.vector_load %arg7[%swap3A_671, %swap3A_672, %swap3A_673] {strides = array<i32>} : memref<2x512x64xf32, #tpu.memory_space<vmem>>, vector<1x1x16xf32>,
            %swap3A_675 = vector.shape_cast %swap3A_674 : vector<1x1x16xf32> to vector<16xf32>
            %swap3A_676 = vector.shape_cast %add3A_669 : vector<16xf32> to vector<1x1x16xf32>
            tpu.vector_store %arg7[%swap3A_671, %swap3A_672, %swap3A_673], %swap3A_676 {strides = array<i32>} : memref<2x512x64xf32, #tpu.memory_space<vmem>>, vector<1x1x16xf32>,
            %get3A_677 = arith.constant 1 : i32
            %get3A_678 = arith.index_cast %get3A_677 : i32 to index
            %get3A_679 = arith.index_cast %add3A_568 : i32 to index
            %get3A_680 = arith.constant 32 : index
            %get3A_681 = tpu.vector_load %arg7[%get3A_678, %get3A_679, %get3A_680] {strides = array<i32>} : memref<2x512x64xf32, #tpu.memory_space<vmem>>, vector<1x1x16xf32>,
            %get3A_682 = vector.shape_cast %get3A_681 : vector<1x1x16xf32> to vector<16xf32>
            %add3A_683 = arith.addf %get3A_682, %get3A_18 : vector<16xf32>
            %swap3A_684 = arith.constant 1 : i32
            %swap3A_685 = arith.index_cast %swap3A_684 : i32 to index
            %swap3A_686 = arith.index_cast %add3A_568 : i32 to index
            %swap3A_687 = arith.constant 32 : index
            %swap3A_688 = tpu.vector_load %arg7[%swap3A_685, %swap3A_686, %swap3A_687] {strides = array<i32>} : memref<2x512x64xf32, #tpu.memory_space<vmem>>, vector<1x1x16xf32>,
            %swap3A_689 = vector.shape_cast %swap3A_688 : vector<1x1x16xf32> to vector<16xf32>
            %swap3A_690 = vector.shape_cast %add3A_683 : vector<16xf32> to vector<1x1x16xf32>
            tpu.vector_store %arg7[%swap3A_685, %swap3A_686, %swap3A_687], %swap3A_690 {strides = array<i32>} : memref<2x512x64xf32, #tpu.memory_space<vmem>>, vector<1x1x16xf32>,
            %get3A_691 = arith.constant 1 : i32
            %get3A_692 = arith.index_cast %get3A_691 : i32 to index
            %get3A_693 = arith.index_cast %add3A_568 : i32 to index
            %get3A_694 = arith.constant 48 : index
            %get3A_695 = tpu.vector_load %arg7[%get3A_692, %get3A_693, %get3A_694] {strides = array<i32>} : memref<2x512x64xf32, #tpu.memory_space<vmem>>, vector<1x1x16xf32>,
            %get3A_696 = vector.shape_cast %get3A_695 : vector<1x1x16xf32> to vector<16xf32>
            %add3A_697 = arith.addf %get3A_696, %get3A_23 : vector<16xf32>
            %swap3A_698 = arith.constant 1 : i32
            %swap3A_699 = arith.index_cast %swap3A_698 : i32 to index
            %swap3A_700 = arith.index_cast %add3A_568 : i32 to index
            %swap3A_701 = arith.constant 48 : index
            %swap3A_702 = tpu.vector_load %arg7[%swap3A_699, %swap3A_700, %swap3A_701] {strides = array<i32>} : memref<2x512x64xf32, #tpu.memory_space<vmem>>, vector<1x1x16xf32>,
            %swap3A_703 = vector.shape_cast %swap3A_702 : vector<1x1x16xf32> to vector<16xf32>
            %swap3A_704 = vector.shape_cast %add3A_697 : vector<16xf32> to vector<1x1x16xf32>
            tpu.vector_store %arg7[%swap3A_699, %swap3A_700, %swap3A_701], %swap3A_704 {strides = array<i32>} : memref<2x512x64xf32, #tpu.memory_space<vmem>>, vector<1x1x16xf32>,
          } else {
          }
          %eq3A_574 = arith.constant 7 : i32
          %eq3A_575 = arith.cmpi eq, %squeeze3A_566, %eq3A_574 : i32
          %convert_element_type3A_576 = arith.extui %eq3A_575 : i1 to i32
          %cond3A_577 = arith.constant 0 : i32
          %cond3A_578 = arith.cmpi ne, %convert_element_type3A_576, %cond3A_577 : i32
          scf.if %cond3A_578 {
            %get3A_650 = arith.constant 1 : i32
            %get3A_651 = arith.index_cast %get3A_650 : i32 to index
            %get3A_652 = arith.index_cast %add3A_568 : i32 to index
            %get3A_653 = arith.constant 0 : index
            %get3A_654 = tpu.vector_load %arg7[%get3A_651, %get3A_652, %get3A_653] {strides = array<i32>} : memref<2x512x64xf32, #tpu.memory_space<vmem>>, vector<1x1x16xf32>,
            %get3A_655 = vector.shape_cast %get3A_654 : vector<1x1x16xf32> to vector<16xf32>
            %add3A_656 = arith.addf %get3A_655, %get3A_28 : vector<16xf32>
            %swap3A = arith.constant 1 : i32
            %swap3A_657 = arith.index_cast %swap3A : i32 to index
            %swap3A_658 = arith.index_cast %add3A_568 : i32 to index
            %swap3A_659 = arith.constant 0 : index
            %swap3A_660 = tpu.vector_load %arg7[%swap3A_657, %swap3A_658, %swap3A_659] {strides = array<i32>} : memref<2x512x64xf32, #tpu.memory_space<vmem>>, vector<1x1x16xf32>,
            %swap3A_661 = vector.shape_cast %swap3A_660 : vector<1x1x16xf32> to vector<16xf32>
            %swap3A_662 = vector.shape_cast %add3A_656 : vector<16xf32> to vector<1x1x16xf32>
            tpu.vector_store %arg7[%swap3A_657, %swap3A_658, %swap3A_659], %swap3A_662 {strides = array<i32>} : memref<2x512x64xf32, #tpu.memory_space<vmem>>, vector<1x1x16xf32>,
            %get3A_663 = arith.constant 1 : i32
            %get3A_664 = arith.index_cast %get3A_663 : i32 to index
            %get3A_665 = arith.index_cast %add3A_568 : i32 to index
            %get3A_666 = arith.constant 16 : index
            %get3A_667 = tpu.vector_load %arg7[%get3A_664, %get3A_665, %get3A_666] {strides = array<i32>} : memref<2x512x64xf32, #tpu.memory_space<vmem>>, vector<1x1x16xf32>,
            %get3A_668 = vector.shape_cast %get3A_667 : vector<1x1x16xf32> to vector<16xf32>
            %add3A_669 = arith.addf %get3A_668, %get3A_33 : vector<16xf32>
            %swap3A_670 = arith.constant 1 : i32
            %swap3A_671 = arith.index_cast %swap3A_670 : i32 to index
            %swap3A_672 = arith.index_cast %add3A_568 : i32 to index
            %swap3A_673 = arith.constant 16 : index
            %swap3A_674 = tpu.vector_load %arg7[%swap3A_671, %swap3A_672, %swap3A_673] {strides = array<i32>} : memref<2x512x64xf32, #tpu.memory_space<vmem>>, vector<1x1x16xf32>,
            %swap3A_675 = vector.shape_cast %swap3A_674 : vector<1x1x16xf32> to vector<16xf32>
            %swap3A_676 = vector.shape_cast %add3A_669 : vector<16xf32> to vector<1x1x16xf32>
            tpu.vector_store %arg7[%swap3A_671, %swap3A_672, %swap3A_673], %swap3A_676 {strides = array<i32>} : memref<2x512x64xf32, #tpu.memory_space<vmem>>, vector<1x1x16xf32>,
            %get3A_677 = arith.constant 1 : i32
            %get3A_678 = arith.index_cast %get3A_677 : i32 to index
            %get3A_679 = arith.index_cast %add3A_568 : i32 to index
            %get3A_680 = arith.constant 32 : index
            %get3A_681 = tpu.vector_load %arg7[%get3A_678, %get3A_679, %get3A_680] {strides = array<i32>} : memref<2x512x64xf32, #tpu.memory_space<vmem>>, vector<1x1x16xf32>,
            %get3A_682 = vector.shape_cast %get3A_681 : vector<1x1x16xf32> to vector<16xf32>
            %add3A_683 = arith.addf %get3A_682, %get3A_38 : vector<16xf32>
            %swap3A_684 = arith.constant 1 : i32
            %swap3A_685 = arith.index_cast %swap3A_684 : i32 to index
            %swap3A_686 = arith.index_cast %add3A_568 : i32 to index
            %swap3A_687 = arith.constant 32 : index
            %swap3A_688 = tpu.vector_load %arg7[%swap3A_685, %swap3A_686, %swap3A_687] {strides = array<i32>} : memref<2x512x64xf32, #tpu.memory_space<vmem>>, vector<1x1x16xf32>,
            %swap3A_689 = vector.shape_cast %swap3A_688 : vector<1x1x16xf32> to vector<16xf32>
            %swap3A_690 = vector.shape_cast %add3A_683 : vector<16xf32> to vector<1x1x16xf32>
            tpu.vector_store %arg7[%swap3A_685, %swap3A_686, %swap3A_687], %swap3A_690 {strides = array<i32>} : memref<2x512x64xf32, #tpu.memory_space<vmem>>, vector<1x1x16xf32>,
            %get3A_691 = arith.constant 1 : i32
            %get3A_692 = arith.index_cast %get3A_691 : i32 to index
            %get3A_693 = arith.index_cast %add3A_568 : i32 to index
            %get3A_694 = arith.constant 48 : index
            %get3A_695 = tpu.vector_load %arg7[%get3A_692, %get3A_693, %get3A_694] {strides = array<i32>} : memref<2x512x64xf32, #tpu.memory_space<vmem>>, vector<1x1x16xf32>,
            %get3A_696 = vector.shape_cast %get3A_695 : vector<1x1x16xf32> to vector<16xf32>
            %add3A_697 = arith.addf %get3A_696, %get3A_43 : vector<16xf32>
            %swap3A_698 = arith.constant 1 : i32
            %swap3A_699 = arith.index_cast %swap3A_698 : i32 to index
            %swap3A_700 = arith.index_cast %add3A_568 : i32 to index
            %swap3A_701 = arith.constant 48 : index
            %swap3A_702 = tpu.vector_load %arg7[%swap3A_699, %swap3A_700, %swap3A_701] {strides = array<i32>} : memref<2x512x64xf32, #tpu.memory_space<vmem>>, vector<1x1x16xf32>,
            %swap3A_703 = vector.shape_cast %swap3A_702 : vector<1x1x16xf32> to vector<16xf32>
            %swap3A_704 = vector.shape_cast %add3A_697 : vector<16xf32> to vector<1x1x16xf32>
            tpu.vector_store %arg7[%swap3A_699, %swap3A_700, %swap3A_701], %swap3A_704 {strides = array<i32>} : memref<2x512x64xf32, #tpu.memory_space<vmem>>, vector<1x1x16xf32>,
          } else {
          }
          %slice3A_579 = vector.extract_strided_slice %get3A_422 {offsets = [11], sizes = [1], strides = [1]} : vector<16xi32> to vector<1xi32>
          %squeeze3A_580 = vector.extract %slice3A_579[0] : i32 from vector<1xi32>
          %add3A_581 = arith.constant 11 : i32
          %add3A_582 = arith.addi %mul3A_424, %add3A_581 : i32
          %eq3A_583 = arith.constant 5 : i32
          %eq3A_584 = arith.cmpi eq, %squeeze3A_580, %eq3A_583 : i32
          %convert_element_type3A_585 = arith.extui %eq3A_584 : i1 to i32
          %cond3A_586 = arith.constant 0 : i32
          %cond3A_587 = arith.cmpi ne, %convert_element_type3A_585, %cond3A_586 : i32
          scf.if %cond3A_587 {
            %get3A_650 = arith.constant 1 : i32
            %get3A_651 = arith.index_cast %get3A_650 : i32 to index
            %get3A_652 = arith.index_cast %add3A_582 : i32 to index
            %get3A_653 = arith.constant 0 : index
            %get3A_654 = tpu.vector_load %arg7[%get3A_651, %get3A_652, %get3A_653] {strides = array<i32>} : memref<2x512x64xf32, #tpu.memory_space<vmem>>, vector<1x1x16xf32>,
            %get3A_655 = vector.shape_cast %get3A_654 : vector<1x1x16xf32> to vector<16xf32>
            %add3A_656 = arith.addf %get3A_655, %get3A_8 : vector<16xf32>
            %swap3A = arith.constant 1 : i32
            %swap3A_657 = arith.index_cast %swap3A : i32 to index
            %swap3A_658 = arith.index_cast %add3A_582 : i32 to index
            %swap3A_659 = arith.constant 0 : index
            %swap3A_660 = tpu.vector_load %arg7[%swap3A_657, %swap3A_658, %swap3A_659] {strides = array<i32>} : memref<2x512x64xf32, #tpu.memory_space<vmem>>, vector<1x1x16xf32>,
            %swap3A_661 = vector.shape_cast %swap3A_660 : vector<1x1x16xf32> to vector<16xf32>
            %swap3A_662 = vector.shape_cast %add3A_656 : vector<16xf32> to vector<1x1x16xf32>
            tpu.vector_store %arg7[%swap3A_657, %swap3A_658, %swap3A_659], %swap3A_662 {strides = array<i32>} : memref<2x512x64xf32, #tpu.memory_space<vmem>>, vector<1x1x16xf32>,
            %get3A_663 = arith.constant 1 : i32
            %get3A_664 = arith.index_cast %get3A_663 : i32 to index
            %get3A_665 = arith.index_cast %add3A_582 : i32 to index
            %get3A_666 = arith.constant 16 : index
            %get3A_667 = tpu.vector_load %arg7[%get3A_664, %get3A_665, %get3A_666] {strides = array<i32>} : memref<2x512x64xf32, #tpu.memory_space<vmem>>, vector<1x1x16xf32>,
            %get3A_668 = vector.shape_cast %get3A_667 : vector<1x1x16xf32> to vector<16xf32>
            %add3A_669 = arith.addf %get3A_668, %get3A_13 : vector<16xf32>
            %swap3A_670 = arith.constant 1 : i32
            %swap3A_671 = arith.index_cast %swap3A_670 : i32 to index
            %swap3A_672 = arith.index_cast %add3A_582 : i32 to index
            %swap3A_673 = arith.constant 16 : index
            %swap3A_674 = tpu.vector_load %arg7[%swap3A_671, %swap3A_672, %swap3A_673] {strides = array<i32>} : memref<2x512x64xf32, #tpu.memory_space<vmem>>, vector<1x1x16xf32>,
            %swap3A_675 = vector.shape_cast %swap3A_674 : vector<1x1x16xf32> to vector<16xf32>
            %swap3A_676 = vector.shape_cast %add3A_669 : vector<16xf32> to vector<1x1x16xf32>
            tpu.vector_store %arg7[%swap3A_671, %swap3A_672, %swap3A_673], %swap3A_676 {strides = array<i32>} : memref<2x512x64xf32, #tpu.memory_space<vmem>>, vector<1x1x16xf32>,
            %get3A_677 = arith.constant 1 : i32
            %get3A_678 = arith.index_cast %get3A_677 : i32 to index
            %get3A_679 = arith.index_cast %add3A_582 : i32 to index
            %get3A_680 = arith.constant 32 : index
            %get3A_681 = tpu.vector_load %arg7[%get3A_678, %get3A_679, %get3A_680] {strides = array<i32>} : memref<2x512x64xf32, #tpu.memory_space<vmem>>, vector<1x1x16xf32>,
            %get3A_682 = vector.shape_cast %get3A_681 : vector<1x1x16xf32> to vector<16xf32>
            %add3A_683 = arith.addf %get3A_682, %get3A_18 : vector<16xf32>
            %swap3A_684 = arith.constant 1 : i32
            %swap3A_685 = arith.index_cast %swap3A_684 : i32 to index
            %swap3A_686 = arith.index_cast %add3A_582 : i32 to index
            %swap3A_687 = arith.constant 32 : index
            %swap3A_688 = tpu.vector_load %arg7[%swap3A_685, %swap3A_686, %swap3A_687] {strides = array<i32>} : memref<2x512x64xf32, #tpu.memory_space<vmem>>, vector<1x1x16xf32>,
            %swap3A_689 = vector.shape_cast %swap3A_688 : vector<1x1x16xf32> to vector<16xf32>
            %swap3A_690 = vector.shape_cast %add3A_683 : vector<16xf32> to vector<1x1x16xf32>
            tpu.vector_store %arg7[%swap3A_685, %swap3A_686, %swap3A_687], %swap3A_690 {strides = array<i32>} : memref<2x512x64xf32, #tpu.memory_space<vmem>>, vector<1x1x16xf32>,
            %get3A_691 = arith.constant 1 : i32
            %get3A_692 = arith.index_cast %get3A_691 : i32 to index
            %get3A_693 = arith.index_cast %add3A_582 : i32 to index
            %get3A_694 = arith.constant 48 : index
            %get3A_695 = tpu.vector_load %arg7[%get3A_692, %get3A_693, %get3A_694] {strides = array<i32>} : memref<2x512x64xf32, #tpu.memory_space<vmem>>, vector<1x1x16xf32>,
            %get3A_696 = vector.shape_cast %get3A_695 : vector<1x1x16xf32> to vector<16xf32>
            %add3A_697 = arith.addf %get3A_696, %get3A_23 : vector<16xf32>
            %swap3A_698 = arith.constant 1 : i32
            %swap3A_699 = arith.index_cast %swap3A_698 : i32 to index
            %swap3A_700 = arith.index_cast %add3A_582 : i32 to index
            %swap3A_701 = arith.constant 48 : index
            %swap3A_702 = tpu.vector_load %arg7[%swap3A_699, %swap3A_700, %swap3A_701] {strides = array<i32>} : memref<2x512x64xf32, #tpu.memory_space<vmem>>, vector<1x1x16xf32>,
            %swap3A_703 = vector.shape_cast %swap3A_702 : vector<1x1x16xf32> to vector<16xf32>
            %swap3A_704 = vector.shape_cast %add3A_697 : vector<16xf32> to vector<1x1x16xf32>
            tpu.vector_store %arg7[%swap3A_699, %swap3A_700, %swap3A_701], %swap3A_704 {strides = array<i32>} : memref<2x512x64xf32, #tpu.memory_space<vmem>>, vector<1x1x16xf32>,
          } else {
          }
          %eq3A_588 = arith.constant 7 : i32
          %eq3A_589 = arith.cmpi eq, %squeeze3A_580, %eq3A_588 : i32
          %convert_element_type3A_590 = arith.extui %eq3A_589 : i1 to i32
          %cond3A_591 = arith.constant 0 : i32
          %cond3A_592 = arith.cmpi ne, %convert_element_type3A_590, %cond3A_591 : i32
          scf.if %cond3A_592 {
            %get3A_650 = arith.constant 1 : i32
            %get3A_651 = arith.index_cast %get3A_650 : i32 to index
            %get3A_652 = arith.index_cast %add3A_582 : i32 to index
            %get3A_653 = arith.constant 0 : index
            %get3A_654 = tpu.vector_load %arg7[%get3A_651, %get3A_652, %get3A_653] {strides = array<i32>} : memref<2x512x64xf32, #tpu.memory_space<vmem>>, vector<1x1x16xf32>,
            %get3A_655 = vector.shape_cast %get3A_654 : vector<1x1x16xf32> to vector<16xf32>
            %add3A_656 = arith.addf %get3A_655, %get3A_28 : vector<16xf32>
            %swap3A = arith.constant 1 : i32
            %swap3A_657 = arith.index_cast %swap3A : i32 to index
            %swap3A_658 = arith.index_cast %add3A_582 : i32 to index
            %swap3A_659 = arith.constant 0 : index
            %swap3A_660 = tpu.vector_load %arg7[%swap3A_657, %swap3A_658, %swap3A_659] {strides = array<i32>} : memref<2x512x64xf32, #tpu.memory_space<vmem>>, vector<1x1x16xf32>,
            %swap3A_661 = vector.shape_cast %swap3A_660 : vector<1x1x16xf32> to vector<16xf32>
            %swap3A_662 = vector.shape_cast %add3A_656 : vector<16xf32> to vector<1x1x16xf32>
            tpu.vector_store %arg7[%swap3A_657, %swap3A_658, %swap3A_659], %swap3A_662 {strides = array<i32>} : memref<2x512x64xf32, #tpu.memory_space<vmem>>, vector<1x1x16xf32>,
            %get3A_663 = arith.constant 1 : i32
            %get3A_664 = arith.index_cast %get3A_663 : i32 to index
            %get3A_665 = arith.index_cast %add3A_582 : i32 to index
            %get3A_666 = arith.constant 16 : index
            %get3A_667 = tpu.vector_load %arg7[%get3A_664, %get3A_665, %get3A_666] {strides = array<i32>} : memref<2x512x64xf32, #tpu.memory_space<vmem>>, vector<1x1x16xf32>,
            %get3A_668 = vector.shape_cast %get3A_667 : vector<1x1x16xf32> to vector<16xf32>
            %add3A_669 = arith.addf %get3A_668, %get3A_33 : vector<16xf32>
            %swap3A_670 = arith.constant 1 : i32
            %swap3A_671 = arith.index_cast %swap3A_670 : i32 to index
            %swap3A_672 = arith.index_cast %add3A_582 : i32 to index
            %swap3A_673 = arith.constant 16 : index
            %swap3A_674 = tpu.vector_load %arg7[%swap3A_671, %swap3A_672, %swap3A_673] {strides = array<i32>} : memref<2x512x64xf32, #tpu.memory_space<vmem>>, vector<1x1x16xf32>,
            %swap3A_675 = vector.shape_cast %swap3A_674 : vector<1x1x16xf32> to vector<16xf32>
            %swap3A_676 = vector.shape_cast %add3A_669 : vector<16xf32> to vector<1x1x16xf32>
            tpu.vector_store %arg7[%swap3A_671, %swap3A_672, %swap3A_673], %swap3A_676 {strides = array<i32>} : memref<2x512x64xf32, #tpu.memory_space<vmem>>, vector<1x1x16xf32>,
            %get3A_677 = arith.constant 1 : i32
            %get3A_678 = arith.index_cast %get3A_677 : i32 to index
            %get3A_679 = arith.index_cast %add3A_582 : i32 to index
            %get3A_680 = arith.constant 32 : index
            %get3A_681 = tpu.vector_load %arg7[%get3A_678, %get3A_679, %get3A_680] {strides = array<i32>} : memref<2x512x64xf32, #tpu.memory_space<vmem>>, vector<1x1x16xf32>,
            %get3A_682 = vector.shape_cast %get3A_681 : vector<1x1x16xf32> to vector<16xf32>
            %add3A_683 = arith.addf %get3A_682, %get3A_38 : vector<16xf32>
            %swap3A_684 = arith.constant 1 : i32
            %swap3A_685 = arith.index_cast %swap3A_684 : i32 to index
            %swap3A_686 = arith.index_cast %add3A_582 : i32 to index
            %swap3A_687 = arith.constant 32 : index
            %swap3A_688 = tpu.vector_load %arg7[%swap3A_685, %swap3A_686, %swap3A_687] {strides = array<i32>} : memref<2x512x64xf32, #tpu.memory_space<vmem>>, vector<1x1x16xf32>,
            %swap3A_689 = vector.shape_cast %swap3A_688 : vector<1x1x16xf32> to vector<16xf32>
            %swap3A_690 = vector.shape_cast %add3A_683 : vector<16xf32> to vector<1x1x16xf32>
            tpu.vector_store %arg7[%swap3A_685, %swap3A_686, %swap3A_687], %swap3A_690 {strides = array<i32>} : memref<2x512x64xf32, #tpu.memory_space<vmem>>, vector<1x1x16xf32>,
            %get3A_691 = arith.constant 1 : i32
            %get3A_692 = arith.index_cast %get3A_691 : i32 to index
            %get3A_693 = arith.index_cast %add3A_582 : i32 to index
            %get3A_694 = arith.constant 48 : index
            %get3A_695 = tpu.vector_load %arg7[%get3A_692, %get3A_693, %get3A_694] {strides = array<i32>} : memref<2x512x64xf32, #tpu.memory_space<vmem>>, vector<1x1x16xf32>,
            %get3A_696 = vector.shape_cast %get3A_695 : vector<1x1x16xf32> to vector<16xf32>
            %add3A_697 = arith.addf %get3A_696, %get3A_43 : vector<16xf32>
            %swap3A_698 = arith.constant 1 : i32
            %swap3A_699 = arith.index_cast %swap3A_698 : i32 to index
            %swap3A_700 = arith.index_cast %add3A_582 : i32 to index
            %swap3A_701 = arith.constant 48 : index
            %swap3A_702 = tpu.vector_load %arg7[%swap3A_699, %swap3A_700, %swap3A_701] {strides = array<i32>} : memref<2x512x64xf32, #tpu.memory_space<vmem>>, vector<1x1x16xf32>,
            %swap3A_703 = vector.shape_cast %swap3A_702 : vector<1x1x16xf32> to vector<16xf32>
            %swap3A_704 = vector.shape_cast %add3A_697 : vector<16xf32> to vector<1x1x16xf32>
            tpu.vector_store %arg7[%swap3A_699, %swap3A_700, %swap3A_701], %swap3A_704 {strides = array<i32>} : memref<2x512x64xf32, #tpu.memory_space<vmem>>, vector<1x1x16xf32>,
          } else {
          }
          %slice3A_593 = vector.extract_strided_slice %get3A_422 {offsets = [12], sizes = [1], strides = [1]} : vector<16xi32> to vector<1xi32>
          %squeeze3A_594 = vector.extract %slice3A_593[0] : i32 from vector<1xi32>
          %add3A_595 = arith.constant 12 : i32
          %add3A_596 = arith.addi %mul3A_424, %add3A_595 : i32
          %eq3A_597 = arith.constant 5 : i32
          %eq3A_598 = arith.cmpi eq, %squeeze3A_594, %eq3A_597 : i32
          %convert_element_type3A_599 = arith.extui %eq3A_598 : i1 to i32
          %cond3A_600 = arith.constant 0 : i32
          %cond3A_601 = arith.cmpi ne, %convert_element_type3A_599, %cond3A_600 : i32
          scf.if %cond3A_601 {
            %get3A_650 = arith.constant 1 : i32
            %get3A_651 = arith.index_cast %get3A_650 : i32 to index
            %get3A_652 = arith.index_cast %add3A_596 : i32 to index
            %get3A_653 = arith.constant 0 : index
            %get3A_654 = tpu.vector_load %arg7[%get3A_651, %get3A_652, %get3A_653] {strides = array<i32>} : memref<2x512x64xf32, #tpu.memory_space<vmem>>, vector<1x1x16xf32>,
            %get3A_655 = vector.shape_cast %get3A_654 : vector<1x1x16xf32> to vector<16xf32>
            %add3A_656 = arith.addf %get3A_655, %get3A_8 : vector<16xf32>
            %swap3A = arith.constant 1 : i32
            %swap3A_657 = arith.index_cast %swap3A : i32 to index
            %swap3A_658 = arith.index_cast %add3A_596 : i32 to index
            %swap3A_659 = arith.constant 0 : index
            %swap3A_660 = tpu.vector_load %arg7[%swap3A_657, %swap3A_658, %swap3A_659] {strides = array<i32>} : memref<2x512x64xf32, #tpu.memory_space<vmem>>, vector<1x1x16xf32>,
            %swap3A_661 = vector.shape_cast %swap3A_660 : vector<1x1x16xf32> to vector<16xf32>
            %swap3A_662 = vector.shape_cast %add3A_656 : vector<16xf32> to vector<1x1x16xf32>
            tpu.vector_store %arg7[%swap3A_657, %swap3A_658, %swap3A_659], %swap3A_662 {strides = array<i32>} : memref<2x512x64xf32, #tpu.memory_space<vmem>>, vector<1x1x16xf32>,
            %get3A_663 = arith.constant 1 : i32
            %get3A_664 = arith.index_cast %get3A_663 : i32 to index
            %get3A_665 = arith.index_cast %add3A_596 : i32 to index
            %get3A_666 = arith.constant 16 : index
            %get3A_667 = tpu.vector_load %arg7[%get3A_664, %get3A_665, %get3A_666] {strides = array<i32>} : memref<2x512x64xf32, #tpu.memory_space<vmem>>, vector<1x1x16xf32>,
            %get3A_668 = vector.shape_cast %get3A_667 : vector<1x1x16xf32> to vector<16xf32>
            %add3A_669 = arith.addf %get3A_668, %get3A_13 : vector<16xf32>
            %swap3A_670 = arith.constant 1 : i32
            %swap3A_671 = arith.index_cast %swap3A_670 : i32 to index
            %swap3A_672 = arith.index_cast %add3A_596 : i32 to index
            %swap3A_673 = arith.constant 16 : index
            %swap3A_674 = tpu.vector_load %arg7[%swap3A_671, %swap3A_672, %swap3A_673] {strides = array<i32>} : memref<2x512x64xf32, #tpu.memory_space<vmem>>, vector<1x1x16xf32>,
            %swap3A_675 = vector.shape_cast %swap3A_674 : vector<1x1x16xf32> to vector<16xf32>
            %swap3A_676 = vector.shape_cast %add3A_669 : vector<16xf32> to vector<1x1x16xf32>
            tpu.vector_store %arg7[%swap3A_671, %swap3A_672, %swap3A_673], %swap3A_676 {strides = array<i32>} : memref<2x512x64xf32, #tpu.memory_space<vmem>>, vector<1x1x16xf32>,
            %get3A_677 = arith.constant 1 : i32
            %get3A_678 = arith.index_cast %get3A_677 : i32 to index
            %get3A_679 = arith.index_cast %add3A_596 : i32 to index
            %get3A_680 = arith.constant 32 : index
            %get3A_681 = tpu.vector_load %arg7[%get3A_678, %get3A_679, %get3A_680] {strides = array<i32>} : memref<2x512x64xf32, #tpu.memory_space<vmem>>, vector<1x1x16xf32>,
            %get3A_682 = vector.shape_cast %get3A_681 : vector<1x1x16xf32> to vector<16xf32>
            %add3A_683 = arith.addf %get3A_682, %get3A_18 : vector<16xf32>
            %swap3A_684 = arith.constant 1 : i32
            %swap3A_685 = arith.index_cast %swap3A_684 : i32 to index
            %swap3A_686 = arith.index_cast %add3A_596 : i32 to index
            %swap3A_687 = arith.constant 32 : index
            %swap3A_688 = tpu.vector_load %arg7[%swap3A_685, %swap3A_686, %swap3A_687] {strides = array<i32>} : memref<2x512x64xf32, #tpu.memory_space<vmem>>, vector<1x1x16xf32>,
            %swap3A_689 = vector.shape_cast %swap3A_688 : vector<1x1x16xf32> to vector<16xf32>
            %swap3A_690 = vector.shape_cast %add3A_683 : vector<16xf32> to vector<1x1x16xf32>
            tpu.vector_store %arg7[%swap3A_685, %swap3A_686, %swap3A_687], %swap3A_690 {strides = array<i32>} : memref<2x512x64xf32, #tpu.memory_space<vmem>>, vector<1x1x16xf32>,
            %get3A_691 = arith.constant 1 : i32
            %get3A_692 = arith.index_cast %get3A_691 : i32 to index
            %get3A_693 = arith.index_cast %add3A_596 : i32 to index
            %get3A_694 = arith.constant 48 : index
            %get3A_695 = tpu.vector_load %arg7[%get3A_692, %get3A_693, %get3A_694] {strides = array<i32>} : memref<2x512x64xf32, #tpu.memory_space<vmem>>, vector<1x1x16xf32>,
            %get3A_696 = vector.shape_cast %get3A_695 : vector<1x1x16xf32> to vector<16xf32>
            %add3A_697 = arith.addf %get3A_696, %get3A_23 : vector<16xf32>
            %swap3A_698 = arith.constant 1 : i32
            %swap3A_699 = arith.index_cast %swap3A_698 : i32 to index
            %swap3A_700 = arith.index_cast %add3A_596 : i32 to index
            %swap3A_701 = arith.constant 48 : index
            %swap3A_702 = tpu.vector_load %arg7[%swap3A_699, %swap3A_700, %swap3A_701] {strides = array<i32>} : memref<2x512x64xf32, #tpu.memory_space<vmem>>, vector<1x1x16xf32>,
            %swap3A_703 = vector.shape_cast %swap3A_702 : vector<1x1x16xf32> to vector<16xf32>
            %swap3A_704 = vector.shape_cast %add3A_697 : vector<16xf32> to vector<1x1x16xf32>
            tpu.vector_store %arg7[%swap3A_699, %swap3A_700, %swap3A_701], %swap3A_704 {strides = array<i32>} : memref<2x512x64xf32, #tpu.memory_space<vmem>>, vector<1x1x16xf32>,
          } else {
          }
          %eq3A_602 = arith.constant 7 : i32
          %eq3A_603 = arith.cmpi eq, %squeeze3A_594, %eq3A_602 : i32
          %convert_element_type3A_604 = arith.extui %eq3A_603 : i1 to i32
          %cond3A_605 = arith.constant 0 : i32
          %cond3A_606 = arith.cmpi ne, %convert_element_type3A_604, %cond3A_605 : i32
          scf.if %cond3A_606 {
            %get3A_650 = arith.constant 1 : i32
            %get3A_651 = arith.index_cast %get3A_650 : i32 to index
            %get3A_652 = arith.index_cast %add3A_596 : i32 to index
            %get3A_653 = arith.constant 0 : index
            %get3A_654 = tpu.vector_load %arg7[%get3A_651, %get3A_652, %get3A_653] {strides = array<i32>} : memref<2x512x64xf32, #tpu.memory_space<vmem>>, vector<1x1x16xf32>,
            %get3A_655 = vector.shape_cast %get3A_654 : vector<1x1x16xf32> to vector<16xf32>
            %add3A_656 = arith.addf %get3A_655, %get3A_28 : vector<16xf32>
            %swap3A = arith.constant 1 : i32
            %swap3A_657 = arith.index_cast %swap3A : i32 to index
            %swap3A_658 = arith.index_cast %add3A_596 : i32 to index
            %swap3A_659 = arith.constant 0 : index
            %swap3A_660 = tpu.vector_load %arg7[%swap3A_657, %swap3A_658, %swap3A_659] {strides = array<i32>} : memref<2x512x64xf32, #tpu.memory_space<vmem>>, vector<1x1x16xf32>,
            %swap3A_661 = vector.shape_cast %swap3A_660 : vector<1x1x16xf32> to vector<16xf32>
            %swap3A_662 = vector.shape_cast %add3A_656 : vector<16xf32> to vector<1x1x16xf32>
            tpu.vector_store %arg7[%swap3A_657, %swap3A_658, %swap3A_659], %swap3A_662 {strides = array<i32>} : memref<2x512x64xf32, #tpu.memory_space<vmem>>, vector<1x1x16xf32>,
            %get3A_663 = arith.constant 1 : i32
            %get3A_664 = arith.index_cast %get3A_663 : i32 to index
            %get3A_665 = arith.index_cast %add3A_596 : i32 to index
            %get3A_666 = arith.constant 16 : index
            %get3A_667 = tpu.vector_load %arg7[%get3A_664, %get3A_665, %get3A_666] {strides = array<i32>} : memref<2x512x64xf32, #tpu.memory_space<vmem>>, vector<1x1x16xf32>,
            %get3A_668 = vector.shape_cast %get3A_667 : vector<1x1x16xf32> to vector<16xf32>
            %add3A_669 = arith.addf %get3A_668, %get3A_33 : vector<16xf32>
            %swap3A_670 = arith.constant 1 : i32
            %swap3A_671 = arith.index_cast %swap3A_670 : i32 to index
            %swap3A_672 = arith.index_cast %add3A_596 : i32 to index
            %swap3A_673 = arith.constant 16 : index
            %swap3A_674 = tpu.vector_load %arg7[%swap3A_671, %swap3A_672, %swap3A_673] {strides = array<i32>} : memref<2x512x64xf32, #tpu.memory_space<vmem>>, vector<1x1x16xf32>,
            %swap3A_675 = vector.shape_cast %swap3A_674 : vector<1x1x16xf32> to vector<16xf32>
            %swap3A_676 = vector.shape_cast %add3A_669 : vector<16xf32> to vector<1x1x16xf32>
            tpu.vector_store %arg7[%swap3A_671, %swap3A_672, %swap3A_673], %swap3A_676 {strides = array<i32>} : memref<2x512x64xf32, #tpu.memory_space<vmem>>, vector<1x1x16xf32>,
            %get3A_677 = arith.constant 1 : i32
            %get3A_678 = arith.index_cast %get3A_677 : i32 to index
            %get3A_679 = arith.index_cast %add3A_596 : i32 to index
            %get3A_680 = arith.constant 32 : index
            %get3A_681 = tpu.vector_load %arg7[%get3A_678, %get3A_679, %get3A_680] {strides = array<i32>} : memref<2x512x64xf32, #tpu.memory_space<vmem>>, vector<1x1x16xf32>,
            %get3A_682 = vector.shape_cast %get3A_681 : vector<1x1x16xf32> to vector<16xf32>
            %add3A_683 = arith.addf %get3A_682, %get3A_38 : vector<16xf32>
            %swap3A_684 = arith.constant 1 : i32
            %swap3A_685 = arith.index_cast %swap3A_684 : i32 to index
            %swap3A_686 = arith.index_cast %add3A_596 : i32 to index
            %swap3A_687 = arith.constant 32 : index
            %swap3A_688 = tpu.vector_load %arg7[%swap3A_685, %swap3A_686, %swap3A_687] {strides = array<i32>} : memref<2x512x64xf32, #tpu.memory_space<vmem>>, vector<1x1x16xf32>,
            %swap3A_689 = vector.shape_cast %swap3A_688 : vector<1x1x16xf32> to vector<16xf32>
            %swap3A_690 = vector.shape_cast %add3A_683 : vector<16xf32> to vector<1x1x16xf32>
            tpu.vector_store %arg7[%swap3A_685, %swap3A_686, %swap3A_687], %swap3A_690 {strides = array<i32>} : memref<2x512x64xf32, #tpu.memory_space<vmem>>, vector<1x1x16xf32>,
            %get3A_691 = arith.constant 1 : i32
            %get3A_692 = arith.index_cast %get3A_691 : i32 to index
            %get3A_693 = arith.index_cast %add3A_596 : i32 to index
            %get3A_694 = arith.constant 48 : index
            %get3A_695 = tpu.vector_load %arg7[%get3A_692, %get3A_693, %get3A_694] {strides = array<i32>} : memref<2x512x64xf32, #tpu.memory_space<vmem>>, vector<1x1x16xf32>,
            %get3A_696 = vector.shape_cast %get3A_695 : vector<1x1x16xf32> to vector<16xf32>
            %add3A_697 = arith.addf %get3A_696, %get3A_43 : vector<16xf32>
            %swap3A_698 = arith.constant 1 : i32
            %swap3A_699 = arith.index_cast %swap3A_698 : i32 to index
            %swap3A_700 = arith.index_cast %add3A_596 : i32 to index
            %swap3A_701 = arith.constant 48 : index
            %swap3A_702 = tpu.vector_load %arg7[%swap3A_699, %swap3A_700, %swap3A_701] {strides = array<i32>} : memref<2x512x64xf32, #tpu.memory_space<vmem>>, vector<1x1x16xf32>,
            %swap3A_703 = vector.shape_cast %swap3A_702 : vector<1x1x16xf32> to vector<16xf32>
            %swap3A_704 = vector.shape_cast %add3A_697 : vector<16xf32> to vector<1x1x16xf32>
            tpu.vector_store %arg7[%swap3A_699, %swap3A_700, %swap3A_701], %swap3A_704 {strides = array<i32>} : memref<2x512x64xf32, #tpu.memory_space<vmem>>, vector<1x1x16xf32>,
          } else {
          }
          %slice3A_607 = vector.extract_strided_slice %get3A_422 {offsets = [13], sizes = [1], strides = [1]} : vector<16xi32> to vector<1xi32>
          %squeeze3A_608 = vector.extract %slice3A_607[0] : i32 from vector<1xi32>
          %add3A_609 = arith.constant 13 : i32
          %add3A_610 = arith.addi %mul3A_424, %add3A_609 : i32
          %eq3A_611 = arith.constant 5 : i32
          %eq3A_612 = arith.cmpi eq, %squeeze3A_608, %eq3A_611 : i32
          %convert_element_type3A_613 = arith.extui %eq3A_612 : i1 to i32
          %cond3A_614 = arith.constant 0 : i32
          %cond3A_615 = arith.cmpi ne, %convert_element_type3A_613, %cond3A_614 : i32
          scf.if %cond3A_615 {
            %get3A_650 = arith.constant 1 : i32
            %get3A_651 = arith.index_cast %get3A_650 : i32 to index
            %get3A_652 = arith.index_cast %add3A_610 : i32 to index
            %get3A_653 = arith.constant 0 : index
            %get3A_654 = tpu.vector_load %arg7[%get3A_651, %get3A_652, %get3A_653] {strides = array<i32>} : memref<2x512x64xf32, #tpu.memory_space<vmem>>, vector<1x1x16xf32>,
            %get3A_655 = vector.shape_cast %get3A_654 : vector<1x1x16xf32> to vector<16xf32>
            %add3A_656 = arith.addf %get3A_655, %get3A_8 : vector<16xf32>
            %swap3A = arith.constant 1 : i32
            %swap3A_657 = arith.index_cast %swap3A : i32 to index
            %swap3A_658 = arith.index_cast %add3A_610 : i32 to index
            %swap3A_659 = arith.constant 0 : index
            %swap3A_660 = tpu.vector_load %arg7[%swap3A_657, %swap3A_658, %swap3A_659] {strides = array<i32>} : memref<2x512x64xf32, #tpu.memory_space<vmem>>, vector<1x1x16xf32>,
            %swap3A_661 = vector.shape_cast %swap3A_660 : vector<1x1x16xf32> to vector<16xf32>
            %swap3A_662 = vector.shape_cast %add3A_656 : vector<16xf32> to vector<1x1x16xf32>
            tpu.vector_store %arg7[%swap3A_657, %swap3A_658, %swap3A_659], %swap3A_662 {strides = array<i32>} : memref<2x512x64xf32, #tpu.memory_space<vmem>>, vector<1x1x16xf32>,
            %get3A_663 = arith.constant 1 : i32
            %get3A_664 = arith.index_cast %get3A_663 : i32 to index
            %get3A_665 = arith.index_cast %add3A_610 : i32 to index
            %get3A_666 = arith.constant 16 : index
            %get3A_667 = tpu.vector_load %arg7[%get3A_664, %get3A_665, %get3A_666] {strides = array<i32>} : memref<2x512x64xf32, #tpu.memory_space<vmem>>, vector<1x1x16xf32>,
            %get3A_668 = vector.shape_cast %get3A_667 : vector<1x1x16xf32> to vector<16xf32>
            %add3A_669 = arith.addf %get3A_668, %get3A_13 : vector<16xf32>
            %swap3A_670 = arith.constant 1 : i32
            %swap3A_671 = arith.index_cast %swap3A_670 : i32 to index
            %swap3A_672 = arith.index_cast %add3A_610 : i32 to index
            %swap3A_673 = arith.constant 16 : index
            %swap3A_674 = tpu.vector_load %arg7[%swap3A_671, %swap3A_672, %swap3A_673] {strides = array<i32>} : memref<2x512x64xf32, #tpu.memory_space<vmem>>, vector<1x1x16xf32>,
            %swap3A_675 = vector.shape_cast %swap3A_674 : vector<1x1x16xf32> to vector<16xf32>
            %swap3A_676 = vector.shape_cast %add3A_669 : vector<16xf32> to vector<1x1x16xf32>
            tpu.vector_store %arg7[%swap3A_671, %swap3A_672, %swap3A_673], %swap3A_676 {strides = array<i32>} : memref<2x512x64xf32, #tpu.memory_space<vmem>>, vector<1x1x16xf32>,
            %get3A_677 = arith.constant 1 : i32
            %get3A_678 = arith.index_cast %get3A_677 : i32 to index
            %get3A_679 = arith.index_cast %add3A_610 : i32 to index
            %get3A_680 = arith.constant 32 : index
            %get3A_681 = tpu.vector_load %arg7[%get3A_678, %get3A_679, %get3A_680] {strides = array<i32>} : memref<2x512x64xf32, #tpu.memory_space<vmem>>, vector<1x1x16xf32>,
            %get3A_682 = vector.shape_cast %get3A_681 : vector<1x1x16xf32> to vector<16xf32>
            %add3A_683 = arith.addf %get3A_682, %get3A_18 : vector<16xf32>
            %swap3A_684 = arith.constant 1 : i32
            %swap3A_685 = arith.index_cast %swap3A_684 : i32 to index
            %swap3A_686 = arith.index_cast %add3A_610 : i32 to index
            %swap3A_687 = arith.constant 32 : index
            %swap3A_688 = tpu.vector_load %arg7[%swap3A_685, %swap3A_686, %swap3A_687] {strides = array<i32>} : memref<2x512x64xf32, #tpu.memory_space<vmem>>, vector<1x1x16xf32>,
            %swap3A_689 = vector.shape_cast %swap3A_688 : vector<1x1x16xf32> to vector<16xf32>
            %swap3A_690 = vector.shape_cast %add3A_683 : vector<16xf32> to vector<1x1x16xf32>
            tpu.vector_store %arg7[%swap3A_685, %swap3A_686, %swap3A_687], %swap3A_690 {strides = array<i32>} : memref<2x512x64xf32, #tpu.memory_space<vmem>>, vector<1x1x16xf32>,
            %get3A_691 = arith.constant 1 : i32
            %get3A_692 = arith.index_cast %get3A_691 : i32 to index
            %get3A_693 = arith.index_cast %add3A_610 : i32 to index
            %get3A_694 = arith.constant 48 : index
            %get3A_695 = tpu.vector_load %arg7[%get3A_692, %get3A_693, %get3A_694] {strides = array<i32>} : memref<2x512x64xf32, #tpu.memory_space<vmem>>, vector<1x1x16xf32>,
            %get3A_696 = vector.shape_cast %get3A_695 : vector<1x1x16xf32> to vector<16xf32>
            %add3A_697 = arith.addf %get3A_696, %get3A_23 : vector<16xf32>
            %swap3A_698 = arith.constant 1 : i32
            %swap3A_699 = arith.index_cast %swap3A_698 : i32 to index
            %swap3A_700 = arith.index_cast %add3A_610 : i32 to index
            %swap3A_701 = arith.constant 48 : index
            %swap3A_702 = tpu.vector_load %arg7[%swap3A_699, %swap3A_700, %swap3A_701] {strides = array<i32>} : memref<2x512x64xf32, #tpu.memory_space<vmem>>, vector<1x1x16xf32>,
            %swap3A_703 = vector.shape_cast %swap3A_702 : vector<1x1x16xf32> to vector<16xf32>
            %swap3A_704 = vector.shape_cast %add3A_697 : vector<16xf32> to vector<1x1x16xf32>
            tpu.vector_store %arg7[%swap3A_699, %swap3A_700, %swap3A_701], %swap3A_704 {strides = array<i32>} : memref<2x512x64xf32, #tpu.memory_space<vmem>>, vector<1x1x16xf32>,
          } else {
          }
          %eq3A_616 = arith.constant 7 : i32
          %eq3A_617 = arith.cmpi eq, %squeeze3A_608, %eq3A_616 : i32
          %convert_element_type3A_618 = arith.extui %eq3A_617 : i1 to i32
          %cond3A_619 = arith.constant 0 : i32
          %cond3A_620 = arith.cmpi ne, %convert_element_type3A_618, %cond3A_619 : i32
          scf.if %cond3A_620 {
            %get3A_650 = arith.constant 1 : i32
            %get3A_651 = arith.index_cast %get3A_650 : i32 to index
            %get3A_652 = arith.index_cast %add3A_610 : i32 to index
            %get3A_653 = arith.constant 0 : index
            %get3A_654 = tpu.vector_load %arg7[%get3A_651, %get3A_652, %get3A_653] {strides = array<i32>} : memref<2x512x64xf32, #tpu.memory_space<vmem>>, vector<1x1x16xf32>,
            %get3A_655 = vector.shape_cast %get3A_654 : vector<1x1x16xf32> to vector<16xf32>
            %add3A_656 = arith.addf %get3A_655, %get3A_28 : vector<16xf32>
            %swap3A = arith.constant 1 : i32
            %swap3A_657 = arith.index_cast %swap3A : i32 to index
            %swap3A_658 = arith.index_cast %add3A_610 : i32 to index
            %swap3A_659 = arith.constant 0 : index
            %swap3A_660 = tpu.vector_load %arg7[%swap3A_657, %swap3A_658, %swap3A_659] {strides = array<i32>} : memref<2x512x64xf32, #tpu.memory_space<vmem>>, vector<1x1x16xf32>,
            %swap3A_661 = vector.shape_cast %swap3A_660 : vector<1x1x16xf32> to vector<16xf32>
            %swap3A_662 = vector.shape_cast %add3A_656 : vector<16xf32> to vector<1x1x16xf32>
            tpu.vector_store %arg7[%swap3A_657, %swap3A_658, %swap3A_659], %swap3A_662 {strides = array<i32>} : memref<2x512x64xf32, #tpu.memory_space<vmem>>, vector<1x1x16xf32>,
            %get3A_663 = arith.constant 1 : i32
            %get3A_664 = arith.index_cast %get3A_663 : i32 to index
            %get3A_665 = arith.index_cast %add3A_610 : i32 to index
            %get3A_666 = arith.constant 16 : index
            %get3A_667 = tpu.vector_load %arg7[%get3A_664, %get3A_665, %get3A_666] {strides = array<i32>} : memref<2x512x64xf32, #tpu.memory_space<vmem>>, vector<1x1x16xf32>,
            %get3A_668 = vector.shape_cast %get3A_667 : vector<1x1x16xf32> to vector<16xf32>
            %add3A_669 = arith.addf %get3A_668, %get3A_33 : vector<16xf32>
            %swap3A_670 = arith.constant 1 : i32
            %swap3A_671 = arith.index_cast %swap3A_670 : i32 to index
            %swap3A_672 = arith.index_cast %add3A_610 : i32 to index
            %swap3A_673 = arith.constant 16 : index
            %swap3A_674 = tpu.vector_load %arg7[%swap3A_671, %swap3A_672, %swap3A_673] {strides = array<i32>} : memref<2x512x64xf32, #tpu.memory_space<vmem>>, vector<1x1x16xf32>,
            %swap3A_675 = vector.shape_cast %swap3A_674 : vector<1x1x16xf32> to vector<16xf32>
            %swap3A_676 = vector.shape_cast %add3A_669 : vector<16xf32> to vector<1x1x16xf32>
            tpu.vector_store %arg7[%swap3A_671, %swap3A_672, %swap3A_673], %swap3A_676 {strides = array<i32>} : memref<2x512x64xf32, #tpu.memory_space<vmem>>, vector<1x1x16xf32>,
            %get3A_677 = arith.constant 1 : i32
            %get3A_678 = arith.index_cast %get3A_677 : i32 to index
            %get3A_679 = arith.index_cast %add3A_610 : i32 to index
            %get3A_680 = arith.constant 32 : index
            %get3A_681 = tpu.vector_load %arg7[%get3A_678, %get3A_679, %get3A_680] {strides = array<i32>} : memref<2x512x64xf32, #tpu.memory_space<vmem>>, vector<1x1x16xf32>,
            %get3A_682 = vector.shape_cast %get3A_681 : vector<1x1x16xf32> to vector<16xf32>
            %add3A_683 = arith.addf %get3A_682, %get3A_38 : vector<16xf32>
            %swap3A_684 = arith.constant 1 : i32
            %swap3A_685 = arith.index_cast %swap3A_684 : i32 to index
            %swap3A_686 = arith.index_cast %add3A_610 : i32 to index
            %swap3A_687 = arith.constant 32 : index
            %swap3A_688 = tpu.vector_load %arg7[%swap3A_685, %swap3A_686, %swap3A_687] {strides = array<i32>} : memref<2x512x64xf32, #tpu.memory_space<vmem>>, vector<1x1x16xf32>,
            %swap3A_689 = vector.shape_cast %swap3A_688 : vector<1x1x16xf32> to vector<16xf32>
            %swap3A_690 = vector.shape_cast %add3A_683 : vector<16xf32> to vector<1x1x16xf32>
            tpu.vector_store %arg7[%swap3A_685, %swap3A_686, %swap3A_687], %swap3A_690 {strides = array<i32>} : memref<2x512x64xf32, #tpu.memory_space<vmem>>, vector<1x1x16xf32>,
            %get3A_691 = arith.constant 1 : i32
            %get3A_692 = arith.index_cast %get3A_691 : i32 to index
            %get3A_693 = arith.index_cast %add3A_610 : i32 to index
            %get3A_694 = arith.constant 48 : index
            %get3A_695 = tpu.vector_load %arg7[%get3A_692, %get3A_693, %get3A_694] {strides = array<i32>} : memref<2x512x64xf32, #tpu.memory_space<vmem>>, vector<1x1x16xf32>,
            %get3A_696 = vector.shape_cast %get3A_695 : vector<1x1x16xf32> to vector<16xf32>
            %add3A_697 = arith.addf %get3A_696, %get3A_43 : vector<16xf32>
            %swap3A_698 = arith.constant 1 : i32
            %swap3A_699 = arith.index_cast %swap3A_698 : i32 to index
            %swap3A_700 = arith.index_cast %add3A_610 : i32 to index
            %swap3A_701 = arith.constant 48 : index
            %swap3A_702 = tpu.vector_load %arg7[%swap3A_699, %swap3A_700, %swap3A_701] {strides = array<i32>} : memref<2x512x64xf32, #tpu.memory_space<vmem>>, vector<1x1x16xf32>,
            %swap3A_703 = vector.shape_cast %swap3A_702 : vector<1x1x16xf32> to vector<16xf32>
            %swap3A_704 = vector.shape_cast %add3A_697 : vector<16xf32> to vector<1x1x16xf32>
            tpu.vector_store %arg7[%swap3A_699, %swap3A_700, %swap3A_701], %swap3A_704 {strides = array<i32>} : memref<2x512x64xf32, #tpu.memory_space<vmem>>, vector<1x1x16xf32>,
          } else {
          }
          %slice3A_621 = vector.extract_strided_slice %get3A_422 {offsets = [14], sizes = [1], strides = [1]} : vector<16xi32> to vector<1xi32>
          %squeeze3A_622 = vector.extract %slice3A_621[0] : i32 from vector<1xi32>
          %add3A_623 = arith.constant 14 : i32
          %add3A_624 = arith.addi %mul3A_424, %add3A_623 : i32
          %eq3A_625 = arith.constant 5 : i32
          %eq3A_626 = arith.cmpi eq, %squeeze3A_622, %eq3A_625 : i32
          %convert_element_type3A_627 = arith.extui %eq3A_626 : i1 to i32
          %cond3A_628 = arith.constant 0 : i32
          %cond3A_629 = arith.cmpi ne, %convert_element_type3A_627, %cond3A_628 : i32
          scf.if %cond3A_629 {
            %get3A_650 = arith.constant 1 : i32
            %get3A_651 = arith.index_cast %get3A_650 : i32 to index
            %get3A_652 = arith.index_cast %add3A_624 : i32 to index
            %get3A_653 = arith.constant 0 : index
            %get3A_654 = tpu.vector_load %arg7[%get3A_651, %get3A_652, %get3A_653] {strides = array<i32>} : memref<2x512x64xf32, #tpu.memory_space<vmem>>, vector<1x1x16xf32>,
            %get3A_655 = vector.shape_cast %get3A_654 : vector<1x1x16xf32> to vector<16xf32>
            %add3A_656 = arith.addf %get3A_655, %get3A_8 : vector<16xf32>
            %swap3A = arith.constant 1 : i32
            %swap3A_657 = arith.index_cast %swap3A : i32 to index
            %swap3A_658 = arith.index_cast %add3A_624 : i32 to index
            %swap3A_659 = arith.constant 0 : index
            %swap3A_660 = tpu.vector_load %arg7[%swap3A_657, %swap3A_658, %swap3A_659] {strides = array<i32>} : memref<2x512x64xf32, #tpu.memory_space<vmem>>, vector<1x1x16xf32>,
            %swap3A_661 = vector.shape_cast %swap3A_660 : vector<1x1x16xf32> to vector<16xf32>
            %swap3A_662 = vector.shape_cast %add3A_656 : vector<16xf32> to vector<1x1x16xf32>
            tpu.vector_store %arg7[%swap3A_657, %swap3A_658, %swap3A_659], %swap3A_662 {strides = array<i32>} : memref<2x512x64xf32, #tpu.memory_space<vmem>>, vector<1x1x16xf32>,
            %get3A_663 = arith.constant 1 : i32
            %get3A_664 = arith.index_cast %get3A_663 : i32 to index
            %get3A_665 = arith.index_cast %add3A_624 : i32 to index
            %get3A_666 = arith.constant 16 : index
            %get3A_667 = tpu.vector_load %arg7[%get3A_664, %get3A_665, %get3A_666] {strides = array<i32>} : memref<2x512x64xf32, #tpu.memory_space<vmem>>, vector<1x1x16xf32>,
            %get3A_668 = vector.shape_cast %get3A_667 : vector<1x1x16xf32> to vector<16xf32>
            %add3A_669 = arith.addf %get3A_668, %get3A_13 : vector<16xf32>
            %swap3A_670 = arith.constant 1 : i32
            %swap3A_671 = arith.index_cast %swap3A_670 : i32 to index
            %swap3A_672 = arith.index_cast %add3A_624 : i32 to index
            %swap3A_673 = arith.constant 16 : index
            %swap3A_674 = tpu.vector_load %arg7[%swap3A_671, %swap3A_672, %swap3A_673] {strides = array<i32>} : memref<2x512x64xf32, #tpu.memory_space<vmem>>, vector<1x1x16xf32>,
            %swap3A_675 = vector.shape_cast %swap3A_674 : vector<1x1x16xf32> to vector<16xf32>
            %swap3A_676 = vector.shape_cast %add3A_669 : vector<16xf32> to vector<1x1x16xf32>
            tpu.vector_store %arg7[%swap3A_671, %swap3A_672, %swap3A_673], %swap3A_676 {strides = array<i32>} : memref<2x512x64xf32, #tpu.memory_space<vmem>>, vector<1x1x16xf32>,
            %get3A_677 = arith.constant 1 : i32
            %get3A_678 = arith.index_cast %get3A_677 : i32 to index
            %get3A_679 = arith.index_cast %add3A_624 : i32 to index
            %get3A_680 = arith.constant 32 : index
            %get3A_681 = tpu.vector_load %arg7[%get3A_678, %get3A_679, %get3A_680] {strides = array<i32>} : memref<2x512x64xf32, #tpu.memory_space<vmem>>, vector<1x1x16xf32>,
            %get3A_682 = vector.shape_cast %get3A_681 : vector<1x1x16xf32> to vector<16xf32>
            %add3A_683 = arith.addf %get3A_682, %get3A_18 : vector<16xf32>
            %swap3A_684 = arith.constant 1 : i32
            %swap3A_685 = arith.index_cast %swap3A_684 : i32 to index
            %swap3A_686 = arith.index_cast %add3A_624 : i32 to index
            %swap3A_687 = arith.constant 32 : index
            %swap3A_688 = tpu.vector_load %arg7[%swap3A_685, %swap3A_686, %swap3A_687] {strides = array<i32>} : memref<2x512x64xf32, #tpu.memory_space<vmem>>, vector<1x1x16xf32>,
            %swap3A_689 = vector.shape_cast %swap3A_688 : vector<1x1x16xf32> to vector<16xf32>
            %swap3A_690 = vector.shape_cast %add3A_683 : vector<16xf32> to vector<1x1x16xf32>
            tpu.vector_store %arg7[%swap3A_685, %swap3A_686, %swap3A_687], %swap3A_690 {strides = array<i32>} : memref<2x512x64xf32, #tpu.memory_space<vmem>>, vector<1x1x16xf32>,
            %get3A_691 = arith.constant 1 : i32
            %get3A_692 = arith.index_cast %get3A_691 : i32 to index
            %get3A_693 = arith.index_cast %add3A_624 : i32 to index
            %get3A_694 = arith.constant 48 : index
            %get3A_695 = tpu.vector_load %arg7[%get3A_692, %get3A_693, %get3A_694] {strides = array<i32>} : memref<2x512x64xf32, #tpu.memory_space<vmem>>, vector<1x1x16xf32>,
            %get3A_696 = vector.shape_cast %get3A_695 : vector<1x1x16xf32> to vector<16xf32>
            %add3A_697 = arith.addf %get3A_696, %get3A_23 : vector<16xf32>
            %swap3A_698 = arith.constant 1 : i32
            %swap3A_699 = arith.index_cast %swap3A_698 : i32 to index
            %swap3A_700 = arith.index_cast %add3A_624 : i32 to index
            %swap3A_701 = arith.constant 48 : index
            %swap3A_702 = tpu.vector_load %arg7[%swap3A_699, %swap3A_700, %swap3A_701] {strides = array<i32>} : memref<2x512x64xf32, #tpu.memory_space<vmem>>, vector<1x1x16xf32>,
            %swap3A_703 = vector.shape_cast %swap3A_702 : vector<1x1x16xf32> to vector<16xf32>
            %swap3A_704 = vector.shape_cast %add3A_697 : vector<16xf32> to vector<1x1x16xf32>
            tpu.vector_store %arg7[%swap3A_699, %swap3A_700, %swap3A_701], %swap3A_704 {strides = array<i32>} : memref<2x512x64xf32, #tpu.memory_space<vmem>>, vector<1x1x16xf32>,
          } else {
          }
          %eq3A_630 = arith.constant 7 : i32
          %eq3A_631 = arith.cmpi eq, %squeeze3A_622, %eq3A_630 : i32
          %convert_element_type3A_632 = arith.extui %eq3A_631 : i1 to i32
          %cond3A_633 = arith.constant 0 : i32
          %cond3A_634 = arith.cmpi ne, %convert_element_type3A_632, %cond3A_633 : i32
          scf.if %cond3A_634 {
            %get3A_650 = arith.constant 1 : i32
            %get3A_651 = arith.index_cast %get3A_650 : i32 to index
            %get3A_652 = arith.index_cast %add3A_624 : i32 to index
            %get3A_653 = arith.constant 0 : index
            %get3A_654 = tpu.vector_load %arg7[%get3A_651, %get3A_652, %get3A_653] {strides = array<i32>} : memref<2x512x64xf32, #tpu.memory_space<vmem>>, vector<1x1x16xf32>,
            %get3A_655 = vector.shape_cast %get3A_654 : vector<1x1x16xf32> to vector<16xf32>
            %add3A_656 = arith.addf %get3A_655, %get3A_28 : vector<16xf32>
            %swap3A = arith.constant 1 : i32
            %swap3A_657 = arith.index_cast %swap3A : i32 to index
            %swap3A_658 = arith.index_cast %add3A_624 : i32 to index
            %swap3A_659 = arith.constant 0 : index
            %swap3A_660 = tpu.vector_load %arg7[%swap3A_657, %swap3A_658, %swap3A_659] {strides = array<i32>} : memref<2x512x64xf32, #tpu.memory_space<vmem>>, vector<1x1x16xf32>,
            %swap3A_661 = vector.shape_cast %swap3A_660 : vector<1x1x16xf32> to vector<16xf32>
            %swap3A_662 = vector.shape_cast %add3A_656 : vector<16xf32> to vector<1x1x16xf32>
            tpu.vector_store %arg7[%swap3A_657, %swap3A_658, %swap3A_659], %swap3A_662 {strides = array<i32>} : memref<2x512x64xf32, #tpu.memory_space<vmem>>, vector<1x1x16xf32>,
            %get3A_663 = arith.constant 1 : i32
            %get3A_664 = arith.index_cast %get3A_663 : i32 to index
            %get3A_665 = arith.index_cast %add3A_624 : i32 to index
            %get3A_666 = arith.constant 16 : index
            %get3A_667 = tpu.vector_load %arg7[%get3A_664, %get3A_665, %get3A_666] {strides = array<i32>} : memref<2x512x64xf32, #tpu.memory_space<vmem>>, vector<1x1x16xf32>,
            %get3A_668 = vector.shape_cast %get3A_667 : vector<1x1x16xf32> to vector<16xf32>
            %add3A_669 = arith.addf %get3A_668, %get3A_33 : vector<16xf32>
            %swap3A_670 = arith.constant 1 : i32
            %swap3A_671 = arith.index_cast %swap3A_670 : i32 to index
            %swap3A_672 = arith.index_cast %add3A_624 : i32 to index
            %swap3A_673 = arith.constant 16 : index
            %swap3A_674 = tpu.vector_load %arg7[%swap3A_671, %swap3A_672, %swap3A_673] {strides = array<i32>} : memref<2x512x64xf32, #tpu.memory_space<vmem>>, vector<1x1x16xf32>,
            %swap3A_675 = vector.shape_cast %swap3A_674 : vector<1x1x16xf32> to vector<16xf32>
            %swap3A_676 = vector.shape_cast %add3A_669 : vector<16xf32> to vector<1x1x16xf32>
            tpu.vector_store %arg7[%swap3A_671, %swap3A_672, %swap3A_673], %swap3A_676 {strides = array<i32>} : memref<2x512x64xf32, #tpu.memory_space<vmem>>, vector<1x1x16xf32>,
            %get3A_677 = arith.constant 1 : i32
            %get3A_678 = arith.index_cast %get3A_677 : i32 to index
            %get3A_679 = arith.index_cast %add3A_624 : i32 to index
            %get3A_680 = arith.constant 32 : index
            %get3A_681 = tpu.vector_load %arg7[%get3A_678, %get3A_679, %get3A_680] {strides = array<i32>} : memref<2x512x64xf32, #tpu.memory_space<vmem>>, vector<1x1x16xf32>,
            %get3A_682 = vector.shape_cast %get3A_681 : vector<1x1x16xf32> to vector<16xf32>
            %add3A_683 = arith.addf %get3A_682, %get3A_38 : vector<16xf32>
            %swap3A_684 = arith.constant 1 : i32
            %swap3A_685 = arith.index_cast %swap3A_684 : i32 to index
            %swap3A_686 = arith.index_cast %add3A_624 : i32 to index
            %swap3A_687 = arith.constant 32 : index
            %swap3A_688 = tpu.vector_load %arg7[%swap3A_685, %swap3A_686, %swap3A_687] {strides = array<i32>} : memref<2x512x64xf32, #tpu.memory_space<vmem>>, vector<1x1x16xf32>,
            %swap3A_689 = vector.shape_cast %swap3A_688 : vector<1x1x16xf32> to vector<16xf32>
            %swap3A_690 = vector.shape_cast %add3A_683 : vector<16xf32> to vector<1x1x16xf32>
            tpu.vector_store %arg7[%swap3A_685, %swap3A_686, %swap3A_687], %swap3A_690 {strides = array<i32>} : memref<2x512x64xf32, #tpu.memory_space<vmem>>, vector<1x1x16xf32>,
            %get3A_691 = arith.constant 1 : i32
            %get3A_692 = arith.index_cast %get3A_691 : i32 to index
            %get3A_693 = arith.index_cast %add3A_624 : i32 to index
            %get3A_694 = arith.constant 48 : index
            %get3A_695 = tpu.vector_load %arg7[%get3A_692, %get3A_693, %get3A_694] {strides = array<i32>} : memref<2x512x64xf32, #tpu.memory_space<vmem>>, vector<1x1x16xf32>,
            %get3A_696 = vector.shape_cast %get3A_695 : vector<1x1x16xf32> to vector<16xf32>
            %add3A_697 = arith.addf %get3A_696, %get3A_43 : vector<16xf32>
            %swap3A_698 = arith.constant 1 : i32
            %swap3A_699 = arith.index_cast %swap3A_698 : i32 to index
            %swap3A_700 = arith.index_cast %add3A_624 : i32 to index
            %swap3A_701 = arith.constant 48 : index
            %swap3A_702 = tpu.vector_load %arg7[%swap3A_699, %swap3A_700, %swap3A_701] {strides = array<i32>} : memref<2x512x64xf32, #tpu.memory_space<vmem>>, vector<1x1x16xf32>,
            %swap3A_703 = vector.shape_cast %swap3A_702 : vector<1x1x16xf32> to vector<16xf32>
            %swap3A_704 = vector.shape_cast %add3A_697 : vector<16xf32> to vector<1x1x16xf32>
            tpu.vector_store %arg7[%swap3A_699, %swap3A_700, %swap3A_701], %swap3A_704 {strides = array<i32>} : memref<2x512x64xf32, #tpu.memory_space<vmem>>, vector<1x1x16xf32>,
          } else {
          }
          %slice3A_635 = vector.extract_strided_slice %get3A_422 {offsets = [15], sizes = [1], strides = [1]} : vector<16xi32> to vector<1xi32>
          %squeeze3A_636 = vector.extract %slice3A_635[0] : i32 from vector<1xi32>
          %add3A_637 = arith.constant 15 : i32
          %add3A_638 = arith.addi %mul3A_424, %add3A_637 : i32
          %eq3A_639 = arith.constant 5 : i32
          %eq3A_640 = arith.cmpi eq, %squeeze3A_636, %eq3A_639 : i32
          %convert_element_type3A_641 = arith.extui %eq3A_640 : i1 to i32
          %cond3A_642 = arith.constant 0 : i32
          %cond3A_643 = arith.cmpi ne, %convert_element_type3A_641, %cond3A_642 : i32
          scf.if %cond3A_643 {
            %get3A_650 = arith.constant 1 : i32
            %get3A_651 = arith.index_cast %get3A_650 : i32 to index
            %get3A_652 = arith.index_cast %add3A_638 : i32 to index
            %get3A_653 = arith.constant 0 : index
            %get3A_654 = tpu.vector_load %arg7[%get3A_651, %get3A_652, %get3A_653] {strides = array<i32>} : memref<2x512x64xf32, #tpu.memory_space<vmem>>, vector<1x1x16xf32>,
            %get3A_655 = vector.shape_cast %get3A_654 : vector<1x1x16xf32> to vector<16xf32>
            %add3A_656 = arith.addf %get3A_655, %get3A_8 : vector<16xf32>
            %swap3A = arith.constant 1 : i32
            %swap3A_657 = arith.index_cast %swap3A : i32 to index
            %swap3A_658 = arith.index_cast %add3A_638 : i32 to index
            %swap3A_659 = arith.constant 0 : index
            %swap3A_660 = tpu.vector_load %arg7[%swap3A_657, %swap3A_658, %swap3A_659] {strides = array<i32>} : memref<2x512x64xf32, #tpu.memory_space<vmem>>, vector<1x1x16xf32>,
            %swap3A_661 = vector.shape_cast %swap3A_660 : vector<1x1x16xf32> to vector<16xf32>
            %swap3A_662 = vector.shape_cast %add3A_656 : vector<16xf32> to vector<1x1x16xf32>
            tpu.vector_store %arg7[%swap3A_657, %swap3A_658, %swap3A_659], %swap3A_662 {strides = array<i32>} : memref<2x512x64xf32, #tpu.memory_space<vmem>>, vector<1x1x16xf32>,
            %get3A_663 = arith.constant 1 : i32
            %get3A_664 = arith.index_cast %get3A_663 : i32 to index
            %get3A_665 = arith.index_cast %add3A_638 : i32 to index
            %get3A_666 = arith.constant 16 : index
            %get3A_667 = tpu.vector_load %arg7[%get3A_664, %get3A_665, %get3A_666] {strides = array<i32>} : memref<2x512x64xf32, #tpu.memory_space<vmem>>, vector<1x1x16xf32>,
            %get3A_668 = vector.shape_cast %get3A_667 : vector<1x1x16xf32> to vector<16xf32>
            %add3A_669 = arith.addf %get3A_668, %get3A_13 : vector<16xf32>
            %swap3A_670 = arith.constant 1 : i32
            %swap3A_671 = arith.index_cast %swap3A_670 : i32 to index
            %swap3A_672 = arith.index_cast %add3A_638 : i32 to index
            %swap3A_673 = arith.constant 16 : index
            %swap3A_674 = tpu.vector_load %arg7[%swap3A_671, %swap3A_672, %swap3A_673] {strides = array<i32>} : memref<2x512x64xf32, #tpu.memory_space<vmem>>, vector<1x1x16xf32>,
            %swap3A_675 = vector.shape_cast %swap3A_674 : vector<1x1x16xf32> to vector<16xf32>
            %swap3A_676 = vector.shape_cast %add3A_669 : vector<16xf32> to vector<1x1x16xf32>
            tpu.vector_store %arg7[%swap3A_671, %swap3A_672, %swap3A_673], %swap3A_676 {strides = array<i32>} : memref<2x512x64xf32, #tpu.memory_space<vmem>>, vector<1x1x16xf32>,
            %get3A_677 = arith.constant 1 : i32
            %get3A_678 = arith.index_cast %get3A_677 : i32 to index
            %get3A_679 = arith.index_cast %add3A_638 : i32 to index
            %get3A_680 = arith.constant 32 : index
            %get3A_681 = tpu.vector_load %arg7[%get3A_678, %get3A_679, %get3A_680] {strides = array<i32>} : memref<2x512x64xf32, #tpu.memory_space<vmem>>, vector<1x1x16xf32>,
            %get3A_682 = vector.shape_cast %get3A_681 : vector<1x1x16xf32> to vector<16xf32>
            %add3A_683 = arith.addf %get3A_682, %get3A_18 : vector<16xf32>
            %swap3A_684 = arith.constant 1 : i32
            %swap3A_685 = arith.index_cast %swap3A_684 : i32 to index
            %swap3A_686 = arith.index_cast %add3A_638 : i32 to index
            %swap3A_687 = arith.constant 32 : index
            %swap3A_688 = tpu.vector_load %arg7[%swap3A_685, %swap3A_686, %swap3A_687] {strides = array<i32>} : memref<2x512x64xf32, #tpu.memory_space<vmem>>, vector<1x1x16xf32>,
            %swap3A_689 = vector.shape_cast %swap3A_688 : vector<1x1x16xf32> to vector<16xf32>
            %swap3A_690 = vector.shape_cast %add3A_683 : vector<16xf32> to vector<1x1x16xf32>
            tpu.vector_store %arg7[%swap3A_685, %swap3A_686, %swap3A_687], %swap3A_690 {strides = array<i32>} : memref<2x512x64xf32, #tpu.memory_space<vmem>>, vector<1x1x16xf32>,
            %get3A_691 = arith.constant 1 : i32
            %get3A_692 = arith.index_cast %get3A_691 : i32 to index
            %get3A_693 = arith.index_cast %add3A_638 : i32 to index
            %get3A_694 = arith.constant 48 : index
            %get3A_695 = tpu.vector_load %arg7[%get3A_692, %get3A_693, %get3A_694] {strides = array<i32>} : memref<2x512x64xf32, #tpu.memory_space<vmem>>, vector<1x1x16xf32>,
            %get3A_696 = vector.shape_cast %get3A_695 : vector<1x1x16xf32> to vector<16xf32>
            %add3A_697 = arith.addf %get3A_696, %get3A_23 : vector<16xf32>
            %swap3A_698 = arith.constant 1 : i32
            %swap3A_699 = arith.index_cast %swap3A_698 : i32 to index
            %swap3A_700 = arith.index_cast %add3A_638 : i32 to index
            %swap3A_701 = arith.constant 48 : index
            %swap3A_702 = tpu.vector_load %arg7[%swap3A_699, %swap3A_700, %swap3A_701] {strides = array<i32>} : memref<2x512x64xf32, #tpu.memory_space<vmem>>, vector<1x1x16xf32>,
            %swap3A_703 = vector.shape_cast %swap3A_702 : vector<1x1x16xf32> to vector<16xf32>
            %swap3A_704 = vector.shape_cast %add3A_697 : vector<16xf32> to vector<1x1x16xf32>
            tpu.vector_store %arg7[%swap3A_699, %swap3A_700, %swap3A_701], %swap3A_704 {strides = array<i32>} : memref<2x512x64xf32, #tpu.memory_space<vmem>>, vector<1x1x16xf32>,
          } else {
          }
          %eq3A_644 = arith.constant 7 : i32
          %eq3A_645 = arith.cmpi eq, %squeeze3A_636, %eq3A_644 : i32
          %convert_element_type3A_646 = arith.extui %eq3A_645 : i1 to i32
          %cond3A_647 = arith.constant 0 : i32
          %cond3A_648 = arith.cmpi ne, %convert_element_type3A_646, %cond3A_647 : i32
          scf.if %cond3A_648 {
            %get3A_650 = arith.constant 1 : i32
            %get3A_651 = arith.index_cast %get3A_650 : i32 to index
            %get3A_652 = arith.index_cast %add3A_638 : i32 to index
            %get3A_653 = arith.constant 0 : index
            %get3A_654 = tpu.vector_load %arg7[%get3A_651, %get3A_652, %get3A_653] {strides = array<i32>} : memref<2x512x64xf32, #tpu.memory_space<vmem>>, vector<1x1x16xf32>,
            %get3A_655 = vector.shape_cast %get3A_654 : vector<1x1x16xf32> to vector<16xf32>
            %add3A_656 = arith.addf %get3A_655, %get3A_28 : vector<16xf32>
            %swap3A = arith.constant 1 : i32
            %swap3A_657 = arith.index_cast %swap3A : i32 to index
            %swap3A_658 = arith.index_cast %add3A_638 : i32 to index
            %swap3A_659 = arith.constant 0 : index
            %swap3A_660 = tpu.vector_load %arg7[%swap3A_657, %swap3A_658, %swap3A_659] {strides = array<i32>} : memref<2x512x64xf32, #tpu.memory_space<vmem>>, vector<1x1x16xf32>,
            %swap3A_661 = vector.shape_cast %swap3A_660 : vector<1x1x16xf32> to vector<16xf32>
            %swap3A_662 = vector.shape_cast %add3A_656 : vector<16xf32> to vector<1x1x16xf32>
            tpu.vector_store %arg7[%swap3A_657, %swap3A_658, %swap3A_659], %swap3A_662 {strides = array<i32>} : memref<2x512x64xf32, #tpu.memory_space<vmem>>, vector<1x1x16xf32>,
            %get3A_663 = arith.constant 1 : i32
            %get3A_664 = arith.index_cast %get3A_663 : i32 to index
            %get3A_665 = arith.index_cast %add3A_638 : i32 to index
            %get3A_666 = arith.constant 16 : index
            %get3A_667 = tpu.vector_load %arg7[%get3A_664, %get3A_665, %get3A_666] {strides = array<i32>} : memref<2x512x64xf32, #tpu.memory_space<vmem>>, vector<1x1x16xf32>,
            %get3A_668 = vector.shape_cast %get3A_667 : vector<1x1x16xf32> to vector<16xf32>
            %add3A_669 = arith.addf %get3A_668, %get3A_33 : vector<16xf32>
            %swap3A_670 = arith.constant 1 : i32
            %swap3A_671 = arith.index_cast %swap3A_670 : i32 to index
            %swap3A_672 = arith.index_cast %add3A_638 : i32 to index
            %swap3A_673 = arith.constant 16 : index
            %swap3A_674 = tpu.vector_load %arg7[%swap3A_671, %swap3A_672, %swap3A_673] {strides = array<i32>} : memref<2x512x64xf32, #tpu.memory_space<vmem>>, vector<1x1x16xf32>,
            %swap3A_675 = vector.shape_cast %swap3A_674 : vector<1x1x16xf32> to vector<16xf32>
            %swap3A_676 = vector.shape_cast %add3A_669 : vector<16xf32> to vector<1x1x16xf32>
            tpu.vector_store %arg7[%swap3A_671, %swap3A_672, %swap3A_673], %swap3A_676 {strides = array<i32>} : memref<2x512x64xf32, #tpu.memory_space<vmem>>, vector<1x1x16xf32>,
            %get3A_677 = arith.constant 1 : i32
            %get3A_678 = arith.index_cast %get3A_677 : i32 to index
            %get3A_679 = arith.index_cast %add3A_638 : i32 to index
            %get3A_680 = arith.constant 32 : index
            %get3A_681 = tpu.vector_load %arg7[%get3A_678, %get3A_679, %get3A_680] {strides = array<i32>} : memref<2x512x64xf32, #tpu.memory_space<vmem>>, vector<1x1x16xf32>,
            %get3A_682 = vector.shape_cast %get3A_681 : vector<1x1x16xf32> to vector<16xf32>
            %add3A_683 = arith.addf %get3A_682, %get3A_38 : vector<16xf32>
            %swap3A_684 = arith.constant 1 : i32
            %swap3A_685 = arith.index_cast %swap3A_684 : i32 to index
            %swap3A_686 = arith.index_cast %add3A_638 : i32 to index
            %swap3A_687 = arith.constant 32 : index
            %swap3A_688 = tpu.vector_load %arg7[%swap3A_685, %swap3A_686, %swap3A_687] {strides = array<i32>} : memref<2x512x64xf32, #tpu.memory_space<vmem>>, vector<1x1x16xf32>,
            %swap3A_689 = vector.shape_cast %swap3A_688 : vector<1x1x16xf32> to vector<16xf32>
            %swap3A_690 = vector.shape_cast %add3A_683 : vector<16xf32> to vector<1x1x16xf32>
            tpu.vector_store %arg7[%swap3A_685, %swap3A_686, %swap3A_687], %swap3A_690 {strides = array<i32>} : memref<2x512x64xf32, #tpu.memory_space<vmem>>, vector<1x1x16xf32>,
            %get3A_691 = arith.constant 1 : i32
            %get3A_692 = arith.index_cast %get3A_691 : i32 to index
            %get3A_693 = arith.index_cast %add3A_638 : i32 to index
            %get3A_694 = arith.constant 48 : index
            %get3A_695 = tpu.vector_load %arg7[%get3A_692, %get3A_693, %get3A_694] {strides = array<i32>} : memref<2x512x64xf32, #tpu.memory_space<vmem>>, vector<1x1x16xf32>,
            %get3A_696 = vector.shape_cast %get3A_695 : vector<1x1x16xf32> to vector<16xf32>
            %add3A_697 = arith.addf %get3A_696, %get3A_43 : vector<16xf32>
            %swap3A_698 = arith.constant 1 : i32
            %swap3A_699 = arith.index_cast %swap3A_698 : i32 to index
            %swap3A_700 = arith.index_cast %add3A_638 : i32 to index
            %swap3A_701 = arith.constant 48 : index
            %swap3A_702 = tpu.vector_load %arg7[%swap3A_699, %swap3A_700, %swap3A_701] {strides = array<i32>} : memref<2x512x64xf32, #tpu.memory_space<vmem>>, vector<1x1x16xf32>,
            %swap3A_703 = vector.shape_cast %swap3A_702 : vector<1x1x16xf32> to vector<16xf32>
            %swap3A_704 = vector.shape_cast %add3A_697 : vector<16xf32> to vector<1x1x16xf32>
            tpu.vector_store %arg7[%swap3A_699, %swap3A_700, %swap3A_701], %swap3A_704 {strides = array<i32>} : memref<2x512x64xf32, #tpu.memory_space<vmem>>, vector<1x1x16xf32>,
          } else {
          }
          %scan3A_649 = arith.constant 0 : i32
          scf.yield %scan3A_649 : i32
        }
        %scan3A_382 = arith.constant 32 : i32
      } else {
      }
      %mul3A_371 = arith.constant 512 : i32
      %mul3A_372 = arith.muli %add3A_241, %mul3A_371 : i32
      %add3A_373 = arith.addi %mul3A_2, %mul3A_372 : i32
      %run_scoped3A_374 = arith.constant 1 : i32
      "tpu.region"() ({
        %run_scoped3A_376 = tpu.sem_alloc : memref<!tpu.dma_semaphore, #tpu.memory_space<semaphore_mem>>
        %dma_start3A_377 = arith.constant 0 : i32
        %dma_start3A_378 = arith.constant 0 : i32
        %dma_start3A_379 = tpu.memref_slice %arg7[%run_scoped3A_374, %dma_start3A_377, %dma_start3A_378] : memref<2x512x64xf32, #tpu.memory_space<vmem>> -> memref<1x512x64xf32, #tpu.memory_space<vmem>>
        %dma_start3A_380 = tpu.memref_squeeze %dma_start3A_379 : memref<1x512x64xf32, #tpu.memory_space<vmem>> -> memref<512x64xf32, #tpu.memory_space<vmem>>
        %dma_start3A_381 = arith.constant 0 : i32
        %dma_start3A_382 = tpu.memref_slice %arg5[%add3A_373, %dma_start3A_381] : memref<819200x64xf32, #tpu.memory_space<hbm>> -> memref<512x64xf32, #tpu.memory_space<hbm>>
        %dma_start3A_383 = arith.constant 0 : i32
        %dma_start3A_384 = tpu.memref_slice %arg5[%add3A_373, %dma_start3A_383] : memref<819200x64xf32, #tpu.memory_space<hbm>> -> memref<512x64xf32, #tpu.memory_space<hbm>>
        %dma_start3A_385 = arith.constant 0 : i32
        %dma_start3A_386 = arith.constant 0 : i32
        %dma_start3A_387 = tpu.memref_slice %arg7[%run_scoped3A_374, %dma_start3A_385, %dma_start3A_386] : memref<2x512x64xf32, #tpu.memory_space<vmem>> -> memref<1x512x64xf32, #tpu.memory_space<vmem>>
        %dma_start3A_388 = tpu.memref_squeeze %dma_start3A_387 : memref<1x512x64xf32, #tpu.memory_space<vmem>> -> memref<512x64xf32, #tpu.memory_space<vmem>>
        tpu.enqueue_dma source(%dma_start3A_388 : memref<512x64xf32, #tpu.memory_space<vmem>>) target(%dma_start3A_384 : memref<512x64xf32, #tpu.memory_space<hbm>>) target_semaphore(%run_scoped3A_376 : memref<!tpu.dma_semaphore, #tpu.memory_space<semaphore_mem>>)
        %dma_wait3A_389 = arith.constant 0 : i32
        %dma_wait3A_390 = arith.constant 0 : i32
        %dma_wait3A_391 = tpu.memref_slice %arg7[%run_scoped3A_374, %dma_wait3A_389, %dma_wait3A_390] : memref<2x512x64xf32, #tpu.memory_space<vmem>> -> memref<1x512x64xf32, #tpu.memory_space<vmem>>
        %dma_wait3A_392 = tpu.memref_squeeze %dma_wait3A_391 : memref<1x512x64xf32, #tpu.memory_space<vmem>> -> memref<512x64xf32, #tpu.memory_space<vmem>>
        %dma_wait3A_393 = arith.constant 0 : i32
        %dma_wait3A_394 = tpu.memref_slice %arg5[%add3A_373, %dma_wait3A_393] : memref<819200x64xf32, #tpu.memory_space<hbm>> -> memref<512x64xf32, #tpu.memory_space<hbm>>
        %dma_wait3A_395 = arith.constant 0 : i32
        %dma_wait3A_396 = tpu.memref_slice %arg5[%add3A_373, %dma_wait3A_395] : memref<819200x64xf32, #tpu.memory_space<hbm>> -> memref<512x64xf32, #tpu.memory_space<hbm>>
        %dma_wait3A_397 = arith.constant 0 : i32
        %dma_wait3A_398 = arith.constant 0 : i32
        %dma_wait3A_399 = tpu.memref_slice %arg7[%run_scoped3A_374, %dma_wait3A_397, %dma_wait3A_398] : memref<2x512x64xf32, #tpu.memory_space<vmem>> -> memref<1x512x64xf32, #tpu.memory_space<vmem>>
        %dma_wait3A_400 = tpu.memref_squeeze %dma_wait3A_399 : memref<1x512x64xf32, #tpu.memory_space<vmem>> -> memref<512x64xf32, #tpu.memory_space<vmem>>
        tpu.wait_dma2 semaphore(%run_scoped3A_376 : memref<!tpu.dma_semaphore, #tpu.memory_space<semaphore_mem>>) src(%dma_wait3A_400 : memref<512x64xf32, #tpu.memory_space<vmem>>) dst(%dma_wait3A_396 : memref<512x64xf32, #tpu.memory_space<hbm>>)
        tpu.yield
      }) : () -> ()
      %scan3A_375 = arith.constant 0 : i32
      scf.yield %scan3A_375 : i32
    }
    %scan3A_108 = arith.constant 25 : i32
    return
  }
}

</mosaic_0001>

<sc_bundles>
// kernel: kernel.3.cloned.1.call-start
scs
__scs_entry_jumppad:
0x0: {  	(pc) =	sbr.rel $0x88, $3  }
0x1: {  	(tag) =	ssettag $0x0;
	lr =	simm.s32 $0x1  }
0x2: {  	[smem:$0x3F9E] =	sst lr;
	_ =	strace $0xD0000000  }
0x3: {  	_ = 	snop  }
0x4: {  	_ = 	snop  }
0x5: {  	_ = 	snop  }
0x6: {  	_ = 	snop  }
0x7: {  	_ = 	snop  }
__scs_overlays_trampoline_lowered:
0x8: {  	[smem:$0x3FAD] =	sst s0  }
0x9: {  	[smem:$0x3FAE] =	sst s1  }
0xa: {  	[smem:$0x3FAF] =	sst s2  }
0xb: {  	[smem:$0x3FB0] =	sst s3  }
0xc: {  	[smem:$0x3FB1] =	sst s4  }
0xd: {  	[smem:$0x3FB2] =	sst s5  }
0xe: {  	[smem:$0x3FB3] =	sst s6  }
0xf: {  	[smem:$0x3FB4] =	sst s7  }
0x10: {  	[smem:$0x3FB5] =	sst s8  }
0x11: {  	[smem:$0x3FB6] =	sst s9;
	s0 =	simm.s32 @!p0 $0x0  }
0x12: {  	s1 =	sld [smem:$0x3F9C];
	s0 =	simm.s32 @p0 $0x1  }
0x13: {  	[smem:$0x3FB7] =	sst s0;
	s0 =	simm.s32 @!p1 $0x0  }
0x14: {  	s2 =	sld [smem:$0x3F9B];
	s0 =	simm.s32 @p1 $0x1  }
0x15: {  	[smem:$0x3FB8] =	sst s0;
	s0 =	simm.s32 @!p2 $0x0  }
0x16: {  	s3 =	sld [smem:$0x3FDB];
	s0 =	simm.s32 @p2 $0x1  }
0x17: {  	s4 =	simm.s32 $0x1BF5;
	[smem:$0x3FBA] =	sst s0  }
0x18: {  	s0 =	sld [smem:$0x3F9D];
	_ =	swait.ge [sflag:s4], $0x0  }
0x19: {  	s7 =	sld [smem:$0x3F9E]  }
0x1a: {  	s8 =	sadd.s32 $0xFFFFE003, lr  }
0x1b: {  	s9 =	sadd.s32 $0xFFFFFEF7, lr;
	s5 =	simm.s32 $0xFFFFFFFF;
	p2 =	slt.u32 s8, $0xFFFFF086  }
0x1c: {  	p1 =	slt.u32 s9, $0xF7A;
	s5 =	simm.s32 @!p2 $0x0  }
0x1d: {  	s5 =	simm.s32 @p1 $0x1;
	p0 =	seq.s32 s7, s2  }
0x1e: {  	s7 =	smul.u32 @!p0 $0xF7A, s2;
	p2 =	seq.s32 @!p0 s5, $0x0  }
0x1f: {  	s9 =	smul.u32 $0xF7A, s1;
	s8 =	simm.s32 @!p0 $0x1BF5;
	p2 =	por !p2, p0  }
0x20: {  	[sflag:s8] =	ssyncset.s32 @!p0 $0xFFFFF086;
	s6 =	sadd.s32 @!p0 s3, s7;
	s7 =	simm.s32 @!p0 $0x108  }
0x21: {  	s3 =	sadd.s32 s3, s9;
	s6 =	sadd.s32 @!p0 $0x88, s6;
	s7 =	simm.s32 @p2 $0x1082  }
0x22: {  	[simem:s7], [sflag:s8] =	dma.local @!p0 [hbm:s6], $0xF7A  }
0x23: {  	s9 =	sor.u32 $0xD0000000, s2;
	s6 =	simm.s32 $0x108;
	_ =	swait.ge @!p0 [sflag:s8], $0x0  }
0x24: {  	s3 =	sadd.s32 $0x88, s3;
	s6 =	simm.s32 @!p1 $0x1082;
	[sflag:s4] =	ssyncset.s32 $0xFFFFF086  }
0x25: {  	[simem:s6], [sflag:s4] =	dma.local [hbm:s3], $0xF7A  }
0x26: {  	[smem:$0x3F9E] =	sst s1;
	(tag) =	ssettag s2;
	_ =	strace s9  }
0x27: {  	s1 =	sld [smem:$0x3FAE]  }
0x28: {  	s2 =	sld [smem:$0x3FAF]  }
0x29: {  	s4 =	sld [smem:$0x3FB1]  }
0x2a: {  	p0 =	seq.s32 s5, $0x0;
	s5 =	sld [smem:$0x3FB2]  }
0x2b: {  	s6 =	sld [smem:$0x3FB3]  }
0x2c: {  	s7 =	sld [smem:$0x3FB4]  }
0x2d: {  	s3 =	simm.s32 $0x108;
	s8 =	sld [smem:$0x3FB5]  }
0x2e: {  	s3 =	simm.s32 @!p0 $0x1082;
	s9 =	sld [smem:$0x3FB6]  }
0x2f: {  	lr =	sadd.s32 s0, s3;
	s0 =	sld [smem:$0x3FAD]  }
0x30: {  	s3 =	sld [smem:$0x3FB0]  }
0x31: {  	[smem:$0x3FB9] =	sst s10  }
0x32: {  	s10 =	sld [smem:$0x3FB7];
	_ =	sdelay $0x3  }
0x33: {  	p0 =	seq.s32 s10, $0x1;
	s10 =	sld [smem:$0x3FB9];
	_ =	sdelay $0x3  }
0x34: {  	[smem:$0x3FB9] =	sst s10  }
0x35: {  	s10 =	sld [smem:$0x3FB8];
	_ =	sdelay $0x3  }
0x36: {  	p1 =	seq.s32 s10, $0x1;
	s10 =	sld [smem:$0x3FB9];
	_ =	sdelay $0x3  }
0x37: {  	[smem:$0x3FB9] =	sst s10  }
0x38: {  	s10 =	sld [smem:$0x3FBA]  }
0x39: {  	_ = 	snop;
	(pc) =	sbr.ind lr, $3  }
0x3a: {  	_ = 	snop  }
0x3b: {  	_ = 	snop  }
0x3c: {  	p2 =	seq.s32 s10, $0x1;
	s10 =	sld [smem:$0x3FB9]  }
0x3d: {  	_ =	shalt  }
0x3e: {  	_ =	shalt  }
0x3f: {  	_ =	shalt  }
0x40: {  	_ =	shalt  }
0x41: {  	_ =	shalt  }
0x42: {  	_ =	shalt  }
0x43: {  	_ =	shalt  }
0x44: {  	_ =	shalt  }
0x45: {  	_ =	shalt  }
0x46: {  	_ =	shalt  }
0x47: {  	_ =	shalt  }
0x48: {  	_ =	shalt  }
0x49: {  	_ =	shalt  }
0x4a: {  	_ =	shalt  }
0x4b: {  	_ =	shalt  }
0x4c: {  	_ =	shalt  }
0x4d: {  	_ =	shalt  }
0x4e: {  	_ =	shalt  }
0x4f: {  	_ =	shalt  }
0x50: {  	_ =	shalt  }
0x51: {  	_ =	shalt  }
0x52: {  	_ =	shalt  }
0x53: {  	_ =	shalt  }
0x54: {  	_ =	shalt  }
0x55: {  	_ =	shalt  }
0x56: {  	_ =	shalt  }
0x57: {  	_ =	shalt  }
0x58: {  	_ =	shalt  }
0x59: {  	_ =	shalt  }
0x5a: {  	_ =	shalt  }
0x5b: {  	_ =	shalt  }
0x5c: {  	_ =	shalt  }
0x5d: {  	_ =	shalt  }
0x5e: {  	_ =	shalt  }
0x5f: {  	_ =	shalt  }
0x60: {  	_ =	shalt  }
0x61: {  	_ =	shalt  }
0x62: {  	_ =	shalt  }
0x63: {  	_ =	shalt  }
0x64: {  	_ =	shalt  }
0x65: {  	_ =	shalt  }
0x66: {  	_ =	shalt  }
0x67: {  	_ =	shalt  }
0x68: {  	_ =	shalt  }
0x69: {  	_ =	shalt  }
0x6a: {  	_ =	shalt  }
0x6b: {  	_ =	shalt  }
0x6c: {  	_ =	shalt  }
0x6d: {  	_ =	shalt  }
0x6e: {  	_ =	shalt  }
0x6f: {  	_ =	shalt  }
0x70: {  	_ =	shalt  }
0x71: {  	_ =	shalt  }
0x72: {  	_ =	shalt  }
0x73: {  	_ =	shalt  }
0x74: {  	_ =	shalt  }
0x75: {  	_ =	shalt  }
0x76: {  	_ =	shalt  }
0x77: {  	_ =	shalt  }
0x78: {  	_ =	shalt  }
0x79: {  	_ =	shalt  }
0x7a: {  	_ =	shalt  }
0x7b: {  	_ =	shalt  }
0x7c: {  	_ =	shalt  }
0x7d: {  	_ =	shalt  }
0x7e: {  	_ =	shalt  }
0x7f: {  	_ =	shalt  }
0x80: {  	_ =	shalt  }
0x81: {  	_ =	shalt  }
0x82: {  	_ =	shalt  }
0x83: {  	_ =	shalt  }
0x84: {  	_ =	shalt  }
0x85: {  	_ =	shalt  }
0x86: {  	_ =	shalt  }
0x87: {  	_ =	shalt  }
.Lfunc_end0:
.L_simem_size_0:
called_computation.1_lowered:
.L_overlay_start_0:
0x88: {  	s2 =	sld [smem:$0x3FD9]  }
0x89: {  	s3 =	sld [smem:$0x3FFE];
	_ =	sdelay $0x1  }
0x8a: {  	s1 =	srdreg.scid  }
0x8b: {  	s0 =	sand.u32 $0x1, s1  }
0x8c: {  	s17 =	sshll.u32 s0, $0xA;
	s2 =	sadd.s32 s3, s2  }
0x8d: {  	s2 =	sadd.s32 s2, s17  }
0x8e: {  	[smem:$0x3FC5] =	sst s2  }
0x8f: {  	_ = 	snop  }
0x90: {  	s2 =	sld [smem:$0x3FD0];
	(tm) =	ssettm $0x1  }
0x91: {  	s18 =	sld [smem:$0x3FFB];
	_ =	sdelay $0x3  }
0x92: {  	_ =	strace s18  }
0x93: {  	s3 =	sld [smem:$0x3FFC];
	_ =	sdelay $0x3  }
0x94: {  	_ =	strace s3  }
0x95: {  	s3 =	sld [smem:$0x3FFD];
	_ =	sdelay $0x3  }
0x96: {  	_ =	strace s3  }
0x97: {  	_ =	strace $0x8FFFFFFF  }
0x98: {  	s19 =	sld [smem:$0x3FDB];
	_ =	sdelay $0x1  }
0x99: {  	s4 =	simm.s32 $_scs_section_size  }
0x9a: {  	s5 =	simm.s32 $_size__tile_overlayer_lowered;
	s6 =	simm.s32 $_tile_overlayer_lowered  }
0x9b: {  	s22 =	simm.s32 $0x1BFF;
	s21 =	sshll.u32 s6, $0x1;
	s3 =	sadd.s32 s4, s19  }
0x9c: {  	s7 =	simm.s32 $0x0;
	s20 =	sshll.u32 s5, $0x1;
	s5 =	sadd.s32 s21, s3  }
0x9d: {  	[timem:s7], [sflag:s22] =	dma.local [hbm:s5], s20  }
0x9e: {  	_ =	swait.ge [sflag:s22], s20  }
0x9f: {  	s4 =	ssub.s32 $0x0, s20;
	[sflag:s22] =	ssyncset.done $0x0  }
0xa0: {  	[sflag:s22] =	ssyncadd.s32 s4;
	_ =	sdelay $0x1  }
0xa1: {  	s23 =	simm.s32 $0x1B8B  }
0xa2: {  	_ =	swait.ge [sflag:s23], $0x1  }
0xa3: {  	[sflag:s23] =	ssyncset.done $0x0  }
0xa4: {  	s25 =	simm.s32 $0x1B8E;
	s24 =	sld [smem:$0x3FFE];
	[sflag:s23] =	ssyncadd.s32 $0xFFFFFFFF  }
0xa5: {  	s26 =	simm.s32 $execute0_lowered;
	[smem:$0x3FD2] =	sst s25  }
0xa6: {  	s5 =	sshll.u32 s26, $0x1;
	_ =	strace $0x80000046;
	[dreg:$0x1] =	wrdreg $0xFFFFFFFF  }
0xa7: {  	s28 =	simm.s32 $_size_execute0_lowered;
	s3 =	sadd.s32 s3, s5;
	[dreg:$0x0] =	wrdreg $0x0  }
0xa8: {  	s5 =	sshll.u32 s28, $0x1;
	[dreg:$0x2] =	wrdreg s3  }
0xa9: {  	[dreg:$0x3] =	wrdreg s5  }
0xaa: {  	[dreg:$0x4] =	wrdreg $0xC0  }
0xab: {  	_ =	task [dreg:s7], $0x5FFFF  }
0xac: {  	[dreg:$0x1] =	wrdreg $0xFFFFFFFF  }
0xad: {  	[dreg:$0x0] =	wrdreg $0x60  }
0xae: {  	[dreg:$0x2] =	wrdreg s24  }
0xaf: {  	[dreg:$0x3] =	wrdreg s2  }
0xb0: {  	[dreg:$0x4] =	wrdreg $0x9  }
0xb1: {  	_ =	task.clear_ibuf [dreg:s7], $0x5FFFF;
	_ =	strace $0x90000046  }
0xb2: {  	s29 =	simm.s32 $0x9;
	_ =	strace $0x80000048  }
0xb3: {  	_ =	swait.ge [sflag:s29], $0x1  }
0xb4: {  	[sflag:s29] =	ssyncadd.s32 $0xFFFFFFFF  }
0xb5: {  	_ =	strace $0x90000048  }
0xb6: {  	_ =	sfence  }
0xb7: {  	s30 =	sld [smem:$0x0];
	_ =	sdelay $0x2  }
0xb8: {  	s31 =	sshll.u32 s1, $0xD;
	s1 =	sshrl.u32 s1, $0x2  }
0xb9: {  	s3 =	sand.u32 $0x4000, s31;
	s1 =	sadd.s32 s1, s30  }
0xba: {  	s0 =	sor.u32 s3, s0;
	s1 =	sshll.u32 s1, $0x11  }
0xbb: {  	s0 =	sor.u32 s1, s0  }
0xbc: {  	s0 =	sadd.s32 $0x8F2B, s0  }
0xbd: {  	[sflag:s0] =	ssyncadd.remote.s32 $0x1  }
0xbe: {  	_ =	sfence.sel $0xFFFF  }
0xbf: {  	[dreg:$0x0] =	wrdreg $0xFFFFFFFF;
	(pc) =	sbr.abs _section_cstart, $3  }
0xc0: {  	[dreg:$0x1] =	wrdreg $0xFFFFFFFF  }
0xc1: {  	_ =	task.clear_ibuf [dreg:s7], $0x2FFFF;
	_ =	strace $0x9FFFFFFF  }
0xc2: {  	(tm) =	ssettm $0x7FFFFFFF  }
0xc3: {  	_ =	shalt  }
tec
execute0_lowered:
.L_overlay_start_1:
0x0: {  	(tag) =	ssettag $0x1  }
0x1: {  	s1 =	rddreg [dreg:$0x0];
	s3 =	srdreg.scid  }
0x2: {  	s0 =	stileid.u32;
	s2 =	rddreg [dreg:$0x1]  }
0x3: {  	s10 =	simm.s32 $0x3;
	s11 =	simm.s32 $0x80;
	s12 =	simm.s32 $0x6400  }
0x4: {  	s13 =	simm.s32 $0x8400;
	s14 =	simm.s32 $0x100;
	s15 =	simm.s32 $0xA400  }
0x5: {  	s16 =	simm.s32 $0x180;
	s17 =	simm.s32 $0xC400;
	s18 =	simm.s32 $0xE400  }
0x6: {  	s19 =	simm.s32 $0x10400;
	s20 =	simm.s32 $0x12400;
	s21 =	simm.s32 $0x14400  }
0x7: {  	s22 =	simm.s32 $0x1;
	s23 =	simm.s32 $0x2;
	s24 =	simm.s32 $0x0  }
0x8: {  	s4 =	sand.u32 $0x1, s3;
	s5 =	sshll.u32 s0, $0x1;
	s3 =	simm.s32 $0x0  }
.Ltmp0:
0x9: {  	s7 =	sor.u32 s4, s5;
	[smem:$0x7FF] =	sst s3;
	(pc) =	sbr.rel .LBB2_1-.Ltmp0, $4  }
0xa: {  	s6 =	ssub.s32 $0x2, s4;
	s4 =	sadd.s32 $0xF43000, s1;
	s5 =	smul.u32 $0xC80, s7  }
0xb: {  	_ =	strace $0x80000047;
	s9 =	sshrl.u32 s6, $0x1;
	s7 =	smul.u32 $0x190000, s7  }
0xc: {  	s31 =	ssub.s32 s6, s9;
	s9 =	simm.s32 $0x16400;
	s8 =	sadd.s32 s5, s1  }
0xd: {  	v0 =	vimm.s32 $0x0;
	s5 =	sadd.s32 $0x19C00, s1;
	s6 =	sadd.s32 $0xC00, s8;
	s8 =	smax.u32 s31, $0x1  }
.LBB2_140:
0xe: {  	s24 =	sadd.s32 $0x1, s24  }
0xf: {  	p0 =	sne.s32 s24, s8  }
.Ltmp1:
0x10: {  	_ = 	snop;
	(pc) =	sbr.rel @!p0 .LBB2_141-.Ltmp1, $1  }
0x11: {  	_ =	sdelay $0x3  }
.LBB2_1:
0x12: {  	[tilespmem:s9], [sflag:$0x3] =	stream.linear.gather [hbm4b:s5+s3], $0x80, $0x38;
	[tilespmem:$0x16480] =	vst v63  }
0x13: {  	_ =	swait.ge [sflag:s10], $0x80  }
0x14: {  	[sflag:s10] =	ssyncset.done $0x0  }
0x15: {  	[sflag:s10] =	ssyncadd.s32 $0xFFFFFF80  }
0x16: {  	[tilespmem:s3], [sflag:$0x3] =	stream.linear.gather [hbm4b:s6+s3], $0x6400, $0x38;
	[tilespmem:$0x16480] =	vst v63  }
0x17: {  	_ =	swait.ge [sflag:s10], $0x6400  }
0x18: {  	[sflag:s10] =	ssyncset.done $0x0  }
0x19: {  	[sflag:s10] =	ssyncadd.s32 $0xFFFF9C00  }
0x1a: {  	v1 =	vld [tilespmem:$0x16400]  }
0x1b: {  	v2 =	vld [tilespmem:$0x16410]  }
0x1c: {  	v3 =	vld [tilespmem:$0x16420]  }
0x1d: {  	v4 =	vld [tilespmem:$0x16430]  }
0x1e: {  	v5 =	vld [tilespmem:$0x16440]  }
0x1f: {  	v6 =	vld [tilespmem:$0x16450]  }
0x20: {  	v7 =	vld [tilespmem:$0x16460]  }
0x21: {  	v8 =	vld [tilespmem:$0x16470];
	[tilespmem:s12], [sflag:$0x1] =	stream.indirect.gather [hbm4b:s4+s11], $0x40, s3, s11, $0xb8  }
0x22: {  	_ = 	snop  }
0x23: {  	[tilespmem:s13], [sflag:$0x1] =	stream.indirect.gather [hbm4b:s4+s11], $0x40, s11, s11, $0xb8;
	[tilespmem:$0x16480] =	vst v63  }
.Ltmp2:
0x24: {  	_ = 	snop;
	(pc) =	sbr.rel .LBB2_2-.Ltmp2, $4  }
0x25: {  	_ = 	snop  }
0x26: {  	[tilespmem:s15], [sflag:$0x1] =	stream.indirect.gather [hbm4b:s4+s11], $0x40, s14, s11, $0xb8;
	[tilespmem:$0x16480] =	vst v63  }
0x27: {  	s25 =	simm.s32 $0x0  }
0x28: {  	[tilespmem:s17], [sflag:$0x1] =	stream.indirect.gather [hbm4b:s4+s11], $0x40, s16, s11, $0xb8;
	[tilespmem:$0x16480] =	vst v63  }
.LBB2_139:
0x29: {  	s0 =	sshll.u32 s26, $0xF  }
0x2a: {  	s25 =	sadd.s32 $0x1, s25;
	s0 =	sadd.s32 s7, s0  }
0x2b: {  	p0 =	sne.s32 s25, $0x19;
	s0 =	sshrl.u32 s0, $0x3  }
.Ltmp3:
0x2c: {  	s0 =	sadd.s32 s2, s0;
	(pc) =	sbr.rel @!p0 .LBB2_140-.Ltmp3, $4  }
0x2d: {  	[hbm4b:s0+s3] =	stream.linear.scatter [tilespmem:s18], [sflag:$0x3], $0x8000, $0x38;
	[tilespmem:$0x16480] =	vst v63  }
0x2e: {  	_ =	swait.ge [sflag:s10], $0x8000  }
0x2f: {  	[sflag:s10] =	ssyncset.done $0x0  }
0x30: {  	[sflag:s10] =	ssyncadd.s32 $0xFFFF8000  }
.LBB2_2:
0x31: {  	s26 =	sshllo.u32 s25, $0x1  }
0x32: {  	s1 =	sshll.u32 s26, $0x9  }
0x33: {  	s1 =	sand.u32 $0x3FFFFE00, s1  }
0x34: {  	[tilespmem:s18], [sflag:$0x2] =	stream.indirect.gather [hbm4b:s4+s11], $0x40, s1, s11, $0xb8;
	[tilespmem:$0x16480] =	vst v63  }
0x35: {  	s28 =	sor.u32 $0x80, s1  }
0x36: {  	[tilespmem:s19], [sflag:$0x2] =	stream.indirect.gather [hbm4b:s4+s11], $0x40, s28, s11, $0xb8;
	[tilespmem:$0x16480] =	vst v63  }
0x37: {  	s28 =	sor.u32 $0x100, s1  }
0x38: {  	[tilespmem:s20], [sflag:$0x2] =	stream.indirect.gather [hbm4b:s4+s11], $0x40, s28, s11, $0xb8;
	[tilespmem:$0x16480] =	vst v63  }
0x39: {  	s1 =	sor.u32 $0x180, s1  }
0x3a: {  	[tilespmem:s21], [sflag:$0x2] =	stream.indirect.gather [hbm4b:s4+s11], $0x40, s1, s11, $0xb8;
	[tilespmem:$0x16480] =	vst v63  }
0x3b: {  	_ =	swait.ge [sflag:s22], $0x2000  }
0x3c: {  	[sflag:s22] =	ssyncset.done $0x0  }
0x3d: {  	[sflag:s22] =	ssyncadd.s32 $0xFFFFE000  }
0x3e: {  	_ =	swait.ge [sflag:s22], $0x2000  }
0x3f: {  	[sflag:s22] =	ssyncset.done $0x0  }
0x40: {  	[sflag:s22] =	ssyncadd.s32 $0xFFFFE000  }
0x41: {  	_ =	swait.ge [sflag:s22], $0x2000  }
0x42: {  	s28 =	sshll.u32 s25, $0x3;
	[sflag:s22] =	ssyncset.done $0x0  }
0x43: {  	s0 =	sadd.s32 $0x0, s28;
	[sflag:s22] =	ssyncadd.s32 $0xFFFFE000  }
0x44: {  	s29 =	simm.s32 $0x0;
	s1 =	sshll.u32 s0, $0x7;
	_ =	swait.ge [sflag:s22], $0x2000  }
0x45: {  	s29 =	sand.u32 $0x70, s29;
	s1 =	sand.u32 $0x3FFFFF80, s1;
	[sflag:s22] =	ssyncset.done $0x0  }
0x46: {  	s1 =	sor.u32 s29, s1;
	[sflag:s22] =	ssyncadd.s32 $0xFFFFE000  }
0x47: {  	v9 =	vld [tilespmem:s1+$0x0];
	_ =	sdelay $0x1  }
0x48: {  	s31 =	sadd.s32 $0x0, s28  }
0x49: {  	s29 =	simm.s32 $0x10;
	s1 =	sshll.u32 s31, $0x7  }
0x4a: {  	s30 =	sand.u32 $0x70, s29;
	s1 =	sand.u32 $0x3FFFFF80, s1  }
0x4b: {  	s1 =	sor.u32 s30, s1;
	v11 =	vand.u32 $0xFFFFFFFD, v9  }
0x4c: {  	s30 =	simm.s32 $0x2;
	v10 =	vld [tilespmem:s1+$0x0];
	v9 =	vimm.s32 $0x0;
	vm0 =	veq.s32 v11, $0x5  }
.LBB2_3:
0x4d: {  	s1 =	sshrl.u32 s30, $0x3;
	p0 =	sne.s32 s30, $0x1F;
	s30 =	sadd.s32 $0x1, s30;
	v11 =	vsel vm0, $0x1, v0  }
.Ltmp4:
0x4e: {  	s1 =	sadd.s32 s28, s1;
	v9 =	vor.u32 v11, v9;
	(pc) =	sbr.rel @p0 .LBB2_3-.Ltmp4, $4  }
0x4f: {  	s29 =	sadd.s32 $0x10, s29;
	s1 =	sshll.u32 s1, $0x7  }
0x50: {  	s31 =	sand.u32 $0x70, s29;
	s1 =	sand.u32 $0x3FFFFF80, s1  }
0x51: {  	s1 =	sor.u32 s31, s1;
	v11 =	vand.u32 $0xFFFFFFFD, v10  }
0x52: {  	v10 =	vld [tilespmem:s1+$0x0];
	vm0 =	veq.s32 v11, $0x5  }
0x53: {  	_ =	sdelay $0x3  }
0x54: {  	v10 =	vand.u32 $0xFFFFFFFD, v10  }
0x55: {  	v11 =	vsel vm0, $0x1, v0;
	vm15 =	veq.s32 v10, $0x5  }
0x56: {  	v9 =	vor.u32 v11, v9;
	v10 =	vsel vm15, $0x1, v0  }
0x57: {  	v9 =	vor.u32 v10, v9  }
0x58: {  	(v2sf) =	vpush v9, $0x0  }
0x59: {  	(v2sf) =	vpush v9, $0x1  }
0x5a: {  	(v2sf) =	vpush v9, $0x2  }
0x5b: {  	(v2sf) =	vpush v9, $0x3  }
0x5c: {  	(v2sf) =	vpush v9, $0x4  }
0x5d: {  	(v2sf) =	vpush v9, $0x5  }
0x5e: {  	(v2sf) =	vpush v9, $0x6  }
0x5f: {  	(v2sf) =	vpush v9, $0x7  }
0x60: {  	(v2sf) =	vpush v9, $0x8  }
0x61: {  	(v2sf) =	vpush v9, $0x9  }
0x62: {  	(v2sf) =	vpush v9, $0xA  }
0x63: {  	(v2sf) =	vpush v9, $0xB  }
0x64: {  	(v2sf) =	vpush v9, $0xC  }
0x65: {  	(v2sf) =	vpush v9, $0xD  }
0x66: {  	(v2sf) =	vpush v9, $0xE  }
0x67: {  	s1 =	spop (v2sf);
	(v2sf) =	vpush v9, $0xF  }
0x68: {  	s29 =	spop (v2sf)  }
0x69: {  	s30 =	spop (v2sf);
	s1 =	sor.u32 s29, s1  }
0x6a: {  	s31 =	spop (v2sf);
	s1 =	sor.u32 s30, s1  }
0x6b: {  	s0 =	spop (v2sf);
	s1 =	sor.u32 s31, s1  }
0x6c: {  	s31 =	spop (v2sf);
	s1 =	sor.u32 s0, s1  }
0x6d: {  	s0 =	spop (v2sf);
	s1 =	sor.u32 s31, s1  }
0x6e: {  	s31 =	spop (v2sf);
	s1 =	sor.u32 s0, s1  }
0x6f: {  	s0 =	spop (v2sf);
	s1 =	sor.u32 s31, s1  }
0x70: {  	s31 =	spop (v2sf);
	s1 =	sor.u32 s0, s1  }
0x71: {  	s0 =	spop (v2sf);
	s1 =	sor.u32 s31, s1  }
0x72: {  	s31 =	spop (v2sf);
	s1 =	sor.u32 s0, s1  }
0x73: {  	s0 =	spop (v2sf);
	s1 =	sor.u32 s31, s1  }
0x74: {  	s31 =	spop (v2sf);
	s1 =	sor.u32 s0, s1  }
0x75: {  	s0 =	spop (v2sf);
	s1 =	sor.u32 s31, s1  }
0x76: {  	s31 =	spop (v2sf);
	s1 =	sor.u32 s0, s1  }
0x77: {  	s1 =	sor.u32 s31, s1  }
0x78: {  	p0 =	slt.s32 s1, $0x1  }
.Ltmp5:
0x79: {  	_ = 	snop;
	(pc) =	sbr.rel @p0 .LBB2_71-.Ltmp5, $1  }
0x7a: {  	_ =	sdelay $0x3  }
.Ltmp6:
0x7b: {  	(pc) =	sbr.rel .LBB2_6-.Ltmp6, $2  }
0x7c: {  	_ =	sdelay $0x2  }
0x7d: {  	s29 =	simm.s32 $0x0;
	s30 =	simm.s32 $0x6600;
	s31 =	simm.s32 $0x0  }
.LBB2_68:
0x7e: {  	v12 =	vmovc v5;
	v11 =	vmov v6;
	v10 =	vmov v7;
	v9 =	vmov v8  }
.LBB2_69:
0x7f: {  	v63 =	vld [tilespmem:s30+$0x1D0];
	_ =	sdelay $0x4  }
0x80: {  	v11 =	vadd.f32 v63, v11;
	_ =	sdelay $0x1  }
0x81: {  	[tilespmem:s30+$0x1D0] =	vst v11;
	v11 =	vld [tilespmem:s30+$0x1E0];
	_ =	sdelay $0x4  }
0x82: {  	v10 =	vadd.f32 v11, v10  }
0x83: {  	v13 =	vld [tilespmem:s30+$0x1C0]  }
0x84: {  	[tilespmem:s30+$0x1E0] =	vst v10;
	v10 =	vld [tilespmem:s30+$0x1F0];
	_ =	sdelay $0x3  }
0x85: {  	v12 =	vadd.f32 v13, v12  }
0x86: {  	v9 =	vadd.f32 v10, v9  }
0x87: {  	[tilespmem:s30+$0x1C0] =	vst v12  }
0x88: {  	[tilespmem:s30+$0x1F0] =	vst v9  }
.LBB2_70:
0x89: {  	s31 =	sadd.s32 $0x1, s31  }
0x8a: {  	p0 =	sne.s32 s31, $0x20  }
.Ltmp7:
0x8b: {  	_ = 	snop;
	(pc) =	sbr.rel @!p0 .LBB2_71-.Ltmp7, $2  }
0x8c: {  	_ =	sdelay $0x2  }
0x8d: {  	s29 =	sadd.s32 $0x10, s29;
	s30 =	sadd.s32 $0x400, s30  }
.LBB2_6:
0x8e: {  	s1 =	sshrl.u32 s31, $0x3  }
0x8f: {  	s1 =	sadd.s32 s28, s1  }
0x90: {  	s1 =	sshll.u32 s1, $0x7  }
0x91: {  	s0 =	sand.u32 $0x70, s29;
	s1 =	sand.u32 $0x3FFFFF80, s1  }
0x92: {  	s0 =	sor.u32 s0, s1  }
0x93: {  	v9 =	vld [tilespmem:s0+$0x0];
	_ =	sdelay $0x4  }
0x94: {  	(v2sf) =	vpush v9, $0x0;
	_ =	sdelay $0xe  }
0x95: {  	s1 =	spop (v2sf)  }
0x96: {  	p0 =	seq.s32 s1, $0x5  }
.Ltmp8:
0x97: {  	_ = 	snop;
	(pc) =	sbr.rel @p0 .LBB2_9-.Ltmp8, $2  }
0x98: {  	_ =	sdelay $0x2  }
0x99: {  	v13 =	vmovc v1;
	v12 =	vmov v2;
	v11 =	vmov v3;
	v10 =	vmov v4  }
0x9a: {  	p0 =	sne.s32 s1, $0x7  }
.Ltmp9:
0x9b: {  	_ = 	snop;
	(pc) =	sbr.rel @p0 .LBB2_10-.Ltmp9, $1  }
0x9c: {  	_ =	sdelay $0x3  }
0x9d: {  	v13 =	vmovc v5;
	v12 =	vmov v6;
	v11 =	vmov v7;
	v10 =	vmov v8  }
.LBB2_9:
0x9e: {  	v63 =	vld [tilespmem:s30+$0xFFFFFE20];
	_ =	sdelay $0x4  }
0x9f: {  	v14 =	vld [tilespmem:s30+$0xFFFFFE00];
	v11 =	vadd.f32 v63, v11  }
0xa0: {  	v62 =	vld [tilespmem:s30+$0xFFFFFE10]  }
0xa1: {  	[tilespmem:s30+$0xFFFFFE20] =	vst v11;
	v11 =	vld [tilespmem:s30+$0xFFFFFE30];
	_ =	sdelay $0x2  }
0xa2: {  	v13 =	vadd.f32 v14, v13  }
0xa3: {  	v12 =	vadd.f32 v62, v12  }
0xa4: {  	[tilespmem:s30+$0xFFFFFE00] =	vst v13;
	v10 =	vadd.f32 v11, v10  }
0xa5: {  	[tilespmem:s30+$0xFFFFFE10] =	vst v12  }
0xa6: {  	[tilespmem:s30+$0xFFFFFE30] =	vst v10  }
.LBB2_10:
0xa7: {  	(v2sf) =	vpush v9, $0x1;
	_ =	sdelay $0xe  }
0xa8: {  	s1 =	spop (v2sf)  }
0xa9: {  	p0 =	seq.s32 s1, $0x5  }
.Ltmp10:
0xaa: {  	_ = 	snop;
	(pc) =	sbr.rel @p0 .LBB2_13-.Ltmp10, $2  }
0xab: {  	_ =	sdelay $0x2  }
0xac: {  	v13 =	vmovc v1;
	v12 =	vmov v2;
	v11 =	vmov v3;
	v10 =	vmov v4  }
0xad: {  	p0 =	sne.s32 s1, $0x7  }
.Ltmp11:
0xae: {  	_ = 	snop;
	(pc) =	sbr.rel @p0 .LBB2_14-.Ltmp11, $1  }
0xaf: {  	_ =	sdelay $0x3  }
0xb0: {  	v13 =	vmovc v5;
	v12 =	vmov v6;
	v11 =	vmov v7;
	v10 =	vmov v8  }
.LBB2_13:
0xb1: {  	v63 =	vld [tilespmem:s30+$0xFFFFFE60];
	_ =	sdelay $0x4  }
0xb2: {  	v14 =	vld [tilespmem:s30+$0xFFFFFE40];
	v11 =	vadd.f32 v63, v11  }
0xb3: {  	v62 =	vld [tilespmem:s30+$0xFFFFFE50]  }
0xb4: {  	[tilespmem:s30+$0xFFFFFE60] =	vst v11;
	v11 =	vld [tilespmem:s30+$0xFFFFFE70];
	_ =	sdelay $0x2  }
0xb5: {  	v13 =	vadd.f32 v14, v13  }
0xb6: {  	v12 =	vadd.f32 v62, v12  }
0xb7: {  	[tilespmem:s30+$0xFFFFFE40] =	vst v13;
	v10 =	vadd.f32 v11, v10  }
0xb8: {  	[tilespmem:s30+$0xFFFFFE50] =	vst v12  }
0xb9: {  	[tilespmem:s30+$0xFFFFFE70] =	vst v10  }
.LBB2_14:
0xba: {  	(v2sf) =	vpush v9, $0x2;
	_ =	sdelay $0xe  }
0xbb: {  	s1 =	spop (v2sf)  }
0xbc: {  	p0 =	seq.s32 s1, $0x5  }
.Ltmp12:
0xbd: {  	_ = 	snop;
	(pc) =	sbr.rel @p0 .LBB2_17-.Ltmp12, $2  }
0xbe: {  	_ =	sdelay $0x2  }
0xbf: {  	v13 =	vmovc v1;
	v12 =	vmov v2;
	v11 =	vmov v3;
	v10 =	vmov v4  }
0xc0: {  	p0 =	sne.s32 s1, $0x7  }
.Ltmp13:
0xc1: {  	_ = 	snop;
	(pc) =	sbr.rel @p0 .LBB2_18-.Ltmp13, $1  }
0xc2: {  	_ =	sdelay $0x3  }
0xc3: {  	v13 =	vmovc v5;
	v12 =	vmov v6;
	v11 =	vmov v7;
	v10 =	vmov v8  }
.LBB2_17:
0xc4: {  	v63 =	vld [tilespmem:s30+$0xFFFFFEA0];
	_ =	sdelay $0x4  }
0xc5: {  	v14 =	vld [tilespmem:s30+$0xFFFFFE80];
	v11 =	vadd.f32 v63, v11  }
0xc6: {  	v62 =	vld [tilespmem:s30+$0xFFFFFE90]  }
0xc7: {  	[tilespmem:s30+$0xFFFFFEA0] =	vst v11;
	v11 =	vld [tilespmem:s30+$0xFFFFFEB0];
	_ =	sdelay $0x2  }
0xc8: {  	v13 =	vadd.f32 v14, v13  }
0xc9: {  	v12 =	vadd.f32 v62, v12  }
0xca: {  	[tilespmem:s30+$0xFFFFFE80] =	vst v13;
	v10 =	vadd.f32 v11, v10  }
0xcb: {  	[tilespmem:s30+$0xFFFFFE90] =	vst v12  }
0xcc: {  	[tilespmem:s30+$0xFFFFFEB0] =	vst v10  }
.LBB2_18:
0xcd: {  	(v2sf) =	vpush v9, $0x3;
	_ =	sdelay $0xe  }
0xce: {  	s1 =	spop (v2sf)  }
0xcf: {  	p0 =	seq.s32 s1, $0x5  }
.Ltmp14:
0xd0: {  	_ = 	snop;
	(pc) =	sbr.rel @p0 .LBB2_21-.Ltmp14, $2  }
0xd1: {  	_ =	sdelay $0x2  }
0xd2: {  	v13 =	vmovc v1;
	v12 =	vmov v2;
	v11 =	vmov v3;
	v10 =	vmov v4  }
0xd3: {  	p0 =	sne.s32 s1, $0x7  }
.Ltmp15:
0xd4: {  	_ = 	snop;
	(pc) =	sbr.rel @p0 .LBB2_22-.Ltmp15, $1  }
0xd5: {  	_ =	sdelay $0x3  }
0xd6: {  	v13 =	vmovc v5;
	v12 =	vmov v6;
	v11 =	vmov v7;
	v10 =	vmov v8  }
.LBB2_21:
0xd7: {  	v63 =	vld [tilespmem:s30+$0xFFFFFEE0];
	_ =	sdelay $0x4  }
0xd8: {  	v14 =	vld [tilespmem:s30+$0xFFFFFEC0];
	v11 =	vadd.f32 v63, v11  }
0xd9: {  	v62 =	vld [tilespmem:s30+$0xFFFFFED0]  }
0xda: {  	[tilespmem:s30+$0xFFFFFEE0] =	vst v11;
	v11 =	vld [tilespmem:s30+$0xFFFFFEF0];
	_ =	sdelay $0x2  }
0xdb: {  	v13 =	vadd.f32 v14, v13  }
0xdc: {  	v12 =	vadd.f32 v62, v12  }
0xdd: {  	[tilespmem:s30+$0xFFFFFEC0] =	vst v13;
	v10 =	vadd.f32 v11, v10  }
0xde: {  	[tilespmem:s30+$0xFFFFFED0] =	vst v12  }
0xdf: {  	[tilespmem:s30+$0xFFFFFEF0] =	vst v10  }
.LBB2_22:
0xe0: {  	(v2sf) =	vpush v9, $0x4;
	_ =	sdelay $0xe  }
0xe1: {  	s1 =	spop (v2sf)  }
0xe2: {  	p0 =	seq.s32 s1, $0x5  }
.Ltmp16:
0xe3: {  	_ = 	snop;
	(pc) =	sbr.rel @p0 .LBB2_25-.Ltmp16, $2  }
0xe4: {  	_ =	sdelay $0x2  }
0xe5: {  	v13 =	vmovc v1;
	v12 =	vmov v2;
	v11 =	vmov v3;
	v10 =	vmov v4  }
0xe6: {  	p0 =	sne.s32 s1, $0x7  }
.Ltmp17:
0xe7: {  	_ = 	snop;
	(pc) =	sbr.rel @p0 .LBB2_26-.Ltmp17, $1  }
0xe8: {  	_ =	sdelay $0x3  }
0xe9: {  	v13 =	vmovc v5;
	v12 =	vmov v6;
	v11 =	vmov v7;
	v10 =	vmov v8  }
.LBB2_25:
0xea: {  	v63 =	vld [tilespmem:s30+$0xFFFFFF20];
	_ =	sdelay $0x4  }
0xeb: {  	v14 =	vld [tilespmem:s30+$0xFFFFFF00];
	v11 =	vadd.f32 v63, v11  }
0xec: {  	v62 =	vld [tilespmem:s30+$0xFFFFFF10]  }
0xed: {  	[tilespmem:s30+$0xFFFFFF20] =	vst v11;
	v11 =	vld [tilespmem:s30+$0xFFFFFF30];
	_ =	sdelay $0x2  }
0xee: {  	v13 =	vadd.f32 v14, v13  }
0xef: {  	v12 =	vadd.f32 v62, v12  }
0xf0: {  	[tilespmem:s30+$0xFFFFFF00] =	vst v13;
	v10 =	vadd.f32 v11, v10  }
0xf1: {  	[tilespmem:s30+$0xFFFFFF10] =	vst v12  }
0xf2: {  	[tilespmem:s30+$0xFFFFFF30] =	vst v10  }
.LBB2_26:
0xf3: {  	(v2sf) =	vpush v9, $0x5;
	_ =	sdelay $0xe  }
0xf4: {  	s1 =	spop (v2sf)  }
0xf5: {  	p0 =	seq.s32 s1, $0x5  }
.Ltmp18:
0xf6: {  	_ = 	snop;
	(pc) =	sbr.rel @p0 .LBB2_29-.Ltmp18, $2  }
0xf7: {  	_ =	sdelay $0x2  }
0xf8: {  	v13 =	vmovc v1;
	v12 =	vmov v2;
	v11 =	vmov v3;
	v10 =	vmov v4  }
0xf9: {  	p0 =	sne.s32 s1, $0x7  }
.Ltmp19:
0xfa: {  	_ = 	snop;
	(pc) =	sbr.rel @p0 .LBB2_30-.Ltmp19, $1  }
0xfb: {  	_ =	sdelay $0x3  }
0xfc: {  	v13 =	vmovc v5;
	v12 =	vmov v6;
	v11 =	vmov v7;
	v10 =	vmov v8  }
.LBB2_29:
0xfd: {  	v63 =	vld [tilespmem:s30+$0xFFFFFF60];
	_ =	sdelay $0x4  }
0xfe: {  	v14 =	vld [tilespmem:s30+$0xFFFFFF40];
	v11 =	vadd.f32 v63, v11  }
0xff: {  	v62 =	vld [tilespmem:s30+$0xFFFFFF50]  }
0x100: {  	[tilespmem:s30+$0xFFFFFF60] =	vst v11;
	v11 =	vld [tilespmem:s30+$0xFFFFFF70];
	_ =	sdelay $0x2  }
0x101: {  	v13 =	vadd.f32 v14, v13  }
0x102: {  	v12 =	vadd.f32 v62, v12  }
0x103: {  	[tilespmem:s30+$0xFFFFFF40] =	vst v13;
	v10 =	vadd.f32 v11, v10  }
0x104: {  	[tilespmem:s30+$0xFFFFFF50] =	vst v12  }
0x105: {  	[tilespmem:s30+$0xFFFFFF70] =	vst v10  }
.LBB2_30:
0x106: {  	(v2sf) =	vpush v9, $0x6;
	_ =	sdelay $0xe  }
0x107: {  	s1 =	spop (v2sf)  }
0x108: {  	p0 =	seq.s32 s1, $0x5  }
.Ltmp20:
0x109: {  	_ = 	snop;
	(pc) =	sbr.rel @p0 .LBB2_33-.Ltmp20, $2  }
0x10a: {  	_ =	sdelay $0x2  }
0x10b: {  	v13 =	vmovc v1;
	v12 =	vmov v2;
	v11 =	vmov v3;
	v10 =	vmov v4  }
0x10c: {  	p0 =	sne.s32 s1, $0x7  }
.Ltmp21:
0x10d: {  	_ = 	snop;
	(pc) =	sbr.rel @p0 .LBB2_34-.Ltmp21, $1  }
0x10e: {  	_ =	sdelay $0x3  }
0x10f: {  	v13 =	vmovc v5;
	v12 =	vmov v6;
	v11 =	vmov v7;
	v10 =	vmov v8  }
.LBB2_33:
0x110: {  	v63 =	vld [tilespmem:s30+$0xFFFFFFA0];
	_ =	sdelay $0x4  }
0x111: {  	v14 =	vld [tilespmem:s30+$0xFFFFFF80];
	v11 =	vadd.f32 v63, v11  }
0x112: {  	v62 =	vld [tilespmem:s30+$0xFFFFFF90]  }
0x113: {  	[tilespmem:s30+$0xFFFFFFA0] =	vst v11;
	v11 =	vld [tilespmem:s30+$0xFFFFFFB0];
	_ =	sdelay $0x2  }
0x114: {  	v13 =	vadd.f32 v14, v13  }
0x115: {  	v12 =	vadd.f32 v62, v12  }
0x116: {  	[tilespmem:s30+$0xFFFFFF80] =	vst v13;
	v10 =	vadd.f32 v11, v10  }
0x117: {  	[tilespmem:s30+$0xFFFFFF90] =	vst v12  }
0x118: {  	[tilespmem:s30+$0xFFFFFFB0] =	vst v10  }
.LBB2_34:
0x119: {  	(v2sf) =	vpush v9, $0x7;
	_ =	sdelay $0xe  }
0x11a: {  	s1 =	spop (v2sf)  }
0x11b: {  	p0 =	seq.s32 s1, $0x5  }
.Ltmp22:
0x11c: {  	_ = 	snop;
	(pc) =	sbr.rel @p0 .LBB2_37-.Ltmp22, $2  }
0x11d: {  	_ =	sdelay $0x2  }
0x11e: {  	v13 =	vmovc v1;
	v12 =	vmov v2;
	v11 =	vmov v3;
	v10 =	vmov v4  }
0x11f: {  	p0 =	sne.s32 s1, $0x7  }
.Ltmp23:
0x120: {  	_ = 	snop;
	(pc) =	sbr.rel @p0 .LBB2_38-.Ltmp23, $1  }
0x121: {  	_ =	sdelay $0x3  }
0x122: {  	v13 =	vmovc v5;
	v12 =	vmov v6;
	v11 =	vmov v7;
	v10 =	vmov v8  }
.LBB2_37:
0x123: {  	v63 =	vld [tilespmem:s30+$0xFFFFFFE0];
	_ =	sdelay $0x4  }
0x124: {  	v14 =	vld [tilespmem:s30+$0xFFFFFFC0];
	v11 =	vadd.f32 v63, v11  }
0x125: {  	v62 =	vld [tilespmem:s30+$0xFFFFFFD0]  }
0x126: {  	[tilespmem:s30+$0xFFFFFFE0] =	vst v11;
	v11 =	vld [tilespmem:s30+$0xFFFFFFF0];
	_ =	sdelay $0x2  }
0x127: {  	v13 =	vadd.f32 v14, v13  }
0x128: {  	v12 =	vadd.f32 v62, v12  }
0x129: {  	[tilespmem:s30+$0xFFFFFFC0] =	vst v13;
	v10 =	vadd.f32 v11, v10  }
0x12a: {  	[tilespmem:s30+$0xFFFFFFD0] =	vst v12  }
0x12b: {  	[tilespmem:s30+$0xFFFFFFF0] =	vst v10  }
.LBB2_38:
0x12c: {  	(v2sf) =	vpush v9, $0x8;
	_ =	sdelay $0xe  }
0x12d: {  	s1 =	spop (v2sf)  }
0x12e: {  	p0 =	seq.s32 s1, $0x5  }
.Ltmp24:
0x12f: {  	_ = 	snop;
	(pc) =	sbr.rel @p0 .LBB2_41-.Ltmp24, $2  }
0x130: {  	_ =	sdelay $0x2  }
0x131: {  	v13 =	vmovc v1;
	v12 =	vmov v2;
	v11 =	vmov v3;
	v10 =	vmov v4  }
0x132: {  	p0 =	sne.s32 s1, $0x7  }
.Ltmp25:
0x133: {  	_ = 	snop;
	(pc) =	sbr.rel @p0 .LBB2_42-.Ltmp25, $1  }
0x134: {  	_ =	sdelay $0x3  }
0x135: {  	v13 =	vmovc v5;
	v12 =	vmov v6;
	v11 =	vmov v7;
	v10 =	vmov v8  }
.LBB2_41:
0x136: {  	v63 =	vld [tilespmem:s30+$0x20];
	_ =	sdelay $0x4  }
0x137: {  	v14 =	vld [tilespmem:s30+$0x0];
	v11 =	vadd.f32 v63, v11  }
0x138: {  	v62 =	vld [tilespmem:s30+$0x10]  }
0x139: {  	[tilespmem:s30+$0x20] =	vst v11;
	v11 =	vld [tilespmem:s30+$0x30];
	_ =	sdelay $0x2  }
0x13a: {  	v13 =	vadd.f32 v14, v13  }
0x13b: {  	v12 =	vadd.f32 v62, v12  }
0x13c: {  	[tilespmem:s30+$0x0] =	vst v13;
	v10 =	vadd.f32 v11, v10  }
0x13d: {  	[tilespmem:s30+$0x10] =	vst v12  }
0x13e: {  	[tilespmem:s30+$0x30] =	vst v10  }
.LBB2_42:
0x13f: {  	(v2sf) =	vpush v9, $0x9;
	_ =	sdelay $0xe  }
0x140: {  	s1 =	spop (v2sf)  }
0x141: {  	p0 =	seq.s32 s1, $0x5  }
.Ltmp26:
0x142: {  	_ = 	snop;
	(pc) =	sbr.rel @p0 .LBB2_45-.Ltmp26, $2  }
0x143: {  	_ =	sdelay $0x2  }
0x144: {  	v13 =	vmovc v1;
	v12 =	vmov v2;
	v11 =	vmov v3;
	v10 =	vmov v4  }
0x145: {  	p0 =	sne.s32 s1, $0x7  }
.Ltmp27:
0x146: {  	_ = 	snop;
	(pc) =	sbr.rel @p0 .LBB2_46-.Ltmp27, $1  }
0x147: {  	_ =	sdelay $0x3  }
0x148: {  	v13 =	vmovc v5;
	v12 =	vmov v6;
	v11 =	vmov v7;
	v10 =	vmov v8  }
.LBB2_45:
0x149: {  	v63 =	vld [tilespmem:s30+$0x60];
	_ =	sdelay $0x4  }
0x14a: {  	v14 =	vld [tilespmem:s30+$0x40];
	v11 =	vadd.f32 v63, v11  }
0x14b: {  	v62 =	vld [tilespmem:s30+$0x50]  }
0x14c: {  	[tilespmem:s30+$0x60] =	vst v11;
	v11 =	vld [tilespmem:s30+$0x70];
	_ =	sdelay $0x2  }
0x14d: {  	v13 =	vadd.f32 v14, v13  }
0x14e: {  	v12 =	vadd.f32 v62, v12  }
0x14f: {  	[tilespmem:s30+$0x40] =	vst v13;
	v10 =	vadd.f32 v11, v10  }
0x150: {  	[tilespmem:s30+$0x50] =	vst v12  }
0x151: {  	[tilespmem:s30+$0x70] =	vst v10  }
.LBB2_46:
0x152: {  	(v2sf) =	vpush v9, $0xA;
	_ =	sdelay $0xe  }
0x153: {  	s1 =	spop (v2sf)  }
0x154: {  	p0 =	seq.s32 s1, $0x5  }
.Ltmp28:
0x155: {  	_ = 	snop;
	(pc) =	sbr.rel @p0 .LBB2_49-.Ltmp28, $2  }
0x156: {  	_ =	sdelay $0x2  }
0x157: {  	v13 =	vmovc v1;
	v12 =	vmov v2;
	v11 =	vmov v3;
	v10 =	vmov v4  }
0x158: {  	p0 =	sne.s32 s1, $0x7  }
.Ltmp29:
0x159: {  	_ = 	snop;
	(pc) =	sbr.rel @p0 .LBB2_50-.Ltmp29, $1  }
0x15a: {  	_ =	sdelay $0x3  }
0x15b: {  	v13 =	vmovc v5;
	v12 =	vmov v6;
	v11 =	vmov v7;
	v10 =	vmov v8  }
.LBB2_49:
0x15c: {  	v63 =	vld [tilespmem:s30+$0xA0];
	_ =	sdelay $0x4  }
0x15d: {  	v14 =	vld [tilespmem:s30+$0x80];
	v11 =	vadd.f32 v63, v11  }
0x15e: {  	v62 =	vld [tilespmem:s30+$0x90]  }
0x15f: {  	[tilespmem:s30+$0xA0] =	vst v11;
	v11 =	vld [tilespmem:s30+$0xB0];
	_ =	sdelay $0x2  }
0x160: {  	v13 =	vadd.f32 v14, v13  }
0x161: {  	v12 =	vadd.f32 v62, v12  }
0x162: {  	[tilespmem:s30+$0x80] =	vst v13;
	v10 =	vadd.f32 v11, v10  }
0x163: {  	[tilespmem:s30+$0x90] =	vst v12  }
0x164: {  	[tilespmem:s30+$0xB0] =	vst v10  }
.LBB2_50:
0x165: {  	(v2sf) =	vpush v9, $0xB;
	_ =	sdelay $0xe  }
0x166: {  	s1 =	spop (v2sf)  }
0x167: {  	p0 =	seq.s32 s1, $0x5  }
.Ltmp30:
0x168: {  	_ = 	snop;
	(pc) =	sbr.rel @p0 .LBB2_53-.Ltmp30, $2  }
0x169: {  	_ =	sdelay $0x2  }
0x16a: {  	v13 =	vmovc v1;
	v12 =	vmov v2;
	v11 =	vmov v3;
	v10 =	vmov v4  }
0x16b: {  	p0 =	sne.s32 s1, $0x7  }
.Ltmp31:
0x16c: {  	_ = 	snop;
	(pc) =	sbr.rel @p0 .LBB2_54-.Ltmp31, $1  }
0x16d: {  	_ =	sdelay $0x3  }
0x16e: {  	v13 =	vmovc v5;
	v12 =	vmov v6;
	v11 =	vmov v7;
	v10 =	vmov v8  }
.LBB2_53:
0x16f: {  	v63 =	vld [tilespmem:s30+$0xE0];
	_ =	sdelay $0x4  }
0x170: {  	v14 =	vld [tilespmem:s30+$0xC0];
	v11 =	vadd.f32 v63, v11  }
0x171: {  	v62 =	vld [tilespmem:s30+$0xD0]  }
0x172: {  	[tilespmem:s30+$0xE0] =	vst v11;
	v11 =	vld [tilespmem:s30+$0xF0];
	_ =	sdelay $0x2  }
0x173: {  	v13 =	vadd.f32 v14, v13  }
0x174: {  	v12 =	vadd.f32 v62, v12  }
0x175: {  	[tilespmem:s30+$0xC0] =	vst v13;
	v10 =	vadd.f32 v11, v10  }
0x176: {  	[tilespmem:s30+$0xD0] =	vst v12  }
0x177: {  	[tilespmem:s30+$0xF0] =	vst v10  }
.LBB2_54:
0x178: {  	(v2sf) =	vpush v9, $0xC;
	_ =	sdelay $0xe  }
0x179: {  	s1 =	spop (v2sf)  }
0x17a: {  	p0 =	seq.s32 s1, $0x5  }
.Ltmp32:
0x17b: {  	_ = 	snop;
	(pc) =	sbr.rel @p0 .LBB2_57-.Ltmp32, $2  }
0x17c: {  	_ =	sdelay $0x2  }
0x17d: {  	v13 =	vmovc v1;
	v12 =	vmov v2;
	v11 =	vmov v3;
	v10 =	vmov v4  }
0x17e: {  	p0 =	sne.s32 s1, $0x7  }
.Ltmp33:
0x17f: {  	_ = 	snop;
	(pc) =	sbr.rel @p0 .LBB2_58-.Ltmp33, $1  }
0x180: {  	_ =	sdelay $0x3  }
0x181: {  	v13 =	vmovc v5;
	v12 =	vmov v6;
	v11 =	vmov v7;
	v10 =	vmov v8  }
.LBB2_57:
0x182: {  	v63 =	vld [tilespmem:s30+$0x120];
	_ =	sdelay $0x4  }
0x183: {  	v14 =	vld [tilespmem:s30+$0x100];
	v11 =	vadd.f32 v63, v11  }
0x184: {  	v62 =	vld [tilespmem:s30+$0x110]  }
0x185: {  	[tilespmem:s30+$0x120] =	vst v11;
	v11 =	vld [tilespmem:s30+$0x130];
	_ =	sdelay $0x2  }
0x186: {  	v13 =	vadd.f32 v14, v13  }
0x187: {  	v12 =	vadd.f32 v62, v12  }
0x188: {  	[tilespmem:s30+$0x100] =	vst v13;
	v10 =	vadd.f32 v11, v10  }
0x189: {  	[tilespmem:s30+$0x110] =	vst v12  }
0x18a: {  	[tilespmem:s30+$0x130] =	vst v10  }
.LBB2_58:
0x18b: {  	(v2sf) =	vpush v9, $0xD;
	_ =	sdelay $0xe  }
0x18c: {  	s1 =	spop (v2sf)  }
0x18d: {  	p0 =	seq.s32 s1, $0x5  }
.Ltmp34:
0x18e: {  	_ = 	snop;
	(pc) =	sbr.rel @p0 .LBB2_61-.Ltmp34, $2  }
0x18f: {  	_ =	sdelay $0x2  }
0x190: {  	v13 =	vmovc v1;
	v12 =	vmov v2;
	v11 =	vmov v3;
	v10 =	vmov v4  }
0x191: {  	p0 =	sne.s32 s1, $0x7  }
.Ltmp35:
0x192: {  	_ = 	snop;
	(pc) =	sbr.rel @p0 .LBB2_62-.Ltmp35, $1  }
0x193: {  	_ =	sdelay $0x3  }
0x194: {  	v13 =	vmovc v5;
	v12 =	vmov v6;
	v11 =	vmov v7;
	v10 =	vmov v8  }
.LBB2_61:
0x195: {  	v63 =	vld [tilespmem:s30+$0x160];
	_ =	sdelay $0x4  }
0x196: {  	v14 =	vld [tilespmem:s30+$0x140];
	v11 =	vadd.f32 v63, v11  }
0x197: {  	v62 =	vld [tilespmem:s30+$0x150]  }
0x198: {  	[tilespmem:s30+$0x160] =	vst v11;
	v11 =	vld [tilespmem:s30+$0x170];
	_ =	sdelay $0x2  }
0x199: {  	v13 =	vadd.f32 v14, v13  }
0x19a: {  	v12 =	vadd.f32 v62, v12  }
0x19b: {  	[tilespmem:s30+$0x140] =	vst v13;
	v10 =	vadd.f32 v11, v10  }
0x19c: {  	[tilespmem:s30+$0x150] =	vst v12  }
0x19d: {  	[tilespmem:s30+$0x170] =	vst v10  }
.LBB2_62:
0x19e: {  	(v2sf) =	vpush v9, $0xE;
	_ =	sdelay $0xe  }
0x19f: {  	s1 =	spop (v2sf)  }
0x1a0: {  	p0 =	seq.s32 s1, $0x5  }
.Ltmp36:
0x1a1: {  	_ = 	snop;
	(pc) =	sbr.rel @p0 .LBB2_65-.Ltmp36, $2  }
0x1a2: {  	_ =	sdelay $0x2  }
0x1a3: {  	v13 =	vmovc v1;
	v12 =	vmov v2;
	v11 =	vmov v3;
	v10 =	vmov v4  }
0x1a4: {  	p0 =	sne.s32 s1, $0x7  }
.Ltmp37:
0x1a5: {  	_ = 	snop;
	(pc) =	sbr.rel @p0 .LBB2_66-.Ltmp37, $1  }
0x1a6: {  	_ =	sdelay $0x3  }
0x1a7: {  	v13 =	vmovc v5;
	v12 =	vmov v6;
	v11 =	vmov v7;
	v10 =	vmov v8  }
.LBB2_65:
0x1a8: {  	v63 =	vld [tilespmem:s30+$0x1A0];
	_ =	sdelay $0x4  }
0x1a9: {  	v14 =	vld [tilespmem:s30+$0x180];
	v11 =	vadd.f32 v63, v11  }
0x1aa: {  	v62 =	vld [tilespmem:s30+$0x190]  }
0x1ab: {  	[tilespmem:s30+$0x1A0] =	vst v11;
	v11 =	vld [tilespmem:s30+$0x1B0];
	_ =	sdelay $0x2  }
0x1ac: {  	v13 =	vadd.f32 v14, v13  }
0x1ad: {  	v12 =	vadd.f32 v62, v12  }
0x1ae: {  	[tilespmem:s30+$0x180] =	vst v13;
	v10 =	vadd.f32 v11, v10  }
0x1af: {  	[tilespmem:s30+$0x190] =	vst v12  }
0x1b0: {  	[tilespmem:s30+$0x1B0] =	vst v10  }
.LBB2_66:
0x1b1: {  	(v2sf) =	vpush v9, $0xF;
	_ =	sdelay $0xe  }
0x1b2: {  	s1 =	spop (v2sf)  }
0x1b3: {  	p0 =	seq.s32 s1, $0x5  }
.Ltmp38:
0x1b4: {  	_ = 	snop;
	(pc) =	sbr.rel @p0 .LBB2_69-.Ltmp38, $2  }
0x1b5: {  	_ =	sdelay $0x2  }
0x1b6: {  	v12 =	vmovc v1;
	v11 =	vmov v2;
	v10 =	vmov v3;
	v9 =	vmov v4  }
0x1b7: {  	p0 =	sne.s32 s1, $0x7  }
.Ltmp39:
0x1b8: {  	_ = 	snop;
	(pc) =	sbr.rel @!p0 .LBB2_68-.Ltmp39, $4  }
.Ltmp40:
0x1b9: {  	_ = 	snop;
	(pc) =	sbr.rel @p0 .LBB2_70-.Ltmp40, $4  }
0x1ba: {  	_ = 	snop  }
0x1bb: {  	_ = 	snop  }
0x1bc: {  	_ = 	snop  }
0x1bd: {  	_ = 	snop  }
.LBB2_71:
0x1be: {  	s0 =	sshll.u32 s25, $0x10  }
0x1bf: {  	s0 =	sadd.s32 s7, s0  }
0x1c0: {  	s0 =	sshrl.u32 s0, $0x3  }
0x1c1: {  	p0 =	seq.s32 s25, $0x18;
	s0 =	sadd.s32 s2, s0  }
0x1c2: {  	[hbm4b:s0+s3] =	stream.linear.scatter [tilespmem:s12], [sflag:$0x3], $0x8000, $0x38;
	[tilespmem:$0x16480] =	vst v63  }
0x1c3: {  	s0 =	sshll.u32 @!p0 s25, $0xA;
	_ =	swait.ge [sflag:s10], $0x8000  }
0x1c4: {  	s28 =	simm.s32 @!p0 $0x80;
	s0 =	sand.u32 @!p0 $0x3FFFFC00, s0;
	[sflag:s10] =	ssyncset.done $0x0  }
0x1c5: {  	s29 =	simm.s32 @!p0 $0x6400;
	s1 =	sadd.s32 @!p0 $0x400, s0;
	[sflag:s10] =	ssyncadd.s32 $0xFFFF8000  }
0x1c6: {  	[tilespmem:s29], [sflag:$0x1] =	stream.indirect.gather @!p0 [hbm4b:s4+s28], $0x40, s1, s28, $0xb8;
	[tilespmem:$0x16480] =	vst v63  }
0x1c7: {  	s1 =	sadd.s32 @!p0 $0x480, s0;
	s29 =	simm.s32 @!p0 $0x8400  }
0x1c8: {  	[tilespmem:s29], [sflag:$0x1] =	stream.indirect.gather @!p0 [hbm4b:s4+s28], $0x40, s1, s28, $0xb8;
	[tilespmem:$0x16480] =	vst v63  }
0x1c9: {  	s1 =	sadd.s32 @!p0 $0x500, s0;
	s29 =	simm.s32 @!p0 $0xA400  }
0x1ca: {  	[tilespmem:s29], [sflag:$0x1] =	stream.indirect.gather @!p0 [hbm4b:s4+s28], $0x40, s1, s28, $0xb8;
	[tilespmem:$0x16480] =	vst v63  }
0x1cb: {  	s0 =	sadd.s32 @!p0 $0x580, s0;
	s1 =	simm.s32 @!p0 $0xC400  }
0x1cc: {  	[tilespmem:s1], [sflag:$0x1] =	stream.indirect.gather @!p0 [hbm4b:s4+s28], $0x40, s0, s28, $0xb8;
	[tilespmem:$0x16480] =	vst v63  }
0x1cd: {  	_ =	swait.ge [sflag:s23], $0x2000  }
0x1ce: {  	[sflag:s23] =	ssyncset.done $0x0  }
0x1cf: {  	[sflag:s23] =	ssyncadd.s32 $0xFFFFE000  }
0x1d0: {  	_ =	swait.ge [sflag:s23], $0x2000  }
0x1d1: {  	[sflag:s23] =	ssyncset.done $0x0  }
0x1d2: {  	[sflag:s23] =	ssyncadd.s32 $0xFFFFE000  }
0x1d3: {  	_ =	swait.ge [sflag:s23], $0x2000  }
0x1d4: {  	s28 =	sshll.u32 s26, $0x2;
	[sflag:s23] =	ssyncset.done $0x0  }
0x1d5: {  	s1 =	sadd.s32 $0x0, s28;
	[sflag:s23] =	ssyncadd.s32 $0xFFFFE000  }
0x1d6: {  	s31 =	simm.s32 $0x0;
	s0 =	sshll.u32 s1, $0x7;
	_ =	swait.ge [sflag:s23], $0x2000  }
0x1d7: {  	s1 =	sand.u32 $0x70, s31;
	s0 =	sand.u32 $0x3FFFFF80, s0;
	[sflag:s23] =	ssyncset.done $0x0  }
0x1d8: {  	s0 =	sor.u32 s1, s0;
	[sflag:s23] =	ssyncadd.s32 $0xFFFFE000  }
0x1d9: {  	v9 =	vld [tilespmem:s0+$0x0];
	_ =	sdelay $0x1  }
0x1da: {  	s1 =	sadd.s32 $0x0, s28  }
0x1db: {  	s29 =	simm.s32 $0x10;
	s0 =	sshll.u32 s1, $0x7  }
0x1dc: {  	s31 =	sand.u32 $0x70, s29;
	s0 =	sand.u32 $0x3FFFFF80, s0  }
0x1dd: {  	s0 =	sor.u32 s31, s0;
	v11 =	vand.u32 $0xFFFFFFFD, v9  }
0x1de: {  	s30 =	simm.s32 $0x2;
	v10 =	vld [tilespmem:s0+$0x0];
	v9 =	vimm.s32 $0x0;
	vm0 =	veq.s32 v11, $0x5  }
.LBB2_72:
0x1df: {  	s0 =	sshrl.u32 s30, $0x3;
	p0 =	sne.s32 s30, $0x1F;
	s30 =	sadd.s32 $0x1, s30;
	v11 =	vsel vm0, $0x1, v0  }
.Ltmp41:
0x1e0: {  	s0 =	sadd.s32 s28, s0;
	v9 =	vor.u32 v11, v9;
	(pc) =	sbr.rel @p0 .LBB2_72-.Ltmp41, $4  }
0x1e1: {  	s29 =	sadd.s32 $0x10, s29;
	s0 =	sshll.u32 s0, $0x7  }
0x1e2: {  	s1 =	sand.u32 $0x70, s29;
	s0 =	sand.u32 $0x3FFFFF80, s0  }
0x1e3: {  	s0 =	sor.u32 s1, s0;
	v11 =	vand.u32 $0xFFFFFFFD, v10  }
0x1e4: {  	v10 =	vld [tilespmem:s0+$0x0];
	vm0 =	veq.s32 v11, $0x5  }
0x1e5: {  	_ =	sdelay $0x3  }
0x1e6: {  	v10 =	vand.u32 $0xFFFFFFFD, v10  }
0x1e7: {  	v11 =	vsel vm0, $0x1, v0;
	vm15 =	veq.s32 v10, $0x5  }
0x1e8: {  	v9 =	vor.u32 v11, v9;
	v10 =	vsel vm15, $0x1, v0  }
0x1e9: {  	v9 =	vor.u32 v10, v9  }
0x1ea: {  	(v2sf) =	vpush v9, $0x0  }
0x1eb: {  	(v2sf) =	vpush v9, $0x1  }
0x1ec: {  	(v2sf) =	vpush v9, $0x2  }
0x1ed: {  	(v2sf) =	vpush v9, $0x3  }
0x1ee: {  	(v2sf) =	vpush v9, $0x4  }
0x1ef: {  	(v2sf) =	vpush v9, $0x5  }
0x1f0: {  	(v2sf) =	vpush v9, $0x6  }
0x1f1: {  	(v2sf) =	vpush v9, $0x7  }
0x1f2: {  	(v2sf) =	vpush v9, $0x8  }
0x1f3: {  	(v2sf) =	vpush v9, $0x9  }
0x1f4: {  	(v2sf) =	vpush v9, $0xA  }
0x1f5: {  	(v2sf) =	vpush v9, $0xB  }
0x1f6: {  	(v2sf) =	vpush v9, $0xC  }
0x1f7: {  	(v2sf) =	vpush v9, $0xD  }
0x1f8: {  	(v2sf) =	vpush v9, $0xE  }
0x1f9: {  	s0 =	spop (v2sf);
	(v2sf) =	vpush v9, $0xF  }
0x1fa: {  	s1 =	spop (v2sf)  }
0x1fb: {  	s29 =	spop (v2sf);
	s0 =	sor.u32 s1, s0  }
0x1fc: {  	s1 =	spop (v2sf);
	s0 =	sor.u32 s29, s0  }
0x1fd: {  	s29 =	spop (v2sf);
	s0 =	sor.u32 s1, s0  }
0x1fe: {  	s1 =	spop (v2sf);
	s0 =	sor.u32 s29, s0  }
0x1ff: {  	s29 =	spop (v2sf);
	s0 =	sor.u32 s1, s0  }
0x200: {  	s1 =	spop (v2sf);
	s0 =	sor.u32 s29, s0  }
0x201: {  	s29 =	spop (v2sf);
	s0 =	sor.u32 s1, s0  }
0x202: {  	s1 =	spop (v2sf);
	s0 =	sor.u32 s29, s0  }
0x203: {  	s29 =	spop (v2sf);
	s0 =	sor.u32 s1, s0  }
0x204: {  	s1 =	spop (v2sf);
	s0 =	sor.u32 s29, s0  }
0x205: {  	s29 =	spop (v2sf);
	s0 =	sor.u32 s1, s0  }
0x206: {  	s1 =	spop (v2sf);
	s0 =	sor.u32 s29, s0  }
0x207: {  	s29 =	spop (v2sf);
	s0 =	sor.u32 s1, s0  }
0x208: {  	s1 =	spop (v2sf);
	s0 =	sor.u32 s29, s0  }
0x209: {  	s0 =	sor.u32 s1, s0  }
0x20a: {  	p0 =	slt.s32 s0, $0x1  }
.Ltmp42:
0x20b: {  	_ = 	snop;
	(pc) =	sbr.rel @!p0 .LBB2_74-.Ltmp42, $4  }
.Ltmp43:
0x20c: {  	_ = 	snop;
	(pc) =	sbr.rel @p0 .LBB2_139-.Ltmp43, $4  }
0x20d: {  	_ = 	snop  }
0x20e: {  	_ = 	snop  }
0x20f: {  	s30 =	simm.s32 $0x0;
	s31 =	simm.s32 $0x0;
	s29 =	simm.s32 $0x0  }
0x210: {  	_ = 	snop  }
.LBB2_136:
0x211: {  	v9 =	vmovc v5;
	v10 =	vmov v6;
	v11 =	vmov v7;
	v12 =	vmov v8  }
.LBB2_137:
0x212: {  	s0 =	sshra.s32 s30, $0x2  }
0x213: {  	v13 =	vld [tilespmem:s0+$0xE7C0]  }
0x214: {  	v14 =	vld [tilespmem:s0+$0xE7D0]  }
0x215: {  	v15 =	vld [tilespmem:s0+$0xE7E0]  }
0x216: {  	v16 =	vld [tilespmem:s0+$0xE7F0];
	_ =	sdelay $0x1  }
0x217: {  	v9 =	vadd.f32 v13, v9  }
0x218: {  	v10 =	vadd.f32 v14, v10  }
0x219: {  	[tilespmem:s0+$0xE7C0] =	vst v9;
	v9 =	vadd.f32 v15, v11  }
0x21a: {  	[tilespmem:s0+$0xE7D0] =	vst v10;
	v10 =	vadd.f32 v16, v12  }
0x21b: {  	[tilespmem:s0+$0xE7E0] =	vst v9  }
0x21c: {  	[tilespmem:s0+$0xE7F0] =	vst v10  }
.LBB2_138:
0x21d: {  	s30 =	sadd.s32 $0x1000, s30  }
0x21e: {  	p0 =	sne.s32 s30, $0x20000  }
.Ltmp44:
0x21f: {  	_ = 	snop;
	(pc) =	sbr.rel @!p0 .LBB2_139-.Ltmp44, $2  }
0x220: {  	_ =	sdelay $0x2  }
0x221: {  	s31 =	sadd.s32 $0x1, s31;
	s29 =	sadd.s32 $0x10, s29  }
.LBB2_74:
0x222: {  	s0 =	sshrl.u32 s31, $0x3  }
0x223: {  	s0 =	sadd.s32 s28, s0  }
0x224: {  	s0 =	sshll.u32 s0, $0x7  }
0x225: {  	s1 =	sand.u32 $0x70, s29;
	s0 =	sand.u32 $0x3FFFFF80, s0  }
0x226: {  	s0 =	sor.u32 s1, s0  }
0x227: {  	v9 =	vld [tilespmem:s0+$0x0];
	_ =	sdelay $0x4  }
0x228: {  	(v2sf) =	vpush v9, $0x0;
	_ =	sdelay $0xe  }
0x229: {  	s1 =	spop (v2sf)  }
0x22a: {  	p0 =	seq.s32 s1, $0x5  }
.Ltmp45:
0x22b: {  	_ = 	snop;
	(pc) =	sbr.rel @p0 .LBB2_77-.Ltmp45, $2  }
0x22c: {  	_ =	sdelay $0x2  }
0x22d: {  	v10 =	vmovc v1;
	v11 =	vmov v2;
	v12 =	vmov v3;
	v13 =	vmov v4  }
0x22e: {  	p0 =	sne.s32 s1, $0x7  }
.Ltmp46:
0x22f: {  	_ = 	snop;
	(pc) =	sbr.rel @p0 .LBB2_78-.Ltmp46, $1  }
0x230: {  	_ =	sdelay $0x3  }
0x231: {  	v10 =	vmovc v5;
	v11 =	vmov v6;
	v12 =	vmov v7;
	v13 =	vmov v8  }
.LBB2_77:
0x232: {  	s0 =	sshra.s32 s30, $0x2  }
0x233: {  	v14 =	vld [tilespmem:s0+$0xE400]  }
0x234: {  	v15 =	vld [tilespmem:s0+$0xE410]  }
0x235: {  	v16 =	vld [tilespmem:s0+$0xE420]  }
0x236: {  	v17 =	vld [tilespmem:s0+$0xE430];
	_ =	sdelay $0x1  }
0x237: {  	v10 =	vadd.f32 v14, v10  }
0x238: {  	v11 =	vadd.f32 v15, v11  }
0x239: {  	[tilespmem:s0+$0xE400] =	vst v10;
	v10 =	vadd.f32 v16, v12  }
0x23a: {  	[tilespmem:s0+$0xE410] =	vst v11;
	v11 =	vadd.f32 v17, v13  }
0x23b: {  	[tilespmem:s0+$0xE420] =	vst v10  }
0x23c: {  	[tilespmem:s0+$0xE430] =	vst v11  }
.LBB2_78:
0x23d: {  	(v2sf) =	vpush v9, $0x1;
	_ =	sdelay $0xe  }
0x23e: {  	s1 =	spop (v2sf)  }
0x23f: {  	p0 =	seq.s32 s1, $0x5  }
.Ltmp47:
0x240: {  	_ = 	snop;
	(pc) =	sbr.rel @p0 .LBB2_81-.Ltmp47, $2  }
0x241: {  	_ =	sdelay $0x2  }
0x242: {  	v10 =	vmovc v1;
	v11 =	vmov v2;
	v12 =	vmov v3;
	v13 =	vmov v4  }
0x243: {  	p0 =	sne.s32 s1, $0x7  }
.Ltmp48:
0x244: {  	_ = 	snop;
	(pc) =	sbr.rel @p0 .LBB2_82-.Ltmp48, $1  }
0x245: {  	_ =	sdelay $0x3  }
0x246: {  	v10 =	vmovc v5;
	v11 =	vmov v6;
	v12 =	vmov v7;
	v13 =	vmov v8  }
.LBB2_81:
0x247: {  	s0 =	sshra.s32 s30, $0x2  }
0x248: {  	v14 =	vld [tilespmem:s0+$0xE440]  }
0x249: {  	v15 =	vld [tilespmem:s0+$0xE450]  }
0x24a: {  	v16 =	vld [tilespmem:s0+$0xE460]  }
0x24b: {  	v17 =	vld [tilespmem:s0+$0xE470];
	_ =	sdelay $0x1  }
0x24c: {  	v10 =	vadd.f32 v14, v10  }
0x24d: {  	v11 =	vadd.f32 v15, v11  }
0x24e: {  	[tilespmem:s0+$0xE440] =	vst v10;
	v10 =	vadd.f32 v16, v12  }
0x24f: {  	[tilespmem:s0+$0xE450] =	vst v11;
	v11 =	vadd.f32 v17, v13  }
0x250: {  	[tilespmem:s0+$0xE460] =	vst v10  }
0x251: {  	[tilespmem:s0+$0xE470] =	vst v11  }
.LBB2_82:
0x252: {  	(v2sf) =	vpush v9, $0x2;
	_ =	sdelay $0xe  }
0x253: {  	s1 =	spop (v2sf)  }
0x254: {  	p0 =	seq.s32 s1, $0x5  }
.Ltmp49:
0x255: {  	_ = 	snop;
	(pc) =	sbr.rel @p0 .LBB2_85-.Ltmp49, $2  }
0x256: {  	_ =	sdelay $0x2  }
0x257: {  	v10 =	vmovc v1;
	v11 =	vmov v2;
	v12 =	vmov v3;
	v13 =	vmov v4  }
0x258: {  	p0 =	sne.s32 s1, $0x7  }
.Ltmp50:
0x259: {  	_ = 	snop;
	(pc) =	sbr.rel @p0 .LBB2_86-.Ltmp50, $1  }
0x25a: {  	_ =	sdelay $0x3  }
0x25b: {  	v10 =	vmovc v5;
	v11 =	vmov v6;
	v12 =	vmov v7;
	v13 =	vmov v8  }
.LBB2_85:
0x25c: {  	s0 =	sshra.s32 s30, $0x2  }
0x25d: {  	v14 =	vld [tilespmem:s0+$0xE480]  }
0x25e: {  	v15 =	vld [tilespmem:s0+$0xE490]  }
0x25f: {  	v16 =	vld [tilespmem:s0+$0xE4A0]  }
0x260: {  	v17 =	vld [tilespmem:s0+$0xE4B0];
	_ =	sdelay $0x1  }
0x261: {  	v10 =	vadd.f32 v14, v10  }
0x262: {  	v11 =	vadd.f32 v15, v11  }
0x263: {  	[tilespmem:s0+$0xE480] =	vst v10;
	v10 =	vadd.f32 v16, v12  }
0x264: {  	[tilespmem:s0+$0xE490] =	vst v11;
	v11 =	vadd.f32 v17, v13  }
0x265: {  	[tilespmem:s0+$0xE4A0] =	vst v10  }
0x266: {  	[tilespmem:s0+$0xE4B0] =	vst v11  }
.LBB2_86:
0x267: {  	(v2sf) =	vpush v9, $0x3;
	_ =	sdelay $0xe  }
0x268: {  	s1 =	spop (v2sf)  }
0x269: {  	p0 =	seq.s32 s1, $0x5  }
.Ltmp51:
0x26a: {  	_ = 	snop;
	(pc) =	sbr.rel @p0 .LBB2_89-.Ltmp51, $2  }
0x26b: {  	_ =	sdelay $0x2  }
0x26c: {  	v10 =	vmovc v1;
	v11 =	vmov v2;
	v12 =	vmov v3;
	v13 =	vmov v4  }
0x26d: {  	p0 =	sne.s32 s1, $0x7  }
.Ltmp52:
0x26e: {  	_ = 	snop;
	(pc) =	sbr.rel @p0 .LBB2_90-.Ltmp52, $1  }
0x26f: {  	_ =	sdelay $0x3  }
0x270: {  	v10 =	vmovc v5;
	v11 =	vmov v6;
	v12 =	vmov v7;
	v13 =	vmov v8  }
.LBB2_89:
0x271: {  	s0 =	sshra.s32 s30, $0x2  }
0x272: {  	v14 =	vld [tilespmem:s0+$0xE4C0]  }
0x273: {  	v15 =	vld [tilespmem:s0+$0xE4D0]  }
0x274: {  	v16 =	vld [tilespmem:s0+$0xE4E0]  }
0x275: {  	v17 =	vld [tilespmem:s0+$0xE4F0];
	_ =	sdelay $0x1  }
0x276: {  	v10 =	vadd.f32 v14, v10  }
0x277: {  	v11 =	vadd.f32 v15, v11  }
0x278: {  	[tilespmem:s0+$0xE4C0] =	vst v10;
	v10 =	vadd.f32 v16, v12  }
0x279: {  	[tilespmem:s0+$0xE4D0] =	vst v11;
	v11 =	vadd.f32 v17, v13  }
0x27a: {  	[tilespmem:s0+$0xE4E0] =	vst v10  }
0x27b: {  	[tilespmem:s0+$0xE4F0] =	vst v11  }
.LBB2_90:
0x27c: {  	(v2sf) =	vpush v9, $0x4;
	_ =	sdelay $0xe  }
0x27d: {  	s1 =	spop (v2sf)  }
0x27e: {  	p0 =	seq.s32 s1, $0x5  }
.Ltmp53:
0x27f: {  	_ = 	snop;
	(pc) =	sbr.rel @p0 .LBB2_93-.Ltmp53, $2  }
0x280: {  	_ =	sdelay $0x2  }
0x281: {  	v10 =	vmovc v1;
	v11 =	vmov v2;
	v12 =	vmov v3;
	v13 =	vmov v4  }
0x282: {  	p0 =	sne.s32 s1, $0x7  }
.Ltmp54:
0x283: {  	_ = 	snop;
	(pc) =	sbr.rel @p0 .LBB2_94-.Ltmp54, $1  }
0x284: {  	_ =	sdelay $0x3  }
0x285: {  	v10 =	vmovc v5;
	v11 =	vmov v6;
	v12 =	vmov v7;
	v13 =	vmov v8  }
.LBB2_93:
0x286: {  	s0 =	sshra.s32 s30, $0x2  }
0x287: {  	v14 =	vld [tilespmem:s0+$0xE500]  }
0x288: {  	v15 =	vld [tilespmem:s0+$0xE510]  }
0x289: {  	v16 =	vld [tilespmem:s0+$0xE520]  }
0x28a: {  	v17 =	vld [tilespmem:s0+$0xE530];
	_ =	sdelay $0x1  }
0x28b: {  	v10 =	vadd.f32 v14, v10  }
0x28c: {  	v11 =	vadd.f32 v15, v11  }
0x28d: {  	[tilespmem:s0+$0xE500] =	vst v10;
	v10 =	vadd.f32 v16, v12  }
0x28e: {  	[tilespmem:s0+$0xE510] =	vst v11;
	v11 =	vadd.f32 v17, v13  }
0x28f: {  	[tilespmem:s0+$0xE520] =	vst v10  }
0x290: {  	[tilespmem:s0+$0xE530] =	vst v11  }
.LBB2_94:
0x291: {  	(v2sf) =	vpush v9, $0x5;
	_ =	sdelay $0xe  }
0x292: {  	s1 =	spop (v2sf)  }
0x293: {  	p0 =	seq.s32 s1, $0x5  }
.Ltmp55:
0x294: {  	_ = 	snop;
	(pc) =	sbr.rel @p0 .LBB2_97-.Ltmp55, $2  }
0x295: {  	_ =	sdelay $0x2  }
0x296: {  	v10 =	vmovc v1;
	v11 =	vmov v2;
	v12 =	vmov v3;
	v13 =	vmov v4  }
0x297: {  	p0 =	sne.s32 s1, $0x7  }
.Ltmp56:
0x298: {  	_ = 	snop;
	(pc) =	sbr.rel @p0 .LBB2_98-.Ltmp56, $1  }
0x299: {  	_ =	sdelay $0x3  }
0x29a: {  	v10 =	vmovc v5;
	v11 =	vmov v6;
	v12 =	vmov v7;
	v13 =	vmov v8  }
.LBB2_97:
0x29b: {  	s0 =	sshra.s32 s30, $0x2  }
0x29c: {  	v14 =	vld [tilespmem:s0+$0xE540]  }
0x29d: {  	v15 =	vld [tilespmem:s0+$0xE550]  }
0x29e: {  	v16 =	vld [tilespmem:s0+$0xE560]  }
0x29f: {  	v17 =	vld [tilespmem:s0+$0xE570];
	_ =	sdelay $0x1  }
0x2a0: {  	v10 =	vadd.f32 v14, v10  }
0x2a1: {  	v11 =	vadd.f32 v15, v11  }
0x2a2: {  	[tilespmem:s0+$0xE540] =	vst v10;
	v10 =	vadd.f32 v16, v12  }
0x2a3: {  	[tilespmem:s0+$0xE550] =	vst v11;
	v11 =	vadd.f32 v17, v13  }
0x2a4: {  	[tilespmem:s0+$0xE560] =	vst v10  }
0x2a5: {  	[tilespmem:s0+$0xE570] =	vst v11  }
.LBB2_98:
0x2a6: {  	(v2sf) =	vpush v9, $0x6;
	_ =	sdelay $0xe  }
0x2a7: {  	s1 =	spop (v2sf)  }
0x2a8: {  	p0 =	seq.s32 s1, $0x5  }
.Ltmp57:
0x2a9: {  	_ = 	snop;
	(pc) =	sbr.rel @p0 .LBB2_101-.Ltmp57, $2  }
0x2aa: {  	_ =	sdelay $0x2  }
0x2ab: {  	v10 =	vmovc v1;
	v11 =	vmov v2;
	v12 =	vmov v3;
	v13 =	vmov v4  }
0x2ac: {  	p0 =	sne.s32 s1, $0x7  }
.Ltmp58:
0x2ad: {  	_ = 	snop;
	(pc) =	sbr.rel @p0 .LBB2_102-.Ltmp58, $1  }
0x2ae: {  	_ =	sdelay $0x3  }
0x2af: {  	v10 =	vmovc v5;
	v11 =	vmov v6;
	v12 =	vmov v7;
	v13 =	vmov v8  }
.LBB2_101:
0x2b0: {  	s0 =	sshra.s32 s30, $0x2  }
0x2b1: {  	v14 =	vld [tilespmem:s0+$0xE580]  }
0x2b2: {  	v15 =	vld [tilespmem:s0+$0xE590]  }
0x2b3: {  	v16 =	vld [tilespmem:s0+$0xE5A0]  }
0x2b4: {  	v17 =	vld [tilespmem:s0+$0xE5B0];
	_ =	sdelay $0x1  }
0x2b5: {  	v10 =	vadd.f32 v14, v10  }
0x2b6: {  	v11 =	vadd.f32 v15, v11  }
0x2b7: {  	[tilespmem:s0+$0xE580] =	vst v10;
	v10 =	vadd.f32 v16, v12  }
0x2b8: {  	[tilespmem:s0+$0xE590] =	vst v11;
	v11 =	vadd.f32 v17, v13  }
0x2b9: {  	[tilespmem:s0+$0xE5A0] =	vst v10  }
0x2ba: {  	[tilespmem:s0+$0xE5B0] =	vst v11  }
.LBB2_102:
0x2bb: {  	(v2sf) =	vpush v9, $0x7;
	_ =	sdelay $0xe  }
0x2bc: {  	s1 =	spop (v2sf)  }
0x2bd: {  	p0 =	seq.s32 s1, $0x5  }
.Ltmp59:
0x2be: {  	_ = 	snop;
	(pc) =	sbr.rel @p0 .LBB2_105-.Ltmp59, $2  }
0x2bf: {  	_ =	sdelay $0x2  }
0x2c0: {  	v10 =	vmovc v1;
	v11 =	vmov v2;
	v12 =	vmov v3;
	v13 =	vmov v4  }
0x2c1: {  	p0 =	sne.s32 s1, $0x7  }
.Ltmp60:
0x2c2: {  	_ = 	snop;
	(pc) =	sbr.rel @p0 .LBB2_106-.Ltmp60, $1  }
0x2c3: {  	_ =	sdelay $0x3  }
0x2c4: {  	v10 =	vmovc v5;
	v11 =	vmov v6;
	v12 =	vmov v7;
	v13 =	vmov v8  }
.LBB2_105:
0x2c5: {  	s0 =	sshra.s32 s30, $0x2  }
0x2c6: {  	v14 =	vld [tilespmem:s0+$0xE5C0]  }
0x2c7: {  	v15 =	vld [tilespmem:s0+$0xE5D0]  }
0x2c8: {  	v16 =	vld [tilespmem:s0+$0xE5E0]  }
0x2c9: {  	v17 =	vld [tilespmem:s0+$0xE5F0];
	_ =	sdelay $0x1  }
0x2ca: {  	v10 =	vadd.f32 v14, v10  }
0x2cb: {  	v11 =	vadd.f32 v15, v11  }
0x2cc: {  	[tilespmem:s0+$0xE5C0] =	vst v10;
	v10 =	vadd.f32 v16, v12  }
0x2cd: {  	[tilespmem:s0+$0xE5D0] =	vst v11;
	v11 =	vadd.f32 v17, v13  }
0x2ce: {  	[tilespmem:s0+$0xE5E0] =	vst v10  }
0x2cf: {  	[tilespmem:s0+$0xE5F0] =	vst v11  }
.LBB2_106:
0x2d0: {  	(v2sf) =	vpush v9, $0x8;
	_ =	sdelay $0xe  }
0x2d1: {  	s1 =	spop (v2sf)  }
0x2d2: {  	p0 =	seq.s32 s1, $0x5  }
.Ltmp61:
0x2d3: {  	_ = 	snop;
	(pc) =	sbr.rel @p0 .LBB2_109-.Ltmp61, $2  }
0x2d4: {  	_ =	sdelay $0x2  }
0x2d5: {  	v10 =	vmovc v1;
	v11 =	vmov v2;
	v12 =	vmov v3;
	v13 =	vmov v4  }
0x2d6: {  	p0 =	sne.s32 s1, $0x7  }
.Ltmp62:
0x2d7: {  	_ = 	snop;
	(pc) =	sbr.rel @p0 .LBB2_110-.Ltmp62, $1  }
0x2d8: {  	_ =	sdelay $0x3  }
0x2d9: {  	v10 =	vmovc v5;
	v11 =	vmov v6;
	v12 =	vmov v7;
	v13 =	vmov v8  }
.LBB2_109:
0x2da: {  	s0 =	sshra.s32 s30, $0x2  }
0x2db: {  	v14 =	vld [tilespmem:s0+$0xE600]  }
0x2dc: {  	v15 =	vld [tilespmem:s0+$0xE610]  }
0x2dd: {  	v16 =	vld [tilespmem:s0+$0xE620]  }
0x2de: {  	v17 =	vld [tilespmem:s0+$0xE630];
	_ =	sdelay $0x1  }
0x2df: {  	v10 =	vadd.f32 v14, v10  }
0x2e0: {  	v11 =	vadd.f32 v15, v11  }
0x2e1: {  	[tilespmem:s0+$0xE600] =	vst v10;
	v10 =	vadd.f32 v16, v12  }
0x2e2: {  	[tilespmem:s0+$0xE610] =	vst v11;
	v11 =	vadd.f32 v17, v13  }
0x2e3: {  	[tilespmem:s0+$0xE620] =	vst v10  }
0x2e4: {  	[tilespmem:s0+$0xE630] =	vst v11  }
.LBB2_110:
0x2e5: {  	(v2sf) =	vpush v9, $0x9;
	_ =	sdelay $0xe  }
0x2e6: {  	s1 =	spop (v2sf)  }
0x2e7: {  	p0 =	seq.s32 s1, $0x5  }
.Ltmp63:
0x2e8: {  	_ = 	snop;
	(pc) =	sbr.rel @p0 .LBB2_113-.Ltmp63, $2  }
0x2e9: {  	_ =	sdelay $0x2  }
0x2ea: {  	v10 =	vmovc v1;
	v11 =	vmov v2;
	v12 =	vmov v3;
	v13 =	vmov v4  }
0x2eb: {  	p0 =	sne.s32 s1, $0x7  }
.Ltmp64:
0x2ec: {  	_ = 	snop;
	(pc) =	sbr.rel @p0 .LBB2_114-.Ltmp64, $1  }
0x2ed: {  	_ =	sdelay $0x3  }
0x2ee: {  	v10 =	vmovc v5;
	v11 =	vmov v6;
	v12 =	vmov v7;
	v13 =	vmov v8  }
.LBB2_113:
0x2ef: {  	s0 =	sshra.s32 s30, $0x2  }
0x2f0: {  	v14 =	vld [tilespmem:s0+$0xE640]  }
0x2f1: {  	v15 =	vld [tilespmem:s0+$0xE650]  }
0x2f2: {  	v16 =	vld [tilespmem:s0+$0xE660]  }
0x2f3: {  	v17 =	vld [tilespmem:s0+$0xE670];
	_ =	sdelay $0x1  }
0x2f4: {  	v10 =	vadd.f32 v14, v10  }
0x2f5: {  	v11 =	vadd.f32 v15, v11  }
0x2f6: {  	[tilespmem:s0+$0xE640] =	vst v10;
	v10 =	vadd.f32 v16, v12  }
0x2f7: {  	[tilespmem:s0+$0xE650] =	vst v11;
	v11 =	vadd.f32 v17, v13  }
0x2f8: {  	[tilespmem:s0+$0xE660] =	vst v10  }
0x2f9: {  	[tilespmem:s0+$0xE670] =	vst v11  }
.LBB2_114:
0x2fa: {  	(v2sf) =	vpush v9, $0xA;
	_ =	sdelay $0xe  }
0x2fb: {  	s1 =	spop (v2sf)  }
0x2fc: {  	p0 =	seq.s32 s1, $0x5  }
.Ltmp65:
0x2fd: {  	_ = 	snop;
	(pc) =	sbr.rel @p0 .LBB2_117-.Ltmp65, $2  }
0x2fe: {  	_ =	sdelay $0x2  }
0x2ff: {  	v10 =	vmovc v1;
	v11 =	vmov v2;
	v12 =	vmov v3;
	v13 =	vmov v4  }
0x300: {  	p0 =	sne.s32 s1, $0x7  }
.Ltmp66:
0x301: {  	_ = 	snop;
	(pc) =	sbr.rel @p0 .LBB2_118-.Ltmp66, $1  }
0x302: {  	_ =	sdelay $0x3  }
0x303: {  	v10 =	vmovc v5;
	v11 =	vmov v6;
	v12 =	vmov v7;
	v13 =	vmov v8  }
.LBB2_117:
0x304: {  	s0 =	sshra.s32 s30, $0x2  }
0x305: {  	v14 =	vld [tilespmem:s0+$0xE680]  }
0x306: {  	v15 =	vld [tilespmem:s0+$0xE690]  }
0x307: {  	v16 =	vld [tilespmem:s0+$0xE6A0]  }
0x308: {  	v17 =	vld [tilespmem:s0+$0xE6B0];
	_ =	sdelay $0x1  }
0x309: {  	v10 =	vadd.f32 v14, v10  }
0x30a: {  	v11 =	vadd.f32 v15, v11  }
0x30b: {  	[tilespmem:s0+$0xE680] =	vst v10;
	v10 =	vadd.f32 v16, v12  }
0x30c: {  	[tilespmem:s0+$0xE690] =	vst v11;
	v11 =	vadd.f32 v17, v13  }
0x30d: {  	[tilespmem:s0+$0xE6A0] =	vst v10  }
0x30e: {  	[tilespmem:s0+$0xE6B0] =	vst v11  }
.LBB2_118:
0x30f: {  	(v2sf) =	vpush v9, $0xB;
	_ =	sdelay $0xe  }
0x310: {  	s1 =	spop (v2sf)  }
0x311: {  	p0 =	seq.s32 s1, $0x5  }
.Ltmp67:
0x312: {  	_ = 	snop;
	(pc) =	sbr.rel @p0 .LBB2_121-.Ltmp67, $2  }
0x313: {  	_ =	sdelay $0x2  }
0x314: {  	v10 =	vmovc v1;
	v11 =	vmov v2;
	v12 =	vmov v3;
	v13 =	vmov v4  }
0x315: {  	p0 =	sne.s32 s1, $0x7  }
.Ltmp68:
0x316: {  	_ = 	snop;
	(pc) =	sbr.rel @p0 .LBB2_122-.Ltmp68, $1  }
0x317: {  	_ =	sdelay $0x3  }
0x318: {  	v10 =	vmovc v5;
	v11 =	vmov v6;
	v12 =	vmov v7;
	v13 =	vmov v8  }
.LBB2_121:
0x319: {  	s0 =	sshra.s32 s30, $0x2  }
0x31a: {  	v14 =	vld [tilespmem:s0+$0xE6C0]  }
0x31b: {  	v15 =	vld [tilespmem:s0+$0xE6D0]  }
0x31c: {  	v16 =	vld [tilespmem:s0+$0xE6E0]  }
0x31d: {  	v17 =	vld [tilespmem:s0+$0xE6F0];
	_ =	sdelay $0x1  }
0x31e: {  	v10 =	vadd.f32 v14, v10  }
0x31f: {  	v11 =	vadd.f32 v15, v11  }
0x320: {  	[tilespmem:s0+$0xE6C0] =	vst v10;
	v10 =	vadd.f32 v16, v12  }
0x321: {  	[tilespmem:s0+$0xE6D0] =	vst v11;
	v11 =	vadd.f32 v17, v13  }
0x322: {  	[tilespmem:s0+$0xE6E0] =	vst v10  }
0x323: {  	[tilespmem:s0+$0xE6F0] =	vst v11  }
.LBB2_122:
0x324: {  	(v2sf) =	vpush v9, $0xC;
	_ =	sdelay $0xe  }
0x325: {  	s1 =	spop (v2sf)  }
0x326: {  	p0 =	seq.s32 s1, $0x5  }
.Ltmp69:
0x327: {  	_ = 	snop;
	(pc) =	sbr.rel @p0 .LBB2_125-.Ltmp69, $2  }
0x328: {  	_ =	sdelay $0x2  }
0x329: {  	v10 =	vmovc v1;
	v11 =	vmov v2;
	v12 =	vmov v3;
	v13 =	vmov v4  }
0x32a: {  	p0 =	sne.s32 s1, $0x7  }
.Ltmp70:
0x32b: {  	_ = 	snop;
	(pc) =	sbr.rel @p0 .LBB2_126-.Ltmp70, $1  }
0x32c: {  	_ =	sdelay $0x3  }
0x32d: {  	v10 =	vmovc v5;
	v11 =	vmov v6;
	v12 =	vmov v7;
	v13 =	vmov v8  }
.LBB2_125:
0x32e: {  	s0 =	sshra.s32 s30, $0x2  }
0x32f: {  	v14 =	vld [tilespmem:s0+$0xE700]  }
0x330: {  	v15 =	vld [tilespmem:s0+$0xE710]  }
0x331: {  	v16 =	vld [tilespmem:s0+$0xE720]  }
0x332: {  	v17 =	vld [tilespmem:s0+$0xE730];
	_ =	sdelay $0x1  }
0x333: {  	v10 =	vadd.f32 v14, v10  }
0x334: {  	v11 =	vadd.f32 v15, v11  }
0x335: {  	[tilespmem:s0+$0xE700] =	vst v10;
	v10 =	vadd.f32 v16, v12  }
0x336: {  	[tilespmem:s0+$0xE710] =	vst v11;
	v11 =	vadd.f32 v17, v13  }
0x337: {  	[tilespmem:s0+$0xE720] =	vst v10  }
0x338: {  	[tilespmem:s0+$0xE730] =	vst v11  }
.LBB2_126:
0x339: {  	(v2sf) =	vpush v9, $0xD;
	_ =	sdelay $0xe  }
0x33a: {  	s1 =	spop (v2sf)  }
0x33b: {  	p0 =	seq.s32 s1, $0x5  }
.Ltmp71:
0x33c: {  	_ = 	snop;
	(pc) =	sbr.rel @p0 .LBB2_129-.Ltmp71, $2  }
0x33d: {  	_ =	sdelay $0x2  }
0x33e: {  	v10 =	vmovc v1;
	v11 =	vmov v2;
	v12 =	vmov v3;
	v13 =	vmov v4  }
0x33f: {  	p0 =	sne.s32 s1, $0x7  }
.Ltmp72:
0x340: {  	_ = 	snop;
	(pc) =	sbr.rel @p0 .LBB2_130-.Ltmp72, $1  }
0x341: {  	_ =	sdelay $0x3  }
0x342: {  	v10 =	vmovc v5;
	v11 =	vmov v6;
	v12 =	vmov v7;
	v13 =	vmov v8  }
.LBB2_129:
0x343: {  	s0 =	sshra.s32 s30, $0x2  }
0x344: {  	v14 =	vld [tilespmem:s0+$0xE740]  }
0x345: {  	v15 =	vld [tilespmem:s0+$0xE750]  }
0x346: {  	v16 =	vld [tilespmem:s0+$0xE760]  }
0x347: {  	v17 =	vld [tilespmem:s0+$0xE770];
	_ =	sdelay $0x1  }
0x348: {  	v10 =	vadd.f32 v14, v10  }
0x349: {  	v11 =	vadd.f32 v15, v11  }
0x34a: {  	[tilespmem:s0+$0xE740] =	vst v10;
	v10 =	vadd.f32 v16, v12  }
0x34b: {  	[tilespmem:s0+$0xE750] =	vst v11;
	v11 =	vadd.f32 v17, v13  }
0x34c: {  	[tilespmem:s0+$0xE760] =	vst v10  }
0x34d: {  	[tilespmem:s0+$0xE770] =	vst v11  }
.LBB2_130:
0x34e: {  	(v2sf) =	vpush v9, $0xE;
	_ =	sdelay $0xe  }
0x34f: {  	s1 =	spop (v2sf)  }
0x350: {  	p0 =	seq.s32 s1, $0x5  }
.Ltmp73:
0x351: {  	_ = 	snop;
	(pc) =	sbr.rel @p0 .LBB2_133-.Ltmp73, $2  }
0x352: {  	_ =	sdelay $0x2  }
0x353: {  	v10 =	vmovc v1;
	v11 =	vmov v2;
	v12 =	vmov v3;
	v13 =	vmov v4  }
0x354: {  	p0 =	sne.s32 s1, $0x7  }
.Ltmp74:
0x355: {  	_ = 	snop;
	(pc) =	sbr.rel @p0 .LBB2_134-.Ltmp74, $1  }
0x356: {  	_ =	sdelay $0x3  }
0x357: {  	v10 =	vmovc v5;
	v11 =	vmov v6;
	v12 =	vmov v7;
	v13 =	vmov v8  }
.LBB2_133:
0x358: {  	s0 =	sshra.s32 s30, $0x2  }
0x359: {  	v14 =	vld [tilespmem:s0+$0xE780]  }
0x35a: {  	v15 =	vld [tilespmem:s0+$0xE790]  }
0x35b: {  	v16 =	vld [tilespmem:s0+$0xE7A0]  }
0x35c: {  	v17 =	vld [tilespmem:s0+$0xE7B0];
	_ =	sdelay $0x1  }
0x35d: {  	v10 =	vadd.f32 v14, v10  }
0x35e: {  	v11 =	vadd.f32 v15, v11  }
0x35f: {  	[tilespmem:s0+$0xE780] =	vst v10;
	v10 =	vadd.f32 v16, v12  }
0x360: {  	[tilespmem:s0+$0xE790] =	vst v11;
	v11 =	vadd.f32 v17, v13  }
0x361: {  	[tilespmem:s0+$0xE7A0] =	vst v10  }
0x362: {  	[tilespmem:s0+$0xE7B0] =	vst v11  }
.LBB2_134:
0x363: {  	(v2sf) =	vpush v9, $0xF;
	_ =	sdelay $0xe  }
0x364: {  	s1 =	spop (v2sf)  }
0x365: {  	p0 =	seq.s32 s1, $0x5  }
.Ltmp75:
0x366: {  	_ = 	snop;
	(pc) =	sbr.rel @p0 .LBB2_137-.Ltmp75, $2  }
0x367: {  	_ =	sdelay $0x2  }
0x368: {  	v9 =	vmovc v1;
	v10 =	vmov v2;
	v11 =	vmov v3;
	v12 =	vmov v4  }
0x369: {  	p0 =	sne.s32 s1, $0x7  }
.Ltmp76:
0x36a: {  	_ = 	snop;
	(pc) =	sbr.rel @!p0 .LBB2_136-.Ltmp76, $4  }
.Ltmp77:
0x36b: {  	_ = 	snop;
	(pc) =	sbr.rel @p0 .LBB2_138-.Ltmp77, $4  }
0x36c: {  	_ = 	snop  }
0x36d: {  	_ = 	snop  }
0x36e: {  	_ = 	snop  }
0x36f: {  	_ = 	snop  }
.LBB2_141:
0x370: {  	_ =	sfence.sel $0x180000  }
0x371: {  	[bflag:$0x0] =	sbarrier.arrive $0xFFFF  }
0x372: {  	_ =	strace $0x90000047  }
0x373: {  	s0 =	stileid.u32;
	[bflag:$0x2] =	sbarrier.arrive $0xFFFF  }
0x374: {  	p0 =	sne.s32 s0, $0x0;
	s0 =	rddreg [dreg:$0x2]  }
0x375: {  	s0 =	sadd.s32 @!p0 $0x100000, s0  }
0x376: {  	[sflag:s0] =	ssyncadd.tile.s32 @!p0 $0x1;
	_ =	shalt  }
.Lfunc_end2:
_tile_overlayer_lowered:
.L_overlay_start_2:
0x377: {  	(tag) =	ssettag $0x2  }
0x378: {  	s0 =	rddreg [dreg:$0x0];
	s2 =	stileid.u32  }
0x379: {  	s1 =	rddreg [dreg:$0x1];
	p0 =	sne.s32 s2, $0x0  }
0x37a: {  	s3 =	rddreg [dreg:$0x2];
	[bflag:$0x3] =	sbarrier.arrive $0xFFFF;
	s2 =	simm.s32 @!p0 $0x1C03  }
0x37b: {  	[timem:s3], [sflag:s2] =	dma.local @!p0 [hbm:s0], s1  }
0x37c: {  	s0 =	simm.s32 @!p0 $0x3  }
0x37d: {  	_ =	swait.ge @!p0 [sflag:s0], s1  }
0x37e: {  	s1 =	ssub.s32 @!p0 $0x0, s1;
	[sflag:s0] =	ssyncset.done @!p0 $0x0  }
0x37f: {  	[sflag:s0] =	ssyncadd.s32 @!p0 s1  }
0x380: {  	[bflag:$0x3] =	sbarrier.arrive $0xFFFF  }
0x381: {  	_ =	shalt  }

// kernel: sparse-core-data-format-call.cloned.1.call-start
scs
called_computation_lowered:
.L_overlay_start_0:
0x0: {  	s2 =	sld [smem:$0x3FD9]  }
0x1: {  	s3 =	sld [smem:$0x3FFE];
	_ =	sdelay $0x1  }
0x2: {  	s1 =	srdreg.scid  }
0x3: {  	s0 =	sand.u32 $0x1, s1  }
0x4: {  	s18 =	sshll.u32 s0, $0xA;
	s2 =	sadd.s32 s3, s2  }
0x5: {  	s2 =	sadd.s32 s2, s18  }
0x6: {  	[smem:$0x3FC5] =	sst s2  }
0x7: {  	_ = 	snop  }
0x8: {  	s2 =	sld [smem:$0x3FD0];
	(tm) =	ssettm $0x1  }
0x9: {  	s19 =	sld [smem:$0x3FFB];
	_ =	sdelay $0x3  }
0xa: {  	_ =	strace s19  }
0xb: {  	s3 =	sld [smem:$0x3FFC];
	_ =	sdelay $0x3  }
0xc: {  	_ =	strace s3  }
0xd: {  	s3 =	sld [smem:$0x3FFD];
	_ =	sdelay $0x3  }
0xe: {  	_ =	strace s3  }
0xf: {  	_ =	strace $0x8FFFFFFF  }
0x10: {  	s20 =	sld [smem:$0x3FDB];
	_ =	sdelay $0x1  }
0x11: {  	s4 =	simm.s32 $_scs_section_size  }
0x12: {  	s5 =	simm.s32 $_size__tile_overlayer_lowered;
	s6 =	simm.s32 $_tile_overlayer_lowered  }
0x13: {  	s23 =	simm.s32 $0x1BFF;
	s22 =	sshll.u32 s6, $0x1;
	s3 =	sadd.s32 s4, s20  }
0x14: {  	s7 =	simm.s32 $0x0;
	s21 =	sshll.u32 s5, $0x1;
	s5 =	sadd.s32 s22, s3  }
0x15: {  	[timem:s7], [sflag:s23] =	dma.local [hbm:s5], s21  }
0x16: {  	_ =	swait.ge [sflag:s23], s21  }
0x17: {  	s4 =	ssub.s32 $0x0, s21;
	[sflag:s23] =	ssyncset.done $0x0  }
0x18: {  	[sflag:s23] =	ssyncadd.s32 s4;
	_ =	sdelay $0x1  }
0x19: {  	s24 =	simm.s32 $0x1B8B  }
0x1a: {  	_ =	swait.ge [sflag:s24], $0x1  }
0x1b: {  	[sflag:s24] =	ssyncset.done $0x0  }
0x1c: {  	s26 =	simm.s32 $0x1B8E;
	s25 =	sld [smem:$0x3FFE];
	[sflag:s24] =	ssyncadd.s32 $0xFFFFFFFF  }
0x1d: {  	s27 =	simm.s32 $execute0_lowered;
	[smem:$0x3FD2] =	sst s26  }
0x1e: {  	s5 =	sshll.u32 s27, $0x1;
	_ =	strace $0x80000049;
	[dreg:$0x1] =	wrdreg $0xFFFFFFFF  }
0x1f: {  	s28 =	simm.s32 $_size_execute0_lowered;
	s3 =	sadd.s32 s3, s5;
	[dreg:$0x0] =	wrdreg $0x0  }
0x20: {  	s5 =	sshll.u32 s28, $0x1;
	[dreg:$0x2] =	wrdreg s3  }
0x21: {  	[dreg:$0x3] =	wrdreg s5  }
0x22: {  	[dreg:$0x4] =	wrdreg $0xC0  }
0x23: {  	_ =	task [dreg:s7], $0x5FFFF  }
0x24: {  	[dreg:$0x1] =	wrdreg $0xFFFFFFFF  }
0x25: {  	[dreg:$0x0] =	wrdreg $0x60  }
0x26: {  	[dreg:$0x2] =	wrdreg s25  }
0x27: {  	[dreg:$0x3] =	wrdreg s2  }
0x28: {  	[dreg:$0x4] =	wrdreg $0x9  }
0x29: {  	_ =	task.clear_ibuf [dreg:s7], $0x5FFFF;
	_ =	strace $0x90000049  }
0x2a: {  	s29 =	simm.s32 $0x9;
	_ =	strace $0x8000004B  }
0x2b: {  	_ =	swait.ge [sflag:s29], $0x1  }
0x2c: {  	[sflag:s29] =	ssyncadd.s32 $0xFFFFFFFF  }
0x2d: {  	_ =	strace $0x9000004B  }
0x2e: {  	_ =	sfence  }
0x2f: {  	s30 =	sld [smem:$0x0];
	_ =	sdelay $0x2  }
0x30: {  	s31 =	sshll.u32 s1, $0xD;
	s1 =	sshrl.u32 s1, $0x2  }
0x31: {  	s3 =	sand.u32 $0x4000, s31;
	s1 =	sadd.s32 s1, s30  }
0x32: {  	s0 =	sor.u32 s3, s0;
	s1 =	sshll.u32 s1, $0x11  }
0x33: {  	s0 =	sor.u32 s1, s0  }
0x34: {  	s0 =	sadd.s32 $0x8F2B, s0  }
0x35: {  	[sflag:s0] =	ssyncadd.remote.s32 $0x1  }
0x36: {  	_ =	sfence.sel $0xFFFF  }
0x37: {  	[dreg:$0x0] =	wrdreg $0xFFFFFFFF;
	(pc) =	sbr.abs _section_cstart, $3  }
0x38: {  	[dreg:$0x1] =	wrdreg $0xFFFFFFFF  }
0x39: {  	_ =	task.clear_ibuf [dreg:s7], $0x2FFFF;
	_ =	strace $0x9FFFFFFF  }
0x3a: {  	(tm) =	ssettm $0x7FFFFFFF  }
0x3b: {  	_ =	shalt  }
tec
execute0_lowered:
.L_overlay_start_1:
0x0: {  	(tag) =	ssettag $0x1  }
0x1: {  	s0 =	srdreg.scid  }
0x2: {  	s1 =	sshll.u32 s0, $0x4  }
0x3: {  	s0 =	stileid.u32;
	s1 =	sand.u32 $0x10, s1  }
0x4: {  	s1 =	sor.u32 s0, s1  }
0x5: {  	s6 =	rddreg [dreg:$0x0];
	s4 =	simm.s32 $0x1;
	s2 =	sshll.u32 s1, $0x7  }
0x6: {  	s7 =	simm.s32 $0x2;
	s12 =	simm.s32 $0x0;
	s1 =	ssub.s32 $0x1000, s2  }
0x7: {  	s8 =	simm.s32 $0x8000;
	s13 =	simm.s32 $0x0;
	s3 =	sand.u32 $0xF80, s1  }
0x8: {  	s9 =	simm.s32 $0x0;
	s5 =	sshrl.u32 s1, $0xC;
	p0 =	sne.s32 s3, $0x0  }
.Ltmp0:
0x9: {  	s1 =	rddreg [dreg:$0x2];
	s4 =	simm.s32 @!p0 $0x0;
	(pc) =	sbr.rel .LBB1_1-.Ltmp0, $4  }
0xa: {  	s11 =	simm.s32 $0x0;
	s3 =	rddreg [dreg:$0x1];
	s5 =	sadd.s32 s4, s5  }
0xb: {  	_ =	strace $0x8000004A;
	s4 =	simm.s32 $0x1;
	s5 =	smul.u32 $0xC8, s5  }
0xc: {  	s6 =	sadd.s32 $0xC00, s6;
	s10 =	smov.u32 s2;
	[sflag:s4] =	ssyncpa.u1 $0x0  }
0xd: {  	p0 =	por $0x0, $0x0;
	[sflag:s7] =	ssyncpa.u1 $0x0;
	s7 =	sor.u32 $0x1, s5  }
.LBB1_4:
0xe: {  	s16 =	sshll.u32 s13, $0x3;
	s17 =	sand.u32 $0x78, s13  }
0xf: {  	s30 =	sand.u32 $0x7E00, s13;
	s12 =	sshll.u32 s12, $0xF;
	s16 =	sand.u32 $0xC00, s16  }
0x10: {  	[tilespmem:s15+$0x810 ss:$0x81] =	vst.msk $0xffff, v2;
	s31 =	sand.u32 $0x7, s13;
	s16 =	sor.u32 s17, s16;
	s17 =	sadd.s32 s3, s30  }
0x11: {  	[tilespmem:s15+$0x1020 ss:$0x81] =	vst.msk $0xffff, v0;
	s13 =	sshll.u32 s31, $0x12;
	s12 =	sadd.s32 s12, s17;
	s16 =	sshrl.u32 s16, $0x3  }
0x12: {  	[tilespmem:s15+$0x0 ss:$0x81] =	vst.msk $0xffff, v1;
	s13 =	sor.u32 $0x400, s13;
	s12 =	sadd.s32 s16, s12  }
0x13: {  	[hbm4b:s12+s13] =	stream.strided.scatter [tilespmem:s14], [sflag:$0x2], $0x2000, s8, s13, $0x20;
	[tilespmem:$0x8080] =	vst v63  }
.LBB1_5:
0x14: {  	s14 =	sadd.s32 $0x1, s9  }
0x15: {  	s12 =	sadd.s32 $0x1000, s10;
	s16 =	smov.u32 s10;
	p2 =	sgt.s32 s14, $0xC7  }
0x16: {  	s16 =	smov.u32 @p2 s12  }
0x17: {  	s14 =	simm.s32 @p2 $0x0;
	p2 =	sgt.s32 s16, $0xFFF  }
0x18: {  	s16 =	smov.u32 @p2 s2;
	p2 =	sne.s32 s11, s7  }
.Ltmp1:
0x19: {  	p1 =	slt.u32 s11, $0x2;
	(pc) =	sbr.rel @!p2 .LBB1_6-.Ltmp1, $4  }
0x1a: {  	s15 =	simm.s32 @!p1 $0x2  }
0x1b: {  	s13 =	smov.u32 s10;
	p0 =	por !p0, !p0;
	_ =	swait.ge @!p1 [sflag:s15], $0x2000  }
0x1c: {  	s12 =	smov.u32 s9;
	[sflag:s15] =	ssyncset.done @!p1 $0x0;
	s9 =	smov.u32 s14  }
0x1d: {  	s11 =	sadd.s32 $0x1, s11;
	[sflag:s15] =	ssyncadd.s32 @!p1 $0xFFFFE000;
	s10 =	smov.u32 s16  }
.LBB1_1:
0x1e: {  	p1 =	sge.u32 s11, s5  }
0x1f: {  	s14 =	sand.u32 @!p1 $0x1FFFFFF, s9  }
0x20: {  	s15 =	smulhi.u32 @!p1 $0x147AE15, s14;
	_ =	sdelay $0x1  }
0x21: {  	s15 =	smul.u32 @!p1 $0xC8, s15  }
0x22: {  	s16 =	sxor.u32 @!p1 $0xFFFFFFFF, s11;
	s17 =	smul.u32 @!p1 $0xC80, s10  }
0x23: {  	s31 =	sadd.s32 $0xFFFFFFFF, s11;
	s16 =	sshll.u32 @!p1 s16, $0xD;
	s14 =	ssub.s32 @!p1 s14, s15  }
0x24: {  	s15 =	sand.u32 @!p1 $0x2000, s16;
	s16 =	sadd.s32 @!p1 s6, s17;
	s14 =	sshll.u32 @!p1 s14, $0x4  }
0x25: {  	s17 =	simm.s32 @!p1 $0x6400;
	s14 =	sadd.s32 @!p1 s14, s16;
	s16 =	simm.s32 @!p1 $0x40  }
0x26: {  	[tilespmem:s15], [sflag:$0x1] =	stream.strided.gather @!p1 [hbm4b:s14+s16], $0x2000, s17, s16, $0x38;
	[tilespmem:$0x8080] =	vst v63  }
0x27: {  	p1 =	sge.u32 s31, s5  }
.Ltmp2:
0x28: {  	_ = 	snop;
	(pc) =	sbr.rel @p1 .LBB1_5-.Ltmp2, $1  }
0x29: {  	_ =	sdelay $0x3  }
0x2a: {  	s14 =	simm.s32 $0x1  }
0x2b: {  	_ =	swait.ge [sflag:s4], $0x2000;
	s14 =	simm.s32 @!p0 $0x0  }
0x2c: {  	[sflag:s4] =	ssyncset.done $0x0;
	s15 =	sshll.u32 s14, $0xD  }
0x2d: {  	[sflag:s4] =	ssyncadd.s32 $0xFFFFE000;
	s18 =	sor.u32 $0x20, s15  }
0x2e: {  	s14 =	smul.u32 $0x8100, s14;
	v3 =	vld [tilespmem:s18+$0x10]  }
0x2f: {  	s30 =	sand.u32 $0x1, s11;
	v2 =	vld [tilespmem:s18+$0xFFFFFFF0]  }
0x30: {  	s15 =	smul.u32 $0x8100, s30;
	s14 =	sshrl.u32 s14, $0x2;
	v0 =	vld [tilespmem:s18+$0x0]  }
0x31: {  	v1 =	vld [tilespmem:s18+$0xFFFFFFE0];
	s16 =	sor.u32 $0x4000, s14  }
0x32: {  	s31 =	sshrl.u32 s15, $0x2;
	s15 =	sadd.s32 $0x0, s16  }
0x33: {  	s17 =	simm.s32 $0x4;
	s18 =	sadd.s32 $0x40, s18;
	s14 =	sor.u32 $0x4000, s31;
	[tilespmem:s15+$0x1830 ss:$0x81] =	vst.msk $0xffff, v3  }
.LBB1_3:
0x34: {  	v3 =	vld [tilespmem:s18+$0x10];
	p1 =	sne.s32 s17, $0x1FC;
	[tilespmem:s15+$0x810 ss:$0x81] =	vst.msk $0xffff, v2;
	s19 =	smov.u32 s17;
	s17 =	sadd.s32 $0x4, s17  }
.Ltmp3:
0x35: {  	v2 =	vld [tilespmem:s18+$0xFFFFFFF0];
	[tilespmem:s15+$0x1020 ss:$0x81] =	vst.msk $0xffff, v0;
	(pc) =	sbr.rel @p1 .LBB1_3-.Ltmp3, $4  }
0x36: {  	v0 =	vld [tilespmem:s18+$0x0];
	[tilespmem:s15+$0x0 ss:$0x81] =	vst.msk $0xffff, v1  }
0x37: {  	s15 =	sshra.s32 s19, $0x2;
	v1 =	vld [tilespmem:s18+$0xFFFFFFE0]  }
0x38: {  	s15 =	sadd.s32 s15, s16  }
0x39: {  	s18 =	sadd.s32 $0x40, s18;
	[tilespmem:s15+$0x1830 ss:$0x81] =	vst.msk $0xffff, v3  }
.Ltmp4:
0x3a: {  	_ = 	snop;
	(pc) =	sbr.rel .LBB1_4-.Ltmp4, $1  }
0x3b: {  	_ =	sdelay $0x3  }
.LBB1_6:
0x3c: {  	_ =	sfence.sel $0x180000  }
0x3d: {  	s2 =	simm.s32 $0x1;
	[bflag:$0x0] =	sbarrier.arrive $0xFFFF  }
0x3e: {  	s31 =	simm.s32 $0x2;
	[sflag:s2] =	ssyncpa.u1 $0x1  }
0x3f: {  	[sflag:s31] =	ssyncpa.u1 $0x1  }
0x40: {  	p0 =	sne.s32 s0, $0x0;
	_ =	strace $0x9000004A  }
0x41: {  	s0 =	sadd.s32 @!p0 $0x100000, s1;
	[bflag:$0x2] =	sbarrier.arrive $0xFFFF  }
0x42: {  	[sflag:s0] =	ssyncadd.tile.s32 @!p0 $0x1;
	_ =	shalt  }
.Lfunc_end1:
_tile_overlayer_lowered:
.L_overlay_start_2:
0x43: {  	(tag) =	ssettag $0x2  }
0x44: {  	s0 =	rddreg [dreg:$0x0];
	s2 =	stileid.u32  }
0x45: {  	s1 =	rddreg [dreg:$0x1];
	p0 =	sne.s32 s2, $0x0  }
0x46: {  	s3 =	rddreg [dreg:$0x2];
	[bflag:$0x3] =	sbarrier.arrive $0xFFFF;
	s2 =	simm.s32 @!p0 $0x1C01  }
0x47: {  	[timem:s3], [sflag:s2] =	dma.local @!p0 [hbm:s0], s1  }
0x48: {  	s0 =	simm.s32 @!p0 $0x1  }
0x49: {  	_ =	swait.ge @!p0 [sflag:s0], s1  }
0x4a: {  	s1 =	ssub.s32 @!p0 $0x0, s1;
	[sflag:s0] =	ssyncset.done @!p0 $0x0  }
0x4b: {  	[sflag:s0] =	ssyncadd.s32 @!p0 s1  }
0x4c: {  	[bflag:$0x3] =	sbarrier.arrive $0xFFFF  }
0x4d: {  	_ =	shalt  }

</sc_bundles>
